<compile_context>
chip_gen: v7x
topology: tpu7x:2x2x1
jax: 0.10.2.dev20260603
libtpu: 0.0.44.dev20260713+nightly
codegen_flags: <defaults>
</compile_context>

<pallas_src>
import functools

import jax
import jax.numpy as jnp
from jax import lax
from jax.experimental import pallas as pl
from jax.experimental.pallas import tpu as pltpu
from jax.experimental.pallas import tpu_sc as plsc

D = 64
SEQ = 200
BATCH = 4096
NC, NS = 2, 16
NW = NC * NS
BB = BATCH // NW
NG = BB // 16
SCALE = 8.0


def _body(xt_hbm, tab_hbm, pos_hbm, out_hbm, xall, idx2a, idx2b, idx2c, idx2d,
          slaba, slabb, slabc, slabd, yba, ybb, pos_v,
          sema, semb, semc, semd, semwa, semwb):
    wid = lax.axis_index("s") * NC + lax.axis_index("c")
    b0 = wid * BB
    pltpu.sync_copy(pos_hbm, pos_v)
    pltpu.sync_copy(xt_hbm.at[:, pl.ds(b0, BB)], xall)
    iota = lax.broadcasted_iota(jnp.int32, (16,), 0)
    zero = jnp.zeros((16,), jnp.int32)

    def prep_idx(s, idx2):
        for k in range(NG):
            sl = pl.ds(k * 16, 16)
            idx2[sl] = lax.shift_right_logical(xall[s, sl], 1)

    def compute(s, slab, yb, sem):
        rows = []
        cols = []
        for g in range(NG):
            vv = xall[s, pl.ds(g * 16, 16)]
            rows.append(iota + (g * 16))
            cols.append((vv & 1) * 64)

        @plsc.parallel_loop(0, D, unroll=8)
        def dloop(d):
            p = plsc.load_gather(pos_v, [zero + (s * D + d)])
            for g in range(NG):
                v = plsc.load_gather(slab, [rows[g], cols[g] + d])
                yb[d, pl.ds(g * 16, 16)] = v * SCALE + p

        pltpu.async_copy(yb, out_hbm.at[s, :, pl.ds(b0, BB)], sem)

    def drain_write(yb, sem, s):
        pltpu.make_async_copy(yb, out_hbm.at[s, :, pl.ds(b0, BB)], sem).wait()

    idxs = (idx2a, idx2b, idx2c, idx2d)
    slabs = (slaba, slabb, slabc, slabd)
    sems = (sema, semb, semc, semd)
    ybs = (yba, ybb)
    wsems = (semwa, semwb)

    for j in range(4):
        prep_idx(j, idxs[j])
        pltpu.async_copy(tab_hbm.at[idxs[j]], slabs[j], sems[j])

    def quad_body(c, carry):
        s0 = 4 * c
        for j in range(4):
            s = s0 + j
            pltpu.make_async_copy(tab_hbm.at[idxs[j]], slabs[j], sems[j]).wait()

            @pl.when(s >= 2)
            def _():
                drain_write(ybs[j & 1], wsems[j & 1], s - 2)

            compute(s, slabs[j], ybs[j & 1], wsems[j & 1])

            @pl.when(s + 4 < SEQ)
            def _():
                prep_idx(s + 4, idxs[j])
                pltpu.async_copy(tab_hbm.at[idxs[j]], slabs[j], sems[j])

        return carry

    lax.fori_loop(0, SEQ // 4, quad_body, 0)
    drain_write(yba, semwa, SEQ - 2)
    drain_write(ybb, semwb, SEQ - 1)


@jax.jit
def kernel(x, token_table, pos_table):
    xt = x.T.astype(jnp.int32)
    tab2 = token_table.reshape(500000, 128)
    pos_flat = pos_table.reshape(-1)
    mesh = plsc.VectorSubcoreMesh(core_axis_name="c", subcore_axis_name="s")
    run = pl.kernel(
        _body,
        mesh=mesh,
        compiler_params=pltpu.CompilerParams(
            use_tc_tiling_on_sc=True, needs_layout_passes=False
        ),
        out_type=jax.ShapeDtypeStruct((SEQ, D, BATCH), jnp.float32),
        scratch_types=[
            pltpu.VMEM((SEQ, BB), jnp.int32),
            pltpu.VMEM((BB,), jnp.int32),
            pltpu.VMEM((BB,), jnp.int32),
            pltpu.VMEM((BB,), jnp.int32),
            pltpu.VMEM((BB,), jnp.int32),
            pltpu.VMEM((BB, 128), jnp.float32),
            pltpu.VMEM((BB, 128), jnp.float32),
            pltpu.VMEM((BB, 128), jnp.float32),
            pltpu.VMEM((BB, 128), jnp.float32),
            pltpu.VMEM((D, BB), jnp.float32),
            pltpu.VMEM((D, BB), jnp.float32),
            pltpu.VMEM((SEQ * D,), jnp.float32),
            pltpu.SemaphoreType.DMA,
            pltpu.SemaphoreType.DMA,
            pltpu.SemaphoreType.DMA,
            pltpu.SemaphoreType.DMA,
            pltpu.SemaphoreType.DMA,
            pltpu.SemaphoreType.DMA,
        ],
    )
    y = run(xt, tab2, pos_flat)
    return y.transpose(2, 0, 1)

# --- scband reference (transcript-rebuilt; emitter-appended) ---
"""Pipeline reference for scband-transformer-input-embedding-layer-58652073394583 (READ-ONLY COPY).

The authoritative reference and input builder live on the scoring server;
editing this copy changes nothing except your own understanding.
"""

import jax, jax.numpy as jnp
import numpy as np

VOCAB = 1000000
MAXLEN = 200
D_MODEL = 64
BATCH = 4096
SEQ = 200

def setup_inputs(seed: int = 0) -> dict:
    key = jax.random.key(seed)
    k1, k2, k3 = jax.random.split(key, 3)
    x = jax.random.randint(k1, (BATCH, SEQ), 0, VOCAB, dtype=jnp.int64 if jax.config.jax_enable_x64 else jnp.int32)
    token_table = jax.random.normal(k2, (VOCAB, D_MODEL), dtype=jnp.float32) * 0.02
    pos_table = jax.random.normal(k3, (MAXLEN, D_MODEL), dtype=jnp.float32) * 0.02
    return {"x": x, "token_table": token_table, "pos_table": pos_table}

def reference(x, token_table, pos_table):
    # maxlen = last dim of x; positions = arange(seq)
    seq = x.shape[-1]
    positions = jnp.arange(seq)
    pos = jnp.take(pos_table, positions, axis=0)            # [seq, d]
    tok = jnp.take(token_table, x, axis=0)                  # [B, seq, d]
    tok = tok * jnp.sqrt(jnp.float32(D_MODEL))
    return tok + pos[None, :, :]

if __name__ == "__main__":
    import jax
    _d = setup_inputs()
    print(jax.jit(kernel)(*tuple(_d.values())))

</pallas_src>

<mosaic_0001>
#map = affine_map<(d0, d1) -> (0, 0)>
#map1 = affine_map<(d0, d1) -> (0)>
#map2 = affine_map<(d0, d1) -> (0, 0, 0)>
module attributes {stable_mosaic.version = 14 : i64} {
  func.func @_body(%arg0: i32, %arg1: i32, %arg2: memref<200x4096xi32, #tpu.memory_space<hbm>>, %arg3: memref<500000x128xf32, #tpu.memory_space<hbm>>, %arg4: memref<12800xf32, #tpu.memory_space<hbm>>, %arg5: memref<200x64x4096xf32, #tpu.memory_space<hbm>>, %arg6: memref<200x128xi32, #tpu.memory_space<vmem>>, %arg7: memref<128xi32, #tpu.memory_space<vmem>>, %arg8: memref<128xi32, #tpu.memory_space<vmem>>, %arg9: memref<128xi32, #tpu.memory_space<vmem>>, %arg10: memref<128xi32, #tpu.memory_space<vmem>>, %arg11: memref<128x128xf32, #tpu.memory_space<vmem>>, %arg12: memref<128x128xf32, #tpu.memory_space<vmem>>, %arg13: memref<128x128xf32, #tpu.memory_space<vmem>>, %arg14: memref<128x128xf32, #tpu.memory_space<vmem>>, %arg15: memref<64x128xf32, #tpu.memory_space<vmem>>, %arg16: memref<64x128xf32, #tpu.memory_space<vmem>>, %arg17: memref<12800xf32, #tpu.memory_space<vmem>>, %arg18: memref<!tpu.dma_semaphore, #tpu.memory_space<semaphore_mem>>, %arg19: memref<!tpu.dma_semaphore, #tpu.memory_space<semaphore_mem>>, %arg20: memref<!tpu.dma_semaphore, #tpu.memory_space<semaphore_mem>>, %arg21: memref<!tpu.dma_semaphore, #tpu.memory_space<semaphore_mem>>, %arg22: memref<!tpu.dma_semaphore, #tpu.memory_space<semaphore_mem>>, %arg23: memref<!tpu.dma_semaphore, #tpu.memory_space<semaphore_mem>>) attributes {dimension_semantics = [#tpu.dimension_semantics<core_parallel>, #tpu.dimension_semantics<subcore_parallel>], iteration_bounds = array<i64: 2, 16>, scalar_prefetch = 0 : i64, scratch_operands = 18 : i64, tpu.core_type = #tpu.core_type<sc_vector_subcore>, window_params = [{transform_indices = #map}, {transform_indices = #map}, {transform_indices = #map1}, {transform_indices = #map2}]} {
    %mul3A = arith.constant 2 : i32
    %mul3A_0 = arith.muli %arg1, %mul3A : i32
    %add3A = arith.addi %mul3A_0, %arg0 : i32
    %mul3A_1 = arith.constant 128 : i32
    %mul3A_2 = arith.muli %add3A, %mul3A_1 : i32
    "tpu.region"() ({
      %run_scoped3A = tpu.sem_alloc : memref<!tpu.dma_semaphore, #tpu.memory_space<semaphore_mem>>
      tpu.enqueue_dma source(%arg4 : memref<12800xf32, #tpu.memory_space<hbm>>) target(%arg17 : memref<12800xf32, #tpu.memory_space<vmem>>) target_semaphore(%run_scoped3A : memref<!tpu.dma_semaphore, #tpu.memory_space<semaphore_mem>>)
      tpu.wait_dma2 semaphore(%run_scoped3A : memref<!tpu.dma_semaphore, #tpu.memory_space<semaphore_mem>>) src(%arg4 : memref<12800xf32, #tpu.memory_space<hbm>>) dst(%arg17 : memref<12800xf32, #tpu.memory_space<vmem>>)
      tpu.yield
    }) : () -> ()
    "tpu.region"() ({
      %run_scoped3A = tpu.sem_alloc : memref<!tpu.dma_semaphore, #tpu.memory_space<semaphore_mem>>
      %dma_start3A_318 = arith.constant 0 : i32
      %dma_start3A_319 = tpu.memref_slice %arg2[%dma_start3A_318, %mul3A_2] : memref<200x4096xi32, #tpu.memory_space<hbm>> -> memref<200x128xi32, #tpu.memory_space<hbm>>
      %dma_start3A_320 = arith.constant 0 : i32
      %dma_start3A_321 = tpu.memref_slice %arg2[%dma_start3A_320, %mul3A_2] : memref<200x4096xi32, #tpu.memory_space<hbm>> -> memref<200x128xi32, #tpu.memory_space<hbm>>
      tpu.enqueue_dma source(%dma_start3A_321 : memref<200x128xi32, #tpu.memory_space<hbm>>) target(%arg6 : memref<200x128xi32, #tpu.memory_space<vmem>>) target_semaphore(%run_scoped3A : memref<!tpu.dma_semaphore, #tpu.memory_space<semaphore_mem>>)
      %dma_wait3A_322 = arith.constant 0 : i32
      %dma_wait3A_323 = tpu.memref_slice %arg2[%dma_wait3A_322, %mul3A_2] : memref<200x4096xi32, #tpu.memory_space<hbm>> -> memref<200x128xi32, #tpu.memory_space<hbm>>
      %dma_wait3A_324 = arith.constant 0 : i32
      %dma_wait3A_325 = tpu.memref_slice %arg2[%dma_wait3A_324, %mul3A_2] : memref<200x4096xi32, #tpu.memory_space<hbm>> -> memref<200x128xi32, #tpu.memory_space<hbm>>
      tpu.wait_dma2 semaphore(%run_scoped3A : memref<!tpu.dma_semaphore, #tpu.memory_space<semaphore_mem>>) src(%dma_wait3A_325 : memref<200x128xi32, #tpu.memory_space<hbm>>) dst(%arg6 : memref<200x128xi32, #tpu.memory_space<vmem>>)
      tpu.yield
    }) : () -> ()
    %iota3A = tpu.iota {dimensions = array<i32: 0>} : vector<16xi32>
    %broadcast_in_dim3A = arith.constant 0 : i32
    %broadcast_in_dim3A_3 = vector.broadcast %broadcast_in_dim3A : i32 to vector<16xi32>
    %get3A = arith.constant 0 : i32
    %get3A_4 = arith.index_cast %get3A : i32 to index
    %get3A_5 = arith.constant 0 : index
    %get3A_6 = tpu.vector_load %arg6[%get3A_4, %get3A_5] {strides = array<i32>} : memref<200x128xi32, #tpu.memory_space<vmem>>, vector<16xi32>,
    %shift_right_logical3A = arith.constant 1 : i32
    %shift_right_logical3A_7 = vector.broadcast %shift_right_logical3A : i32 to vector<16xi32>
    %shift_right_logical3A_8 = arith.shrui %get3A_6, %shift_right_logical3A_7 : vector<16xi32>
    %swap3A = arith.constant 0 : index
    %swap3A_9 = tpu.vector_load %arg7[%swap3A] {strides = array<i32>} : memref<128xi32, #tpu.memory_space<vmem>>, vector<16xi32>,
    tpu.vector_store %arg7[%swap3A], %shift_right_logical3A_8 {strides = array<i32>} : memref<128xi32, #tpu.memory_space<vmem>>, vector<16xi32>,
    %get3A_10 = arith.constant 0 : i32
    %get3A_11 = arith.index_cast %get3A_10 : i32 to index
    %get3A_12 = arith.constant 16 : index
    %get3A_13 = tpu.vector_load %arg6[%get3A_11, %get3A_12] {strides = array<i32>} : memref<200x128xi32, #tpu.memory_space<vmem>>, vector<16xi32>,
    %shift_right_logical3A_14 = arith.constant 1 : i32
    %shift_right_logical3A_15 = vector.broadcast %shift_right_logical3A_14 : i32 to vector<16xi32>
    %shift_right_logical3A_16 = arith.shrui %get3A_13, %shift_right_logical3A_15 : vector<16xi32>
    %swap3A_17 = arith.constant 16 : index
    %swap3A_18 = tpu.vector_load %arg7[%swap3A_17] {strides = array<i32>} : memref<128xi32, #tpu.memory_space<vmem>>, vector<16xi32>,
    tpu.vector_store %arg7[%swap3A_17], %shift_right_logical3A_16 {strides = array<i32>} : memref<128xi32, #tpu.memory_space<vmem>>, vector<16xi32>,
    %get3A_19 = arith.constant 0 : i32
    %get3A_20 = arith.index_cast %get3A_19 : i32 to index
    %get3A_21 = arith.constant 32 : index
    %get3A_22 = tpu.vector_load %arg6[%get3A_20, %get3A_21] {strides = array<i32>} : memref<200x128xi32, #tpu.memory_space<vmem>>, vector<16xi32>,
    %shift_right_logical3A_23 = arith.constant 1 : i32
    %shift_right_logical3A_24 = vector.broadcast %shift_right_logical3A_23 : i32 to vector<16xi32>
    %shift_right_logical3A_25 = arith.shrui %get3A_22, %shift_right_logical3A_24 : vector<16xi32>
    %swap3A_26 = arith.constant 32 : index
    %swap3A_27 = tpu.vector_load %arg7[%swap3A_26] {strides = array<i32>} : memref<128xi32, #tpu.memory_space<vmem>>, vector<16xi32>,
    tpu.vector_store %arg7[%swap3A_26], %shift_right_logical3A_25 {strides = array<i32>} : memref<128xi32, #tpu.memory_space<vmem>>, vector<16xi32>,
    %get3A_28 = arith.constant 0 : i32
    %get3A_29 = arith.index_cast %get3A_28 : i32 to index
    %get3A_30 = arith.constant 48 : index
    %get3A_31 = tpu.vector_load %arg6[%get3A_29, %get3A_30] {strides = array<i32>} : memref<200x128xi32, #tpu.memory_space<vmem>>, vector<16xi32>,
    %shift_right_logical3A_32 = arith.constant 1 : i32
    %shift_right_logical3A_33 = vector.broadcast %shift_right_logical3A_32 : i32 to vector<16xi32>
    %shift_right_logical3A_34 = arith.shrui %get3A_31, %shift_right_logical3A_33 : vector<16xi32>
    %swap3A_35 = arith.constant 48 : index
    %swap3A_36 = tpu.vector_load %arg7[%swap3A_35] {strides = array<i32>} : memref<128xi32, #tpu.memory_space<vmem>>, vector<16xi32>,
    tpu.vector_store %arg7[%swap3A_35], %shift_right_logical3A_34 {strides = array<i32>} : memref<128xi32, #tpu.memory_space<vmem>>, vector<16xi32>,
    %get3A_37 = arith.constant 0 : i32
    %get3A_38 = arith.index_cast %get3A_37 : i32 to index
    %get3A_39 = arith.constant 64 : index
    %get3A_40 = tpu.vector_load %arg6[%get3A_38, %get3A_39] {strides = array<i32>} : memref<200x128xi32, #tpu.memory_space<vmem>>, vector<16xi32>,
    %shift_right_logical3A_41 = arith.constant 1 : i32
    %shift_right_logical3A_42 = vector.broadcast %shift_right_logical3A_41 : i32 to vector<16xi32>
    %shift_right_logical3A_43 = arith.shrui %get3A_40, %shift_right_logical3A_42 : vector<16xi32>
    %swap3A_44 = arith.constant 64 : index
    %swap3A_45 = tpu.vector_load %arg7[%swap3A_44] {strides = array<i32>} : memref<128xi32, #tpu.memory_space<vmem>>, vector<16xi32>,
    tpu.vector_store %arg7[%swap3A_44], %shift_right_logical3A_43 {strides = array<i32>} : memref<128xi32, #tpu.memory_space<vmem>>, vector<16xi32>,
    %get3A_46 = arith.constant 0 : i32
    %get3A_47 = arith.index_cast %get3A_46 : i32 to index
    %get3A_48 = arith.constant 80 : index
    %get3A_49 = tpu.vector_load %arg6[%get3A_47, %get3A_48] {strides = array<i32>} : memref<200x128xi32, #tpu.memory_space<vmem>>, vector<16xi32>,
    %shift_right_logical3A_50 = arith.constant 1 : i32
    %shift_right_logical3A_51 = vector.broadcast %shift_right_logical3A_50 : i32 to vector<16xi32>
    %shift_right_logical3A_52 = arith.shrui %get3A_49, %shift_right_logical3A_51 : vector<16xi32>
    %swap3A_53 = arith.constant 80 : index
    %swap3A_54 = tpu.vector_load %arg7[%swap3A_53] {strides = array<i32>} : memref<128xi32, #tpu.memory_space<vmem>>, vector<16xi32>,
    tpu.vector_store %arg7[%swap3A_53], %shift_right_logical3A_52 {strides = array<i32>} : memref<128xi32, #tpu.memory_space<vmem>>, vector<16xi32>,
    %get3A_55 = arith.constant 0 : i32
    %get3A_56 = arith.index_cast %get3A_55 : i32 to index
    %get3A_57 = arith.constant 96 : index
    %get3A_58 = tpu.vector_load %arg6[%get3A_56, %get3A_57] {strides = array<i32>} : memref<200x128xi32, #tpu.memory_space<vmem>>, vector<16xi32>,
    %shift_right_logical3A_59 = arith.constant 1 : i32
    %shift_right_logical3A_60 = vector.broadcast %shift_right_logical3A_59 : i32 to vector<16xi32>
    %shift_right_logical3A_61 = arith.shrui %get3A_58, %shift_right_logical3A_60 : vector<16xi32>
    %swap3A_62 = arith.constant 96 : index
    %swap3A_63 = tpu.vector_load %arg7[%swap3A_62] {strides = array<i32>} : memref<128xi32, #tpu.memory_space<vmem>>, vector<16xi32>,
    tpu.vector_store %arg7[%swap3A_62], %shift_right_logical3A_61 {strides = array<i32>} : memref<128xi32, #tpu.memory_space<vmem>>, vector<16xi32>,
    %get3A_64 = arith.constant 0 : i32
    %get3A_65 = arith.index_cast %get3A_64 : i32 to index
    %get3A_66 = arith.constant 112 : index
    %get3A_67 = tpu.vector_load %arg6[%get3A_65, %get3A_66] {strides = array<i32>} : memref<200x128xi32, #tpu.memory_space<vmem>>, vector<16xi32>,
    %shift_right_logical3A_68 = arith.constant 1 : i32
    %shift_right_logical3A_69 = vector.broadcast %shift_right_logical3A_68 : i32 to vector<16xi32>
    %shift_right_logical3A_70 = arith.shrui %get3A_67, %shift_right_logical3A_69 : vector<16xi32>
    %swap3A_71 = arith.constant 112 : index
    %swap3A_72 = tpu.vector_load %arg7[%swap3A_71] {strides = array<i32>} : memref<128xi32, #tpu.memory_space<vmem>>, vector<16xi32>,
    tpu.vector_store %arg7[%swap3A_71], %shift_right_logical3A_70 {strides = array<i32>} : memref<128xi32, #tpu.memory_space<vmem>>, vector<16xi32>,
    %dma_start3A = arith.constant 0 : i32
    %dma_start3A_73 = arith.constant 0 : i32
    %dma_start3A_74 = tpu.memref_slice %arg3[%dma_start3A, %dma_start3A_73] : memref<500000x128xf32, #tpu.memory_space<hbm>> -> memref<500000x128xf32, #tpu.memory_space<hbm>>
    tpu.enqueue_indirect_dma source(%dma_start3A_74 : memref<500000x128xf32, #tpu.memory_space<hbm>>) target(%arg11 : memref<128x128xf32, #tpu.memory_space<vmem>>) offsets(%arg7 : memref<128xi32, #tpu.memory_space<vmem>>) semaphore(%arg18 : memref<!tpu.dma_semaphore, #tpu.memory_space<semaphore_mem>>)
    %get3A_75 = arith.constant 1 : i32
    %get3A_76 = arith.index_cast %get3A_75 : i32 to index
    %get3A_77 = arith.constant 0 : index
    %get3A_78 = tpu.vector_load %arg6[%get3A_76, %get3A_77] {strides = array<i32>} : memref<200x128xi32, #tpu.memory_space<vmem>>, vector<16xi32>,
    %shift_right_logical3A_79 = arith.constant 1 : i32
    %shift_right_logical3A_80 = vector.broadcast %shift_right_logical3A_79 : i32 to vector<16xi32>
    %shift_right_logical3A_81 = arith.shrui %get3A_78, %shift_right_logical3A_80 : vector<16xi32>
    %swap3A_82 = arith.constant 0 : index
    %swap3A_83 = tpu.vector_load %arg8[%swap3A_82] {strides = array<i32>} : memref<128xi32, #tpu.memory_space<vmem>>, vector<16xi32>,
    tpu.vector_store %arg8[%swap3A_82], %shift_right_logical3A_81 {strides = array<i32>} : memref<128xi32, #tpu.memory_space<vmem>>, vector<16xi32>,
    %get3A_84 = arith.constant 1 : i32
    %get3A_85 = arith.index_cast %get3A_84 : i32 to index
    %get3A_86 = arith.constant 16 : index
    %get3A_87 = tpu.vector_load %arg6[%get3A_85, %get3A_86] {strides = array<i32>} : memref<200x128xi32, #tpu.memory_space<vmem>>, vector<16xi32>,
    %shift_right_logical3A_88 = arith.constant 1 : i32
    %shift_right_logical3A_89 = vector.broadcast %shift_right_logical3A_88 : i32 to vector<16xi32>
    %shift_right_logical3A_90 = arith.shrui %get3A_87, %shift_right_logical3A_89 : vector<16xi32>
    %swap3A_91 = arith.constant 16 : index
    %swap3A_92 = tpu.vector_load %arg8[%swap3A_91] {strides = array<i32>} : memref<128xi32, #tpu.memory_space<vmem>>, vector<16xi32>,
    tpu.vector_store %arg8[%swap3A_91], %shift_right_logical3A_90 {strides = array<i32>} : memref<128xi32, #tpu.memory_space<vmem>>, vector<16xi32>,
    %get3A_93 = arith.constant 1 : i32
    %get3A_94 = arith.index_cast %get3A_93 : i32 to index
    %get3A_95 = arith.constant 32 : index
    %get3A_96 = tpu.vector_load %arg6[%get3A_94, %get3A_95] {strides = array<i32>} : memref<200x128xi32, #tpu.memory_space<vmem>>, vector<16xi32>,
    %shift_right_logical3A_97 = arith.constant 1 : i32
    %shift_right_logical3A_98 = vector.broadcast %shift_right_logical3A_97 : i32 to vector<16xi32>
    %shift_right_logical3A_99 = arith.shrui %get3A_96, %shift_right_logical3A_98 : vector<16xi32>
    %swap3A_100 = arith.constant 32 : index
    %swap3A_101 = tpu.vector_load %arg8[%swap3A_100] {strides = array<i32>} : memref<128xi32, #tpu.memory_space<vmem>>, vector<16xi32>,
    tpu.vector_store %arg8[%swap3A_100], %shift_right_logical3A_99 {strides = array<i32>} : memref<128xi32, #tpu.memory_space<vmem>>, vector<16xi32>,
    %get3A_102 = arith.constant 1 : i32
    %get3A_103 = arith.index_cast %get3A_102 : i32 to index
    %get3A_104 = arith.constant 48 : index
    %get3A_105 = tpu.vector_load %arg6[%get3A_103, %get3A_104] {strides = array<i32>} : memref<200x128xi32, #tpu.memory_space<vmem>>, vector<16xi32>,
    %shift_right_logical3A_106 = arith.constant 1 : i32
    %shift_right_logical3A_107 = vector.broadcast %shift_right_logical3A_106 : i32 to vector<16xi32>
    %shift_right_logical3A_108 = arith.shrui %get3A_105, %shift_right_logical3A_107 : vector<16xi32>
    %swap3A_109 = arith.constant 48 : index
    %swap3A_110 = tpu.vector_load %arg8[%swap3A_109] {strides = array<i32>} : memref<128xi32, #tpu.memory_space<vmem>>, vector<16xi32>,
    tpu.vector_store %arg8[%swap3A_109], %shift_right_logical3A_108 {strides = array<i32>} : memref<128xi32, #tpu.memory_space<vmem>>, vector<16xi32>,
    %get3A_111 = arith.constant 1 : i32
    %get3A_112 = arith.index_cast %get3A_111 : i32 to index
    %get3A_113 = arith.constant 64 : index
    %get3A_114 = tpu.vector_load %arg6[%get3A_112, %get3A_113] {strides = array<i32>} : memref<200x128xi32, #tpu.memory_space<vmem>>, vector<16xi32>,
    %shift_right_logical3A_115 = arith.constant 1 : i32
    %shift_right_logical3A_116 = vector.broadcast %shift_right_logical3A_115 : i32 to vector<16xi32>
    %shift_right_logical3A_117 = arith.shrui %get3A_114, %shift_right_logical3A_116 : vector<16xi32>
    %swap3A_118 = arith.constant 64 : index
    %swap3A_119 = tpu.vector_load %arg8[%swap3A_118] {strides = array<i32>} : memref<128xi32, #tpu.memory_space<vmem>>, vector<16xi32>,
    tpu.vector_store %arg8[%swap3A_118], %shift_right_logical3A_117 {strides = array<i32>} : memref<128xi32, #tpu.memory_space<vmem>>, vector<16xi32>,
    %get3A_120 = arith.constant 1 : i32
    %get3A_121 = arith.index_cast %get3A_120 : i32 to index
    %get3A_122 = arith.constant 80 : index
    %get3A_123 = tpu.vector_load %arg6[%get3A_121, %get3A_122] {strides = array<i32>} : memref<200x128xi32, #tpu.memory_space<vmem>>, vector<16xi32>,
    %shift_right_logical3A_124 = arith.constant 1 : i32
    %shift_right_logical3A_125 = vector.broadcast %shift_right_logical3A_124 : i32 to vector<16xi32>
    %shift_right_logical3A_126 = arith.shrui %get3A_123, %shift_right_logical3A_125 : vector<16xi32>
    %swap3A_127 = arith.constant 80 : index
    %swap3A_128 = tpu.vector_load %arg8[%swap3A_127] {strides = array<i32>} : memref<128xi32, #tpu.memory_space<vmem>>, vector<16xi32>,
    tpu.vector_store %arg8[%swap3A_127], %shift_right_logical3A_126 {strides = array<i32>} : memref<128xi32, #tpu.memory_space<vmem>>, vector<16xi32>,
    %get3A_129 = arith.constant 1 : i32
    %get3A_130 = arith.index_cast %get3A_129 : i32 to index
    %get3A_131 = arith.constant 96 : index
    %get3A_132 = tpu.vector_load %arg6[%get3A_130, %get3A_131] {strides = array<i32>} : memref<200x128xi32, #tpu.memory_space<vmem>>, vector<16xi32>,
    %shift_right_logical3A_133 = arith.constant 1 : i32
    %shift_right_logical3A_134 = vector.broadcast %shift_right_logical3A_133 : i32 to vector<16xi32>
    %shift_right_logical3A_135 = arith.shrui %get3A_132, %shift_right_logical3A_134 : vector<16xi32>
    %swap3A_136 = arith.constant 96 : index
    %swap3A_137 = tpu.vector_load %arg8[%swap3A_136] {strides = array<i32>} : memref<128xi32, #tpu.memory_space<vmem>>, vector<16xi32>,
    tpu.vector_store %arg8[%swap3A_136], %shift_right_logical3A_135 {strides = array<i32>} : memref<128xi32, #tpu.memory_space<vmem>>, vector<16xi32>,
    %get3A_138 = arith.constant 1 : i32
    %get3A_139 = arith.index_cast %get3A_138 : i32 to index
    %get3A_140 = arith.constant 112 : index
    %get3A_141 = tpu.vector_load %arg6[%get3A_139, %get3A_140] {strides = array<i32>} : memref<200x128xi32, #tpu.memory_space<vmem>>, vector<16xi32>,
    %shift_right_logical3A_142 = arith.constant 1 : i32
    %shift_right_logical3A_143 = vector.broadcast %shift_right_logical3A_142 : i32 to vector<16xi32>
    %shift_right_logical3A_144 = arith.shrui %get3A_141, %shift_right_logical3A_143 : vector<16xi32>
    %swap3A_145 = arith.constant 112 : index
    %swap3A_146 = tpu.vector_load %arg8[%swap3A_145] {strides = array<i32>} : memref<128xi32, #tpu.memory_space<vmem>>, vector<16xi32>,
    tpu.vector_store %arg8[%swap3A_145], %shift_right_logical3A_144 {strides = array<i32>} : memref<128xi32, #tpu.memory_space<vmem>>, vector<16xi32>,
    %dma_start3A_147 = arith.constant 0 : i32
    %dma_start3A_148 = arith.constant 0 : i32
    %dma_start3A_149 = tpu.memref_slice %arg3[%dma_start3A_147, %dma_start3A_148] : memref<500000x128xf32, #tpu.memory_space<hbm>> -> memref<500000x128xf32, #tpu.memory_space<hbm>>
    tpu.enqueue_indirect_dma source(%dma_start3A_149 : memref<500000x128xf32, #tpu.memory_space<hbm>>) target(%arg12 : memref<128x128xf32, #tpu.memory_space<vmem>>) offsets(%arg8 : memref<128xi32, #tpu.memory_space<vmem>>) semaphore(%arg19 : memref<!tpu.dma_semaphore, #tpu.memory_space<semaphore_mem>>)
    %get3A_150 = arith.constant 2 : i32
    %get3A_151 = arith.index_cast %get3A_150 : i32 to index
    %get3A_152 = arith.constant 0 : index
    %get3A_153 = tpu.vector_load %arg6[%get3A_151, %get3A_152] {strides = array<i32>} : memref<200x128xi32, #tpu.memory_space<vmem>>, vector<16xi32>,
    %shift_right_logical3A_154 = arith.constant 1 : i32
    %shift_right_logical3A_155 = vector.broadcast %shift_right_logical3A_154 : i32 to vector<16xi32>
    %shift_right_logical3A_156 = arith.shrui %get3A_153, %shift_right_logical3A_155 : vector<16xi32>
    %swap3A_157 = arith.constant 0 : index
    %swap3A_158 = tpu.vector_load %arg9[%swap3A_157] {strides = array<i32>} : memref<128xi32, #tpu.memory_space<vmem>>, vector<16xi32>,
    tpu.vector_store %arg9[%swap3A_157], %shift_right_logical3A_156 {strides = array<i32>} : memref<128xi32, #tpu.memory_space<vmem>>, vector<16xi32>,
    %get3A_159 = arith.constant 2 : i32
    %get3A_160 = arith.index_cast %get3A_159 : i32 to index
    %get3A_161 = arith.constant 16 : index
    %get3A_162 = tpu.vector_load %arg6[%get3A_160, %get3A_161] {strides = array<i32>} : memref<200x128xi32, #tpu.memory_space<vmem>>, vector<16xi32>,
    %shift_right_logical3A_163 = arith.constant 1 : i32
    %shift_right_logical3A_164 = vector.broadcast %shift_right_logical3A_163 : i32 to vector<16xi32>
    %shift_right_logical3A_165 = arith.shrui %get3A_162, %shift_right_logical3A_164 : vector<16xi32>
    %swap3A_166 = arith.constant 16 : index
    %swap3A_167 = tpu.vector_load %arg9[%swap3A_166] {strides = array<i32>} : memref<128xi32, #tpu.memory_space<vmem>>, vector<16xi32>,
    tpu.vector_store %arg9[%swap3A_166], %shift_right_logical3A_165 {strides = array<i32>} : memref<128xi32, #tpu.memory_space<vmem>>, vector<16xi32>,
    %get3A_168 = arith.constant 2 : i32
    %get3A_169 = arith.index_cast %get3A_168 : i32 to index
    %get3A_170 = arith.constant 32 : index
    %get3A_171 = tpu.vector_load %arg6[%get3A_169, %get3A_170] {strides = array<i32>} : memref<200x128xi32, #tpu.memory_space<vmem>>, vector<16xi32>,
    %shift_right_logical3A_172 = arith.constant 1 : i32
    %shift_right_logical3A_173 = vector.broadcast %shift_right_logical3A_172 : i32 to vector<16xi32>
    %shift_right_logical3A_174 = arith.shrui %get3A_171, %shift_right_logical3A_173 : vector<16xi32>
    %swap3A_175 = arith.constant 32 : index
    %swap3A_176 = tpu.vector_load %arg9[%swap3A_175] {strides = array<i32>} : memref<128xi32, #tpu.memory_space<vmem>>, vector<16xi32>,
    tpu.vector_store %arg9[%swap3A_175], %shift_right_logical3A_174 {strides = array<i32>} : memref<128xi32, #tpu.memory_space<vmem>>, vector<16xi32>,
    %get3A_177 = arith.constant 2 : i32
    %get3A_178 = arith.index_cast %get3A_177 : i32 to index
    %get3A_179 = arith.constant 48 : index
    %get3A_180 = tpu.vector_load %arg6[%get3A_178, %get3A_179] {strides = array<i32>} : memref<200x128xi32, #tpu.memory_space<vmem>>, vector<16xi32>,
    %shift_right_logical3A_181 = arith.constant 1 : i32
    %shift_right_logical3A_182 = vector.broadcast %shift_right_logical3A_181 : i32 to vector<16xi32>
    %shift_right_logical3A_183 = arith.shrui %get3A_180, %shift_right_logical3A_182 : vector<16xi32>
    %swap3A_184 = arith.constant 48 : index
    %swap3A_185 = tpu.vector_load %arg9[%swap3A_184] {strides = array<i32>} : memref<128xi32, #tpu.memory_space<vmem>>, vector<16xi32>,
    tpu.vector_store %arg9[%swap3A_184], %shift_right_logical3A_183 {strides = array<i32>} : memref<128xi32, #tpu.memory_space<vmem>>, vector<16xi32>,
    %get3A_186 = arith.constant 2 : i32
    %get3A_187 = arith.index_cast %get3A_186 : i32 to index
    %get3A_188 = arith.constant 64 : index
    %get3A_189 = tpu.vector_load %arg6[%get3A_187, %get3A_188] {strides = array<i32>} : memref<200x128xi32, #tpu.memory_space<vmem>>, vector<16xi32>,
    %shift_right_logical3A_190 = arith.constant 1 : i32
    %shift_right_logical3A_191 = vector.broadcast %shift_right_logical3A_190 : i32 to vector<16xi32>
    %shift_right_logical3A_192 = arith.shrui %get3A_189, %shift_right_logical3A_191 : vector<16xi32>
    %swap3A_193 = arith.constant 64 : index
    %swap3A_194 = tpu.vector_load %arg9[%swap3A_193] {strides = array<i32>} : memref<128xi32, #tpu.memory_space<vmem>>, vector<16xi32>,
    tpu.vector_store %arg9[%swap3A_193], %shift_right_logical3A_192 {strides = array<i32>} : memref<128xi32, #tpu.memory_space<vmem>>, vector<16xi32>,
    %get3A_195 = arith.constant 2 : i32
    %get3A_196 = arith.index_cast %get3A_195 : i32 to index
    %get3A_197 = arith.constant 80 : index
    %get3A_198 = tpu.vector_load %arg6[%get3A_196, %get3A_197] {strides = array<i32>} : memref<200x128xi32, #tpu.memory_space<vmem>>, vector<16xi32>,
    %shift_right_logical3A_199 = arith.constant 1 : i32
    %shift_right_logical3A_200 = vector.broadcast %shift_right_logical3A_199 : i32 to vector<16xi32>
    %shift_right_logical3A_201 = arith.shrui %get3A_198, %shift_right_logical3A_200 : vector<16xi32>
    %swap3A_202 = arith.constant 80 : index
    %swap3A_203 = tpu.vector_load %arg9[%swap3A_202] {strides = array<i32>} : memref<128xi32, #tpu.memory_space<vmem>>, vector<16xi32>,
    tpu.vector_store %arg9[%swap3A_202], %shift_right_logical3A_201 {strides = array<i32>} : memref<128xi32, #tpu.memory_space<vmem>>, vector<16xi32>,
    %get3A_204 = arith.constant 2 : i32
    %get3A_205 = arith.index_cast %get3A_204 : i32 to index
    %get3A_206 = arith.constant 96 : index
    %get3A_207 = tpu.vector_load %arg6[%get3A_205, %get3A_206] {strides = array<i32>} : memref<200x128xi32, #tpu.memory_space<vmem>>, vector<16xi32>,
    %shift_right_logical3A_208 = arith.constant 1 : i32
    %shift_right_logical3A_209 = vector.broadcast %shift_right_logical3A_208 : i32 to vector<16xi32>
    %shift_right_logical3A_210 = arith.shrui %get3A_207, %shift_right_logical3A_209 : vector<16xi32>
    %swap3A_211 = arith.constant 96 : index
    %swap3A_212 = tpu.vector_load %arg9[%swap3A_211] {strides = array<i32>} : memref<128xi32, #tpu.memory_space<vmem>>, vector<16xi32>,
    tpu.vector_store %arg9[%swap3A_211], %shift_right_logical3A_210 {strides = array<i32>} : memref<128xi32, #tpu.memory_space<vmem>>, vector<16xi32>,
    %get3A_213 = arith.constant 2 : i32
    %get3A_214 = arith.index_cast %get3A_213 : i32 to index
    %get3A_215 = arith.constant 112 : index
    %get3A_216 = tpu.vector_load %arg6[%get3A_214, %get3A_215] {strides = array<i32>} : memref<200x128xi32, #tpu.memory_space<vmem>>, vector<16xi32>,
    %shift_right_logical3A_217 = arith.constant 1 : i32
    %shift_right_logical3A_218 = vector.broadcast %shift_right_logical3A_217 : i32 to vector<16xi32>
    %shift_right_logical3A_219 = arith.shrui %get3A_216, %shift_right_logical3A_218 : vector<16xi32>
    %swap3A_220 = arith.constant 112 : index
    %swap3A_221 = tpu.vector_load %arg9[%swap3A_220] {strides = array<i32>} : memref<128xi32, #tpu.memory_space<vmem>>, vector<16xi32>,
    tpu.vector_store %arg9[%swap3A_220], %shift_right_logical3A_219 {strides = array<i32>} : memref<128xi32, #tpu.memory_space<vmem>>, vector<16xi32>,
    %dma_start3A_222 = arith.constant 0 : i32
    %dma_start3A_223 = arith.constant 0 : i32
    %dma_start3A_224 = tpu.memref_slice %arg3[%dma_start3A_222, %dma_start3A_223] : memref<500000x128xf32, #tpu.memory_space<hbm>> -> memref<500000x128xf32, #tpu.memory_space<hbm>>
    tpu.enqueue_indirect_dma source(%dma_start3A_224 : memref<500000x128xf32, #tpu.memory_space<hbm>>) target(%arg13 : memref<128x128xf32, #tpu.memory_space<vmem>>) offsets(%arg9 : memref<128xi32, #tpu.memory_space<vmem>>) semaphore(%arg20 : memref<!tpu.dma_semaphore, #tpu.memory_space<semaphore_mem>>)
    %get3A_225 = arith.constant 3 : i32
    %get3A_226 = arith.index_cast %get3A_225 : i32 to index
    %get3A_227 = arith.constant 0 : index
    %get3A_228 = tpu.vector_load %arg6[%get3A_226, %get3A_227] {strides = array<i32>} : memref<200x128xi32, #tpu.memory_space<vmem>>, vector<16xi32>,
    %shift_right_logical3A_229 = arith.constant 1 : i32
    %shift_right_logical3A_230 = vector.broadcast %shift_right_logical3A_229 : i32 to vector<16xi32>
    %shift_right_logical3A_231 = arith.shrui %get3A_228, %shift_right_logical3A_230 : vector<16xi32>
    %swap3A_232 = arith.constant 0 : index
    %swap3A_233 = tpu.vector_load %arg10[%swap3A_232] {strides = array<i32>} : memref<128xi32, #tpu.memory_space<vmem>>, vector<16xi32>,
    tpu.vector_store %arg10[%swap3A_232], %shift_right_logical3A_231 {strides = array<i32>} : memref<128xi32, #tpu.memory_space<vmem>>, vector<16xi32>,
    %get3A_234 = arith.constant 3 : i32
    %get3A_235 = arith.index_cast %get3A_234 : i32 to index
    %get3A_236 = arith.constant 16 : index
    %get3A_237 = tpu.vector_load %arg6[%get3A_235, %get3A_236] {strides = array<i32>} : memref<200x128xi32, #tpu.memory_space<vmem>>, vector<16xi32>,
    %shift_right_logical3A_238 = arith.constant 1 : i32
    %shift_right_logical3A_239 = vector.broadcast %shift_right_logical3A_238 : i32 to vector<16xi32>
    %shift_right_logical3A_240 = arith.shrui %get3A_237, %shift_right_logical3A_239 : vector<16xi32>
    %swap3A_241 = arith.constant 16 : index
    %swap3A_242 = tpu.vector_load %arg10[%swap3A_241] {strides = array<i32>} : memref<128xi32, #tpu.memory_space<vmem>>, vector<16xi32>,
    tpu.vector_store %arg10[%swap3A_241], %shift_right_logical3A_240 {strides = array<i32>} : memref<128xi32, #tpu.memory_space<vmem>>, vector<16xi32>,
    %get3A_243 = arith.constant 3 : i32
    %get3A_244 = arith.index_cast %get3A_243 : i32 to index
    %get3A_245 = arith.constant 32 : index
    %get3A_246 = tpu.vector_load %arg6[%get3A_244, %get3A_245] {strides = array<i32>} : memref<200x128xi32, #tpu.memory_space<vmem>>, vector<16xi32>,
    %shift_right_logical3A_247 = arith.constant 1 : i32
    %shift_right_logical3A_248 = vector.broadcast %shift_right_logical3A_247 : i32 to vector<16xi32>
    %shift_right_logical3A_249 = arith.shrui %get3A_246, %shift_right_logical3A_248 : vector<16xi32>
    %swap3A_250 = arith.constant 32 : index
    %swap3A_251 = tpu.vector_load %arg10[%swap3A_250] {strides = array<i32>} : memref<128xi32, #tpu.memory_space<vmem>>, vector<16xi32>,
    tpu.vector_store %arg10[%swap3A_250], %shift_right_logical3A_249 {strides = array<i32>} : memref<128xi32, #tpu.memory_space<vmem>>, vector<16xi32>,
    %get3A_252 = arith.constant 3 : i32
    %get3A_253 = arith.index_cast %get3A_252 : i32 to index
    %get3A_254 = arith.constant 48 : index
    %get3A_255 = tpu.vector_load %arg6[%get3A_253, %get3A_254] {strides = array<i32>} : memref<200x128xi32, #tpu.memory_space<vmem>>, vector<16xi32>,
    %shift_right_logical3A_256 = arith.constant 1 : i32
    %shift_right_logical3A_257 = vector.broadcast %shift_right_logical3A_256 : i32 to vector<16xi32>
    %shift_right_logical3A_258 = arith.shrui %get3A_255, %shift_right_logical3A_257 : vector<16xi32>
    %swap3A_259 = arith.constant 48 : index
    %swap3A_260 = tpu.vector_load %arg10[%swap3A_259] {strides = array<i32>} : memref<128xi32, #tpu.memory_space<vmem>>, vector<16xi32>,
    tpu.vector_store %arg10[%swap3A_259], %shift_right_logical3A_258 {strides = array<i32>} : memref<128xi32, #tpu.memory_space<vmem>>, vector<16xi32>,
    %get3A_261 = arith.constant 3 : i32
    %get3A_262 = arith.index_cast %get3A_261 : i32 to index
    %get3A_263 = arith.constant 64 : index
    %get3A_264 = tpu.vector_load %arg6[%get3A_262, %get3A_263] {strides = array<i32>} : memref<200x128xi32, #tpu.memory_space<vmem>>, vector<16xi32>,
    %shift_right_logical3A_265 = arith.constant 1 : i32
    %shift_right_logical3A_266 = vector.broadcast %shift_right_logical3A_265 : i32 to vector<16xi32>
    %shift_right_logical3A_267 = arith.shrui %get3A_264, %shift_right_logical3A_266 : vector<16xi32>
    %swap3A_268 = arith.constant 64 : index
    %swap3A_269 = tpu.vector_load %arg10[%swap3A_268] {strides = array<i32>} : memref<128xi32, #tpu.memory_space<vmem>>, vector<16xi32>,
    tpu.vector_store %arg10[%swap3A_268], %shift_right_logical3A_267 {strides = array<i32>} : memref<128xi32, #tpu.memory_space<vmem>>, vector<16xi32>,
    %get3A_270 = arith.constant 3 : i32
    %get3A_271 = arith.index_cast %get3A_270 : i32 to index
    %get3A_272 = arith.constant 80 : index
    %get3A_273 = tpu.vector_load %arg6[%get3A_271, %get3A_272] {strides = array<i32>} : memref<200x128xi32, #tpu.memory_space<vmem>>, vector<16xi32>,
    %shift_right_logical3A_274 = arith.constant 1 : i32
    %shift_right_logical3A_275 = vector.broadcast %shift_right_logical3A_274 : i32 to vector<16xi32>
    %shift_right_logical3A_276 = arith.shrui %get3A_273, %shift_right_logical3A_275 : vector<16xi32>
    %swap3A_277 = arith.constant 80 : index
    %swap3A_278 = tpu.vector_load %arg10[%swap3A_277] {strides = array<i32>} : memref<128xi32, #tpu.memory_space<vmem>>, vector<16xi32>,
    tpu.vector_store %arg10[%swap3A_277], %shift_right_logical3A_276 {strides = array<i32>} : memref<128xi32, #tpu.memory_space<vmem>>, vector<16xi32>,
    %get3A_279 = arith.constant 3 : i32
    %get3A_280 = arith.index_cast %get3A_279 : i32 to index
    %get3A_281 = arith.constant 96 : index
    %get3A_282 = tpu.vector_load %arg6[%get3A_280, %get3A_281] {strides = array<i32>} : memref<200x128xi32, #tpu.memory_space<vmem>>, vector<16xi32>,
    %shift_right_logical3A_283 = arith.constant 1 : i32
    %shift_right_logical3A_284 = vector.broadcast %shift_right_logical3A_283 : i32 to vector<16xi32>
    %shift_right_logical3A_285 = arith.shrui %get3A_282, %shift_right_logical3A_284 : vector<16xi32>
    %swap3A_286 = arith.constant 96 : index
    %swap3A_287 = tpu.vector_load %arg10[%swap3A_286] {strides = array<i32>} : memref<128xi32, #tpu.memory_space<vmem>>, vector<16xi32>,
    tpu.vector_store %arg10[%swap3A_286], %shift_right_logical3A_285 {strides = array<i32>} : memref<128xi32, #tpu.memory_space<vmem>>, vector<16xi32>,
    %get3A_288 = arith.constant 3 : i32
    %get3A_289 = arith.index_cast %get3A_288 : i32 to index
    %get3A_290 = arith.constant 112 : index
    %get3A_291 = tpu.vector_load %arg6[%get3A_289, %get3A_290] {strides = array<i32>} : memref<200x128xi32, #tpu.memory_space<vmem>>, vector<16xi32>,
    %shift_right_logical3A_292 = arith.constant 1 : i32
    %shift_right_logical3A_293 = vector.broadcast %shift_right_logical3A_292 : i32 to vector<16xi32>
    %shift_right_logical3A_294 = arith.shrui %get3A_291, %shift_right_logical3A_293 : vector<16xi32>
    %swap3A_295 = arith.constant 112 : index
    %swap3A_296 = tpu.vector_load %arg10[%swap3A_295] {strides = array<i32>} : memref<128xi32, #tpu.memory_space<vmem>>, vector<16xi32>,
    tpu.vector_store %arg10[%swap3A_295], %shift_right_logical3A_294 {strides = array<i32>} : memref<128xi32, #tpu.memory_space<vmem>>, vector<16xi32>,
    %dma_start3A_297 = arith.constant 0 : i32
    %dma_start3A_298 = arith.constant 0 : i32
    %dma_start3A_299 = tpu.memref_slice %arg3[%dma_start3A_297, %dma_start3A_298] : memref<500000x128xf32, #tpu.memory_space<hbm>> -> memref<500000x128xf32, #tpu.memory_space<hbm>>
    tpu.enqueue_indirect_dma source(%dma_start3A_299 : memref<500000x128xf32, #tpu.memory_space<hbm>>) target(%arg14 : memref<128x128xf32, #tpu.memory_space<vmem>>) offsets(%arg10 : memref<128xi32, #tpu.memory_space<vmem>>) semaphore(%arg21 : memref<!tpu.dma_semaphore, #tpu.memory_space<semaphore_mem>>)
    %scan3A = arith.constant 0 : i32
    %scan3A_300 = arith.constant 0 : i32
    %scan3A_301 = arith.constant 50 : i32
    %scan3A_302 = arith.addi %scan3A_300, %scan3A_301 : i32
    %scan3A_303 = arith.constant 1 : i32
    scf.for %scan3A_318 = %scan3A_300 to %scan3A_302 step %scan3A_303  : i32 {
      %mul3A_319 = arith.constant 4 : i32
      %mul3A_320 = arith.muli %mul3A_319, %scan3A_318 : i32
      %add3A_321 = arith.constant 0 : i32
      %add3A_322 = arith.addi %mul3A_320, %add3A_321 : i32
      %dma_wait3A_323 = arith.constant 0 : i32
      %dma_wait3A_324 = arith.constant 0 : i32
      %dma_wait3A_325 = tpu.memref_slice %arg3[%dma_wait3A_323, %dma_wait3A_324] : memref<500000x128xf32, #tpu.memory_space<hbm>> -> memref<500000x128xf32, #tpu.memory_space<hbm>>
      tpu.wait_indirect_dma semaphore(%arg18 : memref<!tpu.dma_semaphore, #tpu.memory_space<semaphore_mem>>) src(%dma_wait3A_325 : memref<500000x128xf32, #tpu.memory_space<hbm>>) dst(%arg11 : memref<128x128xf32, #tpu.memory_space<vmem>>)
      %ge3A = arith.constant 2 : i32
      %ge3A_326 = arith.cmpi sge, %add3A_322, %ge3A : i32
      %convert_element_type3A = arith.extui %ge3A_326 : i1 to i32
      %cond3A = arith.constant 0 : i32
      %cond3A_327 = arith.cmpi ne, %convert_element_type3A, %cond3A : i32
      scf.if %cond3A_327 {
        %sub3A = arith.constant 2 : i32
        %sub3A_803 = arith.subi %add3A_322, %sub3A : i32
        %dma_wait3A_804 = arith.constant 0 : i32
        %dma_wait3A_805 = tpu.memref_slice %arg5[%sub3A_803, %dma_wait3A_804, %mul3A_2] : memref<200x64x4096xf32, #tpu.memory_space<hbm>> -> memref<1x64x128xf32, #tpu.memory_space<hbm>>
        %dma_wait3A_806 = tpu.memref_squeeze %dma_wait3A_805 : memref<1x64x128xf32, #tpu.memory_space<hbm>> -> memref<64x128xf32, #tpu.memory_space<hbm>>
        %dma_wait3A_807 = arith.constant 0 : i32
        %dma_wait3A_808 = tpu.memref_slice %arg5[%sub3A_803, %dma_wait3A_807, %mul3A_2] : memref<200x64x4096xf32, #tpu.memory_space<hbm>> -> memref<1x64x128xf32, #tpu.memory_space<hbm>>
        %dma_wait3A_809 = tpu.memref_squeeze %dma_wait3A_808 : memref<1x64x128xf32, #tpu.memory_space<hbm>> -> memref<64x128xf32, #tpu.memory_space<hbm>>
        tpu.wait_dma2 semaphore(%arg22 : memref<!tpu.dma_semaphore, #tpu.memory_space<semaphore_mem>>) src(%arg15 : memref<64x128xf32, #tpu.memory_space<vmem>>) dst(%dma_wait3A_809 : memref<64x128xf32, #tpu.memory_space<hbm>>)
      } else {
      }
      %get3A_328 = arith.index_cast %add3A_322 : i32 to index
      %get3A_329 = arith.constant 0 : index
      %get3A_330 = tpu.vector_load %arg6[%get3A_328, %get3A_329] {strides = array<i32>} : memref<200x128xi32, #tpu.memory_space<vmem>>, vector<16xi32>,
      %add3A_331 = arith.constant 0 : i32
      %add3A_332 = vector.broadcast %add3A_331 : i32 to vector<16xi32>
      %add3A_333 = arith.addi %iota3A, %add3A_332 : vector<16xi32>
      %and3A = arith.constant 1 : i32
      %and3A_334 = vector.broadcast %and3A : i32 to vector<16xi32>
      %and3A_335 = arith.andi %get3A_330, %and3A_334 : vector<16xi32>
      %mul3A_336 = arith.constant 64 : i32
      %mul3A_337 = vector.broadcast %mul3A_336 : i32 to vector<16xi32>
      %mul3A_338 = arith.muli %and3A_335, %mul3A_337 : vector<16xi32>
      %get3A_339 = arith.index_cast %add3A_322 : i32 to index
      %get3A_340 = arith.constant 16 : index
      %get3A_341 = tpu.vector_load %arg6[%get3A_339, %get3A_340] {strides = array<i32>} : memref<200x128xi32, #tpu.memory_space<vmem>>, vector<16xi32>,
      %add3A_342 = arith.constant 16 : i32
      %add3A_343 = vector.broadcast %add3A_342 : i32 to vector<16xi32>
      %add3A_344 = arith.addi %iota3A, %add3A_343 : vector<16xi32>
      %and3A_345 = arith.constant 1 : i32
      %and3A_346 = vector.broadcast %and3A_345 : i32 to vector<16xi32>
      %and3A_347 = arith.andi %get3A_341, %and3A_346 : vector<16xi32>
      %mul3A_348 = arith.constant 64 : i32
      %mul3A_349 = vector.broadcast %mul3A_348 : i32 to vector<16xi32>
      %mul3A_350 = arith.muli %and3A_347, %mul3A_349 : vector<16xi32>
      %get3A_351 = arith.index_cast %add3A_322 : i32 to index
      %get3A_352 = arith.constant 32 : index
      %get3A_353 = tpu.vector_load %arg6[%get3A_351, %get3A_352] {strides = array<i32>} : memref<200x128xi32, #tpu.memory_space<vmem>>, vector<16xi32>,
      %add3A_354 = arith.constant 32 : i32
      %add3A_355 = vector.broadcast %add3A_354 : i32 to vector<16xi32>
      %add3A_356 = arith.addi %iota3A, %add3A_355 : vector<16xi32>
      %and3A_357 = arith.constant 1 : i32
      %and3A_358 = vector.broadcast %and3A_357 : i32 to vector<16xi32>
      %and3A_359 = arith.andi %get3A_353, %and3A_358 : vector<16xi32>
      %mul3A_360 = arith.constant 64 : i32
      %mul3A_361 = vector.broadcast %mul3A_360 : i32 to vector<16xi32>
      %mul3A_362 = arith.muli %and3A_359, %mul3A_361 : vector<16xi32>
      %get3A_363 = arith.index_cast %add3A_322 : i32 to index
      %get3A_364 = arith.constant 48 : index
      %get3A_365 = tpu.vector_load %arg6[%get3A_363, %get3A_364] {strides = array<i32>} : memref<200x128xi32, #tpu.memory_space<vmem>>, vector<16xi32>,
      %add3A_366 = arith.constant 48 : i32
      %add3A_367 = vector.broadcast %add3A_366 : i32 to vector<16xi32>
      %add3A_368 = arith.addi %iota3A, %add3A_367 : vector<16xi32>
      %and3A_369 = arith.constant 1 : i32
      %and3A_370 = vector.broadcast %and3A_369 : i32 to vector<16xi32>
      %and3A_371 = arith.andi %get3A_365, %and3A_370 : vector<16xi32>
      %mul3A_372 = arith.constant 64 : i32
      %mul3A_373 = vector.broadcast %mul3A_372 : i32 to vector<16xi32>
      %mul3A_374 = arith.muli %and3A_371, %mul3A_373 : vector<16xi32>
      %get3A_375 = arith.index_cast %add3A_322 : i32 to index
      %get3A_376 = arith.constant 64 : index
      %get3A_377 = tpu.vector_load %arg6[%get3A_375, %get3A_376] {strides = array<i32>} : memref<200x128xi32, #tpu.memory_space<vmem>>, vector<16xi32>,
      %add3A_378 = arith.constant 64 : i32
      %add3A_379 = vector.broadcast %add3A_378 : i32 to vector<16xi32>
      %add3A_380 = arith.addi %iota3A, %add3A_379 : vector<16xi32>
      %and3A_381 = arith.constant 1 : i32
      %and3A_382 = vector.broadcast %and3A_381 : i32 to vector<16xi32>
      %and3A_383 = arith.andi %get3A_377, %and3A_382 : vector<16xi32>
      %mul3A_384 = arith.constant 64 : i32
      %mul3A_385 = vector.broadcast %mul3A_384 : i32 to vector<16xi32>
      %mul3A_386 = arith.muli %and3A_383, %mul3A_385 : vector<16xi32>
      %get3A_387 = arith.index_cast %add3A_322 : i32 to index
      %get3A_388 = arith.constant 80 : index
      %get3A_389 = tpu.vector_load %arg6[%get3A_387, %get3A_388] {strides = array<i32>} : memref<200x128xi32, #tpu.memory_space<vmem>>, vector<16xi32>,
      %add3A_390 = arith.constant 80 : i32
      %add3A_391 = vector.broadcast %add3A_390 : i32 to vector<16xi32>
      %add3A_392 = arith.addi %iota3A, %add3A_391 : vector<16xi32>
      %and3A_393 = arith.constant 1 : i32
      %and3A_394 = vector.broadcast %and3A_393 : i32 to vector<16xi32>
      %and3A_395 = arith.andi %get3A_389, %and3A_394 : vector<16xi32>
      %mul3A_396 = arith.constant 64 : i32
      %mul3A_397 = vector.broadcast %mul3A_396 : i32 to vector<16xi32>
      %mul3A_398 = arith.muli %and3A_395, %mul3A_397 : vector<16xi32>
      %get3A_399 = arith.index_cast %add3A_322 : i32 to index
      %get3A_400 = arith.constant 96 : index
      %get3A_401 = tpu.vector_load %arg6[%get3A_399, %get3A_400] {strides = array<i32>} : memref<200x128xi32, #tpu.memory_space<vmem>>, vector<16xi32>,
      %add3A_402 = arith.constant 96 : i32
      %add3A_403 = vector.broadcast %add3A_402 : i32 to vector<16xi32>
      %add3A_404 = arith.addi %iota3A, %add3A_403 : vector<16xi32>
      %and3A_405 = arith.constant 1 : i32
      %and3A_406 = vector.broadcast %and3A_405 : i32 to vector<16xi32>
      %and3A_407 = arith.andi %get3A_401, %and3A_406 : vector<16xi32>
      %mul3A_408 = arith.constant 64 : i32
      %mul3A_409 = vector.broadcast %mul3A_408 : i32 to vector<16xi32>
      %mul3A_410 = arith.muli %and3A_407, %mul3A_409 : vector<16xi32>
      %get3A_411 = arith.index_cast %add3A_322 : i32 to index
      %get3A_412 = arith.constant 112 : index
      %get3A_413 = tpu.vector_load %arg6[%get3A_411, %get3A_412] {strides = array<i32>} : memref<200x128xi32, #tpu.memory_space<vmem>>, vector<16xi32>,
      %add3A_414 = arith.constant 112 : i32
      %add3A_415 = vector.broadcast %add3A_414 : i32 to vector<16xi32>
      %add3A_416 = arith.addi %iota3A, %add3A_415 : vector<16xi32>
      %and3A_417 = arith.constant 1 : i32
      %and3A_418 = vector.broadcast %and3A_417 : i32 to vector<16xi32>
      %and3A_419 = arith.andi %get3A_413, %and3A_418 : vector<16xi32>
      %mul3A_420 = arith.constant 64 : i32
      %mul3A_421 = vector.broadcast %mul3A_420 : i32 to vector<16xi32>
      %mul3A_422 = arith.muli %and3A_419, %mul3A_421 : vector<16xi32>
      %parallel_loop3A = arith.constant 0 : i32
      %parallel_loop3A_423 = arith.constant 64 : i32
      %parallel_loop3A_424 = arith.constant 1 : i32
      scf.for %parallel_loop3A_803 = %parallel_loop3A to %parallel_loop3A_423 step %parallel_loop3A_424  : i32 {
        %parallel_loop3A_804 = arith.constant 64 : i32
        %parallel_loop3A_805 = arith.muli %add3A_322, %parallel_loop3A_804 : i32
        %parallel_loop3A_806 = arith.addi %parallel_loop3A_805, %parallel_loop3A_803 : i32
        %parallel_loop3A_807 = vector.broadcast %parallel_loop3A_806 : i32 to vector<16xi32>
        %parallel_loop3A_808 = arith.addi %broadcast_in_dim3A_3, %parallel_loop3A_807 : vector<16xi32>
        %parallel_loop3A_809 = tpu.vector_load_idx %arg17[%parallel_loop3A_808] : memref<12800xf32, #tpu.memory_space<vmem>>[vector<16xi32>], vector<16xf32>,
        %parallel_loop3A_810 = vector.broadcast %parallel_loop3A_803 : i32 to vector<16xi32>
        %parallel_loop3A_811 = arith.addi %mul3A_338, %parallel_loop3A_810 : vector<16xi32>
        %parallel_loop3A_812 = tpu.vector_load_idx %arg11[%add3A_333, %parallel_loop3A_811] : memref<128x128xf32, #tpu.memory_space<vmem>>[vector<16xi32>, vector<16xi32>], vector<16xf32>,
        %parallel_loop3A_813 = arith.constant 8.000000e+00 : f32
        %parallel_loop3A_814 = vector.broadcast %parallel_loop3A_813 : f32 to vector<16xf32>
        %parallel_loop3A_815 = arith.mulf %parallel_loop3A_812, %parallel_loop3A_814 : vector<16xf32>
        %parallel_loop3A_816 = arith.addf %parallel_loop3A_815, %parallel_loop3A_809 : vector<16xf32>
        %parallel_loop3A_817 = arith.index_cast %parallel_loop3A_803 : i32 to index
        %parallel_loop3A_818 = arith.constant 0 : index
        %parallel_loop3A_819 = tpu.vector_load %arg15[%parallel_loop3A_817, %parallel_loop3A_818] {strides = array<i32>} : memref<64x128xf32, #tpu.memory_space<vmem>>, vector<16xf32>,
        tpu.vector_store %arg15[%parallel_loop3A_817, %parallel_loop3A_818], %parallel_loop3A_816 {strides = array<i32>} : memref<64x128xf32, #tpu.memory_space<vmem>>, vector<16xf32>,
        %parallel_loop3A_820 = vector.broadcast %parallel_loop3A_803 : i32 to vector<16xi32>
        %parallel_loop3A_821 = arith.addi %mul3A_350, %parallel_loop3A_820 : vector<16xi32>
        %parallel_loop3A_822 = tpu.vector_load_idx %arg11[%add3A_344, %parallel_loop3A_821] : memref<128x128xf32, #tpu.memory_space<vmem>>[vector<16xi32>, vector<16xi32>], vector<16xf32>,
        %parallel_loop3A_823 = arith.constant 8.000000e+00 : f32
        %parallel_loop3A_824 = vector.broadcast %parallel_loop3A_823 : f32 to vector<16xf32>
        %parallel_loop3A_825 = arith.mulf %parallel_loop3A_822, %parallel_loop3A_824 : vector<16xf32>
        %parallel_loop3A_826 = arith.addf %parallel_loop3A_825, %parallel_loop3A_809 : vector<16xf32>
        %parallel_loop3A_827 = arith.index_cast %parallel_loop3A_803 : i32 to index
        %parallel_loop3A_828 = arith.constant 16 : index
        %parallel_loop3A_829 = tpu.vector_load %arg15[%parallel_loop3A_827, %parallel_loop3A_828] {strides = array<i32>} : memref<64x128xf32, #tpu.memory_space<vmem>>, vector<16xf32>,
        tpu.vector_store %arg15[%parallel_loop3A_827, %parallel_loop3A_828], %parallel_loop3A_826 {strides = array<i32>} : memref<64x128xf32, #tpu.memory_space<vmem>>, vector<16xf32>,
        %parallel_loop3A_830 = vector.broadcast %parallel_loop3A_803 : i32 to vector<16xi32>
        %parallel_loop3A_831 = arith.addi %mul3A_362, %parallel_loop3A_830 : vector<16xi32>
        %parallel_loop3A_832 = tpu.vector_load_idx %arg11[%add3A_356, %parallel_loop3A_831] : memref<128x128xf32, #tpu.memory_space<vmem>>[vector<16xi32>, vector<16xi32>], vector<16xf32>,
        %parallel_loop3A_833 = arith.constant 8.000000e+00 : f32
        %parallel_loop3A_834 = vector.broadcast %parallel_loop3A_833 : f32 to vector<16xf32>
        %parallel_loop3A_835 = arith.mulf %parallel_loop3A_832, %parallel_loop3A_834 : vector<16xf32>
        %parallel_loop3A_836 = arith.addf %parallel_loop3A_835, %parallel_loop3A_809 : vector<16xf32>
        %parallel_loop3A_837 = arith.index_cast %parallel_loop3A_803 : i32 to index
        %parallel_loop3A_838 = arith.constant 32 : index
        %parallel_loop3A_839 = tpu.vector_load %arg15[%parallel_loop3A_837, %parallel_loop3A_838] {strides = array<i32>} : memref<64x128xf32, #tpu.memory_space<vmem>>, vector<16xf32>,
        tpu.vector_store %arg15[%parallel_loop3A_837, %parallel_loop3A_838], %parallel_loop3A_836 {strides = array<i32>} : memref<64x128xf32, #tpu.memory_space<vmem>>, vector<16xf32>,
        %parallel_loop3A_840 = vector.broadcast %parallel_loop3A_803 : i32 to vector<16xi32>
        %parallel_loop3A_841 = arith.addi %mul3A_374, %parallel_loop3A_840 : vector<16xi32>
        %parallel_loop3A_842 = tpu.vector_load_idx %arg11[%add3A_368, %parallel_loop3A_841] : memref<128x128xf32, #tpu.memory_space<vmem>>[vector<16xi32>, vector<16xi32>], vector<16xf32>,
        %parallel_loop3A_843 = arith.constant 8.000000e+00 : f32
        %parallel_loop3A_844 = vector.broadcast %parallel_loop3A_843 : f32 to vector<16xf32>
        %parallel_loop3A_845 = arith.mulf %parallel_loop3A_842, %parallel_loop3A_844 : vector<16xf32>
        %parallel_loop3A_846 = arith.addf %parallel_loop3A_845, %parallel_loop3A_809 : vector<16xf32>
        %parallel_loop3A_847 = arith.index_cast %parallel_loop3A_803 : i32 to index
        %parallel_loop3A_848 = arith.constant 48 : index
        %parallel_loop3A_849 = tpu.vector_load %arg15[%parallel_loop3A_847, %parallel_loop3A_848] {strides = array<i32>} : memref<64x128xf32, #tpu.memory_space<vmem>>, vector<16xf32>,
        tpu.vector_store %arg15[%parallel_loop3A_847, %parallel_loop3A_848], %parallel_loop3A_846 {strides = array<i32>} : memref<64x128xf32, #tpu.memory_space<vmem>>, vector<16xf32>,
        %parallel_loop3A_850 = vector.broadcast %parallel_loop3A_803 : i32 to vector<16xi32>
        %parallel_loop3A_851 = arith.addi %mul3A_386, %parallel_loop3A_850 : vector<16xi32>
        %parallel_loop3A_852 = tpu.vector_load_idx %arg11[%add3A_380, %parallel_loop3A_851] : memref<128x128xf32, #tpu.memory_space<vmem>>[vector<16xi32>, vector<16xi32>], vector<16xf32>,
        %parallel_loop3A_853 = arith.constant 8.000000e+00 : f32
        %parallel_loop3A_854 = vector.broadcast %parallel_loop3A_853 : f32 to vector<16xf32>
        %parallel_loop3A_855 = arith.mulf %parallel_loop3A_852, %parallel_loop3A_854 : vector<16xf32>
        %parallel_loop3A_856 = arith.addf %parallel_loop3A_855, %parallel_loop3A_809 : vector<16xf32>
        %parallel_loop3A_857 = arith.index_cast %parallel_loop3A_803 : i32 to index
        %parallel_loop3A_858 = arith.constant 64 : index
        %parallel_loop3A_859 = tpu.vector_load %arg15[%parallel_loop3A_857, %parallel_loop3A_858] {strides = array<i32>} : memref<64x128xf32, #tpu.memory_space<vmem>>, vector<16xf32>,
        tpu.vector_store %arg15[%parallel_loop3A_857, %parallel_loop3A_858], %parallel_loop3A_856 {strides = array<i32>} : memref<64x128xf32, #tpu.memory_space<vmem>>, vector<16xf32>,
        %parallel_loop3A_860 = vector.broadcast %parallel_loop3A_803 : i32 to vector<16xi32>
        %parallel_loop3A_861 = arith.addi %mul3A_398, %parallel_loop3A_860 : vector<16xi32>
        %parallel_loop3A_862 = tpu.vector_load_idx %arg11[%add3A_392, %parallel_loop3A_861] : memref<128x128xf32, #tpu.memory_space<vmem>>[vector<16xi32>, vector<16xi32>], vector<16xf32>,
        %parallel_loop3A_863 = arith.constant 8.000000e+00 : f32
        %parallel_loop3A_864 = vector.broadcast %parallel_loop3A_863 : f32 to vector<16xf32>
        %parallel_loop3A_865 = arith.mulf %parallel_loop3A_862, %parallel_loop3A_864 : vector<16xf32>
        %parallel_loop3A_866 = arith.addf %parallel_loop3A_865, %parallel_loop3A_809 : vector<16xf32>
        %parallel_loop3A_867 = arith.index_cast %parallel_loop3A_803 : i32 to index
        %parallel_loop3A_868 = arith.constant 80 : index
        %parallel_loop3A_869 = tpu.vector_load %arg15[%parallel_loop3A_867, %parallel_loop3A_868] {strides = array<i32>} : memref<64x128xf32, #tpu.memory_space<vmem>>, vector<16xf32>,
        tpu.vector_store %arg15[%parallel_loop3A_867, %parallel_loop3A_868], %parallel_loop3A_866 {strides = array<i32>} : memref<64x128xf32, #tpu.memory_space<vmem>>, vector<16xf32>,
        %parallel_loop3A_870 = vector.broadcast %parallel_loop3A_803 : i32 to vector<16xi32>
        %parallel_loop3A_871 = arith.addi %mul3A_410, %parallel_loop3A_870 : vector<16xi32>
        %parallel_loop3A_872 = tpu.vector_load_idx %arg11[%add3A_404, %parallel_loop3A_871] : memref<128x128xf32, #tpu.memory_space<vmem>>[vector<16xi32>, vector<16xi32>], vector<16xf32>,
        %parallel_loop3A_873 = arith.constant 8.000000e+00 : f32
        %parallel_loop3A_874 = vector.broadcast %parallel_loop3A_873 : f32 to vector<16xf32>
        %parallel_loop3A_875 = arith.mulf %parallel_loop3A_872, %parallel_loop3A_874 : vector<16xf32>
        %parallel_loop3A_876 = arith.addf %parallel_loop3A_875, %parallel_loop3A_809 : vector<16xf32>
        %parallel_loop3A_877 = arith.index_cast %parallel_loop3A_803 : i32 to index
        %parallel_loop3A_878 = arith.constant 96 : index
        %parallel_loop3A_879 = tpu.vector_load %arg15[%parallel_loop3A_877, %parallel_loop3A_878] {strides = array<i32>} : memref<64x128xf32, #tpu.memory_space<vmem>>, vector<16xf32>,
        tpu.vector_store %arg15[%parallel_loop3A_877, %parallel_loop3A_878], %parallel_loop3A_876 {strides = array<i32>} : memref<64x128xf32, #tpu.memory_space<vmem>>, vector<16xf32>,
        %parallel_loop3A_880 = vector.broadcast %parallel_loop3A_803 : i32 to vector<16xi32>
        %parallel_loop3A_881 = arith.addi %mul3A_422, %parallel_loop3A_880 : vector<16xi32>
        %parallel_loop3A_882 = tpu.vector_load_idx %arg11[%add3A_416, %parallel_loop3A_881] : memref<128x128xf32, #tpu.memory_space<vmem>>[vector<16xi32>, vector<16xi32>], vector<16xf32>,
        %parallel_loop3A_883 = arith.constant 8.000000e+00 : f32
        %parallel_loop3A_884 = vector.broadcast %parallel_loop3A_883 : f32 to vector<16xf32>
        %parallel_loop3A_885 = arith.mulf %parallel_loop3A_882, %parallel_loop3A_884 : vector<16xf32>
        %parallel_loop3A_886 = arith.addf %parallel_loop3A_885, %parallel_loop3A_809 : vector<16xf32>
        %parallel_loop3A_887 = arith.index_cast %parallel_loop3A_803 : i32 to index
        %parallel_loop3A_888 = arith.constant 112 : index
        %parallel_loop3A_889 = tpu.vector_load %arg15[%parallel_loop3A_887, %parallel_loop3A_888] {strides = array<i32>} : memref<64x128xf32, #tpu.memory_space<vmem>>, vector<16xf32>,
        tpu.vector_store %arg15[%parallel_loop3A_887, %parallel_loop3A_888], %parallel_loop3A_886 {strides = array<i32>} : memref<64x128xf32, #tpu.memory_space<vmem>>, vector<16xf32>,
      } {sc.loop_unroll_factor = 8 : i64, sc.parallel_access}
      %dma_start3A_425 = arith.constant 0 : i32
      %dma_start3A_426 = tpu.memref_slice %arg5[%add3A_322, %dma_start3A_425, %mul3A_2] : memref<200x64x4096xf32, #tpu.memory_space<hbm>> -> memref<1x64x128xf32, #tpu.memory_space<hbm>>
      %dma_start3A_427 = tpu.memref_squeeze %dma_start3A_426 : memref<1x64x128xf32, #tpu.memory_space<hbm>> -> memref<64x128xf32, #tpu.memory_space<hbm>>
      %dma_start3A_428 = arith.constant 0 : i32
      %dma_start3A_429 = tpu.memref_slice %arg5[%add3A_322, %dma_start3A_428, %mul3A_2] : memref<200x64x4096xf32, #tpu.memory_space<hbm>> -> memref<1x64x128xf32, #tpu.memory_space<hbm>>
      %dma_start3A_430 = tpu.memref_squeeze %dma_start3A_429 : memref<1x64x128xf32, #tpu.memory_space<hbm>> -> memref<64x128xf32, #tpu.memory_space<hbm>>
      tpu.enqueue_dma source(%arg15 : memref<64x128xf32, #tpu.memory_space<vmem>>) target(%dma_start3A_430 : memref<64x128xf32, #tpu.memory_space<hbm>>) target_semaphore(%arg22 : memref<!tpu.dma_semaphore, #tpu.memory_space<semaphore_mem>>)
      %add3A_431 = arith.constant 4 : i32
      %add3A_432 = arith.addi %add3A_322, %add3A_431 : i32
      %lt3A = arith.constant 200 : i32
      %lt3A_433 = arith.cmpi slt, %add3A_432, %lt3A : i32
      %convert_element_type3A_434 = arith.extui %lt3A_433 : i1 to i32
      %cond3A_435 = arith.constant 0 : i32
      %cond3A_436 = arith.cmpi ne, %convert_element_type3A_434, %cond3A_435 : i32
      scf.if %cond3A_436 {
        %add3A_803 = arith.constant 4 : i32
        %add3A_804 = arith.addi %add3A_322, %add3A_803 : i32
        %get3A_805 = arith.index_cast %add3A_804 : i32 to index
        %get3A_806 = arith.constant 0 : index
        %get3A_807 = tpu.vector_load %arg6[%get3A_805, %get3A_806] {strides = array<i32>} : memref<200x128xi32, #tpu.memory_space<vmem>>, vector<16xi32>,
        %shift_right_logical3A_808 = arith.constant 1 : i32
        %shift_right_logical3A_809 = vector.broadcast %shift_right_logical3A_808 : i32 to vector<16xi32>
        %shift_right_logical3A_810 = arith.shrui %get3A_807, %shift_right_logical3A_809 : vector<16xi32>
        %swap3A_811 = arith.constant 0 : index
        %swap3A_812 = tpu.vector_load %arg7[%swap3A_811] {strides = array<i32>} : memref<128xi32, #tpu.memory_space<vmem>>, vector<16xi32>,
        tpu.vector_store %arg7[%swap3A_811], %shift_right_logical3A_810 {strides = array<i32>} : memref<128xi32, #tpu.memory_space<vmem>>, vector<16xi32>,
        %get3A_813 = arith.index_cast %add3A_804 : i32 to index
        %get3A_814 = arith.constant 16 : index
        %get3A_815 = tpu.vector_load %arg6[%get3A_813, %get3A_814] {strides = array<i32>} : memref<200x128xi32, #tpu.memory_space<vmem>>, vector<16xi32>,
        %shift_right_logical3A_816 = arith.constant 1 : i32
        %shift_right_logical3A_817 = vector.broadcast %shift_right_logical3A_816 : i32 to vector<16xi32>
        %shift_right_logical3A_818 = arith.shrui %get3A_815, %shift_right_logical3A_817 : vector<16xi32>
        %swap3A_819 = arith.constant 16 : index
        %swap3A_820 = tpu.vector_load %arg7[%swap3A_819] {strides = array<i32>} : memref<128xi32, #tpu.memory_space<vmem>>, vector<16xi32>,
        tpu.vector_store %arg7[%swap3A_819], %shift_right_logical3A_818 {strides = array<i32>} : memref<128xi32, #tpu.memory_space<vmem>>, vector<16xi32>,
        %get3A_821 = arith.index_cast %add3A_804 : i32 to index
        %get3A_822 = arith.constant 32 : index
        %get3A_823 = tpu.vector_load %arg6[%get3A_821, %get3A_822] {strides = array<i32>} : memref<200x128xi32, #tpu.memory_space<vmem>>, vector<16xi32>,
        %shift_right_logical3A_824 = arith.constant 1 : i32
        %shift_right_logical3A_825 = vector.broadcast %shift_right_logical3A_824 : i32 to vector<16xi32>
        %shift_right_logical3A_826 = arith.shrui %get3A_823, %shift_right_logical3A_825 : vector<16xi32>
        %swap3A_827 = arith.constant 32 : index
        %swap3A_828 = tpu.vector_load %arg7[%swap3A_827] {strides = array<i32>} : memref<128xi32, #tpu.memory_space<vmem>>, vector<16xi32>,
        tpu.vector_store %arg7[%swap3A_827], %shift_right_logical3A_826 {strides = array<i32>} : memref<128xi32, #tpu.memory_space<vmem>>, vector<16xi32>,
        %get3A_829 = arith.index_cast %add3A_804 : i32 to index
        %get3A_830 = arith.constant 48 : index
        %get3A_831 = tpu.vector_load %arg6[%get3A_829, %get3A_830] {strides = array<i32>} : memref<200x128xi32, #tpu.memory_space<vmem>>, vector<16xi32>,
        %shift_right_logical3A_832 = arith.constant 1 : i32
        %shift_right_logical3A_833 = vector.broadcast %shift_right_logical3A_832 : i32 to vector<16xi32>
        %shift_right_logical3A_834 = arith.shrui %get3A_831, %shift_right_logical3A_833 : vector<16xi32>
        %swap3A_835 = arith.constant 48 : index
        %swap3A_836 = tpu.vector_load %arg7[%swap3A_835] {strides = array<i32>} : memref<128xi32, #tpu.memory_space<vmem>>, vector<16xi32>,
        tpu.vector_store %arg7[%swap3A_835], %shift_right_logical3A_834 {strides = array<i32>} : memref<128xi32, #tpu.memory_space<vmem>>, vector<16xi32>,
        %get3A_837 = arith.index_cast %add3A_804 : i32 to index
        %get3A_838 = arith.constant 64 : index
        %get3A_839 = tpu.vector_load %arg6[%get3A_837, %get3A_838] {strides = array<i32>} : memref<200x128xi32, #tpu.memory_space<vmem>>, vector<16xi32>,
        %shift_right_logical3A_840 = arith.constant 1 : i32
        %shift_right_logical3A_841 = vector.broadcast %shift_right_logical3A_840 : i32 to vector<16xi32>
        %shift_right_logical3A_842 = arith.shrui %get3A_839, %shift_right_logical3A_841 : vector<16xi32>
        %swap3A_843 = arith.constant 64 : index
        %swap3A_844 = tpu.vector_load %arg7[%swap3A_843] {strides = array<i32>} : memref<128xi32, #tpu.memory_space<vmem>>, vector<16xi32>,
        tpu.vector_store %arg7[%swap3A_843], %shift_right_logical3A_842 {strides = array<i32>} : memref<128xi32, #tpu.memory_space<vmem>>, vector<16xi32>,
        %get3A_845 = arith.index_cast %add3A_804 : i32 to index
        %get3A_846 = arith.constant 80 : index
        %get3A_847 = tpu.vector_load %arg6[%get3A_845, %get3A_846] {strides = array<i32>} : memref<200x128xi32, #tpu.memory_space<vmem>>, vector<16xi32>,
        %shift_right_logical3A_848 = arith.constant 1 : i32
        %shift_right_logical3A_849 = vector.broadcast %shift_right_logical3A_848 : i32 to vector<16xi32>
        %shift_right_logical3A_850 = arith.shrui %get3A_847, %shift_right_logical3A_849 : vector<16xi32>
        %swap3A_851 = arith.constant 80 : index
        %swap3A_852 = tpu.vector_load %arg7[%swap3A_851] {strides = array<i32>} : memref<128xi32, #tpu.memory_space<vmem>>, vector<16xi32>,
        tpu.vector_store %arg7[%swap3A_851], %shift_right_logical3A_850 {strides = array<i32>} : memref<128xi32, #tpu.memory_space<vmem>>, vector<16xi32>,
        %get3A_853 = arith.index_cast %add3A_804 : i32 to index
        %get3A_854 = arith.constant 96 : index
        %get3A_855 = tpu.vector_load %arg6[%get3A_853, %get3A_854] {strides = array<i32>} : memref<200x128xi32, #tpu.memory_space<vmem>>, vector<16xi32>,
        %shift_right_logical3A_856 = arith.constant 1 : i32
        %shift_right_logical3A_857 = vector.broadcast %shift_right_logical3A_856 : i32 to vector<16xi32>
        %shift_right_logical3A_858 = arith.shrui %get3A_855, %shift_right_logical3A_857 : vector<16xi32>
        %swap3A_859 = arith.constant 96 : index
        %swap3A_860 = tpu.vector_load %arg7[%swap3A_859] {strides = array<i32>} : memref<128xi32, #tpu.memory_space<vmem>>, vector<16xi32>,
        tpu.vector_store %arg7[%swap3A_859], %shift_right_logical3A_858 {strides = array<i32>} : memref<128xi32, #tpu.memory_space<vmem>>, vector<16xi32>,
        %get3A_861 = arith.index_cast %add3A_804 : i32 to index
        %get3A_862 = arith.constant 112 : index
        %get3A_863 = tpu.vector_load %arg6[%get3A_861, %get3A_862] {strides = array<i32>} : memref<200x128xi32, #tpu.memory_space<vmem>>, vector<16xi32>,
        %shift_right_logical3A_864 = arith.constant 1 : i32
        %shift_right_logical3A_865 = vector.broadcast %shift_right_logical3A_864 : i32 to vector<16xi32>
        %shift_right_logical3A_866 = arith.shrui %get3A_863, %shift_right_logical3A_865 : vector<16xi32>
        %swap3A_867 = arith.constant 112 : index
        %swap3A_868 = tpu.vector_load %arg7[%swap3A_867] {strides = array<i32>} : memref<128xi32, #tpu.memory_space<vmem>>, vector<16xi32>,
        tpu.vector_store %arg7[%swap3A_867], %shift_right_logical3A_866 {strides = array<i32>} : memref<128xi32, #tpu.memory_space<vmem>>, vector<16xi32>,
        %dma_start3A_869 = arith.constant 0 : i32
        %dma_start3A_870 = arith.constant 0 : i32
        %dma_start3A_871 = tpu.memref_slice %arg3[%dma_start3A_869, %dma_start3A_870] : memref<500000x128xf32, #tpu.memory_space<hbm>> -> memref<500000x128xf32, #tpu.memory_space<hbm>>
        tpu.enqueue_indirect_dma source(%dma_start3A_871 : memref<500000x128xf32, #tpu.memory_space<hbm>>) target(%arg11 : memref<128x128xf32, #tpu.memory_space<vmem>>) offsets(%arg7 : memref<128xi32, #tpu.memory_space<vmem>>) semaphore(%arg18 : memref<!tpu.dma_semaphore, #tpu.memory_space<semaphore_mem>>)
      } else {
      }
      %add3A_437 = arith.constant 1 : i32
      %add3A_438 = arith.addi %mul3A_320, %add3A_437 : i32
      %dma_wait3A_439 = arith.constant 0 : i32
      %dma_wait3A_440 = arith.constant 0 : i32
      %dma_wait3A_441 = tpu.memref_slice %arg3[%dma_wait3A_439, %dma_wait3A_440] : memref<500000x128xf32, #tpu.memory_space<hbm>> -> memref<500000x128xf32, #tpu.memory_space<hbm>>
      tpu.wait_indirect_dma semaphore(%arg19 : memref<!tpu.dma_semaphore, #tpu.memory_space<semaphore_mem>>) src(%dma_wait3A_441 : memref<500000x128xf32, #tpu.memory_space<hbm>>) dst(%arg12 : memref<128x128xf32, #tpu.memory_space<vmem>>)
      %ge3A_442 = arith.constant 2 : i32
      %ge3A_443 = arith.cmpi sge, %add3A_438, %ge3A_442 : i32
      %convert_element_type3A_444 = arith.extui %ge3A_443 : i1 to i32
      %cond3A_445 = arith.constant 0 : i32
      %cond3A_446 = arith.cmpi ne, %convert_element_type3A_444, %cond3A_445 : i32
      scf.if %cond3A_446 {
        %sub3A = arith.constant 2 : i32
        %sub3A_803 = arith.subi %add3A_438, %sub3A : i32
        %dma_wait3A_804 = arith.constant 0 : i32
        %dma_wait3A_805 = tpu.memref_slice %arg5[%sub3A_803, %dma_wait3A_804, %mul3A_2] : memref<200x64x4096xf32, #tpu.memory_space<hbm>> -> memref<1x64x128xf32, #tpu.memory_space<hbm>>
        %dma_wait3A_806 = tpu.memref_squeeze %dma_wait3A_805 : memref<1x64x128xf32, #tpu.memory_space<hbm>> -> memref<64x128xf32, #tpu.memory_space<hbm>>
        %dma_wait3A_807 = arith.constant 0 : i32
        %dma_wait3A_808 = tpu.memref_slice %arg5[%sub3A_803, %dma_wait3A_807, %mul3A_2] : memref<200x64x4096xf32, #tpu.memory_space<hbm>> -> memref<1x64x128xf32, #tpu.memory_space<hbm>>
        %dma_wait3A_809 = tpu.memref_squeeze %dma_wait3A_808 : memref<1x64x128xf32, #tpu.memory_space<hbm>> -> memref<64x128xf32, #tpu.memory_space<hbm>>
        tpu.wait_dma2 semaphore(%arg23 : memref<!tpu.dma_semaphore, #tpu.memory_space<semaphore_mem>>) src(%arg16 : memref<64x128xf32, #tpu.memory_space<vmem>>) dst(%dma_wait3A_809 : memref<64x128xf32, #tpu.memory_space<hbm>>)
      } else {
      }
      %get3A_447 = arith.index_cast %add3A_438 : i32 to index
      %get3A_448 = arith.constant 0 : index
      %get3A_449 = tpu.vector_load %arg6[%get3A_447, %get3A_448] {strides = array<i32>} : memref<200x128xi32, #tpu.memory_space<vmem>>, vector<16xi32>,
      %add3A_450 = arith.constant 0 : i32
      %add3A_451 = vector.broadcast %add3A_450 : i32 to vector<16xi32>
      %add3A_452 = arith.addi %iota3A, %add3A_451 : vector<16xi32>
      %and3A_453 = arith.constant 1 : i32
      %and3A_454 = vector.broadcast %and3A_453 : i32 to vector<16xi32>
      %and3A_455 = arith.andi %get3A_449, %and3A_454 : vector<16xi32>
      %mul3A_456 = arith.constant 64 : i32
      %mul3A_457 = vector.broadcast %mul3A_456 : i32 to vector<16xi32>
      %mul3A_458 = arith.muli %and3A_455, %mul3A_457 : vector<16xi32>
      %get3A_459 = arith.index_cast %add3A_438 : i32 to index
      %get3A_460 = arith.constant 16 : index
      %get3A_461 = tpu.vector_load %arg6[%get3A_459, %get3A_460] {strides = array<i32>} : memref<200x128xi32, #tpu.memory_space<vmem>>, vector<16xi32>,
      %add3A_462 = arith.constant 16 : i32
      %add3A_463 = vector.broadcast %add3A_462 : i32 to vector<16xi32>
      %add3A_464 = arith.addi %iota3A, %add3A_463 : vector<16xi32>
      %and3A_465 = arith.constant 1 : i32
      %and3A_466 = vector.broadcast %and3A_465 : i32 to vector<16xi32>
      %and3A_467 = arith.andi %get3A_461, %and3A_466 : vector<16xi32>
      %mul3A_468 = arith.constant 64 : i32
      %mul3A_469 = vector.broadcast %mul3A_468 : i32 to vector<16xi32>
      %mul3A_470 = arith.muli %and3A_467, %mul3A_469 : vector<16xi32>
      %get3A_471 = arith.index_cast %add3A_438 : i32 to index
      %get3A_472 = arith.constant 32 : index
      %get3A_473 = tpu.vector_load %arg6[%get3A_471, %get3A_472] {strides = array<i32>} : memref<200x128xi32, #tpu.memory_space<vmem>>, vector<16xi32>,
      %add3A_474 = arith.constant 32 : i32
      %add3A_475 = vector.broadcast %add3A_474 : i32 to vector<16xi32>
      %add3A_476 = arith.addi %iota3A, %add3A_475 : vector<16xi32>
      %and3A_477 = arith.constant 1 : i32
      %and3A_478 = vector.broadcast %and3A_477 : i32 to vector<16xi32>
      %and3A_479 = arith.andi %get3A_473, %and3A_478 : vector<16xi32>
      %mul3A_480 = arith.constant 64 : i32
      %mul3A_481 = vector.broadcast %mul3A_480 : i32 to vector<16xi32>
      %mul3A_482 = arith.muli %and3A_479, %mul3A_481 : vector<16xi32>
      %get3A_483 = arith.index_cast %add3A_438 : i32 to index
      %get3A_484 = arith.constant 48 : index
      %get3A_485 = tpu.vector_load %arg6[%get3A_483, %get3A_484] {strides = array<i32>} : memref<200x128xi32, #tpu.memory_space<vmem>>, vector<16xi32>,
      %add3A_486 = arith.constant 48 : i32
      %add3A_487 = vector.broadcast %add3A_486 : i32 to vector<16xi32>
      %add3A_488 = arith.addi %iota3A, %add3A_487 : vector<16xi32>
      %and3A_489 = arith.constant 1 : i32
      %and3A_490 = vector.broadcast %and3A_489 : i32 to vector<16xi32>
      %and3A_491 = arith.andi %get3A_485, %and3A_490 : vector<16xi32>
      %mul3A_492 = arith.constant 64 : i32
      %mul3A_493 = vector.broadcast %mul3A_492 : i32 to vector<16xi32>
      %mul3A_494 = arith.muli %and3A_491, %mul3A_493 : vector<16xi32>
      %get3A_495 = arith.index_cast %add3A_438 : i32 to index
      %get3A_496 = arith.constant 64 : index
      %get3A_497 = tpu.vector_load %arg6[%get3A_495, %get3A_496] {strides = array<i32>} : memref<200x128xi32, #tpu.memory_space<vmem>>, vector<16xi32>,
      %add3A_498 = arith.constant 64 : i32
      %add3A_499 = vector.broadcast %add3A_498 : i32 to vector<16xi32>
      %add3A_500 = arith.addi %iota3A, %add3A_499 : vector<16xi32>
      %and3A_501 = arith.constant 1 : i32
      %and3A_502 = vector.broadcast %and3A_501 : i32 to vector<16xi32>
      %and3A_503 = arith.andi %get3A_497, %and3A_502 : vector<16xi32>
      %mul3A_504 = arith.constant 64 : i32
      %mul3A_505 = vector.broadcast %mul3A_504 : i32 to vector<16xi32>
      %mul3A_506 = arith.muli %and3A_503, %mul3A_505 : vector<16xi32>
      %get3A_507 = arith.index_cast %add3A_438 : i32 to index
      %get3A_508 = arith.constant 80 : index
      %get3A_509 = tpu.vector_load %arg6[%get3A_507, %get3A_508] {strides = array<i32>} : memref<200x128xi32, #tpu.memory_space<vmem>>, vector<16xi32>,
      %add3A_510 = arith.constant 80 : i32
      %add3A_511 = vector.broadcast %add3A_510 : i32 to vector<16xi32>
      %add3A_512 = arith.addi %iota3A, %add3A_511 : vector<16xi32>
      %and3A_513 = arith.constant 1 : i32
      %and3A_514 = vector.broadcast %and3A_513 : i32 to vector<16xi32>
      %and3A_515 = arith.andi %get3A_509, %and3A_514 : vector<16xi32>
      %mul3A_516 = arith.constant 64 : i32
      %mul3A_517 = vector.broadcast %mul3A_516 : i32 to vector<16xi32>
      %mul3A_518 = arith.muli %and3A_515, %mul3A_517 : vector<16xi32>
      %get3A_519 = arith.index_cast %add3A_438 : i32 to index
      %get3A_520 = arith.constant 96 : index
      %get3A_521 = tpu.vector_load %arg6[%get3A_519, %get3A_520] {strides = array<i32>} : memref<200x128xi32, #tpu.memory_space<vmem>>, vector<16xi32>,
      %add3A_522 = arith.constant 96 : i32
      %add3A_523 = vector.broadcast %add3A_522 : i32 to vector<16xi32>
      %add3A_524 = arith.addi %iota3A, %add3A_523 : vector<16xi32>
      %and3A_525 = arith.constant 1 : i32
      %and3A_526 = vector.broadcast %and3A_525 : i32 to vector<16xi32>
      %and3A_527 = arith.andi %get3A_521, %and3A_526 : vector<16xi32>
      %mul3A_528 = arith.constant 64 : i32
      %mul3A_529 = vector.broadcast %mul3A_528 : i32 to vector<16xi32>
      %mul3A_530 = arith.muli %and3A_527, %mul3A_529 : vector<16xi32>
      %get3A_531 = arith.index_cast %add3A_438 : i32 to index
      %get3A_532 = arith.constant 112 : index
      %get3A_533 = tpu.vector_load %arg6[%get3A_531, %get3A_532] {strides = array<i32>} : memref<200x128xi32, #tpu.memory_space<vmem>>, vector<16xi32>,
      %add3A_534 = arith.constant 112 : i32
      %add3A_535 = vector.broadcast %add3A_534 : i32 to vector<16xi32>
      %add3A_536 = arith.addi %iota3A, %add3A_535 : vector<16xi32>
      %and3A_537 = arith.constant 1 : i32
      %and3A_538 = vector.broadcast %and3A_537 : i32 to vector<16xi32>
      %and3A_539 = arith.andi %get3A_533, %and3A_538 : vector<16xi32>
      %mul3A_540 = arith.constant 64 : i32
      %mul3A_541 = vector.broadcast %mul3A_540 : i32 to vector<16xi32>
      %mul3A_542 = arith.muli %and3A_539, %mul3A_541 : vector<16xi32>
      %parallel_loop3A_543 = arith.constant 0 : i32
      %parallel_loop3A_544 = arith.constant 64 : i32
      %parallel_loop3A_545 = arith.constant 1 : i32
      scf.for %parallel_loop3A_803 = %parallel_loop3A_543 to %parallel_loop3A_544 step %parallel_loop3A_545  : i32 {
        %parallel_loop3A_804 = arith.constant 64 : i32
        %parallel_loop3A_805 = arith.muli %add3A_438, %parallel_loop3A_804 : i32
        %parallel_loop3A_806 = arith.addi %parallel_loop3A_805, %parallel_loop3A_803 : i32
        %parallel_loop3A_807 = vector.broadcast %parallel_loop3A_806 : i32 to vector<16xi32>
        %parallel_loop3A_808 = arith.addi %broadcast_in_dim3A_3, %parallel_loop3A_807 : vector<16xi32>
        %parallel_loop3A_809 = tpu.vector_load_idx %arg17[%parallel_loop3A_808] : memref<12800xf32, #tpu.memory_space<vmem>>[vector<16xi32>], vector<16xf32>,
        %parallel_loop3A_810 = vector.broadcast %parallel_loop3A_803 : i32 to vector<16xi32>
        %parallel_loop3A_811 = arith.addi %mul3A_458, %parallel_loop3A_810 : vector<16xi32>
        %parallel_loop3A_812 = tpu.vector_load_idx %arg12[%add3A_452, %parallel_loop3A_811] : memref<128x128xf32, #tpu.memory_space<vmem>>[vector<16xi32>, vector<16xi32>], vector<16xf32>,
        %parallel_loop3A_813 = arith.constant 8.000000e+00 : f32
        %parallel_loop3A_814 = vector.broadcast %parallel_loop3A_813 : f32 to vector<16xf32>
        %parallel_loop3A_815 = arith.mulf %parallel_loop3A_812, %parallel_loop3A_814 : vector<16xf32>
        %parallel_loop3A_816 = arith.addf %parallel_loop3A_815, %parallel_loop3A_809 : vector<16xf32>
        %parallel_loop3A_817 = arith.index_cast %parallel_loop3A_803 : i32 to index
        %parallel_loop3A_818 = arith.constant 0 : index
        %parallel_loop3A_819 = tpu.vector_load %arg16[%parallel_loop3A_817, %parallel_loop3A_818] {strides = array<i32>} : memref<64x128xf32, #tpu.memory_space<vmem>>, vector<16xf32>,
        tpu.vector_store %arg16[%parallel_loop3A_817, %parallel_loop3A_818], %parallel_loop3A_816 {strides = array<i32>} : memref<64x128xf32, #tpu.memory_space<vmem>>, vector<16xf32>,
        %parallel_loop3A_820 = vector.broadcast %parallel_loop3A_803 : i32 to vector<16xi32>
        %parallel_loop3A_821 = arith.addi %mul3A_470, %parallel_loop3A_820 : vector<16xi32>
        %parallel_loop3A_822 = tpu.vector_load_idx %arg12[%add3A_464, %parallel_loop3A_821] : memref<128x128xf32, #tpu.memory_space<vmem>>[vector<16xi32>, vector<16xi32>], vector<16xf32>,
        %parallel_loop3A_823 = arith.constant 8.000000e+00 : f32
        %parallel_loop3A_824 = vector.broadcast %parallel_loop3A_823 : f32 to vector<16xf32>
        %parallel_loop3A_825 = arith.mulf %parallel_loop3A_822, %parallel_loop3A_824 : vector<16xf32>
        %parallel_loop3A_826 = arith.addf %parallel_loop3A_825, %parallel_loop3A_809 : vector<16xf32>
        %parallel_loop3A_827 = arith.index_cast %parallel_loop3A_803 : i32 to index
        %parallel_loop3A_828 = arith.constant 16 : index
        %parallel_loop3A_829 = tpu.vector_load %arg16[%parallel_loop3A_827, %parallel_loop3A_828] {strides = array<i32>} : memref<64x128xf32, #tpu.memory_space<vmem>>, vector<16xf32>,
        tpu.vector_store %arg16[%parallel_loop3A_827, %parallel_loop3A_828], %parallel_loop3A_826 {strides = array<i32>} : memref<64x128xf32, #tpu.memory_space<vmem>>, vector<16xf32>,
        %parallel_loop3A_830 = vector.broadcast %parallel_loop3A_803 : i32 to vector<16xi32>
        %parallel_loop3A_831 = arith.addi %mul3A_482, %parallel_loop3A_830 : vector<16xi32>
        %parallel_loop3A_832 = tpu.vector_load_idx %arg12[%add3A_476, %parallel_loop3A_831] : memref<128x128xf32, #tpu.memory_space<vmem>>[vector<16xi32>, vector<16xi32>], vector<16xf32>,
        %parallel_loop3A_833 = arith.constant 8.000000e+00 : f32
        %parallel_loop3A_834 = vector.broadcast %parallel_loop3A_833 : f32 to vector<16xf32>
        %parallel_loop3A_835 = arith.mulf %parallel_loop3A_832, %parallel_loop3A_834 : vector<16xf32>
        %parallel_loop3A_836 = arith.addf %parallel_loop3A_835, %parallel_loop3A_809 : vector<16xf32>
        %parallel_loop3A_837 = arith.index_cast %parallel_loop3A_803 : i32 to index
        %parallel_loop3A_838 = arith.constant 32 : index
        %parallel_loop3A_839 = tpu.vector_load %arg16[%parallel_loop3A_837, %parallel_loop3A_838] {strides = array<i32>} : memref<64x128xf32, #tpu.memory_space<vmem>>, vector<16xf32>,
        tpu.vector_store %arg16[%parallel_loop3A_837, %parallel_loop3A_838], %parallel_loop3A_836 {strides = array<i32>} : memref<64x128xf32, #tpu.memory_space<vmem>>, vector<16xf32>,
        %parallel_loop3A_840 = vector.broadcast %parallel_loop3A_803 : i32 to vector<16xi32>
        %parallel_loop3A_841 = arith.addi %mul3A_494, %parallel_loop3A_840 : vector<16xi32>
        %parallel_loop3A_842 = tpu.vector_load_idx %arg12[%add3A_488, %parallel_loop3A_841] : memref<128x128xf32, #tpu.memory_space<vmem>>[vector<16xi32>, vector<16xi32>], vector<16xf32>,
        %parallel_loop3A_843 = arith.constant 8.000000e+00 : f32
        %parallel_loop3A_844 = vector.broadcast %parallel_loop3A_843 : f32 to vector<16xf32>
        %parallel_loop3A_845 = arith.mulf %parallel_loop3A_842, %parallel_loop3A_844 : vector<16xf32>
        %parallel_loop3A_846 = arith.addf %parallel_loop3A_845, %parallel_loop3A_809 : vector<16xf32>
        %parallel_loop3A_847 = arith.index_cast %parallel_loop3A_803 : i32 to index
        %parallel_loop3A_848 = arith.constant 48 : index
        %parallel_loop3A_849 = tpu.vector_load %arg16[%parallel_loop3A_847, %parallel_loop3A_848] {strides = array<i32>} : memref<64x128xf32, #tpu.memory_space<vmem>>, vector<16xf32>,
        tpu.vector_store %arg16[%parallel_loop3A_847, %parallel_loop3A_848], %parallel_loop3A_846 {strides = array<i32>} : memref<64x128xf32, #tpu.memory_space<vmem>>, vector<16xf32>,
        %parallel_loop3A_850 = vector.broadcast %parallel_loop3A_803 : i32 to vector<16xi32>
        %parallel_loop3A_851 = arith.addi %mul3A_506, %parallel_loop3A_850 : vector<16xi32>
        %parallel_loop3A_852 = tpu.vector_load_idx %arg12[%add3A_500, %parallel_loop3A_851] : memref<128x128xf32, #tpu.memory_space<vmem>>[vector<16xi32>, vector<16xi32>], vector<16xf32>,
        %parallel_loop3A_853 = arith.constant 8.000000e+00 : f32
        %parallel_loop3A_854 = vector.broadcast %parallel_loop3A_853 : f32 to vector<16xf32>
        %parallel_loop3A_855 = arith.mulf %parallel_loop3A_852, %parallel_loop3A_854 : vector<16xf32>
        %parallel_loop3A_856 = arith.addf %parallel_loop3A_855, %parallel_loop3A_809 : vector<16xf32>
        %parallel_loop3A_857 = arith.index_cast %parallel_loop3A_803 : i32 to index
        %parallel_loop3A_858 = arith.constant 64 : index
        %parallel_loop3A_859 = tpu.vector_load %arg16[%parallel_loop3A_857, %parallel_loop3A_858] {strides = array<i32>} : memref<64x128xf32, #tpu.memory_space<vmem>>, vector<16xf32>,
        tpu.vector_store %arg16[%parallel_loop3A_857, %parallel_loop3A_858], %parallel_loop3A_856 {strides = array<i32>} : memref<64x128xf32, #tpu.memory_space<vmem>>, vector<16xf32>,
        %parallel_loop3A_860 = vector.broadcast %parallel_loop3A_803 : i32 to vector<16xi32>
        %parallel_loop3A_861 = arith.addi %mul3A_518, %parallel_loop3A_860 : vector<16xi32>
        %parallel_loop3A_862 = tpu.vector_load_idx %arg12[%add3A_512, %parallel_loop3A_861] : memref<128x128xf32, #tpu.memory_space<vmem>>[vector<16xi32>, vector<16xi32>], vector<16xf32>,
        %parallel_loop3A_863 = arith.constant 8.000000e+00 : f32
        %parallel_loop3A_864 = vector.broadcast %parallel_loop3A_863 : f32 to vector<16xf32>
        %parallel_loop3A_865 = arith.mulf %parallel_loop3A_862, %parallel_loop3A_864 : vector<16xf32>
        %parallel_loop3A_866 = arith.addf %parallel_loop3A_865, %parallel_loop3A_809 : vector<16xf32>
        %parallel_loop3A_867 = arith.index_cast %parallel_loop3A_803 : i32 to index
        %parallel_loop3A_868 = arith.constant 80 : index
        %parallel_loop3A_869 = tpu.vector_load %arg16[%parallel_loop3A_867, %parallel_loop3A_868] {strides = array<i32>} : memref<64x128xf32, #tpu.memory_space<vmem>>, vector<16xf32>,
        tpu.vector_store %arg16[%parallel_loop3A_867, %parallel_loop3A_868], %parallel_loop3A_866 {strides = array<i32>} : memref<64x128xf32, #tpu.memory_space<vmem>>, vector<16xf32>,
        %parallel_loop3A_870 = vector.broadcast %parallel_loop3A_803 : i32 to vector<16xi32>
        %parallel_loop3A_871 = arith.addi %mul3A_530, %parallel_loop3A_870 : vector<16xi32>
        %parallel_loop3A_872 = tpu.vector_load_idx %arg12[%add3A_524, %parallel_loop3A_871] : memref<128x128xf32, #tpu.memory_space<vmem>>[vector<16xi32>, vector<16xi32>], vector<16xf32>,
        %parallel_loop3A_873 = arith.constant 8.000000e+00 : f32
        %parallel_loop3A_874 = vector.broadcast %parallel_loop3A_873 : f32 to vector<16xf32>
        %parallel_loop3A_875 = arith.mulf %parallel_loop3A_872, %parallel_loop3A_874 : vector<16xf32>
        %parallel_loop3A_876 = arith.addf %parallel_loop3A_875, %parallel_loop3A_809 : vector<16xf32>
        %parallel_loop3A_877 = arith.index_cast %parallel_loop3A_803 : i32 to index
        %parallel_loop3A_878 = arith.constant 96 : index
        %parallel_loop3A_879 = tpu.vector_load %arg16[%parallel_loop3A_877, %parallel_loop3A_878] {strides = array<i32>} : memref<64x128xf32, #tpu.memory_space<vmem>>, vector<16xf32>,
        tpu.vector_store %arg16[%parallel_loop3A_877, %parallel_loop3A_878], %parallel_loop3A_876 {strides = array<i32>} : memref<64x128xf32, #tpu.memory_space<vmem>>, vector<16xf32>,
        %parallel_loop3A_880 = vector.broadcast %parallel_loop3A_803 : i32 to vector<16xi32>
        %parallel_loop3A_881 = arith.addi %mul3A_542, %parallel_loop3A_880 : vector<16xi32>
        %parallel_loop3A_882 = tpu.vector_load_idx %arg12[%add3A_536, %parallel_loop3A_881] : memref<128x128xf32, #tpu.memory_space<vmem>>[vector<16xi32>, vector<16xi32>], vector<16xf32>,
        %parallel_loop3A_883 = arith.constant 8.000000e+00 : f32
        %parallel_loop3A_884 = vector.broadcast %parallel_loop3A_883 : f32 to vector<16xf32>
        %parallel_loop3A_885 = arith.mulf %parallel_loop3A_882, %parallel_loop3A_884 : vector<16xf32>
        %parallel_loop3A_886 = arith.addf %parallel_loop3A_885, %parallel_loop3A_809 : vector<16xf32>
        %parallel_loop3A_887 = arith.index_cast %parallel_loop3A_803 : i32 to index
        %parallel_loop3A_888 = arith.constant 112 : index
        %parallel_loop3A_889 = tpu.vector_load %arg16[%parallel_loop3A_887, %parallel_loop3A_888] {strides = array<i32>} : memref<64x128xf32, #tpu.memory_space<vmem>>, vector<16xf32>,
        tpu.vector_store %arg16[%parallel_loop3A_887, %parallel_loop3A_888], %parallel_loop3A_886 {strides = array<i32>} : memref<64x128xf32, #tpu.memory_space<vmem>>, vector<16xf32>,
      } {sc.loop_unroll_factor = 8 : i64, sc.parallel_access}
      %dma_start3A_546 = arith.constant 0 : i32
      %dma_start3A_547 = tpu.memref_slice %arg5[%add3A_438, %dma_start3A_546, %mul3A_2] : memref<200x64x4096xf32, #tpu.memory_space<hbm>> -> memref<1x64x128xf32, #tpu.memory_space<hbm>>
      %dma_start3A_548 = tpu.memref_squeeze %dma_start3A_547 : memref<1x64x128xf32, #tpu.memory_space<hbm>> -> memref<64x128xf32, #tpu.memory_space<hbm>>
      %dma_start3A_549 = arith.constant 0 : i32
      %dma_start3A_550 = tpu.memref_slice %arg5[%add3A_438, %dma_start3A_549, %mul3A_2] : memref<200x64x4096xf32, #tpu.memory_space<hbm>> -> memref<1x64x128xf32, #tpu.memory_space<hbm>>
      %dma_start3A_551 = tpu.memref_squeeze %dma_start3A_550 : memref<1x64x128xf32, #tpu.memory_space<hbm>> -> memref<64x128xf32, #tpu.memory_space<hbm>>
      tpu.enqueue_dma source(%arg16 : memref<64x128xf32, #tpu.memory_space<vmem>>) target(%dma_start3A_551 : memref<64x128xf32, #tpu.memory_space<hbm>>) target_semaphore(%arg23 : memref<!tpu.dma_semaphore, #tpu.memory_space<semaphore_mem>>)
      %add3A_552 = arith.constant 4 : i32
      %add3A_553 = arith.addi %add3A_438, %add3A_552 : i32
      %lt3A_554 = arith.constant 200 : i32
      %lt3A_555 = arith.cmpi slt, %add3A_553, %lt3A_554 : i32
      %convert_element_type3A_556 = arith.extui %lt3A_555 : i1 to i32
      %cond3A_557 = arith.constant 0 : i32
      %cond3A_558 = arith.cmpi ne, %convert_element_type3A_556, %cond3A_557 : i32
      scf.if %cond3A_558 {
        %add3A_803 = arith.constant 4 : i32
        %add3A_804 = arith.addi %add3A_438, %add3A_803 : i32
        %get3A_805 = arith.index_cast %add3A_804 : i32 to index
        %get3A_806 = arith.constant 0 : index
        %get3A_807 = tpu.vector_load %arg6[%get3A_805, %get3A_806] {strides = array<i32>} : memref<200x128xi32, #tpu.memory_space<vmem>>, vector<16xi32>,
        %shift_right_logical3A_808 = arith.constant 1 : i32
        %shift_right_logical3A_809 = vector.broadcast %shift_right_logical3A_808 : i32 to vector<16xi32>
        %shift_right_logical3A_810 = arith.shrui %get3A_807, %shift_right_logical3A_809 : vector<16xi32>
        %swap3A_811 = arith.constant 0 : index
        %swap3A_812 = tpu.vector_load %arg8[%swap3A_811] {strides = array<i32>} : memref<128xi32, #tpu.memory_space<vmem>>, vector<16xi32>,
        tpu.vector_store %arg8[%swap3A_811], %shift_right_logical3A_810 {strides = array<i32>} : memref<128xi32, #tpu.memory_space<vmem>>, vector<16xi32>,
        %get3A_813 = arith.index_cast %add3A_804 : i32 to index
        %get3A_814 = arith.constant 16 : index
        %get3A_815 = tpu.vector_load %arg6[%get3A_813, %get3A_814] {strides = array<i32>} : memref<200x128xi32, #tpu.memory_space<vmem>>, vector<16xi32>,
        %shift_right_logical3A_816 = arith.constant 1 : i32
        %shift_right_logical3A_817 = vector.broadcast %shift_right_logical3A_816 : i32 to vector<16xi32>
        %shift_right_logical3A_818 = arith.shrui %get3A_815, %shift_right_logical3A_817 : vector<16xi32>
        %swap3A_819 = arith.constant 16 : index
        %swap3A_820 = tpu.vector_load %arg8[%swap3A_819] {strides = array<i32>} : memref<128xi32, #tpu.memory_space<vmem>>, vector<16xi32>,
        tpu.vector_store %arg8[%swap3A_819], %shift_right_logical3A_818 {strides = array<i32>} : memref<128xi32, #tpu.memory_space<vmem>>, vector<16xi32>,
        %get3A_821 = arith.index_cast %add3A_804 : i32 to index
        %get3A_822 = arith.constant 32 : index
        %get3A_823 = tpu.vector_load %arg6[%get3A_821, %get3A_822] {strides = array<i32>} : memref<200x128xi32, #tpu.memory_space<vmem>>, vector<16xi32>,
        %shift_right_logical3A_824 = arith.constant 1 : i32
        %shift_right_logical3A_825 = vector.broadcast %shift_right_logical3A_824 : i32 to vector<16xi32>
        %shift_right_logical3A_826 = arith.shrui %get3A_823, %shift_right_logical3A_825 : vector<16xi32>
        %swap3A_827 = arith.constant 32 : index
        %swap3A_828 = tpu.vector_load %arg8[%swap3A_827] {strides = array<i32>} : memref<128xi32, #tpu.memory_space<vmem>>, vector<16xi32>,
        tpu.vector_store %arg8[%swap3A_827], %shift_right_logical3A_826 {strides = array<i32>} : memref<128xi32, #tpu.memory_space<vmem>>, vector<16xi32>,
        %get3A_829 = arith.index_cast %add3A_804 : i32 to index
        %get3A_830 = arith.constant 48 : index
        %get3A_831 = tpu.vector_load %arg6[%get3A_829, %get3A_830] {strides = array<i32>} : memref<200x128xi32, #tpu.memory_space<vmem>>, vector<16xi32>,
        %shift_right_logical3A_832 = arith.constant 1 : i32
        %shift_right_logical3A_833 = vector.broadcast %shift_right_logical3A_832 : i32 to vector<16xi32>
        %shift_right_logical3A_834 = arith.shrui %get3A_831, %shift_right_logical3A_833 : vector<16xi32>
        %swap3A_835 = arith.constant 48 : index
        %swap3A_836 = tpu.vector_load %arg8[%swap3A_835] {strides = array<i32>} : memref<128xi32, #tpu.memory_space<vmem>>, vector<16xi32>,
        tpu.vector_store %arg8[%swap3A_835], %shift_right_logical3A_834 {strides = array<i32>} : memref<128xi32, #tpu.memory_space<vmem>>, vector<16xi32>,
        %get3A_837 = arith.index_cast %add3A_804 : i32 to index
        %get3A_838 = arith.constant 64 : index
        %get3A_839 = tpu.vector_load %arg6[%get3A_837, %get3A_838] {strides = array<i32>} : memref<200x128xi32, #tpu.memory_space<vmem>>, vector<16xi32>,
        %shift_right_logical3A_840 = arith.constant 1 : i32
        %shift_right_logical3A_841 = vector.broadcast %shift_right_logical3A_840 : i32 to vector<16xi32>
        %shift_right_logical3A_842 = arith.shrui %get3A_839, %shift_right_logical3A_841 : vector<16xi32>
        %swap3A_843 = arith.constant 64 : index
        %swap3A_844 = tpu.vector_load %arg8[%swap3A_843] {strides = array<i32>} : memref<128xi32, #tpu.memory_space<vmem>>, vector<16xi32>,
        tpu.vector_store %arg8[%swap3A_843], %shift_right_logical3A_842 {strides = array<i32>} : memref<128xi32, #tpu.memory_space<vmem>>, vector<16xi32>,
        %get3A_845 = arith.index_cast %add3A_804 : i32 to index
        %get3A_846 = arith.constant 80 : index
        %get3A_847 = tpu.vector_load %arg6[%get3A_845, %get3A_846] {strides = array<i32>} : memref<200x128xi32, #tpu.memory_space<vmem>>, vector<16xi32>,
        %shift_right_logical3A_848 = arith.constant 1 : i32
        %shift_right_logical3A_849 = vector.broadcast %shift_right_logical3A_848 : i32 to vector<16xi32>
        %shift_right_logical3A_850 = arith.shrui %get3A_847, %shift_right_logical3A_849 : vector<16xi32>
        %swap3A_851 = arith.constant 80 : index
        %swap3A_852 = tpu.vector_load %arg8[%swap3A_851] {strides = array<i32>} : memref<128xi32, #tpu.memory_space<vmem>>, vector<16xi32>,
        tpu.vector_store %arg8[%swap3A_851], %shift_right_logical3A_850 {strides = array<i32>} : memref<128xi32, #tpu.memory_space<vmem>>, vector<16xi32>,
        %get3A_853 = arith.index_cast %add3A_804 : i32 to index
        %get3A_854 = arith.constant 96 : index
        %get3A_855 = tpu.vector_load %arg6[%get3A_853, %get3A_854] {strides = array<i32>} : memref<200x128xi32, #tpu.memory_space<vmem>>, vector<16xi32>,
        %shift_right_logical3A_856 = arith.constant 1 : i32
        %shift_right_logical3A_857 = vector.broadcast %shift_right_logical3A_856 : i32 to vector<16xi32>
        %shift_right_logical3A_858 = arith.shrui %get3A_855, %shift_right_logical3A_857 : vector<16xi32>
        %swap3A_859 = arith.constant 96 : index
        %swap3A_860 = tpu.vector_load %arg8[%swap3A_859] {strides = array<i32>} : memref<128xi32, #tpu.memory_space<vmem>>, vector<16xi32>,
        tpu.vector_store %arg8[%swap3A_859], %shift_right_logical3A_858 {strides = array<i32>} : memref<128xi32, #tpu.memory_space<vmem>>, vector<16xi32>,
        %get3A_861 = arith.index_cast %add3A_804 : i32 to index
        %get3A_862 = arith.constant 112 : index
        %get3A_863 = tpu.vector_load %arg6[%get3A_861, %get3A_862] {strides = array<i32>} : memref<200x128xi32, #tpu.memory_space<vmem>>, vector<16xi32>,
        %shift_right_logical3A_864 = arith.constant 1 : i32
        %shift_right_logical3A_865 = vector.broadcast %shift_right_logical3A_864 : i32 to vector<16xi32>
        %shift_right_logical3A_866 = arith.shrui %get3A_863, %shift_right_logical3A_865 : vector<16xi32>
        %swap3A_867 = arith.constant 112 : index
        %swap3A_868 = tpu.vector_load %arg8[%swap3A_867] {strides = array<i32>} : memref<128xi32, #tpu.memory_space<vmem>>, vector<16xi32>,
        tpu.vector_store %arg8[%swap3A_867], %shift_right_logical3A_866 {strides = array<i32>} : memref<128xi32, #tpu.memory_space<vmem>>, vector<16xi32>,
        %dma_start3A_869 = arith.constant 0 : i32
        %dma_start3A_870 = arith.constant 0 : i32
        %dma_start3A_871 = tpu.memref_slice %arg3[%dma_start3A_869, %dma_start3A_870] : memref<500000x128xf32, #tpu.memory_space<hbm>> -> memref<500000x128xf32, #tpu.memory_space<hbm>>
        tpu.enqueue_indirect_dma source(%dma_start3A_871 : memref<500000x128xf32, #tpu.memory_space<hbm>>) target(%arg12 : memref<128x128xf32, #tpu.memory_space<vmem>>) offsets(%arg8 : memref<128xi32, #tpu.memory_space<vmem>>) semaphore(%arg19 : memref<!tpu.dma_semaphore, #tpu.memory_space<semaphore_mem>>)
      } else {
      }
      %add3A_559 = arith.constant 2 : i32
      %add3A_560 = arith.addi %mul3A_320, %add3A_559 : i32
      %dma_wait3A_561 = arith.constant 0 : i32
      %dma_wait3A_562 = arith.constant 0 : i32
      %dma_wait3A_563 = tpu.memref_slice %arg3[%dma_wait3A_561, %dma_wait3A_562] : memref<500000x128xf32, #tpu.memory_space<hbm>> -> memref<500000x128xf32, #tpu.memory_space<hbm>>
      tpu.wait_indirect_dma semaphore(%arg20 : memref<!tpu.dma_semaphore, #tpu.memory_space<semaphore_mem>>) src(%dma_wait3A_563 : memref<500000x128xf32, #tpu.memory_space<hbm>>) dst(%arg13 : memref<128x128xf32, #tpu.memory_space<vmem>>)
      %ge3A_564 = arith.constant 2 : i32
      %ge3A_565 = arith.cmpi sge, %add3A_560, %ge3A_564 : i32
      %convert_element_type3A_566 = arith.extui %ge3A_565 : i1 to i32
      %cond3A_567 = arith.constant 0 : i32
      %cond3A_568 = arith.cmpi ne, %convert_element_type3A_566, %cond3A_567 : i32
      scf.if %cond3A_568 {
        %sub3A = arith.constant 2 : i32
        %sub3A_803 = arith.subi %add3A_560, %sub3A : i32
        %dma_wait3A_804 = arith.constant 0 : i32
        %dma_wait3A_805 = tpu.memref_slice %arg5[%sub3A_803, %dma_wait3A_804, %mul3A_2] : memref<200x64x4096xf32, #tpu.memory_space<hbm>> -> memref<1x64x128xf32, #tpu.memory_space<hbm>>
        %dma_wait3A_806 = tpu.memref_squeeze %dma_wait3A_805 : memref<1x64x128xf32, #tpu.memory_space<hbm>> -> memref<64x128xf32, #tpu.memory_space<hbm>>
        %dma_wait3A_807 = arith.constant 0 : i32
        %dma_wait3A_808 = tpu.memref_slice %arg5[%sub3A_803, %dma_wait3A_807, %mul3A_2] : memref<200x64x4096xf32, #tpu.memory_space<hbm>> -> memref<1x64x128xf32, #tpu.memory_space<hbm>>
        %dma_wait3A_809 = tpu.memref_squeeze %dma_wait3A_808 : memref<1x64x128xf32, #tpu.memory_space<hbm>> -> memref<64x128xf32, #tpu.memory_space<hbm>>
        tpu.wait_dma2 semaphore(%arg22 : memref<!tpu.dma_semaphore, #tpu.memory_space<semaphore_mem>>) src(%arg15 : memref<64x128xf32, #tpu.memory_space<vmem>>) dst(%dma_wait3A_809 : memref<64x128xf32, #tpu.memory_space<hbm>>)
      } else {
      }
      %get3A_569 = arith.index_cast %add3A_560 : i32 to index
      %get3A_570 = arith.constant 0 : index
      %get3A_571 = tpu.vector_load %arg6[%get3A_569, %get3A_570] {strides = array<i32>} : memref<200x128xi32, #tpu.memory_space<vmem>>, vector<16xi32>,
      %add3A_572 = arith.constant 0 : i32
      %add3A_573 = vector.broadcast %add3A_572 : i32 to vector<16xi32>
      %add3A_574 = arith.addi %iota3A, %add3A_573 : vector<16xi32>
      %and3A_575 = arith.constant 1 : i32
      %and3A_576 = vector.broadcast %and3A_575 : i32 to vector<16xi32>
      %and3A_577 = arith.andi %get3A_571, %and3A_576 : vector<16xi32>
      %mul3A_578 = arith.constant 64 : i32
      %mul3A_579 = vector.broadcast %mul3A_578 : i32 to vector<16xi32>
      %mul3A_580 = arith.muli %and3A_577, %mul3A_579 : vector<16xi32>
      %get3A_581 = arith.index_cast %add3A_560 : i32 to index
      %get3A_582 = arith.constant 16 : index
      %get3A_583 = tpu.vector_load %arg6[%get3A_581, %get3A_582] {strides = array<i32>} : memref<200x128xi32, #tpu.memory_space<vmem>>, vector<16xi32>,
      %add3A_584 = arith.constant 16 : i32
      %add3A_585 = vector.broadcast %add3A_584 : i32 to vector<16xi32>
      %add3A_586 = arith.addi %iota3A, %add3A_585 : vector<16xi32>
      %and3A_587 = arith.constant 1 : i32
      %and3A_588 = vector.broadcast %and3A_587 : i32 to vector<16xi32>
      %and3A_589 = arith.andi %get3A_583, %and3A_588 : vector<16xi32>
      %mul3A_590 = arith.constant 64 : i32
      %mul3A_591 = vector.broadcast %mul3A_590 : i32 to vector<16xi32>
      %mul3A_592 = arith.muli %and3A_589, %mul3A_591 : vector<16xi32>
      %get3A_593 = arith.index_cast %add3A_560 : i32 to index
      %get3A_594 = arith.constant 32 : index
      %get3A_595 = tpu.vector_load %arg6[%get3A_593, %get3A_594] {strides = array<i32>} : memref<200x128xi32, #tpu.memory_space<vmem>>, vector<16xi32>,
      %add3A_596 = arith.constant 32 : i32
      %add3A_597 = vector.broadcast %add3A_596 : i32 to vector<16xi32>
      %add3A_598 = arith.addi %iota3A, %add3A_597 : vector<16xi32>
      %and3A_599 = arith.constant 1 : i32
      %and3A_600 = vector.broadcast %and3A_599 : i32 to vector<16xi32>
      %and3A_601 = arith.andi %get3A_595, %and3A_600 : vector<16xi32>
      %mul3A_602 = arith.constant 64 : i32
      %mul3A_603 = vector.broadcast %mul3A_602 : i32 to vector<16xi32>
      %mul3A_604 = arith.muli %and3A_601, %mul3A_603 : vector<16xi32>
      %get3A_605 = arith.index_cast %add3A_560 : i32 to index
      %get3A_606 = arith.constant 48 : index
      %get3A_607 = tpu.vector_load %arg6[%get3A_605, %get3A_606] {strides = array<i32>} : memref<200x128xi32, #tpu.memory_space<vmem>>, vector<16xi32>,
      %add3A_608 = arith.constant 48 : i32
      %add3A_609 = vector.broadcast %add3A_608 : i32 to vector<16xi32>
      %add3A_610 = arith.addi %iota3A, %add3A_609 : vector<16xi32>
      %and3A_611 = arith.constant 1 : i32
      %and3A_612 = vector.broadcast %and3A_611 : i32 to vector<16xi32>
      %and3A_613 = arith.andi %get3A_607, %and3A_612 : vector<16xi32>
      %mul3A_614 = arith.constant 64 : i32
      %mul3A_615 = vector.broadcast %mul3A_614 : i32 to vector<16xi32>
      %mul3A_616 = arith.muli %and3A_613, %mul3A_615 : vector<16xi32>
      %get3A_617 = arith.index_cast %add3A_560 : i32 to index
      %get3A_618 = arith.constant 64 : index
      %get3A_619 = tpu.vector_load %arg6[%get3A_617, %get3A_618] {strides = array<i32>} : memref<200x128xi32, #tpu.memory_space<vmem>>, vector<16xi32>,
      %add3A_620 = arith.constant 64 : i32
      %add3A_621 = vector.broadcast %add3A_620 : i32 to vector<16xi32>
      %add3A_622 = arith.addi %iota3A, %add3A_621 : vector<16xi32>
      %and3A_623 = arith.constant 1 : i32
      %and3A_624 = vector.broadcast %and3A_623 : i32 to vector<16xi32>
      %and3A_625 = arith.andi %get3A_619, %and3A_624 : vector<16xi32>
      %mul3A_626 = arith.constant 64 : i32
      %mul3A_627 = vector.broadcast %mul3A_626 : i32 to vector<16xi32>
      %mul3A_628 = arith.muli %and3A_625, %mul3A_627 : vector<16xi32>
      %get3A_629 = arith.index_cast %add3A_560 : i32 to index
      %get3A_630 = arith.constant 80 : index
      %get3A_631 = tpu.vector_load %arg6[%get3A_629, %get3A_630] {strides = array<i32>} : memref<200x128xi32, #tpu.memory_space<vmem>>, vector<16xi32>,
      %add3A_632 = arith.constant 80 : i32
      %add3A_633 = vector.broadcast %add3A_632 : i32 to vector<16xi32>
      %add3A_634 = arith.addi %iota3A, %add3A_633 : vector<16xi32>
      %and3A_635 = arith.constant 1 : i32
      %and3A_636 = vector.broadcast %and3A_635 : i32 to vector<16xi32>
      %and3A_637 = arith.andi %get3A_631, %and3A_636 : vector<16xi32>
      %mul3A_638 = arith.constant 64 : i32
      %mul3A_639 = vector.broadcast %mul3A_638 : i32 to vector<16xi32>
      %mul3A_640 = arith.muli %and3A_637, %mul3A_639 : vector<16xi32>
      %get3A_641 = arith.index_cast %add3A_560 : i32 to index
      %get3A_642 = arith.constant 96 : index
      %get3A_643 = tpu.vector_load %arg6[%get3A_641, %get3A_642] {strides = array<i32>} : memref<200x128xi32, #tpu.memory_space<vmem>>, vector<16xi32>,
      %add3A_644 = arith.constant 96 : i32
      %add3A_645 = vector.broadcast %add3A_644 : i32 to vector<16xi32>
      %add3A_646 = arith.addi %iota3A, %add3A_645 : vector<16xi32>
      %and3A_647 = arith.constant 1 : i32
      %and3A_648 = vector.broadcast %and3A_647 : i32 to vector<16xi32>
      %and3A_649 = arith.andi %get3A_643, %and3A_648 : vector<16xi32>
      %mul3A_650 = arith.constant 64 : i32
      %mul3A_651 = vector.broadcast %mul3A_650 : i32 to vector<16xi32>
      %mul3A_652 = arith.muli %and3A_649, %mul3A_651 : vector<16xi32>
      %get3A_653 = arith.index_cast %add3A_560 : i32 to index
      %get3A_654 = arith.constant 112 : index
      %get3A_655 = tpu.vector_load %arg6[%get3A_653, %get3A_654] {strides = array<i32>} : memref<200x128xi32, #tpu.memory_space<vmem>>, vector<16xi32>,
      %add3A_656 = arith.constant 112 : i32
      %add3A_657 = vector.broadcast %add3A_656 : i32 to vector<16xi32>
      %add3A_658 = arith.addi %iota3A, %add3A_657 : vector<16xi32>
      %and3A_659 = arith.constant 1 : i32
      %and3A_660 = vector.broadcast %and3A_659 : i32 to vector<16xi32>
      %and3A_661 = arith.andi %get3A_655, %and3A_660 : vector<16xi32>
      %mul3A_662 = arith.constant 64 : i32
      %mul3A_663 = vector.broadcast %mul3A_662 : i32 to vector<16xi32>
      %mul3A_664 = arith.muli %and3A_661, %mul3A_663 : vector<16xi32>
      %parallel_loop3A_665 = arith.constant 0 : i32
      %parallel_loop3A_666 = arith.constant 64 : i32
      %parallel_loop3A_667 = arith.constant 1 : i32
      scf.for %parallel_loop3A_803 = %parallel_loop3A_665 to %parallel_loop3A_666 step %parallel_loop3A_667  : i32 {
        %parallel_loop3A_804 = arith.constant 64 : i32
        %parallel_loop3A_805 = arith.muli %add3A_560, %parallel_loop3A_804 : i32
        %parallel_loop3A_806 = arith.addi %parallel_loop3A_805, %parallel_loop3A_803 : i32
        %parallel_loop3A_807 = vector.broadcast %parallel_loop3A_806 : i32 to vector<16xi32>
        %parallel_loop3A_808 = arith.addi %broadcast_in_dim3A_3, %parallel_loop3A_807 : vector<16xi32>
        %parallel_loop3A_809 = tpu.vector_load_idx %arg17[%parallel_loop3A_808] : memref<12800xf32, #tpu.memory_space<vmem>>[vector<16xi32>], vector<16xf32>,
        %parallel_loop3A_810 = vector.broadcast %parallel_loop3A_803 : i32 to vector<16xi32>
        %parallel_loop3A_811 = arith.addi %mul3A_580, %parallel_loop3A_810 : vector<16xi32>
        %parallel_loop3A_812 = tpu.vector_load_idx %arg13[%add3A_574, %parallel_loop3A_811] : memref<128x128xf32, #tpu.memory_space<vmem>>[vector<16xi32>, vector<16xi32>], vector<16xf32>,
        %parallel_loop3A_813 = arith.constant 8.000000e+00 : f32
        %parallel_loop3A_814 = vector.broadcast %parallel_loop3A_813 : f32 to vector<16xf32>
        %parallel_loop3A_815 = arith.mulf %parallel_loop3A_812, %parallel_loop3A_814 : vector<16xf32>
        %parallel_loop3A_816 = arith.addf %parallel_loop3A_815, %parallel_loop3A_809 : vector<16xf32>
        %parallel_loop3A_817 = arith.index_cast %parallel_loop3A_803 : i32 to index
        %parallel_loop3A_818 = arith.constant 0 : index
        %parallel_loop3A_819 = tpu.vector_load %arg15[%parallel_loop3A_817, %parallel_loop3A_818] {strides = array<i32>} : memref<64x128xf32, #tpu.memory_space<vmem>>, vector<16xf32>,
        tpu.vector_store %arg15[%parallel_loop3A_817, %parallel_loop3A_818], %parallel_loop3A_816 {strides = array<i32>} : memref<64x128xf32, #tpu.memory_space<vmem>>, vector<16xf32>,
        %parallel_loop3A_820 = vector.broadcast %parallel_loop3A_803 : i32 to vector<16xi32>
        %parallel_loop3A_821 = arith.addi %mul3A_592, %parallel_loop3A_820 : vector<16xi32>
        %parallel_loop3A_822 = tpu.vector_load_idx %arg13[%add3A_586, %parallel_loop3A_821] : memref<128x128xf32, #tpu.memory_space<vmem>>[vector<16xi32>, vector<16xi32>], vector<16xf32>,
        %parallel_loop3A_823 = arith.constant 8.000000e+00 : f32
        %parallel_loop3A_824 = vector.broadcast %parallel_loop3A_823 : f32 to vector<16xf32>
        %parallel_loop3A_825 = arith.mulf %parallel_loop3A_822, %parallel_loop3A_824 : vector<16xf32>
        %parallel_loop3A_826 = arith.addf %parallel_loop3A_825, %parallel_loop3A_809 : vector<16xf32>
        %parallel_loop3A_827 = arith.index_cast %parallel_loop3A_803 : i32 to index
        %parallel_loop3A_828 = arith.constant 16 : index
        %parallel_loop3A_829 = tpu.vector_load %arg15[%parallel_loop3A_827, %parallel_loop3A_828] {strides = array<i32>} : memref<64x128xf32, #tpu.memory_space<vmem>>, vector<16xf32>,
        tpu.vector_store %arg15[%parallel_loop3A_827, %parallel_loop3A_828], %parallel_loop3A_826 {strides = array<i32>} : memref<64x128xf32, #tpu.memory_space<vmem>>, vector<16xf32>,
        %parallel_loop3A_830 = vector.broadcast %parallel_loop3A_803 : i32 to vector<16xi32>
        %parallel_loop3A_831 = arith.addi %mul3A_604, %parallel_loop3A_830 : vector<16xi32>
        %parallel_loop3A_832 = tpu.vector_load_idx %arg13[%add3A_598, %parallel_loop3A_831] : memref<128x128xf32, #tpu.memory_space<vmem>>[vector<16xi32>, vector<16xi32>], vector<16xf32>,
        %parallel_loop3A_833 = arith.constant 8.000000e+00 : f32
        %parallel_loop3A_834 = vector.broadcast %parallel_loop3A_833 : f32 to vector<16xf32>
        %parallel_loop3A_835 = arith.mulf %parallel_loop3A_832, %parallel_loop3A_834 : vector<16xf32>
        %parallel_loop3A_836 = arith.addf %parallel_loop3A_835, %parallel_loop3A_809 : vector<16xf32>
        %parallel_loop3A_837 = arith.index_cast %parallel_loop3A_803 : i32 to index
        %parallel_loop3A_838 = arith.constant 32 : index
        %parallel_loop3A_839 = tpu.vector_load %arg15[%parallel_loop3A_837, %parallel_loop3A_838] {strides = array<i32>} : memref<64x128xf32, #tpu.memory_space<vmem>>, vector<16xf32>,
        tpu.vector_store %arg15[%parallel_loop3A_837, %parallel_loop3A_838], %parallel_loop3A_836 {strides = array<i32>} : memref<64x128xf32, #tpu.memory_space<vmem>>, vector<16xf32>,
        %parallel_loop3A_840 = vector.broadcast %parallel_loop3A_803 : i32 to vector<16xi32>
        %parallel_loop3A_841 = arith.addi %mul3A_616, %parallel_loop3A_840 : vector<16xi32>
        %parallel_loop3A_842 = tpu.vector_load_idx %arg13[%add3A_610, %parallel_loop3A_841] : memref<128x128xf32, #tpu.memory_space<vmem>>[vector<16xi32>, vector<16xi32>], vector<16xf32>,
        %parallel_loop3A_843 = arith.constant 8.000000e+00 : f32
        %parallel_loop3A_844 = vector.broadcast %parallel_loop3A_843 : f32 to vector<16xf32>
        %parallel_loop3A_845 = arith.mulf %parallel_loop3A_842, %parallel_loop3A_844 : vector<16xf32>
        %parallel_loop3A_846 = arith.addf %parallel_loop3A_845, %parallel_loop3A_809 : vector<16xf32>
        %parallel_loop3A_847 = arith.index_cast %parallel_loop3A_803 : i32 to index
        %parallel_loop3A_848 = arith.constant 48 : index
        %parallel_loop3A_849 = tpu.vector_load %arg15[%parallel_loop3A_847, %parallel_loop3A_848] {strides = array<i32>} : memref<64x128xf32, #tpu.memory_space<vmem>>, vector<16xf32>,
        tpu.vector_store %arg15[%parallel_loop3A_847, %parallel_loop3A_848], %parallel_loop3A_846 {strides = array<i32>} : memref<64x128xf32, #tpu.memory_space<vmem>>, vector<16xf32>,
        %parallel_loop3A_850 = vector.broadcast %parallel_loop3A_803 : i32 to vector<16xi32>
        %parallel_loop3A_851 = arith.addi %mul3A_628, %parallel_loop3A_850 : vector<16xi32>
        %parallel_loop3A_852 = tpu.vector_load_idx %arg13[%add3A_622, %parallel_loop3A_851] : memref<128x128xf32, #tpu.memory_space<vmem>>[vector<16xi32>, vector<16xi32>], vector<16xf32>,
        %parallel_loop3A_853 = arith.constant 8.000000e+00 : f32
        %parallel_loop3A_854 = vector.broadcast %parallel_loop3A_853 : f32 to vector<16xf32>
        %parallel_loop3A_855 = arith.mulf %parallel_loop3A_852, %parallel_loop3A_854 : vector<16xf32>
        %parallel_loop3A_856 = arith.addf %parallel_loop3A_855, %parallel_loop3A_809 : vector<16xf32>
        %parallel_loop3A_857 = arith.index_cast %parallel_loop3A_803 : i32 to index
        %parallel_loop3A_858 = arith.constant 64 : index
        %parallel_loop3A_859 = tpu.vector_load %arg15[%parallel_loop3A_857, %parallel_loop3A_858] {strides = array<i32>} : memref<64x128xf32, #tpu.memory_space<vmem>>, vector<16xf32>,
        tpu.vector_store %arg15[%parallel_loop3A_857, %parallel_loop3A_858], %parallel_loop3A_856 {strides = array<i32>} : memref<64x128xf32, #tpu.memory_space<vmem>>, vector<16xf32>,
        %parallel_loop3A_860 = vector.broadcast %parallel_loop3A_803 : i32 to vector<16xi32>
        %parallel_loop3A_861 = arith.addi %mul3A_640, %parallel_loop3A_860 : vector<16xi32>
        %parallel_loop3A_862 = tpu.vector_load_idx %arg13[%add3A_634, %parallel_loop3A_861] : memref<128x128xf32, #tpu.memory_space<vmem>>[vector<16xi32>, vector<16xi32>], vector<16xf32>,
        %parallel_loop3A_863 = arith.constant 8.000000e+00 : f32
        %parallel_loop3A_864 = vector.broadcast %parallel_loop3A_863 : f32 to vector<16xf32>
        %parallel_loop3A_865 = arith.mulf %parallel_loop3A_862, %parallel_loop3A_864 : vector<16xf32>
        %parallel_loop3A_866 = arith.addf %parallel_loop3A_865, %parallel_loop3A_809 : vector<16xf32>
        %parallel_loop3A_867 = arith.index_cast %parallel_loop3A_803 : i32 to index
        %parallel_loop3A_868 = arith.constant 80 : index
        %parallel_loop3A_869 = tpu.vector_load %arg15[%parallel_loop3A_867, %parallel_loop3A_868] {strides = array<i32>} : memref<64x128xf32, #tpu.memory_space<vmem>>, vector<16xf32>,
        tpu.vector_store %arg15[%parallel_loop3A_867, %parallel_loop3A_868], %parallel_loop3A_866 {strides = array<i32>} : memref<64x128xf32, #tpu.memory_space<vmem>>, vector<16xf32>,
        %parallel_loop3A_870 = vector.broadcast %parallel_loop3A_803 : i32 to vector<16xi32>
        %parallel_loop3A_871 = arith.addi %mul3A_652, %parallel_loop3A_870 : vector<16xi32>
        %parallel_loop3A_872 = tpu.vector_load_idx %arg13[%add3A_646, %parallel_loop3A_871] : memref<128x128xf32, #tpu.memory_space<vmem>>[vector<16xi32>, vector<16xi32>], vector<16xf32>,
        %parallel_loop3A_873 = arith.constant 8.000000e+00 : f32
        %parallel_loop3A_874 = vector.broadcast %parallel_loop3A_873 : f32 to vector<16xf32>
        %parallel_loop3A_875 = arith.mulf %parallel_loop3A_872, %parallel_loop3A_874 : vector<16xf32>
        %parallel_loop3A_876 = arith.addf %parallel_loop3A_875, %parallel_loop3A_809 : vector<16xf32>
        %parallel_loop3A_877 = arith.index_cast %parallel_loop3A_803 : i32 to index
        %parallel_loop3A_878 = arith.constant 96 : index
        %parallel_loop3A_879 = tpu.vector_load %arg15[%parallel_loop3A_877, %parallel_loop3A_878] {strides = array<i32>} : memref<64x128xf32, #tpu.memory_space<vmem>>, vector<16xf32>,
        tpu.vector_store %arg15[%parallel_loop3A_877, %parallel_loop3A_878], %parallel_loop3A_876 {strides = array<i32>} : memref<64x128xf32, #tpu.memory_space<vmem>>, vector<16xf32>,
        %parallel_loop3A_880 = vector.broadcast %parallel_loop3A_803 : i32 to vector<16xi32>
        %parallel_loop3A_881 = arith.addi %mul3A_664, %parallel_loop3A_880 : vector<16xi32>
        %parallel_loop3A_882 = tpu.vector_load_idx %arg13[%add3A_658, %parallel_loop3A_881] : memref<128x128xf32, #tpu.memory_space<vmem>>[vector<16xi32>, vector<16xi32>], vector<16xf32>,
        %parallel_loop3A_883 = arith.constant 8.000000e+00 : f32
        %parallel_loop3A_884 = vector.broadcast %parallel_loop3A_883 : f32 to vector<16xf32>
        %parallel_loop3A_885 = arith.mulf %parallel_loop3A_882, %parallel_loop3A_884 : vector<16xf32>
        %parallel_loop3A_886 = arith.addf %parallel_loop3A_885, %parallel_loop3A_809 : vector<16xf32>
        %parallel_loop3A_887 = arith.index_cast %parallel_loop3A_803 : i32 to index
        %parallel_loop3A_888 = arith.constant 112 : index
        %parallel_loop3A_889 = tpu.vector_load %arg15[%parallel_loop3A_887, %parallel_loop3A_888] {strides = array<i32>} : memref<64x128xf32, #tpu.memory_space<vmem>>, vector<16xf32>,
        tpu.vector_store %arg15[%parallel_loop3A_887, %parallel_loop3A_888], %parallel_loop3A_886 {strides = array<i32>} : memref<64x128xf32, #tpu.memory_space<vmem>>, vector<16xf32>,
      } {sc.loop_unroll_factor = 8 : i64, sc.parallel_access}
      %dma_start3A_668 = arith.constant 0 : i32
      %dma_start3A_669 = tpu.memref_slice %arg5[%add3A_560, %dma_start3A_668, %mul3A_2] : memref<200x64x4096xf32, #tpu.memory_space<hbm>> -> memref<1x64x128xf32, #tpu.memory_space<hbm>>
      %dma_start3A_670 = tpu.memref_squeeze %dma_start3A_669 : memref<1x64x128xf32, #tpu.memory_space<hbm>> -> memref<64x128xf32, #tpu.memory_space<hbm>>
      %dma_start3A_671 = arith.constant 0 : i32
      %dma_start3A_672 = tpu.memref_slice %arg5[%add3A_560, %dma_start3A_671, %mul3A_2] : memref<200x64x4096xf32, #tpu.memory_space<hbm>> -> memref<1x64x128xf32, #tpu.memory_space<hbm>>
      %dma_start3A_673 = tpu.memref_squeeze %dma_start3A_672 : memref<1x64x128xf32, #tpu.memory_space<hbm>> -> memref<64x128xf32, #tpu.memory_space<hbm>>
      tpu.enqueue_dma source(%arg15 : memref<64x128xf32, #tpu.memory_space<vmem>>) target(%dma_start3A_673 : memref<64x128xf32, #tpu.memory_space<hbm>>) target_semaphore(%arg22 : memref<!tpu.dma_semaphore, #tpu.memory_space<semaphore_mem>>)
      %add3A_674 = arith.constant 4 : i32
      %add3A_675 = arith.addi %add3A_560, %add3A_674 : i32
      %lt3A_676 = arith.constant 200 : i32
      %lt3A_677 = arith.cmpi slt, %add3A_675, %lt3A_676 : i32
      %convert_element_type3A_678 = arith.extui %lt3A_677 : i1 to i32
      %cond3A_679 = arith.constant 0 : i32
      %cond3A_680 = arith.cmpi ne, %convert_element_type3A_678, %cond3A_679 : i32
      scf.if %cond3A_680 {
        %add3A_803 = arith.constant 4 : i32
        %add3A_804 = arith.addi %add3A_560, %add3A_803 : i32
        %get3A_805 = arith.index_cast %add3A_804 : i32 to index
        %get3A_806 = arith.constant 0 : index
        %get3A_807 = tpu.vector_load %arg6[%get3A_805, %get3A_806] {strides = array<i32>} : memref<200x128xi32, #tpu.memory_space<vmem>>, vector<16xi32>,
        %shift_right_logical3A_808 = arith.constant 1 : i32
        %shift_right_logical3A_809 = vector.broadcast %shift_right_logical3A_808 : i32 to vector<16xi32>
        %shift_right_logical3A_810 = arith.shrui %get3A_807, %shift_right_logical3A_809 : vector<16xi32>
        %swap3A_811 = arith.constant 0 : index
        %swap3A_812 = tpu.vector_load %arg9[%swap3A_811] {strides = array<i32>} : memref<128xi32, #tpu.memory_space<vmem>>, vector<16xi32>,
        tpu.vector_store %arg9[%swap3A_811], %shift_right_logical3A_810 {strides = array<i32>} : memref<128xi32, #tpu.memory_space<vmem>>, vector<16xi32>,
        %get3A_813 = arith.index_cast %add3A_804 : i32 to index
        %get3A_814 = arith.constant 16 : index
        %get3A_815 = tpu.vector_load %arg6[%get3A_813, %get3A_814] {strides = array<i32>} : memref<200x128xi32, #tpu.memory_space<vmem>>, vector<16xi32>,
        %shift_right_logical3A_816 = arith.constant 1 : i32
        %shift_right_logical3A_817 = vector.broadcast %shift_right_logical3A_816 : i32 to vector<16xi32>
        %shift_right_logical3A_818 = arith.shrui %get3A_815, %shift_right_logical3A_817 : vector<16xi32>
        %swap3A_819 = arith.constant 16 : index
        %swap3A_820 = tpu.vector_load %arg9[%swap3A_819] {strides = array<i32>} : memref<128xi32, #tpu.memory_space<vmem>>, vector<16xi32>,
        tpu.vector_store %arg9[%swap3A_819], %shift_right_logical3A_818 {strides = array<i32>} : memref<128xi32, #tpu.memory_space<vmem>>, vector<16xi32>,
        %get3A_821 = arith.index_cast %add3A_804 : i32 to index
        %get3A_822 = arith.constant 32 : index
        %get3A_823 = tpu.vector_load %arg6[%get3A_821, %get3A_822] {strides = array<i32>} : memref<200x128xi32, #tpu.memory_space<vmem>>, vector<16xi32>,
        %shift_right_logical3A_824 = arith.constant 1 : i32
        %shift_right_logical3A_825 = vector.broadcast %shift_right_logical3A_824 : i32 to vector<16xi32>
        %shift_right_logical3A_826 = arith.shrui %get3A_823, %shift_right_logical3A_825 : vector<16xi32>
        %swap3A_827 = arith.constant 32 : index
        %swap3A_828 = tpu.vector_load %arg9[%swap3A_827] {strides = array<i32>} : memref<128xi32, #tpu.memory_space<vmem>>, vector<16xi32>,
        tpu.vector_store %arg9[%swap3A_827], %shift_right_logical3A_826 {strides = array<i32>} : memref<128xi32, #tpu.memory_space<vmem>>, vector<16xi32>,
        %get3A_829 = arith.index_cast %add3A_804 : i32 to index
        %get3A_830 = arith.constant 48 : index
        %get3A_831 = tpu.vector_load %arg6[%get3A_829, %get3A_830] {strides = array<i32>} : memref<200x128xi32, #tpu.memory_space<vmem>>, vector<16xi32>,
        %shift_right_logical3A_832 = arith.constant 1 : i32
        %shift_right_logical3A_833 = vector.broadcast %shift_right_logical3A_832 : i32 to vector<16xi32>
        %shift_right_logical3A_834 = arith.shrui %get3A_831, %shift_right_logical3A_833 : vector<16xi32>
        %swap3A_835 = arith.constant 48 : index
        %swap3A_836 = tpu.vector_load %arg9[%swap3A_835] {strides = array<i32>} : memref<128xi32, #tpu.memory_space<vmem>>, vector<16xi32>,
        tpu.vector_store %arg9[%swap3A_835], %shift_right_logical3A_834 {strides = array<i32>} : memref<128xi32, #tpu.memory_space<vmem>>, vector<16xi32>,
        %get3A_837 = arith.index_cast %add3A_804 : i32 to index
        %get3A_838 = arith.constant 64 : index
        %get3A_839 = tpu.vector_load %arg6[%get3A_837, %get3A_838] {strides = array<i32>} : memref<200x128xi32, #tpu.memory_space<vmem>>, vector<16xi32>,
        %shift_right_logical3A_840 = arith.constant 1 : i32
        %shift_right_logical3A_841 = vector.broadcast %shift_right_logical3A_840 : i32 to vector<16xi32>
        %shift_right_logical3A_842 = arith.shrui %get3A_839, %shift_right_logical3A_841 : vector<16xi32>
        %swap3A_843 = arith.constant 64 : index
        %swap3A_844 = tpu.vector_load %arg9[%swap3A_843] {strides = array<i32>} : memref<128xi32, #tpu.memory_space<vmem>>, vector<16xi32>,
        tpu.vector_store %arg9[%swap3A_843], %shift_right_logical3A_842 {strides = array<i32>} : memref<128xi32, #tpu.memory_space<vmem>>, vector<16xi32>,
        %get3A_845 = arith.index_cast %add3A_804 : i32 to index
        %get3A_846 = arith.constant 80 : index
        %get3A_847 = tpu.vector_load %arg6[%get3A_845, %get3A_846] {strides = array<i32>} : memref<200x128xi32, #tpu.memory_space<vmem>>, vector<16xi32>,
        %shift_right_logical3A_848 = arith.constant 1 : i32
        %shift_right_logical3A_849 = vector.broadcast %shift_right_logical3A_848 : i32 to vector<16xi32>
        %shift_right_logical3A_850 = arith.shrui %get3A_847, %shift_right_logical3A_849 : vector<16xi32>
        %swap3A_851 = arith.constant 80 : index
        %swap3A_852 = tpu.vector_load %arg9[%swap3A_851] {strides = array<i32>} : memref<128xi32, #tpu.memory_space<vmem>>, vector<16xi32>,
        tpu.vector_store %arg9[%swap3A_851], %shift_right_logical3A_850 {strides = array<i32>} : memref<128xi32, #tpu.memory_space<vmem>>, vector<16xi32>,
        %get3A_853 = arith.index_cast %add3A_804 : i32 to index
        %get3A_854 = arith.constant 96 : index
        %get3A_855 = tpu.vector_load %arg6[%get3A_853, %get3A_854] {strides = array<i32>} : memref<200x128xi32, #tpu.memory_space<vmem>>, vector<16xi32>,
        %shift_right_logical3A_856 = arith.constant 1 : i32
        %shift_right_logical3A_857 = vector.broadcast %shift_right_logical3A_856 : i32 to vector<16xi32>
        %shift_right_logical3A_858 = arith.shrui %get3A_855, %shift_right_logical3A_857 : vector<16xi32>
        %swap3A_859 = arith.constant 96 : index
        %swap3A_860 = tpu.vector_load %arg9[%swap3A_859] {strides = array<i32>} : memref<128xi32, #tpu.memory_space<vmem>>, vector<16xi32>,
        tpu.vector_store %arg9[%swap3A_859], %shift_right_logical3A_858 {strides = array<i32>} : memref<128xi32, #tpu.memory_space<vmem>>, vector<16xi32>,
        %get3A_861 = arith.index_cast %add3A_804 : i32 to index
        %get3A_862 = arith.constant 112 : index
        %get3A_863 = tpu.vector_load %arg6[%get3A_861, %get3A_862] {strides = array<i32>} : memref<200x128xi32, #tpu.memory_space<vmem>>, vector<16xi32>,
        %shift_right_logical3A_864 = arith.constant 1 : i32
        %shift_right_logical3A_865 = vector.broadcast %shift_right_logical3A_864 : i32 to vector<16xi32>
        %shift_right_logical3A_866 = arith.shrui %get3A_863, %shift_right_logical3A_865 : vector<16xi32>
        %swap3A_867 = arith.constant 112 : index
        %swap3A_868 = tpu.vector_load %arg9[%swap3A_867] {strides = array<i32>} : memref<128xi32, #tpu.memory_space<vmem>>, vector<16xi32>,
        tpu.vector_store %arg9[%swap3A_867], %shift_right_logical3A_866 {strides = array<i32>} : memref<128xi32, #tpu.memory_space<vmem>>, vector<16xi32>,
        %dma_start3A_869 = arith.constant 0 : i32
        %dma_start3A_870 = arith.constant 0 : i32
        %dma_start3A_871 = tpu.memref_slice %arg3[%dma_start3A_869, %dma_start3A_870] : memref<500000x128xf32, #tpu.memory_space<hbm>> -> memref<500000x128xf32, #tpu.memory_space<hbm>>
        tpu.enqueue_indirect_dma source(%dma_start3A_871 : memref<500000x128xf32, #tpu.memory_space<hbm>>) target(%arg13 : memref<128x128xf32, #tpu.memory_space<vmem>>) offsets(%arg9 : memref<128xi32, #tpu.memory_space<vmem>>) semaphore(%arg20 : memref<!tpu.dma_semaphore, #tpu.memory_space<semaphore_mem>>)
      } else {
      }
      %add3A_681 = arith.constant 3 : i32
      %add3A_682 = arith.addi %mul3A_320, %add3A_681 : i32
      %dma_wait3A_683 = arith.constant 0 : i32
      %dma_wait3A_684 = arith.constant 0 : i32
      %dma_wait3A_685 = tpu.memref_slice %arg3[%dma_wait3A_683, %dma_wait3A_684] : memref<500000x128xf32, #tpu.memory_space<hbm>> -> memref<500000x128xf32, #tpu.memory_space<hbm>>
      tpu.wait_indirect_dma semaphore(%arg21 : memref<!tpu.dma_semaphore, #tpu.memory_space<semaphore_mem>>) src(%dma_wait3A_685 : memref<500000x128xf32, #tpu.memory_space<hbm>>) dst(%arg14 : memref<128x128xf32, #tpu.memory_space<vmem>>)
      %ge3A_686 = arith.constant 2 : i32
      %ge3A_687 = arith.cmpi sge, %add3A_682, %ge3A_686 : i32
      %convert_element_type3A_688 = arith.extui %ge3A_687 : i1 to i32
      %cond3A_689 = arith.constant 0 : i32
      %cond3A_690 = arith.cmpi ne, %convert_element_type3A_688, %cond3A_689 : i32
      scf.if %cond3A_690 {
        %sub3A = arith.constant 2 : i32
        %sub3A_803 = arith.subi %add3A_682, %sub3A : i32
        %dma_wait3A_804 = arith.constant 0 : i32
        %dma_wait3A_805 = tpu.memref_slice %arg5[%sub3A_803, %dma_wait3A_804, %mul3A_2] : memref<200x64x4096xf32, #tpu.memory_space<hbm>> -> memref<1x64x128xf32, #tpu.memory_space<hbm>>
        %dma_wait3A_806 = tpu.memref_squeeze %dma_wait3A_805 : memref<1x64x128xf32, #tpu.memory_space<hbm>> -> memref<64x128xf32, #tpu.memory_space<hbm>>
        %dma_wait3A_807 = arith.constant 0 : i32
        %dma_wait3A_808 = tpu.memref_slice %arg5[%sub3A_803, %dma_wait3A_807, %mul3A_2] : memref<200x64x4096xf32, #tpu.memory_space<hbm>> -> memref<1x64x128xf32, #tpu.memory_space<hbm>>
        %dma_wait3A_809 = tpu.memref_squeeze %dma_wait3A_808 : memref<1x64x128xf32, #tpu.memory_space<hbm>> -> memref<64x128xf32, #tpu.memory_space<hbm>>
        tpu.wait_dma2 semaphore(%arg23 : memref<!tpu.dma_semaphore, #tpu.memory_space<semaphore_mem>>) src(%arg16 : memref<64x128xf32, #tpu.memory_space<vmem>>) dst(%dma_wait3A_809 : memref<64x128xf32, #tpu.memory_space<hbm>>)
      } else {
      }
      %get3A_691 = arith.index_cast %add3A_682 : i32 to index
      %get3A_692 = arith.constant 0 : index
      %get3A_693 = tpu.vector_load %arg6[%get3A_691, %get3A_692] {strides = array<i32>} : memref<200x128xi32, #tpu.memory_space<vmem>>, vector<16xi32>,
      %add3A_694 = arith.constant 0 : i32
      %add3A_695 = vector.broadcast %add3A_694 : i32 to vector<16xi32>
      %add3A_696 = arith.addi %iota3A, %add3A_695 : vector<16xi32>
      %and3A_697 = arith.constant 1 : i32
      %and3A_698 = vector.broadcast %and3A_697 : i32 to vector<16xi32>
      %and3A_699 = arith.andi %get3A_693, %and3A_698 : vector<16xi32>
      %mul3A_700 = arith.constant 64 : i32
      %mul3A_701 = vector.broadcast %mul3A_700 : i32 to vector<16xi32>
      %mul3A_702 = arith.muli %and3A_699, %mul3A_701 : vector<16xi32>
      %get3A_703 = arith.index_cast %add3A_682 : i32 to index
      %get3A_704 = arith.constant 16 : index
      %get3A_705 = tpu.vector_load %arg6[%get3A_703, %get3A_704] {strides = array<i32>} : memref<200x128xi32, #tpu.memory_space<vmem>>, vector<16xi32>,
      %add3A_706 = arith.constant 16 : i32
      %add3A_707 = vector.broadcast %add3A_706 : i32 to vector<16xi32>
      %add3A_708 = arith.addi %iota3A, %add3A_707 : vector<16xi32>
      %and3A_709 = arith.constant 1 : i32
      %and3A_710 = vector.broadcast %and3A_709 : i32 to vector<16xi32>
      %and3A_711 = arith.andi %get3A_705, %and3A_710 : vector<16xi32>
      %mul3A_712 = arith.constant 64 : i32
      %mul3A_713 = vector.broadcast %mul3A_712 : i32 to vector<16xi32>
      %mul3A_714 = arith.muli %and3A_711, %mul3A_713 : vector<16xi32>
      %get3A_715 = arith.index_cast %add3A_682 : i32 to index
      %get3A_716 = arith.constant 32 : index
      %get3A_717 = tpu.vector_load %arg6[%get3A_715, %get3A_716] {strides = array<i32>} : memref<200x128xi32, #tpu.memory_space<vmem>>, vector<16xi32>,
      %add3A_718 = arith.constant 32 : i32
      %add3A_719 = vector.broadcast %add3A_718 : i32 to vector<16xi32>
      %add3A_720 = arith.addi %iota3A, %add3A_719 : vector<16xi32>
      %and3A_721 = arith.constant 1 : i32
      %and3A_722 = vector.broadcast %and3A_721 : i32 to vector<16xi32>
      %and3A_723 = arith.andi %get3A_717, %and3A_722 : vector<16xi32>
      %mul3A_724 = arith.constant 64 : i32
      %mul3A_725 = vector.broadcast %mul3A_724 : i32 to vector<16xi32>
      %mul3A_726 = arith.muli %and3A_723, %mul3A_725 : vector<16xi32>
      %get3A_727 = arith.index_cast %add3A_682 : i32 to index
      %get3A_728 = arith.constant 48 : index
      %get3A_729 = tpu.vector_load %arg6[%get3A_727, %get3A_728] {strides = array<i32>} : memref<200x128xi32, #tpu.memory_space<vmem>>, vector<16xi32>,
      %add3A_730 = arith.constant 48 : i32
      %add3A_731 = vector.broadcast %add3A_730 : i32 to vector<16xi32>
      %add3A_732 = arith.addi %iota3A, %add3A_731 : vector<16xi32>
      %and3A_733 = arith.constant 1 : i32
      %and3A_734 = vector.broadcast %and3A_733 : i32 to vector<16xi32>
      %and3A_735 = arith.andi %get3A_729, %and3A_734 : vector<16xi32>
      %mul3A_736 = arith.constant 64 : i32
      %mul3A_737 = vector.broadcast %mul3A_736 : i32 to vector<16xi32>
      %mul3A_738 = arith.muli %and3A_735, %mul3A_737 : vector<16xi32>
      %get3A_739 = arith.index_cast %add3A_682 : i32 to index
      %get3A_740 = arith.constant 64 : index
      %get3A_741 = tpu.vector_load %arg6[%get3A_739, %get3A_740] {strides = array<i32>} : memref<200x128xi32, #tpu.memory_space<vmem>>, vector<16xi32>,
      %add3A_742 = arith.constant 64 : i32
      %add3A_743 = vector.broadcast %add3A_742 : i32 to vector<16xi32>
      %add3A_744 = arith.addi %iota3A, %add3A_743 : vector<16xi32>
      %and3A_745 = arith.constant 1 : i32
      %and3A_746 = vector.broadcast %and3A_745 : i32 to vector<16xi32>
      %and3A_747 = arith.andi %get3A_741, %and3A_746 : vector<16xi32>
      %mul3A_748 = arith.constant 64 : i32
      %mul3A_749 = vector.broadcast %mul3A_748 : i32 to vector<16xi32>
      %mul3A_750 = arith.muli %and3A_747, %mul3A_749 : vector<16xi32>
      %get3A_751 = arith.index_cast %add3A_682 : i32 to index
      %get3A_752 = arith.constant 80 : index
      %get3A_753 = tpu.vector_load %arg6[%get3A_751, %get3A_752] {strides = array<i32>} : memref<200x128xi32, #tpu.memory_space<vmem>>, vector<16xi32>,
      %add3A_754 = arith.constant 80 : i32
      %add3A_755 = vector.broadcast %add3A_754 : i32 to vector<16xi32>
      %add3A_756 = arith.addi %iota3A, %add3A_755 : vector<16xi32>
      %and3A_757 = arith.constant 1 : i32
      %and3A_758 = vector.broadcast %and3A_757 : i32 to vector<16xi32>
      %and3A_759 = arith.andi %get3A_753, %and3A_758 : vector<16xi32>
      %mul3A_760 = arith.constant 64 : i32
      %mul3A_761 = vector.broadcast %mul3A_760 : i32 to vector<16xi32>
      %mul3A_762 = arith.muli %and3A_759, %mul3A_761 : vector<16xi32>
      %get3A_763 = arith.index_cast %add3A_682 : i32 to index
      %get3A_764 = arith.constant 96 : index
      %get3A_765 = tpu.vector_load %arg6[%get3A_763, %get3A_764] {strides = array<i32>} : memref<200x128xi32, #tpu.memory_space<vmem>>, vector<16xi32>,
      %add3A_766 = arith.constant 96 : i32
      %add3A_767 = vector.broadcast %add3A_766 : i32 to vector<16xi32>
      %add3A_768 = arith.addi %iota3A, %add3A_767 : vector<16xi32>
      %and3A_769 = arith.constant 1 : i32
      %and3A_770 = vector.broadcast %and3A_769 : i32 to vector<16xi32>
      %and3A_771 = arith.andi %get3A_765, %and3A_770 : vector<16xi32>
      %mul3A_772 = arith.constant 64 : i32
      %mul3A_773 = vector.broadcast %mul3A_772 : i32 to vector<16xi32>
      %mul3A_774 = arith.muli %and3A_771, %mul3A_773 : vector<16xi32>
      %get3A_775 = arith.index_cast %add3A_682 : i32 to index
      %get3A_776 = arith.constant 112 : index
      %get3A_777 = tpu.vector_load %arg6[%get3A_775, %get3A_776] {strides = array<i32>} : memref<200x128xi32, #tpu.memory_space<vmem>>, vector<16xi32>,
      %add3A_778 = arith.constant 112 : i32
      %add3A_779 = vector.broadcast %add3A_778 : i32 to vector<16xi32>
      %add3A_780 = arith.addi %iota3A, %add3A_779 : vector<16xi32>
      %and3A_781 = arith.constant 1 : i32
      %and3A_782 = vector.broadcast %and3A_781 : i32 to vector<16xi32>
      %and3A_783 = arith.andi %get3A_777, %and3A_782 : vector<16xi32>
      %mul3A_784 = arith.constant 64 : i32
      %mul3A_785 = vector.broadcast %mul3A_784 : i32 to vector<16xi32>
      %mul3A_786 = arith.muli %and3A_783, %mul3A_785 : vector<16xi32>
      %parallel_loop3A_787 = arith.constant 0 : i32
      %parallel_loop3A_788 = arith.constant 64 : i32
      %parallel_loop3A_789 = arith.constant 1 : i32
      scf.for %parallel_loop3A_803 = %parallel_loop3A_787 to %parallel_loop3A_788 step %parallel_loop3A_789  : i32 {
        %parallel_loop3A_804 = arith.constant 64 : i32
        %parallel_loop3A_805 = arith.muli %add3A_682, %parallel_loop3A_804 : i32
        %parallel_loop3A_806 = arith.addi %parallel_loop3A_805, %parallel_loop3A_803 : i32
        %parallel_loop3A_807 = vector.broadcast %parallel_loop3A_806 : i32 to vector<16xi32>
        %parallel_loop3A_808 = arith.addi %broadcast_in_dim3A_3, %parallel_loop3A_807 : vector<16xi32>
        %parallel_loop3A_809 = tpu.vector_load_idx %arg17[%parallel_loop3A_808] : memref<12800xf32, #tpu.memory_space<vmem>>[vector<16xi32>], vector<16xf32>,
        %parallel_loop3A_810 = vector.broadcast %parallel_loop3A_803 : i32 to vector<16xi32>
        %parallel_loop3A_811 = arith.addi %mul3A_702, %parallel_loop3A_810 : vector<16xi32>
        %parallel_loop3A_812 = tpu.vector_load_idx %arg14[%add3A_696, %parallel_loop3A_811] : memref<128x128xf32, #tpu.memory_space<vmem>>[vector<16xi32>, vector<16xi32>], vector<16xf32>,
        %parallel_loop3A_813 = arith.constant 8.000000e+00 : f32
        %parallel_loop3A_814 = vector.broadcast %parallel_loop3A_813 : f32 to vector<16xf32>
        %parallel_loop3A_815 = arith.mulf %parallel_loop3A_812, %parallel_loop3A_814 : vector<16xf32>
        %parallel_loop3A_816 = arith.addf %parallel_loop3A_815, %parallel_loop3A_809 : vector<16xf32>
        %parallel_loop3A_817 = arith.index_cast %parallel_loop3A_803 : i32 to index
        %parallel_loop3A_818 = arith.constant 0 : index
        %parallel_loop3A_819 = tpu.vector_load %arg16[%parallel_loop3A_817, %parallel_loop3A_818] {strides = array<i32>} : memref<64x128xf32, #tpu.memory_space<vmem>>, vector<16xf32>,
        tpu.vector_store %arg16[%parallel_loop3A_817, %parallel_loop3A_818], %parallel_loop3A_816 {strides = array<i32>} : memref<64x128xf32, #tpu.memory_space<vmem>>, vector<16xf32>,
        %parallel_loop3A_820 = vector.broadcast %parallel_loop3A_803 : i32 to vector<16xi32>
        %parallel_loop3A_821 = arith.addi %mul3A_714, %parallel_loop3A_820 : vector<16xi32>
        %parallel_loop3A_822 = tpu.vector_load_idx %arg14[%add3A_708, %parallel_loop3A_821] : memref<128x128xf32, #tpu.memory_space<vmem>>[vector<16xi32>, vector<16xi32>], vector<16xf32>,
        %parallel_loop3A_823 = arith.constant 8.000000e+00 : f32
        %parallel_loop3A_824 = vector.broadcast %parallel_loop3A_823 : f32 to vector<16xf32>
        %parallel_loop3A_825 = arith.mulf %parallel_loop3A_822, %parallel_loop3A_824 : vector<16xf32>
        %parallel_loop3A_826 = arith.addf %parallel_loop3A_825, %parallel_loop3A_809 : vector<16xf32>
        %parallel_loop3A_827 = arith.index_cast %parallel_loop3A_803 : i32 to index
        %parallel_loop3A_828 = arith.constant 16 : index
        %parallel_loop3A_829 = tpu.vector_load %arg16[%parallel_loop3A_827, %parallel_loop3A_828] {strides = array<i32>} : memref<64x128xf32, #tpu.memory_space<vmem>>, vector<16xf32>,
        tpu.vector_store %arg16[%parallel_loop3A_827, %parallel_loop3A_828], %parallel_loop3A_826 {strides = array<i32>} : memref<64x128xf32, #tpu.memory_space<vmem>>, vector<16xf32>,
        %parallel_loop3A_830 = vector.broadcast %parallel_loop3A_803 : i32 to vector<16xi32>
        %parallel_loop3A_831 = arith.addi %mul3A_726, %parallel_loop3A_830 : vector<16xi32>
        %parallel_loop3A_832 = tpu.vector_load_idx %arg14[%add3A_720, %parallel_loop3A_831] : memref<128x128xf32, #tpu.memory_space<vmem>>[vector<16xi32>, vector<16xi32>], vector<16xf32>,
        %parallel_loop3A_833 = arith.constant 8.000000e+00 : f32
        %parallel_loop3A_834 = vector.broadcast %parallel_loop3A_833 : f32 to vector<16xf32>
        %parallel_loop3A_835 = arith.mulf %parallel_loop3A_832, %parallel_loop3A_834 : vector<16xf32>
        %parallel_loop3A_836 = arith.addf %parallel_loop3A_835, %parallel_loop3A_809 : vector<16xf32>
        %parallel_loop3A_837 = arith.index_cast %parallel_loop3A_803 : i32 to index
        %parallel_loop3A_838 = arith.constant 32 : index
        %parallel_loop3A_839 = tpu.vector_load %arg16[%parallel_loop3A_837, %parallel_loop3A_838] {strides = array<i32>} : memref<64x128xf32, #tpu.memory_space<vmem>>, vector<16xf32>,
        tpu.vector_store %arg16[%parallel_loop3A_837, %parallel_loop3A_838], %parallel_loop3A_836 {strides = array<i32>} : memref<64x128xf32, #tpu.memory_space<vmem>>, vector<16xf32>,
        %parallel_loop3A_840 = vector.broadcast %parallel_loop3A_803 : i32 to vector<16xi32>
        %parallel_loop3A_841 = arith.addi %mul3A_738, %parallel_loop3A_840 : vector<16xi32>
        %parallel_loop3A_842 = tpu.vector_load_idx %arg14[%add3A_732, %parallel_loop3A_841] : memref<128x128xf32, #tpu.memory_space<vmem>>[vector<16xi32>, vector<16xi32>], vector<16xf32>,
        %parallel_loop3A_843 = arith.constant 8.000000e+00 : f32
        %parallel_loop3A_844 = vector.broadcast %parallel_loop3A_843 : f32 to vector<16xf32>
        %parallel_loop3A_845 = arith.mulf %parallel_loop3A_842, %parallel_loop3A_844 : vector<16xf32>
        %parallel_loop3A_846 = arith.addf %parallel_loop3A_845, %parallel_loop3A_809 : vector<16xf32>
        %parallel_loop3A_847 = arith.index_cast %parallel_loop3A_803 : i32 to index
        %parallel_loop3A_848 = arith.constant 48 : index
        %parallel_loop3A_849 = tpu.vector_load %arg16[%parallel_loop3A_847, %parallel_loop3A_848] {strides = array<i32>} : memref<64x128xf32, #tpu.memory_space<vmem>>, vector<16xf32>,
        tpu.vector_store %arg16[%parallel_loop3A_847, %parallel_loop3A_848], %parallel_loop3A_846 {strides = array<i32>} : memref<64x128xf32, #tpu.memory_space<vmem>>, vector<16xf32>,
        %parallel_loop3A_850 = vector.broadcast %parallel_loop3A_803 : i32 to vector<16xi32>
        %parallel_loop3A_851 = arith.addi %mul3A_750, %parallel_loop3A_850 : vector<16xi32>
        %parallel_loop3A_852 = tpu.vector_load_idx %arg14[%add3A_744, %parallel_loop3A_851] : memref<128x128xf32, #tpu.memory_space<vmem>>[vector<16xi32>, vector<16xi32>], vector<16xf32>,
        %parallel_loop3A_853 = arith.constant 8.000000e+00 : f32
        %parallel_loop3A_854 = vector.broadcast %parallel_loop3A_853 : f32 to vector<16xf32>
        %parallel_loop3A_855 = arith.mulf %parallel_loop3A_852, %parallel_loop3A_854 : vector<16xf32>
        %parallel_loop3A_856 = arith.addf %parallel_loop3A_855, %parallel_loop3A_809 : vector<16xf32>
        %parallel_loop3A_857 = arith.index_cast %parallel_loop3A_803 : i32 to index
        %parallel_loop3A_858 = arith.constant 64 : index
        %parallel_loop3A_859 = tpu.vector_load %arg16[%parallel_loop3A_857, %parallel_loop3A_858] {strides = array<i32>} : memref<64x128xf32, #tpu.memory_space<vmem>>, vector<16xf32>,
        tpu.vector_store %arg16[%parallel_loop3A_857, %parallel_loop3A_858], %parallel_loop3A_856 {strides = array<i32>} : memref<64x128xf32, #tpu.memory_space<vmem>>, vector<16xf32>,
        %parallel_loop3A_860 = vector.broadcast %parallel_loop3A_803 : i32 to vector<16xi32>
        %parallel_loop3A_861 = arith.addi %mul3A_762, %parallel_loop3A_860 : vector<16xi32>
        %parallel_loop3A_862 = tpu.vector_load_idx %arg14[%add3A_756, %parallel_loop3A_861] : memref<128x128xf32, #tpu.memory_space<vmem>>[vector<16xi32>, vector<16xi32>], vector<16xf32>,
        %parallel_loop3A_863 = arith.constant 8.000000e+00 : f32
        %parallel_loop3A_864 = vector.broadcast %parallel_loop3A_863 : f32 to vector<16xf32>
        %parallel_loop3A_865 = arith.mulf %parallel_loop3A_862, %parallel_loop3A_864 : vector<16xf32>
        %parallel_loop3A_866 = arith.addf %parallel_loop3A_865, %parallel_loop3A_809 : vector<16xf32>
        %parallel_loop3A_867 = arith.index_cast %parallel_loop3A_803 : i32 to index
        %parallel_loop3A_868 = arith.constant 80 : index
        %parallel_loop3A_869 = tpu.vector_load %arg16[%parallel_loop3A_867, %parallel_loop3A_868] {strides = array<i32>} : memref<64x128xf32, #tpu.memory_space<vmem>>, vector<16xf32>,
        tpu.vector_store %arg16[%parallel_loop3A_867, %parallel_loop3A_868], %parallel_loop3A_866 {strides = array<i32>} : memref<64x128xf32, #tpu.memory_space<vmem>>, vector<16xf32>,
        %parallel_loop3A_870 = vector.broadcast %parallel_loop3A_803 : i32 to vector<16xi32>
        %parallel_loop3A_871 = arith.addi %mul3A_774, %parallel_loop3A_870 : vector<16xi32>
        %parallel_loop3A_872 = tpu.vector_load_idx %arg14[%add3A_768, %parallel_loop3A_871] : memref<128x128xf32, #tpu.memory_space<vmem>>[vector<16xi32>, vector<16xi32>], vector<16xf32>,
        %parallel_loop3A_873 = arith.constant 8.000000e+00 : f32
        %parallel_loop3A_874 = vector.broadcast %parallel_loop3A_873 : f32 to vector<16xf32>
        %parallel_loop3A_875 = arith.mulf %parallel_loop3A_872, %parallel_loop3A_874 : vector<16xf32>
        %parallel_loop3A_876 = arith.addf %parallel_loop3A_875, %parallel_loop3A_809 : vector<16xf32>
        %parallel_loop3A_877 = arith.index_cast %parallel_loop3A_803 : i32 to index
        %parallel_loop3A_878 = arith.constant 96 : index
        %parallel_loop3A_879 = tpu.vector_load %arg16[%parallel_loop3A_877, %parallel_loop3A_878] {strides = array<i32>} : memref<64x128xf32, #tpu.memory_space<vmem>>, vector<16xf32>,
        tpu.vector_store %arg16[%parallel_loop3A_877, %parallel_loop3A_878], %parallel_loop3A_876 {strides = array<i32>} : memref<64x128xf32, #tpu.memory_space<vmem>>, vector<16xf32>,
        %parallel_loop3A_880 = vector.broadcast %parallel_loop3A_803 : i32 to vector<16xi32>
        %parallel_loop3A_881 = arith.addi %mul3A_786, %parallel_loop3A_880 : vector<16xi32>
        %parallel_loop3A_882 = tpu.vector_load_idx %arg14[%add3A_780, %parallel_loop3A_881] : memref<128x128xf32, #tpu.memory_space<vmem>>[vector<16xi32>, vector<16xi32>], vector<16xf32>,
        %parallel_loop3A_883 = arith.constant 8.000000e+00 : f32
        %parallel_loop3A_884 = vector.broadcast %parallel_loop3A_883 : f32 to vector<16xf32>
        %parallel_loop3A_885 = arith.mulf %parallel_loop3A_882, %parallel_loop3A_884 : vector<16xf32>
        %parallel_loop3A_886 = arith.addf %parallel_loop3A_885, %parallel_loop3A_809 : vector<16xf32>
        %parallel_loop3A_887 = arith.index_cast %parallel_loop3A_803 : i32 to index
        %parallel_loop3A_888 = arith.constant 112 : index
        %parallel_loop3A_889 = tpu.vector_load %arg16[%parallel_loop3A_887, %parallel_loop3A_888] {strides = array<i32>} : memref<64x128xf32, #tpu.memory_space<vmem>>, vector<16xf32>,
        tpu.vector_store %arg16[%parallel_loop3A_887, %parallel_loop3A_888], %parallel_loop3A_886 {strides = array<i32>} : memref<64x128xf32, #tpu.memory_space<vmem>>, vector<16xf32>,
      } {sc.loop_unroll_factor = 8 : i64, sc.parallel_access}
      %dma_start3A_790 = arith.constant 0 : i32
      %dma_start3A_791 = tpu.memref_slice %arg5[%add3A_682, %dma_start3A_790, %mul3A_2] : memref<200x64x4096xf32, #tpu.memory_space<hbm>> -> memref<1x64x128xf32, #tpu.memory_space<hbm>>
      %dma_start3A_792 = tpu.memref_squeeze %dma_start3A_791 : memref<1x64x128xf32, #tpu.memory_space<hbm>> -> memref<64x128xf32, #tpu.memory_space<hbm>>
      %dma_start3A_793 = arith.constant 0 : i32
      %dma_start3A_794 = tpu.memref_slice %arg5[%add3A_682, %dma_start3A_793, %mul3A_2] : memref<200x64x4096xf32, #tpu.memory_space<hbm>> -> memref<1x64x128xf32, #tpu.memory_space<hbm>>
      %dma_start3A_795 = tpu.memref_squeeze %dma_start3A_794 : memref<1x64x128xf32, #tpu.memory_space<hbm>> -> memref<64x128xf32, #tpu.memory_space<hbm>>
      tpu.enqueue_dma source(%arg16 : memref<64x128xf32, #tpu.memory_space<vmem>>) target(%dma_start3A_795 : memref<64x128xf32, #tpu.memory_space<hbm>>) target_semaphore(%arg23 : memref<!tpu.dma_semaphore, #tpu.memory_space<semaphore_mem>>)
      %add3A_796 = arith.constant 4 : i32
      %add3A_797 = arith.addi %add3A_682, %add3A_796 : i32
      %lt3A_798 = arith.constant 200 : i32
      %lt3A_799 = arith.cmpi slt, %add3A_797, %lt3A_798 : i32
      %convert_element_type3A_800 = arith.extui %lt3A_799 : i1 to i32
      %cond3A_801 = arith.constant 0 : i32
      %cond3A_802 = arith.cmpi ne, %convert_element_type3A_800, %cond3A_801 : i32
      scf.if %cond3A_802 {
        %add3A_803 = arith.constant 4 : i32
        %add3A_804 = arith.addi %add3A_682, %add3A_803 : i32
        %get3A_805 = arith.index_cast %add3A_804 : i32 to index
        %get3A_806 = arith.constant 0 : index
        %get3A_807 = tpu.vector_load %arg6[%get3A_805, %get3A_806] {strides = array<i32>} : memref<200x128xi32, #tpu.memory_space<vmem>>, vector<16xi32>,
        %shift_right_logical3A_808 = arith.constant 1 : i32
        %shift_right_logical3A_809 = vector.broadcast %shift_right_logical3A_808 : i32 to vector<16xi32>
        %shift_right_logical3A_810 = arith.shrui %get3A_807, %shift_right_logical3A_809 : vector<16xi32>
        %swap3A_811 = arith.constant 0 : index
        %swap3A_812 = tpu.vector_load %arg10[%swap3A_811] {strides = array<i32>} : memref<128xi32, #tpu.memory_space<vmem>>, vector<16xi32>,
        tpu.vector_store %arg10[%swap3A_811], %shift_right_logical3A_810 {strides = array<i32>} : memref<128xi32, #tpu.memory_space<vmem>>, vector<16xi32>,
        %get3A_813 = arith.index_cast %add3A_804 : i32 to index
        %get3A_814 = arith.constant 16 : index
        %get3A_815 = tpu.vector_load %arg6[%get3A_813, %get3A_814] {strides = array<i32>} : memref<200x128xi32, #tpu.memory_space<vmem>>, vector<16xi32>,
        %shift_right_logical3A_816 = arith.constant 1 : i32
        %shift_right_logical3A_817 = vector.broadcast %shift_right_logical3A_816 : i32 to vector<16xi32>
        %shift_right_logical3A_818 = arith.shrui %get3A_815, %shift_right_logical3A_817 : vector<16xi32>
        %swap3A_819 = arith.constant 16 : index
        %swap3A_820 = tpu.vector_load %arg10[%swap3A_819] {strides = array<i32>} : memref<128xi32, #tpu.memory_space<vmem>>, vector<16xi32>,
        tpu.vector_store %arg10[%swap3A_819], %shift_right_logical3A_818 {strides = array<i32>} : memref<128xi32, #tpu.memory_space<vmem>>, vector<16xi32>,
        %get3A_821 = arith.index_cast %add3A_804 : i32 to index
        %get3A_822 = arith.constant 32 : index
        %get3A_823 = tpu.vector_load %arg6[%get3A_821, %get3A_822] {strides = array<i32>} : memref<200x128xi32, #tpu.memory_space<vmem>>, vector<16xi32>,
        %shift_right_logical3A_824 = arith.constant 1 : i32
        %shift_right_logical3A_825 = vector.broadcast %shift_right_logical3A_824 : i32 to vector<16xi32>
        %shift_right_logical3A_826 = arith.shrui %get3A_823, %shift_right_logical3A_825 : vector<16xi32>
        %swap3A_827 = arith.constant 32 : index
        %swap3A_828 = tpu.vector_load %arg10[%swap3A_827] {strides = array<i32>} : memref<128xi32, #tpu.memory_space<vmem>>, vector<16xi32>,
        tpu.vector_store %arg10[%swap3A_827], %shift_right_logical3A_826 {strides = array<i32>} : memref<128xi32, #tpu.memory_space<vmem>>, vector<16xi32>,
        %get3A_829 = arith.index_cast %add3A_804 : i32 to index
        %get3A_830 = arith.constant 48 : index
        %get3A_831 = tpu.vector_load %arg6[%get3A_829, %get3A_830] {strides = array<i32>} : memref<200x128xi32, #tpu.memory_space<vmem>>, vector<16xi32>,
        %shift_right_logical3A_832 = arith.constant 1 : i32
        %shift_right_logical3A_833 = vector.broadcast %shift_right_logical3A_832 : i32 to vector<16xi32>
        %shift_right_logical3A_834 = arith.shrui %get3A_831, %shift_right_logical3A_833 : vector<16xi32>
        %swap3A_835 = arith.constant 48 : index
        %swap3A_836 = tpu.vector_load %arg10[%swap3A_835] {strides = array<i32>} : memref<128xi32, #tpu.memory_space<vmem>>, vector<16xi32>,
        tpu.vector_store %arg10[%swap3A_835], %shift_right_logical3A_834 {strides = array<i32>} : memref<128xi32, #tpu.memory_space<vmem>>, vector<16xi32>,
        %get3A_837 = arith.index_cast %add3A_804 : i32 to index
        %get3A_838 = arith.constant 64 : index
        %get3A_839 = tpu.vector_load %arg6[%get3A_837, %get3A_838] {strides = array<i32>} : memref<200x128xi32, #tpu.memory_space<vmem>>, vector<16xi32>,
        %shift_right_logical3A_840 = arith.constant 1 : i32
        %shift_right_logical3A_841 = vector.broadcast %shift_right_logical3A_840 : i32 to vector<16xi32>
        %shift_right_logical3A_842 = arith.shrui %get3A_839, %shift_right_logical3A_841 : vector<16xi32>
        %swap3A_843 = arith.constant 64 : index
        %swap3A_844 = tpu.vector_load %arg10[%swap3A_843] {strides = array<i32>} : memref<128xi32, #tpu.memory_space<vmem>>, vector<16xi32>,
        tpu.vector_store %arg10[%swap3A_843], %shift_right_logical3A_842 {strides = array<i32>} : memref<128xi32, #tpu.memory_space<vmem>>, vector<16xi32>,
        %get3A_845 = arith.index_cast %add3A_804 : i32 to index
        %get3A_846 = arith.constant 80 : index
        %get3A_847 = tpu.vector_load %arg6[%get3A_845, %get3A_846] {strides = array<i32>} : memref<200x128xi32, #tpu.memory_space<vmem>>, vector<16xi32>,
        %shift_right_logical3A_848 = arith.constant 1 : i32
        %shift_right_logical3A_849 = vector.broadcast %shift_right_logical3A_848 : i32 to vector<16xi32>
        %shift_right_logical3A_850 = arith.shrui %get3A_847, %shift_right_logical3A_849 : vector<16xi32>
        %swap3A_851 = arith.constant 80 : index
        %swap3A_852 = tpu.vector_load %arg10[%swap3A_851] {strides = array<i32>} : memref<128xi32, #tpu.memory_space<vmem>>, vector<16xi32>,
        tpu.vector_store %arg10[%swap3A_851], %shift_right_logical3A_850 {strides = array<i32>} : memref<128xi32, #tpu.memory_space<vmem>>, vector<16xi32>,
        %get3A_853 = arith.index_cast %add3A_804 : i32 to index
        %get3A_854 = arith.constant 96 : index
        %get3A_855 = tpu.vector_load %arg6[%get3A_853, %get3A_854] {strides = array<i32>} : memref<200x128xi32, #tpu.memory_space<vmem>>, vector<16xi32>,
        %shift_right_logical3A_856 = arith.constant 1 : i32
        %shift_right_logical3A_857 = vector.broadcast %shift_right_logical3A_856 : i32 to vector<16xi32>
        %shift_right_logical3A_858 = arith.shrui %get3A_855, %shift_right_logical3A_857 : vector<16xi32>
        %swap3A_859 = arith.constant 96 : index
        %swap3A_860 = tpu.vector_load %arg10[%swap3A_859] {strides = array<i32>} : memref<128xi32, #tpu.memory_space<vmem>>, vector<16xi32>,
        tpu.vector_store %arg10[%swap3A_859], %shift_right_logical3A_858 {strides = array<i32>} : memref<128xi32, #tpu.memory_space<vmem>>, vector<16xi32>,
        %get3A_861 = arith.index_cast %add3A_804 : i32 to index
        %get3A_862 = arith.constant 112 : index
        %get3A_863 = tpu.vector_load %arg6[%get3A_861, %get3A_862] {strides = array<i32>} : memref<200x128xi32, #tpu.memory_space<vmem>>, vector<16xi32>,
        %shift_right_logical3A_864 = arith.constant 1 : i32
        %shift_right_logical3A_865 = vector.broadcast %shift_right_logical3A_864 : i32 to vector<16xi32>
        %shift_right_logical3A_866 = arith.shrui %get3A_863, %shift_right_logical3A_865 : vector<16xi32>
        %swap3A_867 = arith.constant 112 : index
        %swap3A_868 = tpu.vector_load %arg10[%swap3A_867] {strides = array<i32>} : memref<128xi32, #tpu.memory_space<vmem>>, vector<16xi32>,
        tpu.vector_store %arg10[%swap3A_867], %shift_right_logical3A_866 {strides = array<i32>} : memref<128xi32, #tpu.memory_space<vmem>>, vector<16xi32>,
        %dma_start3A_869 = arith.constant 0 : i32
        %dma_start3A_870 = arith.constant 0 : i32
        %dma_start3A_871 = tpu.memref_slice %arg3[%dma_start3A_869, %dma_start3A_870] : memref<500000x128xf32, #tpu.memory_space<hbm>> -> memref<500000x128xf32, #tpu.memory_space<hbm>>
        tpu.enqueue_indirect_dma source(%dma_start3A_871 : memref<500000x128xf32, #tpu.memory_space<hbm>>) target(%arg14 : memref<128x128xf32, #tpu.memory_space<vmem>>) offsets(%arg10 : memref<128xi32, #tpu.memory_space<vmem>>) semaphore(%arg21 : memref<!tpu.dma_semaphore, #tpu.memory_space<semaphore_mem>>)
      } else {
      }
    }
    %scan3A_304 = arith.constant 50 : i32
    %dma_wait3A = arith.constant 198 : i32
    %dma_wait3A_305 = arith.constant 0 : i32
    %dma_wait3A_306 = tpu.memref_slice %arg5[%dma_wait3A, %dma_wait3A_305, %mul3A_2] : memref<200x64x4096xf32, #tpu.memory_space<hbm>> -> memref<1x64x128xf32, #tpu.memory_space<hbm>>
    %dma_wait3A_307 = tpu.memref_squeeze %dma_wait3A_306 : memref<1x64x128xf32, #tpu.memory_space<hbm>> -> memref<64x128xf32, #tpu.memory_space<hbm>>
    %dma_wait3A_308 = arith.constant 0 : i32
    %dma_wait3A_309 = tpu.memref_slice %arg5[%dma_wait3A, %dma_wait3A_308, %mul3A_2] : memref<200x64x4096xf32, #tpu.memory_space<hbm>> -> memref<1x64x128xf32, #tpu.memory_space<hbm>>
    %dma_wait3A_310 = tpu.memref_squeeze %dma_wait3A_309 : memref<1x64x128xf32, #tpu.memory_space<hbm>> -> memref<64x128xf32, #tpu.memory_space<hbm>>
    tpu.wait_dma2 semaphore(%arg22 : memref<!tpu.dma_semaphore, #tpu.memory_space<semaphore_mem>>) src(%arg15 : memref<64x128xf32, #tpu.memory_space<vmem>>) dst(%dma_wait3A_310 : memref<64x128xf32, #tpu.memory_space<hbm>>)
    %dma_wait3A_311 = arith.constant 199 : i32
    %dma_wait3A_312 = arith.constant 0 : i32
    %dma_wait3A_313 = tpu.memref_slice %arg5[%dma_wait3A_311, %dma_wait3A_312, %mul3A_2] : memref<200x64x4096xf32, #tpu.memory_space<hbm>> -> memref<1x64x128xf32, #tpu.memory_space<hbm>>
    %dma_wait3A_314 = tpu.memref_squeeze %dma_wait3A_313 : memref<1x64x128xf32, #tpu.memory_space<hbm>> -> memref<64x128xf32, #tpu.memory_space<hbm>>
    %dma_wait3A_315 = arith.constant 0 : i32
    %dma_wait3A_316 = tpu.memref_slice %arg5[%dma_wait3A_311, %dma_wait3A_315, %mul3A_2] : memref<200x64x4096xf32, #tpu.memory_space<hbm>> -> memref<1x64x128xf32, #tpu.memory_space<hbm>>
    %dma_wait3A_317 = tpu.memref_squeeze %dma_wait3A_316 : memref<1x64x128xf32, #tpu.memory_space<hbm>> -> memref<64x128xf32, #tpu.memory_space<hbm>>
    tpu.wait_dma2 semaphore(%arg23 : memref<!tpu.dma_semaphore, #tpu.memory_space<semaphore_mem>>) src(%arg16 : memref<64x128xf32, #tpu.memory_space<vmem>>) dst(%dma_wait3A_317 : memref<64x128xf32, #tpu.memory_space<hbm>>)
    return
  }
}

</mosaic_0001>

<sc_bundles>
// kernel: kernel.3.cloned.1.call-start
scs
__scs_entry_jumppad:
0x0: {  	(pc) =	sbr.rel $0x88, $3  }
0x1: {  	(tag) =	ssettag $0x0;
	lr =	simm.s32 $0x1  }
0x2: {  	[smem:$0x3F9E] =	sst lr;
	_ =	strace $0xD0000000  }
0x3: {  	_ = 	snop  }
0x4: {  	_ = 	snop  }
0x5: {  	_ = 	snop  }
0x6: {  	_ = 	snop  }
0x7: {  	_ = 	snop  }
__scs_overlays_trampoline_lowered:
0x8: {  	[smem:$0x3FAD] =	sst s0  }
0x9: {  	[smem:$0x3FAE] =	sst s1  }
0xa: {  	[smem:$0x3FAF] =	sst s2  }
0xb: {  	[smem:$0x3FB0] =	sst s3  }
0xc: {  	[smem:$0x3FB1] =	sst s4  }
0xd: {  	[smem:$0x3FB2] =	sst s5  }
0xe: {  	[smem:$0x3FB3] =	sst s6  }
0xf: {  	[smem:$0x3FB4] =	sst s7  }
0x10: {  	[smem:$0x3FB5] =	sst s8  }
0x11: {  	[smem:$0x3FB6] =	sst s9;
	s0 =	simm.s32 @!p0 $0x0  }
0x12: {  	s1 =	sld [smem:$0x3F9C];
	s0 =	simm.s32 @p0 $0x1  }
0x13: {  	[smem:$0x3FB7] =	sst s0;
	s0 =	simm.s32 @!p1 $0x0  }
0x14: {  	s2 =	sld [smem:$0x3F9B];
	s0 =	simm.s32 @p1 $0x1  }
0x15: {  	[smem:$0x3FB8] =	sst s0;
	s0 =	simm.s32 @!p2 $0x0  }
0x16: {  	s3 =	sld [smem:$0x3FDB];
	s0 =	simm.s32 @p2 $0x1  }
0x17: {  	s4 =	simm.s32 $0x1BF5;
	[smem:$0x3FBA] =	sst s0  }
0x18: {  	s0 =	sld [smem:$0x3F9D];
	_ =	swait.ge [sflag:s4], $0x0  }
0x19: {  	s7 =	sld [smem:$0x3F9E]  }
0x1a: {  	s8 =	sadd.s32 $0xFFFFE003, lr  }
0x1b: {  	s9 =	sadd.s32 $0xFFFFFEF7, lr;
	s5 =	simm.s32 $0xFFFFFFFF;
	p2 =	slt.u32 s8, $0xFFFFF086  }
0x1c: {  	p1 =	slt.u32 s9, $0xF7A;
	s5 =	simm.s32 @!p2 $0x0  }
0x1d: {  	s5 =	simm.s32 @p1 $0x1;
	p0 =	seq.s32 s7, s2  }
0x1e: {  	s7 =	smul.u32 @!p0 $0xF7A, s2;
	p2 =	seq.s32 @!p0 s5, $0x0  }
0x1f: {  	s9 =	smul.u32 $0xF7A, s1;
	s8 =	simm.s32 @!p0 $0x1BF5;
	p2 =	por !p2, p0  }
0x20: {  	[sflag:s8] =	ssyncset.s32 @!p0 $0xFFFFF086;
	s6 =	sadd.s32 @!p0 s3, s7;
	s7 =	simm.s32 @!p0 $0x108  }
0x21: {  	s3 =	sadd.s32 s3, s9;
	s6 =	sadd.s32 @!p0 $0x88, s6;
	s7 =	simm.s32 @p2 $0x1082  }
0x22: {  	[simem:s7], [sflag:s8] =	dma.local @!p0 [hbm:s6], $0xF7A  }
0x23: {  	s9 =	sor.u32 $0xD0000000, s2;
	s6 =	simm.s32 $0x108;
	_ =	swait.ge @!p0 [sflag:s8], $0x0  }
0x24: {  	s3 =	sadd.s32 $0x88, s3;
	s6 =	simm.s32 @!p1 $0x1082;
	[sflag:s4] =	ssyncset.s32 $0xFFFFF086  }
0x25: {  	[simem:s6], [sflag:s4] =	dma.local [hbm:s3], $0xF7A  }
0x26: {  	[smem:$0x3F9E] =	sst s1;
	(tag) =	ssettag s2;
	_ =	strace s9  }
0x27: {  	s1 =	sld [smem:$0x3FAE]  }
0x28: {  	s2 =	sld [smem:$0x3FAF]  }
0x29: {  	s4 =	sld [smem:$0x3FB1]  }
0x2a: {  	p0 =	seq.s32 s5, $0x0;
	s5 =	sld [smem:$0x3FB2]  }
0x2b: {  	s6 =	sld [smem:$0x3FB3]  }
0x2c: {  	s7 =	sld [smem:$0x3FB4]  }
0x2d: {  	s3 =	simm.s32 $0x108;
	s8 =	sld [smem:$0x3FB5]  }
0x2e: {  	s3 =	simm.s32 @!p0 $0x1082;
	s9 =	sld [smem:$0x3FB6]  }
0x2f: {  	lr =	sadd.s32 s0, s3;
	s0 =	sld [smem:$0x3FAD]  }
0x30: {  	s3 =	sld [smem:$0x3FB0]  }
0x31: {  	[smem:$0x3FB9] =	sst s10  }
0x32: {  	s10 =	sld [smem:$0x3FB7];
	_ =	sdelay $0x3  }
0x33: {  	p0 =	seq.s32 s10, $0x1;
	s10 =	sld [smem:$0x3FB9];
	_ =	sdelay $0x3  }
0x34: {  	[smem:$0x3FB9] =	sst s10  }
0x35: {  	s10 =	sld [smem:$0x3FB8];
	_ =	sdelay $0x3  }
0x36: {  	p1 =	seq.s32 s10, $0x1;
	s10 =	sld [smem:$0x3FB9];
	_ =	sdelay $0x3  }
0x37: {  	[smem:$0x3FB9] =	sst s10  }
0x38: {  	s10 =	sld [smem:$0x3FBA]  }
0x39: {  	_ = 	snop;
	(pc) =	sbr.ind lr, $3  }
0x3a: {  	_ = 	snop  }
0x3b: {  	_ = 	snop  }
0x3c: {  	p2 =	seq.s32 s10, $0x1;
	s10 =	sld [smem:$0x3FB9]  }
0x3d: {  	_ =	shalt  }
0x3e: {  	_ =	shalt  }
0x3f: {  	_ =	shalt  }
0x40: {  	_ =	shalt  }
0x41: {  	_ =	shalt  }
0x42: {  	_ =	shalt  }
0x43: {  	_ =	shalt  }
0x44: {  	_ =	shalt  }
0x45: {  	_ =	shalt  }
0x46: {  	_ =	shalt  }
0x47: {  	_ =	shalt  }
0x48: {  	_ =	shalt  }
0x49: {  	_ =	shalt  }
0x4a: {  	_ =	shalt  }
0x4b: {  	_ =	shalt  }
0x4c: {  	_ =	shalt  }
0x4d: {  	_ =	shalt  }
0x4e: {  	_ =	shalt  }
0x4f: {  	_ =	shalt  }
0x50: {  	_ =	shalt  }
0x51: {  	_ =	shalt  }
0x52: {  	_ =	shalt  }
0x53: {  	_ =	shalt  }
0x54: {  	_ =	shalt  }
0x55: {  	_ =	shalt  }
0x56: {  	_ =	shalt  }
0x57: {  	_ =	shalt  }
0x58: {  	_ =	shalt  }
0x59: {  	_ =	shalt  }
0x5a: {  	_ =	shalt  }
0x5b: {  	_ =	shalt  }
0x5c: {  	_ =	shalt  }
0x5d: {  	_ =	shalt  }
0x5e: {  	_ =	shalt  }
0x5f: {  	_ =	shalt  }
0x60: {  	_ =	shalt  }
0x61: {  	_ =	shalt  }
0x62: {  	_ =	shalt  }
0x63: {  	_ =	shalt  }
0x64: {  	_ =	shalt  }
0x65: {  	_ =	shalt  }
0x66: {  	_ =	shalt  }
0x67: {  	_ =	shalt  }
0x68: {  	_ =	shalt  }
0x69: {  	_ =	shalt  }
0x6a: {  	_ =	shalt  }
0x6b: {  	_ =	shalt  }
0x6c: {  	_ =	shalt  }
0x6d: {  	_ =	shalt  }
0x6e: {  	_ =	shalt  }
0x6f: {  	_ =	shalt  }
0x70: {  	_ =	shalt  }
0x71: {  	_ =	shalt  }
0x72: {  	_ =	shalt  }
0x73: {  	_ =	shalt  }
0x74: {  	_ =	shalt  }
0x75: {  	_ =	shalt  }
0x76: {  	_ =	shalt  }
0x77: {  	_ =	shalt  }
0x78: {  	_ =	shalt  }
0x79: {  	_ =	shalt  }
0x7a: {  	_ =	shalt  }
0x7b: {  	_ =	shalt  }
0x7c: {  	_ =	shalt  }
0x7d: {  	_ =	shalt  }
0x7e: {  	_ =	shalt  }
0x7f: {  	_ =	shalt  }
0x80: {  	_ =	shalt  }
0x81: {  	_ =	shalt  }
0x82: {  	_ =	shalt  }
0x83: {  	_ =	shalt  }
0x84: {  	_ =	shalt  }
0x85: {  	_ =	shalt  }
0x86: {  	_ =	shalt  }
0x87: {  	_ =	shalt  }
.Lfunc_end0:
.L_simem_size_0:
called_computation_lowered:
.L_overlay_start_0:
0x88: {  	s2 =	sld [smem:$0x3FD9]  }
0x89: {  	s3 =	sld [smem:$0x3FFE];
	_ =	sdelay $0x1  }
0x8a: {  	s1 =	srdreg.scid  }
0x8b: {  	s0 =	sand.u32 $0x1, s1  }
0x8c: {  	s17 =	sshll.u32 s0, $0xA;
	s2 =	sadd.s32 s3, s2  }
0x8d: {  	s2 =	sadd.s32 s2, s17  }
0x8e: {  	[smem:$0x3FC5] =	sst s2  }
0x8f: {  	_ = 	snop  }
0x90: {  	s2 =	sld [smem:$0x3FC9]  }
0x91: {  	s18 =	sld [smem:$0x3FD0];
	(tm) =	ssettm $0x1  }
0x92: {  	s4 =	sld [smem:$0x3FFB];
	_ =	sdelay $0x3  }
0x93: {  	_ =	strace s4  }
0x94: {  	s4 =	sld [smem:$0x3FFC];
	_ =	sdelay $0x3  }
0x95: {  	_ =	strace s4  }
0x96: {  	s4 =	sld [smem:$0x3FFD];
	_ =	sdelay $0x3  }
0x97: {  	_ =	strace s4  }
0x98: {  	_ =	strace $0x8FFFFFFF  }
0x99: {  	s19 =	sld [smem:$0x3FDB];
	_ =	sdelay $0x1  }
0x9a: {  	s5 =	simm.s32 $_scs_section_size  }
0x9b: {  	s6 =	simm.s32 $_size__tile_overlayer_lowered;
	s7 =	simm.s32 $_tile_overlayer_lowered  }
0x9c: {  	s22 =	simm.s32 $0x1BFF;
	s21 =	sshll.u32 s7, $0x1;
	s4 =	sadd.s32 s5, s19  }
0x9d: {  	s8 =	simm.s32 $0x0;
	s20 =	sshll.u32 s6, $0x1;
	s6 =	sadd.s32 s21, s4  }
0x9e: {  	[timem:s8], [sflag:s22] =	dma.local [hbm:s6], s20  }
0x9f: {  	_ =	swait.ge [sflag:s22], s20  }
0xa0: {  	s5 =	ssub.s32 $0x0, s20;
	[sflag:s22] =	ssyncset.done $0x0  }
0xa1: {  	[sflag:s22] =	ssyncadd.s32 s5;
	_ =	sdelay $0x1  }
0xa2: {  	s23 =	simm.s32 $0x1B8B  }
0xa3: {  	_ =	swait.ge [sflag:s23], $0x1  }
0xa4: {  	[sflag:s23] =	ssyncset.done $0x0  }
0xa5: {  	s25 =	simm.s32 $0x1B8E;
	s24 =	sld [smem:$0x3FFE];
	[sflag:s23] =	ssyncadd.s32 $0xFFFFFFFF  }
0xa6: {  	s26 =	simm.s32 $execute0_lowered;
	[smem:$0x3FD2] =	sst s25  }
0xa7: {  	s6 =	sshll.u32 s26, $0x1;
	_ =	strace $0x80000046;
	[dreg:$0x1] =	wrdreg $0xFFFFFFFF  }
0xa8: {  	s28 =	simm.s32 $_size_execute0_lowered;
	s4 =	sadd.s32 s4, s6;
	[dreg:$0x0] =	wrdreg $0x0  }
0xa9: {  	s6 =	sshll.u32 s28, $0x1;
	[dreg:$0x2] =	wrdreg s4  }
0xaa: {  	[dreg:$0x3] =	wrdreg s6  }
0xab: {  	[dreg:$0x4] =	wrdreg $0xC0  }
0xac: {  	_ =	task [dreg:s8], $0x5FFFF  }
0xad: {  	[dreg:$0x1] =	wrdreg $0xFFFFFFFF  }
0xae: {  	[dreg:$0x0] =	wrdreg $0x60  }
0xaf: {  	[dreg:$0x2] =	wrdreg s2  }
0xb0: {  	[dreg:$0x3] =	wrdreg s24  }
0xb1: {  	[dreg:$0x4] =	wrdreg s18  }
0xb2: {  	[dreg:$0x5] =	wrdreg $0x9  }
0xb3: {  	_ =	task.clear_ibuf [dreg:s8], $0x6FFFF;
	_ =	strace $0x90000046  }
0xb4: {  	s29 =	simm.s32 $0x9;
	_ =	strace $0x80000048  }
0xb5: {  	_ =	swait.ge [sflag:s29], $0x1  }
0xb6: {  	[sflag:s29] =	ssyncadd.s32 $0xFFFFFFFF  }
0xb7: {  	_ =	strace $0x90000048  }
0xb8: {  	_ =	sfence  }
0xb9: {  	s30 =	sld [smem:$0x0];
	_ =	sdelay $0x2  }
0xba: {  	s31 =	sshll.u32 s1, $0xD;
	s1 =	sshrl.u32 s1, $0x2  }
0xbb: {  	s3 =	sand.u32 $0x4000, s31;
	s1 =	sadd.s32 s1, s30  }
0xbc: {  	s0 =	sor.u32 s3, s0;
	s1 =	sshll.u32 s1, $0x11  }
0xbd: {  	s0 =	sor.u32 s1, s0  }
0xbe: {  	s0 =	sadd.s32 $0x8F2B, s0  }
0xbf: {  	[sflag:s0] =	ssyncadd.remote.s32 $0x1  }
0xc0: {  	_ =	sfence.sel $0xFFFF  }
0xc1: {  	[dreg:$0x0] =	wrdreg $0xFFFFFFFF;
	(pc) =	sbr.abs _section_cstart, $3  }
0xc2: {  	[dreg:$0x1] =	wrdreg $0xFFFFFFFF  }
0xc3: {  	_ =	task.clear_ibuf [dreg:s8], $0x2FFFF;
	_ =	strace $0x9FFFFFFF  }
0xc4: {  	(tm) =	ssettm $0x7FFFFFFF  }
0xc5: {  	_ =	shalt  }
tec
execute0_lowered:
.L_overlay_start_1:
0x0: {  	(tag) =	ssettag $0x1  }
0x1: {  	s0 =	rddreg [dreg:$0x0]  }
0x2: {  	s1 =	rddreg [dreg:$0x1];
	s2 =	simm.s32 $0x0;
	s28 =	srdreg.scid  }
0x3: {  	s4 =	stileid.u32;
	s9 =	simm.s32 $0x1A600;
	s15 =	simm.s32 $0x6600  }
0x4: {  	s17 =	simm.s32 $0xA600;
	[smem:$0x7FF] =	sst s2;
	s2 =	sand.u32 $0x1, s28  }
0x5: {  	s4 =	sshll.u32 s4, $0xB;
	s5 =	sadd.s32 $0xF42A00, s1;
	s1 =	sadd.s32 $0x600, s1  }
0x6: {  	v0 =	vlaneseq.u32;
	_ =	strace $0x80000047;
	s3 =	ssub.s32 $0x2, s2;
	s2 =	sshll.u32 s2, $0xA  }
.Ltmp0:
0x7: {  	v0 =	vmul.u32 $0x80, v0;
	[dreg:$0x4] =	wrdreg s5;
	s2 =	sor.u32 s2, s4;
	(pc) =	sbr.rel .LBB2_1-.Ltmp0, $4  }
0x8: {  	s29 =	sshrl.u32 s3, $0x1;
	[dreg:$0x5] =	wrdreg s2;
	s2 =	sshrl.u32 s2, $0x3  }
0x9: {  	[dreg:$0x6] =	wrdreg s1;
	v1 =	vor.u32 $0x800, v0;
	s30 =	ssub.s32 s3, s29;
	s0 =	sadd.s32 s0, s2  }
0xa: {  	s19 =	simm.s32 $0xE600;
	v2 =	vor.u32 $0x1000, v0;
	v3 =	vor.u32 $0x1800, v0;
	v4 =	vor.u32 $0x2000, v0;
	s31 =	smax.u32 s30, $0x1;
	[dreg:$0x7] =	wrdreg s0  }
0xb: {  	s21 =	simm.s32 $0x12600;
	v5 =	vor.u32 $0x2800, v0;
	v6 =	vor.u32 $0x3000, v0;
	v7 =	vor.u32 $0x3800, v0;
	s2 =	simm.s32 $0x0;
	[dreg:$0x8] =	wrdreg s31  }
.LBB2_12:
0xc: {  	s0 =	simm.s32 $0x5  }
0xd: {  	_ =	swait.ge [sflag:s0], $0x2000  }
0xe: {  	[sflag:s0] =	ssyncset.done $0x0  }
0xf: {  	s1 =	simm.s32 $0x6;
	[sflag:s0] =	ssyncadd.s32 $0xFFFFE000  }
0x10: {  	_ =	swait.ge [sflag:s1], $0x2000  }
0x11: {  	s2 =	rddreg [dreg:$0x9]  }
0x12: {  	s31 =	rddreg [dreg:$0x8];
	s2 =	sadd.s32 $0x1, s2  }
0x13: {  	p0 =	sne.s32 s2, s31  }
.Ltmp1:
0x14: {  	_ = 	snop;
	(pc) =	sbr.rel @!p0 .LBB2_13-.Ltmp1, $3  }
0x15: {  	_ =	sdelay $0x1  }
0x16: {  	[sflag:s1] =	ssyncset.done $0x0  }
0x17: {  	[sflag:s1] =	ssyncadd.s32 $0xFFFFE000  }
.LBB2_1:
0x18: {  	[dreg:$0x9] =	wrdreg s2  }
0x19: {  	s0 =	simm.s32 $0x0;
	s1 =	rddreg [dreg:$0x6];
	s23 =	simm.s32 $0x7  }
0x1a: {  	[tilespmem:s9], [sflag:$0x7] =	stream.linear.gather [hbm4b:s1+s0], $0x3200, $0x38;
	[tilespmem:$0x1D800] =	vst v63  }
0x1b: {  	_ =	swait.ge [sflag:s23], $0x3200  }
0x1c: {  	s3 =	simm.s32 $0x400;
	[sflag:s23] =	ssyncset.done $0x0  }
0x1d: {  	s4 =	simm.s32 $0x8000;
	s24 =	rddreg [dreg:$0x7];
	[sflag:s23] =	ssyncadd.s32 $0xFFFFCE00  }
0x1e: {  	[tilespmem:s0], [sflag:$0x7] =	stream.strided.gather [hbm4b:s24+s3], $0x6400, s4, s3, $0x38;
	[tilespmem:$0x1D800] =	vst v63  }
0x1f: {  	_ =	swait.ge [sflag:s23], $0x6400  }
0x20: {  	[sflag:s23] =	ssyncset.done $0x0  }
0x21: {  	[sflag:s23] =	ssyncadd.s32 $0xFFFF9C00  }
0x22: {  	v8 =	vld [tilespmem:$0x0]  }
0x23: {  	v9 =	vld [tilespmem:$0x10]  }
0x24: {  	v10 =	vld [tilespmem:$0x20]  }
0x25: {  	v11 =	vld [tilespmem:$0x30]  }
0x26: {  	v12 =	vld [tilespmem:$0x40]  }
0x27: {  	v13 =	vld [tilespmem:$0x50];
	v8 =	vshrl.u32 v8, $0x1  }
0x28: {  	v41 =	vld [tilespmem:$0x60];
	[tilespmem:$0x6400] =	vst v8;
	v8 =	vshrl.u32 v9, $0x1  }
0x29: {  	v42 =	vld [tilespmem:$0x70];
	[tilespmem:$0x6410] =	vst v8;
	v8 =	vshrl.u32 v10, $0x1  }
0x2a: {  	[tilespmem:$0x6420] =	vst v8;
	v8 =	vshrl.u32 v11, $0x1  }
0x2b: {  	[tilespmem:$0x6430] =	vst v8;
	v8 =	vshrl.u32 v12, $0x1  }
0x2c: {  	[tilespmem:$0x6440] =	vst v8;
	v8 =	vshrl.u32 v13, $0x1  }
0x2d: {  	[tilespmem:$0x6450] =	vst v8;
	v8 =	vshrl.u32 v41, $0x1  }
0x2e: {  	[tilespmem:$0x6460] =	vst v8;
	v8 =	vshrl.u32 v42, $0x1  }
0x2f: {  	s26 =	simm.s32 $0x80;
	s28 =	simm.s32 $0x6400;
	s25 =	rddreg [dreg:$0x4];
	[tilespmem:$0x6470] =	vst v8  }
0x30: {  	[tilespmem:s15], [sflag:$0x1] =	stream.indirect.gather [hbm4b:s25+s26], $0x80, s28, s26, $0xb8;
	[tilespmem:$0x1D800] =	vst v63  }
0x31: {  	v8 =	vld [tilespmem:$0x80]  }
0x32: {  	v43 =	vld [tilespmem:$0x90]  }
0x33: {  	v44 =	vld [tilespmem:$0xA0]  }
0x34: {  	v45 =	vld [tilespmem:$0xB0]  }
0x35: {  	v46 =	vld [tilespmem:$0xC0]  }
0x36: {  	v47 =	vld [tilespmem:$0xD0];
	v8 =	vshrl.u32 v8, $0x1  }
0x37: {  	v48 =	vld [tilespmem:$0xE0];
	[tilespmem:$0x6480] =	vst v8;
	v8 =	vshrl.u32 v43, $0x1  }
0x38: {  	v49 =	vld [tilespmem:$0xF0];
	[tilespmem:$0x6490] =	vst v8;
	v8 =	vshrl.u32 v44, $0x1  }
0x39: {  	[tilespmem:$0x64A0] =	vst v8;
	v8 =	vshrl.u32 v45, $0x1  }
0x3a: {  	[tilespmem:$0x64B0] =	vst v8;
	v8 =	vshrl.u32 v46, $0x1  }
0x3b: {  	[tilespmem:$0x64C0] =	vst v8;
	v8 =	vshrl.u32 v47, $0x1  }
0x3c: {  	[tilespmem:$0x64D0] =	vst v8;
	v8 =	vshrl.u32 v48, $0x1  }
0x3d: {  	[tilespmem:$0x64E0] =	vst v8;
	v8 =	vshrl.u32 v49, $0x1  }
0x3e: {  	s29 =	simm.s32 $0x6480;
	[tilespmem:$0x64F0] =	vst v8  }
0x3f: {  	[tilespmem:s17], [sflag:$0x2] =	stream.indirect.gather [hbm4b:s25+s26], $0x80, s29, s26, $0xb8;
	[tilespmem:$0x1D800] =	vst v63  }
0x40: {  	v8 =	vld [tilespmem:$0x100]  }
0x41: {  	v50 =	vld [tilespmem:$0x110]  }
0x42: {  	v51 =	vld [tilespmem:$0x120]  }
0x43: {  	v52 =	vld [tilespmem:$0x130]  }
0x44: {  	v53 =	vld [tilespmem:$0x140]  }
0x45: {  	v54 =	vld [tilespmem:$0x150];
	v8 =	vshrl.u32 v8, $0x1  }
0x46: {  	v55 =	vld [tilespmem:$0x160];
	[tilespmem:$0x6500] =	vst v8;
	v8 =	vshrl.u32 v50, $0x1  }
0x47: {  	v56 =	vld [tilespmem:$0x170];
	[tilespmem:$0x6510] =	vst v8;
	v8 =	vshrl.u32 v51, $0x1  }
0x48: {  	[tilespmem:$0x6520] =	vst v8;
	v8 =	vshrl.u32 v52, $0x1  }
0x49: {  	[tilespmem:$0x6530] =	vst v8;
	v8 =	vshrl.u32 v53, $0x1  }
0x4a: {  	[tilespmem:$0x6540] =	vst v8;
	v8 =	vshrl.u32 v54, $0x1  }
0x4b: {  	[tilespmem:$0x6550] =	vst v8;
	v8 =	vshrl.u32 v55, $0x1  }
0x4c: {  	[tilespmem:$0x6560] =	vst v8;
	v8 =	vshrl.u32 v56, $0x1  }
0x4d: {  	s30 =	simm.s32 $0x6500;
	[tilespmem:$0x6570] =	vst v8  }
0x4e: {  	[tilespmem:s19], [sflag:$0x3] =	stream.indirect.gather [hbm4b:s25+s26], $0x80, s30, s26, $0xb8;
	[tilespmem:$0x1D800] =	vst v63  }
0x4f: {  	v8 =	vld [tilespmem:$0x180]  }
0x50: {  	v57 =	vld [tilespmem:$0x190]  }
0x51: {  	v58 =	vld [tilespmem:$0x1A0]  }
0x52: {  	v59 =	vld [tilespmem:$0x1B0]  }
0x53: {  	v60 =	vld [tilespmem:$0x1C0]  }
0x54: {  	v61 =	vld [tilespmem:$0x1D0];
	v8 =	vshrl.u32 v8, $0x1  }
0x55: {  	v62 =	vld [tilespmem:$0x1E0];
	[tilespmem:$0x6580] =	vst v8;
	v8 =	vshrl.u32 v57, $0x1  }
0x56: {  	v63 =	vld [tilespmem:$0x1F0];
	[tilespmem:$0x6590] =	vst v8;
	v8 =	vshrl.u32 v58, $0x1  }
0x57: {  	[tilespmem:$0x65A0] =	vst v8;
	v8 =	vshrl.u32 v59, $0x1  }
0x58: {  	[tilespmem:$0x65B0] =	vst v8;
	v8 =	vshrl.u32 v60, $0x1  }
0x59: {  	[tilespmem:$0x65C0] =	vst v8;
	v8 =	vshrl.u32 v61, $0x1  }
0x5a: {  	[tilespmem:$0x65D0] =	vst v8;
	v8 =	vshrl.u32 v62, $0x1  }
0x5b: {  	[tilespmem:$0x65E0] =	vst v8;
	v8 =	vshrl.u32 v63, $0x1  }
0x5c: {  	s31 =	simm.s32 $0x6580;
	s14 =	simm.s32 $0x0;
	s0 =	simm.s32 $0x0;
	[tilespmem:$0x65F0] =	vst v8  }
0x5d: {  	[tilespmem:s21], [sflag:$0x4] =	stream.indirect.gather [hbm4b:s25+s26], $0x80, s31, s26, $0xb8;
	[tilespmem:$0x1D800] =	vst v63  }
.LBB2_2:
0x5e: {  	s1 =	simm.s32 $0x1  }
0x5f: {  	_ =	swait.ge [sflag:s1], $0x4000  }
0x60: {  	p1 =	seq.s32 s14, $0x0;
	[sflag:s1] =	ssyncset.done $0x0  }
0x61: {  	[sflag:s1] =	ssyncadd.s32 $0xFFFFC000;
	s1 =	simm.s32 @!p1 $0x5  }
0x62: {  	_ =	swait.ge @!p1 [sflag:s1], $0x2000  }
0x63: {  	s3 =	sshll.u32 s14, $0xB;
	[sflag:s1] =	ssyncset.done @!p1 $0x0  }
0x64: {  	s2 =	sshra.s32 s3, $0x2;
	[sflag:s1] =	ssyncadd.s32 @!p1 $0xFFFFE000  }
0x65: {  	v8 =	vld [tilespmem:s2+$0x0];
	_ =	sdelay $0x1  }
0x66: {  	s8 =	sadd.s32 $0x0, s0  }
0x67: {  	s4 =	sadd.s32 $0x1, s8  }
0x68: {  	v25 =	vmov s4  }
0x69: {  	v25 =	vand.u32 $0xFFFFFFF9, v25;
	v8 =	vshll.u32 v8, $0x6  }
0x6a: {  	v25 =	vbroadcast v25, $0x0;
	v12 =	vld [tilespmem:s2+$0x10];
	v8 =	vand.u32 $0x40, v8  }
0x6b: {  	s12 =	simm.s32 $0x0;
	v13 =	vld [tilespmem:s2+$0x20];
	v17 =	vor.u32 v0, v8  }
0x6c: {  	v14 =	vld [tilespmem:s2+$0x30];
	v15 =	vor.u32 s12, v17  }
0x6d: {  	s25 =	simm.s32 $0x1;
	v11 =	vld [tilespmem:s2+$0x40]  }
0x6e: {  	s23 =	simm.s32 $0x2;
	v10 =	vld [tilespmem:s2+$0x50];
	v16 =	vor.u32 s25, v17  }
0x6f: {  	s24 =	simm.s32 $0x3;
	s10 =	sadd.s32 $0x6, s8;
	[dreg:$0xb] =	wrdreg s2;
	v9 =	vld [tilespmem:s2+$0x70];
	v18 =	vor.u32 s23, v17  }
0x70: {  	s5 =	simm.s32 $0x6;
	v21 =	vmov s10;
	v31 =	vld.idx.msk [tilespmem:v25+s9+$0x0], $0xffff;
	v19 =	vor.u32 s24, v17  }
0x71: {  	s1 =	simm.s32 $0x7;
	v22 =	vld.idx.msk [tilespmem:v15+s15+$0x0], $0xffff;
	v15 =	vand.u32 $0xFFFFFFFE, v21;
	v21 =	vor.u32 s5, v17  }
0x72: {  	v8 =	vld [tilespmem:s2+$0x60];
	v23 =	vor.u32 s1, v17;
	v15 =	vbroadcast v15, $0x0  }
0x73: {  	s11 =	simm.s32 $0x4;
	s6 =	sadd.s32 $0x3, s8;
	s20 =	sadd.s32 $0x4, s8;
	v16 =	vld.idx.msk [tilespmem:v16+s15+$0x0], $0xffff  }
0x74: {  	s13 =	sadd.s32 $0x2, s8;
	s18 =	sadd.s32 $0x7, s8;
	v26 =	vmov s6;
	v27 =	vmov s20;
	v20 =	vor.u32 s11, v17;
	v32 =	vld.idx.msk [tilespmem:v18+s15+$0x0], $0xffff  }
0x75: {  	s16 =	simm.s32 $0x5;
	v28 =	vmov s18;
	v27 =	vand.u32 $0xFFFFFFFC, v27;
	v18 =	vmov s13;
	v19 =	vld.idx.msk [tilespmem:v19+s15+$0x0], $0xffff  }
0x76: {  	s22 =	sadd.s32 $0x5, s8;
	v33 =	vbroadcast v27, $0x0;
	v24 =	vor.u32 s16, v17;
	v18 =	vand.u32 $0xFFFFFFFA, v18;
	v21 =	vld.idx.msk [tilespmem:v21+s15+$0x0], $0xffff  }
0x77: {  	v26 =	vand.u32 $0xFFFFFFFB, v26;
	v23 =	vld.idx.msk [tilespmem:v23+s15+$0x0], $0xffff;
	v29 =	vbroadcast v18, $0x0;
	v18 =	vmov s22  }
0x78: {  	v26 =	vbroadcast v26, $0x0;
	v12 =	vshll.u32 v12, $0x6;
	v18 =	vand.u32 $0xFFFFFFFD, v18;
	v27 =	vld.idx.msk [tilespmem:v15+s9+$0x0], $0xffff  }
0x79: {  	v30 =	vmov s8;
	v12 =	vand.u32 $0x40, v12;
	v20 =	vld.idx.msk [tilespmem:v20+s15+$0x0], $0xffff;
	v34 =	vbroadcast v18, $0x0  }
0x7a: {  	v18 =	vld.idx.msk [tilespmem:v28+s9+$0x0], $0xffff;
	v15 =	vor.u32 v1, v12;
	v12 =	vand.u32 $0xFFFFFFF8, v30  }
0x7b: {  	v24 =	vld.idx.msk [tilespmem:v24+s15+$0x0], $0xffff;
	v12 =	vbroadcast v12, $0x0;
	v25 =	vor.u32 s5, v15;
	v21 =	vmul.f32 $8.000000000e+00, v21  }
0x7c: {  	v28 =	vld.idx.msk [tilespmem:v33+s9+$0x0], $0xffff  }
0x7d: {  	v23 =	vmul.f32 $8.000000000e+00, v23;
	v30 =	vld.idx.msk [tilespmem:v29+s9+$0x0], $0xffff;
	v35 =	vor.u32 s1, v15;
	v21 =	vadd.f32 v21, v27  }
0x7e: {  	s10 =	simm.s32 $0x16800;
	v13 =	vshll.u32 v13, $0x6;
	v16 =	vmul.f32 $8.000000000e+00, v16;
	v29 =	vld.idx.msk [tilespmem:v26+s9+$0x0], $0xffff;
	v56 =	vor.u32 s25, v15  }
0x7f: {  	v13 =	vand.u32 $0x40, v13;
	v26 =	vld.idx.msk [tilespmem:v34+s9+$0x0], $0xffff;
	[tilespmem:s10+$0x100] =	vst v21;
	v21 =	vadd.f32 v23, v18  }
0x80: {  	v16 =	vadd.f32 v16, v31;
	v57 =	vor.u32 s23, v15;
	v23 =	vmul.f32 $8.000000000e+00, v32;
	v58 =	vld.idx.msk [tilespmem:v25+s15+$0x0], $0xffff  }
0x81: {  	v13 =	vor.u32 v2, v13;
	v25 =	vld.idx.msk [tilespmem:v12+s9+$0x0], $0xffff;
	v12 =	vmul.f32 $8.000000000e+00, v19;
	v19 =	vor.u32 s24, v15;
	[tilespmem:s10+$0x180] =	vst v21  }
0x82: {  	v20 =	vmul.f32 $8.000000000e+00, v20;
	[tilespmem:s10+$0xFFFFFE80] =	vst v16;
	v16 =	vor.u32 s11, v15;
	v21 =	vadd.f32 v23, v30;
	v23 =	vld.idx.msk [tilespmem:v35+s15+$0x0], $0xffff  }
0x83: {  	v24 =	vmul.f32 $8.000000000e+00, v24;
	v59 =	vor.u32 s16, v15;
	v33 =	vld.idx.msk [tilespmem:v56+s15+$0x0], $0xffff;
	v12 =	vadd.f32 v12, v29  }
0x84: {  	v22 =	vmul.f32 $8.000000000e+00, v22;
	v36 =	vor.u32 s12, v15;
	v20 =	vadd.f32 v20, v28;
	[tilespmem:s10+$0xFFFFFF00] =	vst v21  }
0x85: {  	v60 =	vor.u32 s5, v13;
	v21 =	vadd.f32 v24, v26;
	v24 =	vld.idx.msk [tilespmem:v57+s15+$0x0], $0xffff;
	[tilespmem:s10+$0xFFFFFF80] =	vst v12;
	v12 =	vmul.f32 $8.000000000e+00, v58  }
0x86: {  	v14 =	vshll.u32 v14, $0x6;
	v11 =	vshll.u32 v11, $0x6;
	[tilespmem:s10+$0x0] =	vst v20;
	v22 =	vadd.f32 v22, v25;
	v19 =	vld.idx.msk [tilespmem:v19+s15+$0x0], $0xffff  }
0x87: {  	v16 =	vld.idx.msk [tilespmem:v16+s15+$0x0], $0xffff;
	[tilespmem:s10+$0x80] =	vst v21;
	v21 =	vor.u32 s1, v13;
	v12 =	vadd.f32 v12, v27;
	v20 =	vmul.f32 $8.000000000e+00, v23  }
0x88: {  	v10 =	vshll.u32 v10, $0x6;
	v61 =	vor.u32 s25, v13;
	[tilespmem:s10+$0xFFFFFE00] =	vst v22;
	v22 =	vld.idx.msk [tilespmem:v59+s15+$0x0], $0xffff;
	v23 =	vmul.f32 $8.000000000e+00, v33  }
0x89: {  	v54 =	vshll.u32 v9, $0x6;
	v14 =	vand.u32 $0x40, v14;
	v62 =	vld.idx.msk [tilespmem:v36+s15+$0x0], $0xffff;
	[tilespmem:s10+$0x110] =	vst v12;
	v20 =	vadd.f32 v20, v18  }
0x8a: {  	v63 =	vor.u32 s23, v13;
	v23 =	vadd.f32 v23, v31;
	v24 =	vmul.f32 $8.000000000e+00, v24;
	v32 =	vld.idx.msk [tilespmem:v60+s15+$0x0], $0xffff  }
0x8b: {  	v12 =	vor.u32 v3, v14;
	v14 =	vmul.f32 $8.000000000e+00, v19;
	v19 =	vor.u32 s24, v13;
	[tilespmem:s10+$0x190] =	vst v20  }
0x8c: {  	v16 =	vmul.f32 $8.000000000e+00, v16;
	[tilespmem:s10+$0xFFFFFE90] =	vst v23;
	v23 =	vor.u32 s11, v13;
	v20 =	vld.idx.msk [tilespmem:v21+s15+$0x0], $0xffff;
	v21 =	vadd.f32 v24, v30  }
0x8d: {  	v40 =	vor.u32 s16, v13;
	v24 =	vld.idx.msk [tilespmem:v61+s15+$0x0], $0xffff;
	v14 =	vadd.f32 v14, v29;
	v22 =	vmul.f32 $8.000000000e+00, v22  }
0x8e: {  	v41 =	vor.u32 s12, v13;
	v16 =	vadd.f32 v16, v28;
	v34 =	vmul.f32 $8.000000000e+00, v62;
	[tilespmem:s10+$0xFFFFFF10] =	vst v21  }
0x8f: {  	v42 =	vor.u32 s5, v12;
	[tilespmem:s10+$0xFFFFFF90] =	vst v14;
	v14 =	vadd.f32 v22, v26;
	v21 =	vld.idx.msk [tilespmem:v63+s15+$0x0], $0xffff;
	v22 =	vmul.f32 $8.000000000e+00, v32  }
0x90: {  	v11 =	vand.u32 $0x40, v11;
	v10 =	vand.u32 $0x40, v10;
	[tilespmem:s10+$0x10] =	vst v16;
	v34 =	vadd.f32 v34, v25;
	v19 =	vld.idx.msk [tilespmem:v19+s15+$0x0], $0xffff  }
0x91: {  	v16 =	vld.idx.msk [tilespmem:v23+s15+$0x0], $0xffff;
	[tilespmem:s10+$0x90] =	vst v14;
	v14 =	vadd.f32 v22, v27;
	v20 =	vmul.f32 $8.000000000e+00, v20;
	v22 =	vor.u32 s1, v12  }
0x92: {  	v11 =	vor.u32 v4, v11;
	v43 =	vor.u32 s25, v12;
	[tilespmem:s10+$0xFFFFFE10] =	vst v34;
	v23 =	vld.idx.msk [tilespmem:v40+s15+$0x0], $0xffff;
	v24 =	vmul.f32 $8.000000000e+00, v24  }
0x93: {  	v10 =	vor.u32 v5, v10;
	v49 =	vor.u32 s25, v11;
	v34 =	vld.idx.msk [tilespmem:v41+s15+$0x0], $0xffff;
	[tilespmem:s10+$0x120] =	vst v14;
	v14 =	vadd.f32 v20, v18  }
0x94: {  	v44 =	vor.u32 s23, v12;
	v24 =	vadd.f32 v24, v31;
	v20 =	vld.idx.msk [tilespmem:v42+s15+$0x0], $0xffff;
	v21 =	vmul.f32 $8.000000000e+00, v21  }
0x95: {  	v51 =	vor.u32 s23, v11;
	[tilespmem:s10+$0x1A0] =	vst v14;
	v14 =	vmul.f32 $8.000000000e+00, v19;
	v19 =	vor.u32 s24, v12  }
0x96: {  	[tilespmem:s10+$0xFFFFFEA0] =	vst v24;
	v16 =	vmul.f32 $8.000000000e+00, v16;
	v24 =	vor.u32 s11, v12;
	v22 =	vld.idx.msk [tilespmem:v22+s15+$0x0], $0xffff;
	v21 =	vadd.f32 v21, v30  }
0x97: {  	v45 =	vor.u32 s16, v12;
	v33 =	vld.idx.msk [tilespmem:v43+s15+$0x0], $0xffff;
	v23 =	vmul.f32 $8.000000000e+00, v23;
	v14 =	vadd.f32 v14, v29  }
0x98: {  	v46 =	vor.u32 s12, v12;
	v34 =	vmul.f32 $8.000000000e+00, v34;
	v16 =	vadd.f32 v16, v28;
	[tilespmem:s10+$0xFFFFFF20] =	vst v21  }
0x99: {  	s13 =	simm.s32 $0x9;
	v21 =	vld.idx.msk [tilespmem:v44+s15+$0x0], $0xffff;
	[tilespmem:s10+$0xFFFFFFA0] =	vst v14;
	v14 =	vadd.f32 v23, v26;
	v20 =	vmul.f32 $8.000000000e+00, v20;
	v23 =	vor.u32 s5, v11  }
0x9a: {  	v52 =	vor.u32 s16, v11;
	v60 =	vor.u32 s13, v17;
	v47 =	vadd.f32 v34, v25;
	[tilespmem:s10+$0x20] =	vst v16;
	v19 =	vld.idx.msk [tilespmem:v19+s15+$0x0], $0xffff  }
0x9b: {  	s7 =	simm.s32 $0xC;
	v16 =	vld.idx.msk [tilespmem:v24+s15+$0x0], $0xffff;
	[tilespmem:s10+$0xA0] =	vst v14;
	v14 =	vadd.f32 v20, v27;
	v20 =	vmul.f32 $8.000000000e+00, v22;
	v22 =	vor.u32 s1, v11  }
0x9c: {  	v53 =	vor.u32 s12, v11;
	v61 =	vor.u32 s7, v17;
	[tilespmem:s10+$0xFFFFFE20] =	vst v47;
	v48 =	vmul.f32 $8.000000000e+00, v33;
	v24 =	vld.idx.msk [tilespmem:v45+s15+$0x0], $0xffff  }
0x9d: {  	v37 =	vor.u32 s24, v10;
	v38 =	vor.u32 s12, v10;
	v50 =	vld.idx.msk [tilespmem:v46+s15+$0x0], $0xffff;
	[tilespmem:s10+$0x130] =	vst v14;
	v14 =	vadd.f32 v20, v18  }
0x9e: {  	v8 =	vshll.u32 v8, $0x6;
	v20 =	vld.idx.msk [tilespmem:v23+s15+$0x0], $0xffff;
	v23 =	vadd.f32 v48, v31;
	v21 =	vmul.f32 $8.000000000e+00, v21  }
0x9f: {  	v8 =	vand.u32 $0x40, v8;
	v35 =	vld.idx.msk [tilespmem:v60+s15+$0x0], $0xffff;
	[tilespmem:s10+$0x1B0] =	vst v14;
	v14 =	vmul.f32 $8.000000000e+00, v19;
	v19 =	vor.u32 s24, v11  }
0xa0: {  	v16 =	vmul.f32 $8.000000000e+00, v16;
	v22 =	vld.idx.msk [tilespmem:v22+s15+$0x0], $0xffff;
	[tilespmem:s10+$0xFFFFFEB0] =	vst v23;
	v21 =	vadd.f32 v21, v30;
	v23 =	vor.u32 s11, v11  }
0xa1: {  	v57 =	vand.u32 $0x40, v54;
	v36 =	vld.idx.msk [tilespmem:v61+s15+$0x0], $0xffff;
	v14 =	vadd.f32 v14, v29;
	v24 =	vmul.f32 $8.000000000e+00, v24  }
0xa2: {  	v58 =	vor.u32 s16, v10;
	v33 =	vld.idx.msk [tilespmem:v49+s15+$0x0], $0xffff;
	v34 =	vmul.f32 $8.000000000e+00, v50;
	v16 =	vadd.f32 v16, v28;
	[tilespmem:s10+$0xFFFFFF30] =	vst v21  }
0xa3: {  	s8 =	simm.s32 $0xD;
	s3 =	simm.s32 $0xF;
	v21 =	vld.idx.msk [tilespmem:v51+s15+$0x0], $0xffff;
	[tilespmem:s10+$0xFFFFFFB0] =	vst v14;
	v14 =	vadd.f32 v24, v26;
	v20 =	vmul.f32 $8.000000000e+00, v20;
	v24 =	vor.u32 s5, v10  }
0xa4: {  	s4 =	sadd.s32 $0x8, s0;
	v62 =	vor.u32 s8, v17;
	v40 =	vor.u32 s3, v17;
	v9 =	vadd.f32 v34, v25;
	[tilespmem:s10+$0x30] =	vst v16;
	v19 =	vld.idx.msk [tilespmem:v19+s15+$0x0], $0xffff  }
0xa5: {  	s26 =	sadd.s32 $0x6, s4;
	s22 =	simm.s32 $0xE;
	v16 =	vld.idx.msk [tilespmem:v23+s15+$0x0], $0xffff;
	[tilespmem:s10+$0xB0] =	vst v14;
	v14 =	vadd.f32 v20, v27;
	v20 =	vmul.f32 $8.000000000e+00, v22;
	v22 =	vor.u32 s1, v10  }
0xa6: {  	s18 =	simm.s32 $0x8;
	v41 =	vmov s26;
	v42 =	vor.u32 s22, v17;
	[tilespmem:s10+$0xFFFFFE30] =	vst v9;
	v9 =	vor.u32 v6, v8;
	v55 =	vld.idx.msk [tilespmem:v52+s15+$0x0], $0xffff  }
0xa7: {  	v8 =	vor.u32 s18, v17;
	v33 =	vmul.f32 $8.000000000e+00, v33;
	v56 =	vld.idx.msk [tilespmem:v53+s15+$0x0], $0xffff;
	[tilespmem:s10+$0x140] =	vst v14;
	v14 =	vadd.f32 v20, v18  }
0xa8: {  	v41 =	vand.u32 $0xFFFFFFFE, v41;
	v23 =	vor.u32 s25, v10;
	v24 =	vld.idx.msk [tilespmem:v24+s15+$0x0], $0xffff;
	v21 =	vmul.f32 $8.000000000e+00, v21  }
0xa9: {  	v40 =	vld.idx.msk [tilespmem:v40+s15+$0x0], $0xffff;
	v20 =	vor.u32 s23, v10;
	v33 =	vadd.f32 v33, v31;
	[tilespmem:s10+$0x1C0] =	vst v14;
	v14 =	vmul.f32 $8.000000000e+00, v19  }
0xaa: {  	v41 =	vbroadcast v41, $0x0;
	v22 =	vld.idx.msk [tilespmem:v22+s15+$0x0], $0xffff;
	v21 =	vadd.f32 v21, v30;
	v16 =	vmul.f32 $8.000000000e+00, v16  }
0xab: {  	s26 =	sadd.s32 $0x2, s4;
	v42 =	vld.idx.msk [tilespmem:v42+s15+$0x0], $0xffff;
	v19 =	vor.u32 s11, v10;
	[tilespmem:s10+$0xFFFFFEC0] =	vst v33;
	v14 =	vadd.f32 v14, v29;
	v34 =	vmul.f32 $8.000000000e+00, v55  }
0xac: {  	v43 =	vmov s26;
	v32 =	vld.idx.msk [tilespmem:v8+s15+$0x0], $0xffff;
	v8 =	vmul.f32 $8.000000000e+00, v56;
	[tilespmem:s10+$0xFFFFFF40] =	vst v21;
	v16 =	vadd.f32 v16, v28  }
0xad: {  	s30 =	sadd.s32 $0x3, s4;
	v43 =	vand.u32 $0xFFFFFFFA, v43;
	v23 =	vld.idx.msk [tilespmem:v23+s15+$0x0], $0xffff;
	[tilespmem:s10+$0xFFFFFFC0] =	vst v14;
	v14 =	vadd.f32 v34, v26;
	v21 =	vmul.f32 $8.000000000e+00, v24  }
0xae: {  	s31 =	simm.s32 $0xA;
	v44 =	vmov s30;
	v20 =	vld.idx.msk [tilespmem:v20+s15+$0x0], $0xffff;
	v24 =	vor.u32 s5, v9;
	v39 =	vadd.f32 v8, v25;
	[tilespmem:s10+$0x40] =	vst v16  }
0xaf: {  	s20 =	simm.s32 $0xB;
	v37 =	vld.idx.msk [tilespmem:v37+s15+$0x0], $0xffff;
	v16 =	vor.u32 s31, v17;
	[tilespmem:s10+$0xC0] =	vst v14;
	v14 =	vadd.f32 v21, v27;
	v21 =	vmul.f32 $8.000000000e+00, v22  }
0xb0: {  	s2 =	sadd.s32 $0x4, s4;
	v43 =	vbroadcast v43, $0x0;
	v44 =	vand.u32 $0xFFFFFFFB, v44;
	v19 =	vld.idx.msk [tilespmem:v19+s15+$0x0], $0xffff;
	v22 =	vor.u32 s20, v17;
	[tilespmem:s10+$0xFFFFFE40] =	vst v39  }
0xb1: {  	v44 =	vbroadcast v44, $0x0;
	v45 =	vmov s2;
	v39 =	vld.idx.msk [tilespmem:v62+s15+$0x0], $0xffff;
	[tilespmem:s10+$0x150] =	vst v14;
	v14 =	vadd.f32 v21, v18  }
0xb2: {  	s29 =	sadd.s32 $0x1, s4;
	v59 =	vor.u32 s1, v9;
	v8 =	vor.u32 v7, v57;
	v38 =	vld.idx.msk [tilespmem:v38+s15+$0x0], $0xffff;
	v21 =	vmov s4  }
0xb3: {  	v49 =	vor.u32 s5, v8;
	v24 =	vld.idx.msk [tilespmem:v24+s15+$0x0], $0xffff;
	v21 =	vand.u32 $0xFFFFFFF8, v21;
	[tilespmem:s10+$0x1D0] =	vst v14;
	v14 =	vmov s29  }
0xb4: {  	v23 =	vmul.f32 $8.000000000e+00, v23;
	v16 =	vld.idx.msk [tilespmem:v16+s15+$0x0], $0xffff;
	v51 =	vbroadcast v21, $0x0;
	v14 =	vand.u32 $0xFFFFFFF9, v14  }
0xb5: {  	v20 =	vmul.f32 $8.000000000e+00, v20;
	s29 =	sadd.s32 $0x5, s4;
	s4 =	sadd.s32 $0x7, s4;
	v47 =	vld.idx.msk [tilespmem:v22+s15+$0x0], $0xffff;
	v22 =	vand.u32 $0xFFFFFFFC, v45;
	v63 =	vbroadcast v14, $0x0  }
0xb6: {  	v33 =	vld.idx.msk [tilespmem:v58+s15+$0x0], $0xffff;
	v14 =	vmov s4;
	v54 =	vbroadcast v22, $0x0;
	v22 =	vmul.f32 $8.000000000e+00, v37  }
0xb7: {  	v23 =	vadd.f32 v23, v31;
	v34 =	vld.idx.msk [tilespmem:v59+s15+$0x0], $0xffff;
	v46 =	vmov s29;
	v55 =	vmul.f32 $8.000000000e+00, v38  }
0xb8: {  	v48 =	vmul.f32 $8.000000000e+00, v24;
	v24 =	vand.u32 $0xFFFFFFFD, v46;
	v56 =	vadd.f32 v22, v29;
	v22 =	vld.idx.msk [tilespmem:v43+s9+$0x0], $0xffff  }
0xb9: {  	v19 =	vmul.f32 $8.000000000e+00, v19;
	v20 =	vadd.f32 v20, v30;
	v50 =	vbroadcast v24, $0x0;
	v24 =	vld.idx.msk [tilespmem:v41+s9+$0x0], $0xffff  }
0xba: {  	[tilespmem:s10+$0xFFFFFED0] =	vst v23;
	v37 =	vadd.f32 v55, v25;
	v55 =	vmul.f32 $8.000000000e+00, v16;
	v21 =	vadd.f32 v48, v27;
	v16 =	vld.idx.msk [tilespmem:v51+s9+$0x0], $0xffff  }
0xbb: {  	v19 =	vadd.f32 v19, v28;
	[tilespmem:s10+$0xFFFFFF50] =	vst v20;
	v14 =	vld.idx.msk [tilespmem:v14+s9+$0x0], $0xffff  }
0xbc: {  	v58 =	vmul.f32 $8.000000000e+00, v42;
	v59 =	vor.u32 s22, v15;
	[tilespmem:s10+$0x160] =	vst v21;
	v23 =	vld.idx.msk [tilespmem:v63+s9+$0x0], $0xffff  }
0xbd: {  	[tilespmem:s10+$0x50] =	vst v19;
	v34 =	vmul.f32 $8.000000000e+00, v34;
	v21 =	vmul.f32 $8.000000000e+00, v33;
	v63 =	vor.u32 s25, v9;
	v57 =	vld.idx.msk [tilespmem:v49+s15+$0x0], $0xffff  }
0xbe: {  	v40 =	vmul.f32 $8.000000000e+00, v40;
	v52 =	vor.u32 s23, v9;
	[tilespmem:s10+$0xFFFFFFD0] =	vst v56;
	v19 =	vld.idx.msk [tilespmem:v54+s9+$0x0], $0xffff;
	v61 =	vadd.f32 v58, v24  }
0xbf: {  	s6 =	simm.s32 $0x16C00;
	v62 =	vor.u32 s3, v15;
	[tilespmem:s10+$0xFFFFFE50] =	vst v37;
	v34 =	vadd.f32 v34, v18;
	v60 =	vadd.f32 v21, v26;
	v21 =	vld.idx.msk [tilespmem:v44+s9+$0x0], $0xffff  }
0xc0: {  	v35 =	vmul.f32 $8.000000000e+00, v35;
	v53 =	vor.u32 s13, v15;
	v32 =	vmul.f32 $8.000000000e+00, v32;
	v20 =	vld.idx.msk [tilespmem:v50+s9+$0x0], $0xffff;
	[tilespmem:s6+$0x100] =	vst v61  }
0xc1: {  	v56 =	vor.u32 s31, v15;
	v47 =	vmul.f32 $8.000000000e+00, v47;
	[tilespmem:s10+$0x1E0] =	vst v34;
	v54 =	vadd.f32 v40, v14;
	v42 =	vld.idx.msk [tilespmem:v59+s15+$0x0], $0xffff  }
0xc2: {  	v48 =	vor.u32 s20, v15;
	[tilespmem:s10+$0xD0] =	vst v60;
	v35 =	vadd.f32 v35, v23;
	v61 =	vld.idx.msk [tilespmem:v63+s15+$0x0], $0xffff;
	v38 =	vmul.f32 $8.000000000e+00, v57  }
0xc3: {  	v58 =	vmul.f32 $8.000000000e+00, v36;
	v60 =	vor.u32 s7, v15;
	v63 =	vld.idx.msk [tilespmem:v52+s15+$0x0], $0xffff;
	[tilespmem:s6+$0x180] =	vst v54;
	v57 =	vadd.f32 v55, v22  }
0xc4: {  	v55 =	vor.u32 s18, v15;
	v59 =	vld.idx.msk [tilespmem:v62+s15+$0x0], $0xffff;
	[tilespmem:s6+$0xFFFFFE80] =	vst v35;
	v38 =	vadd.f32 v38, v27;
	v27 =	vadd.f32 v47, v21  }
0xc5: {  	v39 =	vmul.f32 $8.000000000e+00, v39;
	v54 =	vor.u32 s8, v15;
	v41 =	vld.idx.msk [tilespmem:v53+s15+$0x0], $0xffff;
	v53 =	vadd.f32 v58, v19;
	[tilespmem:s6+$0xFFFFFF00] =	vst v57  }
0xc6: {  	v32 =	vadd.f32 v32, v16;
	v57 =	vor.u32 s24, v9;
	v52 =	vld.idx.msk [tilespmem:v56+s15+$0x0], $0xffff;
	[tilespmem:s6+$0xFFFFFF80] =	vst v27  }
0xc7: {  	v62 =	vadd.f32 v39, v20;
	v56 =	vor.u32 s22, v13;
	v42 =	vmul.f32 $8.000000000e+00, v42;
	[tilespmem:s6+$0x0] =	vst v53;
	v48 =	vld.idx.msk [tilespmem:v48+s15+$0x0], $0xffff  }
0xc8: {  	[tilespmem:s6+$0xFFFFFE00] =	vst v32;
	v40 =	vmul.f32 $8.000000000e+00, v61;
	v61 =	vor.u32 s11, v9;
	v39 =	vmul.f32 $8.000000000e+00, v63;
	v35 =	vld.idx.msk [tilespmem:v60+s15+$0x0], $0xffff  }
0xc9: {  	[tilespmem:s6+$0x80] =	vst v62;
	v46 =	vld.idx.msk [tilespmem:v55+s15+$0x0], $0xffff;
	v55 =	vor.u32 s16, v9;
	v58 =	vadd.f32 v42, v24;
	v36 =	vmul.f32 $8.000000000e+00, v59  }
0xca: {  	v53 =	vor.u32 s13, v13;
	[tilespmem:s10+$0x170] =	vst v38;
	v60 =	vld.idx.msk [tilespmem:v54+s15+$0x0], $0xffff;
	v59 =	vor.u32 s3, v13;
	v54 =	vadd.f32 v40, v31  }
0xcb: {  	v62 =	vadd.f32 v39, v30;
	v41 =	vmul.f32 $8.000000000e+00, v41;
	v57 =	vld.idx.msk [tilespmem:v57+s15+$0x0], $0xffff;
	[tilespmem:s6+$0x110] =	vst v58;
	v36 =	vadd.f32 v36, v14  }
0xcc: {  	v44 =	vmul.f32 $8.000000000e+00, v52;
	v58 =	vor.u32 s20, v13;
	[tilespmem:s10+$0xFFFFFEE0] =	vst v54;
	v37 =	vld.idx.msk [tilespmem:v56+s15+$0x0], $0xffff;
	v56 =	vor.u32 s31, v13  }
0xcd: {  	v52 =	vor.u32 s7, v13;
	[tilespmem:s10+$0xFFFFFF60] =	vst v62;
	v41 =	vadd.f32 v41, v23;
	v43 =	vld.idx.msk [tilespmem:v61+s15+$0x0], $0xffff;
	v48 =	vmul.f32 $8.000000000e+00, v48  }
0xce: {  	v61 =	vor.u32 s18, v13;
	[tilespmem:s6+$0x190] =	vst v36;
	v63 =	vadd.f32 v44, v22;
	v35 =	vmul.f32 $8.000000000e+00, v35;
	v62 =	vld.idx.msk [tilespmem:v55+s15+$0x0], $0xffff  }
0xcf: {  	v32 =	vmul.f32 $8.000000000e+00, v60;
	v60 =	vmul.f32 $8.000000000e+00, v46;
	v42 =	vld.idx.msk [tilespmem:v59+s15+$0x0], $0xffff;
	[tilespmem:s6+$0xFFFFFE90] =	vst v41;
	v48 =	vadd.f32 v48, v21  }
0xd0: {  	v45 =	vor.u32 s23, v8;
	v59 =	vor.u32 s8, v13;
	v53 =	vld.idx.msk [tilespmem:v53+s15+$0x0], $0xffff;
	[tilespmem:s6+$0xFFFFFF10] =	vst v63;
	v35 =	vadd.f32 v35, v19  }
0xd1: {  	v54 =	vor.u32 s22, v12;
	v38 =	vadd.f32 v60, v16;
	v63 =	vld.idx.msk [tilespmem:v56+s15+$0x0], $0xffff;
	[tilespmem:s6+$0xFFFFFF90] =	vst v48;
	v37 =	vmul.f32 $8.000000000e+00, v37  }
0xd2: {  	v47 =	vor.u32 s12, v9;
	v32 =	vadd.f32 v32, v20;
	v55 =	vmul.f32 $8.000000000e+00, v57;
	[tilespmem:s6+$0x10] =	vst v35;
	v49 =	vld.idx.msk [tilespmem:v58+s15+$0x0], $0xffff  }
0xd3: {  	[tilespmem:s6+$0xFFFFFE10] =	vst v38;
	v43 =	vmul.f32 $8.000000000e+00, v43;
	v36 =	vld.idx.msk [tilespmem:v52+s15+$0x0], $0xffff;
	v52 =	vor.u32 s25, v8;
	v56 =	vadd.f32 v37, v24  }
0xd4: {  	s23 =	simm.s32 $0x10;
	[tilespmem:s6+$0x90] =	vst v32;
	v35 =	vadd.f32 v55, v29;
	v58 =	vor.u32 s3, v12;
	v46 =	vld.idx.msk [tilespmem:v61+s15+$0x0], $0xffff;
	v57 =	vmul.f32 $8.000000000e+00, v42  }
0xd5: {  	v51 =	vor.u32 s23, v17;
	v39 =	vmul.f32 $8.000000000e+00, v62;
	v38 =	vld.idx.msk [tilespmem:v59+s15+$0x0], $0xffff;
	v60 =	vadd.f32 v43, v28;
	[tilespmem:s6+$0x120] =	vst v56  }
0xd6: {  	[tilespmem:s10+$0xFFFFFFE0] =	vst v35;
	v44 =	vmul.f32 $8.000000000e+00, v53;
	v53 =	vor.u32 s13, v12;
	v59 =	vadd.f32 v57, v14;
	v37 =	vld.idx.msk [tilespmem:v54+s15+$0x0], $0xffff  }
0xd7: {  	v62 =	vor.u32 s31, v12;
	[tilespmem:s10+$0x60] =	vst v60;
	v56 =	vadd.f32 v39, v26;
	v40 =	vmul.f32 $8.000000000e+00, v63;
	v63 =	vld.idx.msk [tilespmem:v47+s15+$0x0], $0xffff  }
0xd8: {  	v55 =	vor.u32 s20, v12;
	v61 =	vadd.f32 v44, v23;
	[tilespmem:s6+$0x1A0] =	vst v59;
	v54 =	vmul.f32 $8.000000000e+00, v49;
	v42 =	vld.idx.msk [tilespmem:v52+s15+$0x0], $0xffff  }
0xd9: {  	v48 =	vor.u32 s18, v12;
	[tilespmem:s10+$0xE0] =	vst v56;
	v60 =	vmul.f32 $8.000000000e+00, v46;
	v41 =	vld.idx.msk [tilespmem:v58+s15+$0x0], $0xffff;
	v57 =	vadd.f32 v40, v22  }
0xda: {  	v36 =	vmul.f32 $8.000000000e+00, v36;
	[tilespmem:s6+$0xFFFFFEA0] =	vst v61;
	v58 =	vor.u32 s7, v12;
	v61 =	vld.idx.msk [tilespmem:v45+s15+$0x0], $0xffff;
	v47 =	vadd.f32 v54, v21  }
0xdb: {  	v59 =	vor.u32 s8, v12;
	v38 =	vmul.f32 $8.000000000e+00, v38;
	v43 =	vld.idx.msk [tilespmem:v53+s15+$0x0], $0xffff;
	v35 =	vadd.f32 v60, v16;
	[tilespmem:s6+$0xFFFFFF20] =	vst v57  }
0xdc: {  	v36 =	vadd.f32 v36, v19;
	v54 =	vor.u32 s11, v8;
	v44 =	vld.idx.msk [tilespmem:v62+s15+$0x0], $0xffff;
	[tilespmem:s6+$0xFFFFFFA0] =	vst v47;
	v37 =	vmul.f32 $8.000000000e+00, v37  }
0xdd: {  	v38 =	vadd.f32 v38, v20;
	v62 =	vor.u32 s22, v11;
	v32 =	vmul.f32 $8.000000000e+00, v63;
	[tilespmem:s6+$0xFFFFFE20] =	vst v35;
	v46 =	vld.idx.msk [tilespmem:v55+s15+$0x0], $0xffff  }
0xde: {  	[tilespmem:s6+$0x20] =	vst v36;
	v63 =	vor.u32 s24, v8;
	v42 =	vmul.f32 $8.000000000e+00, v42;
	v48 =	vld.idx.msk [tilespmem:v48+s15+$0x0], $0xffff;
	v37 =	vadd.f32 v37, v24  }
0xdf: {  	v53 =	vor.u32 s3, v11;
	[tilespmem:s6+$0xA0] =	vst v38;
	v40 =	vld.idx.msk [tilespmem:v58+s15+$0x0], $0xffff;
	v52 =	vmul.f32 $8.000000000e+00, v41;
	v32 =	vadd.f32 v32, v25  }
0xe0: {  	v33 =	vor.u32 s12, v8;
	v35 =	vld.idx.msk [tilespmem:v59+s15+$0x0], $0xffff;
	v58 =	vmul.f32 $8.000000000e+00, v61;
	v31 =	vadd.f32 v42, v31;
	[tilespmem:s6+$0x130] =	vst v37  }
0xe1: {  	v55 =	vor.u32 s13, v11;
	v43 =	vmul.f32 $8.000000000e+00, v43;
	v54 =	vld.idx.msk [tilespmem:v54+s15+$0x0], $0xffff;
	v56 =	vadd.f32 v52, v14;
	[tilespmem:s10+$0xFFFFFE60] =	vst v32  }
0xe2: {  	v59 =	vor.u32 s16, v8;
	v30 =	vadd.f32 v58, v30;
	v57 =	vld.idx.msk [tilespmem:v62+s15+$0x0], $0xffff;
	v61 =	vmul.f32 $8.000000000e+00, v44;
	[tilespmem:s10+$0xFFFFFEF0] =	vst v31  }
0xe3: {  	v60 =	vadd.f32 v43, v23;
	v62 =	vor.u32 s31, v11;
	v36 =	vld.idx.msk [tilespmem:v63+s15+$0x0], $0xffff;
	[tilespmem:s6+$0x1B0] =	vst v56;
	v63 =	vmul.f32 $8.000000000e+00, v46  }
0xe4: {  	v50 =	vor.u32 s20, v11;
	[tilespmem:s10+$0xFFFFFF70] =	vst v30;
	v41 =	vld.idx.msk [tilespmem:v53+s15+$0x0], $0xffff;
	v31 =	vadd.f32 v61, v22;
	v52 =	vmul.f32 $8.000000000e+00, v40  }
0xe5: {  	v33 =	vld.idx.msk [tilespmem:v33+s15+$0x0], $0xffff;
	v30 =	vmul.f32 $8.000000000e+00, v48;
	[tilespmem:s6+$0xFFFFFEB0] =	vst v60;
	v53 =	vor.u32 s7, v11;
	v37 =	vadd.f32 v63, v21  }
0xe6: {  	v56 =	vor.u32 s8, v11;
	v35 =	vmul.f32 $8.000000000e+00, v35;
	v55 =	vld.idx.msk [tilespmem:v55+s15+$0x0], $0xffff;
	[tilespmem:s6+$0xFFFFFF30] =	vst v31;
	v31 =	vadd.f32 v52, v19  }
0xe7: {  	v34 =	vor.u32 s18, v11;
	v39 =	vld.idx.msk [tilespmem:v59+s15+$0x0], $0xffff;
	v30 =	vadd.f32 v30, v16;
	[tilespmem:s6+$0xFFFFFFB0] =	vst v37;
	v57 =	vmul.f32 $8.000000000e+00, v57  }
0xe8: {  	v47 =	vor.u32 s1, v8;
	v35 =	vadd.f32 v35, v20;
	v44 =	vld.idx.msk [tilespmem:v62+s15+$0x0], $0xffff;
	[tilespmem:s6+$0x30] =	vst v31;
	v31 =	vmul.f32 $8.000000000e+00, v36  }
0xe9: {  	v58 =	vor.u32 s22, v10;
	[tilespmem:s6+$0xFFFFFE30] =	vst v30;
	v45 =	vld.idx.msk [tilespmem:v50+s15+$0x0], $0xffff;
	v59 =	vadd.f32 v57, v24;
	v60 =	vmul.f32 $8.000000000e+00, v41  }
0xea: {  	v61 =	vor.u32 s3, v10;
	[tilespmem:s6+$0xB0] =	vst v35;
	v36 =	vld.idx.msk [tilespmem:v53+s15+$0x0], $0xffff;
	v29 =	vadd.f32 v31, v29;
	v31 =	vmul.f32 $8.000000000e+00, v54  }
0xeb: {  	v30 =	vor.u32 s13, v10;
	v62 =	vld.idx.msk [tilespmem:v56+s15+$0x0], $0xffff;
	v50 =	vmul.f32 $8.000000000e+00, v55;
	[tilespmem:s6+$0x140] =	vst v59;
	v53 =	vadd.f32 v60, v14  }
0xec: {  	v27 =	vor.u32 s18, v10;
	v63 =	vld.idx.msk [tilespmem:v34+s15+$0x0], $0xffff;
	[tilespmem:s10+$0xFFFFFFF0] =	vst v29;
	v28 =	vadd.f32 v31, v28;
	v29 =	vmul.f32 $8.000000000e+00, v39  }
0xed: {  	v32 =	vor.u32 s3, v9;
	v60 =	vld.idx.msk [tilespmem:v47+s15+$0x0], $0xffff;
	v31 =	vadd.f32 v50, v23;
	v55 =	vmul.f32 $8.000000000e+00, v44;
	[tilespmem:s6+$0x1C0] =	vst v53  }
0xee: {  	v52 =	vor.u32 s31, v10;
	v38 =	vld.idx.msk [tilespmem:v58+s15+$0x0], $0xffff;
	v57 =	vmul.f32 $8.000000000e+00, v45;
	[tilespmem:s10+$0x70] =	vst v28;
	v26 =	vadd.f32 v29, v26  }
0xef: {  	v54 =	vor.u32 s20, v10;
	v59 =	vld.idx.msk [tilespmem:v61+s15+$0x0], $0xffff;
	[tilespmem:s6+$0xFFFFFEC0] =	vst v31;
	v28 =	vadd.f32 v55, v22;
	v29 =	vmul.f32 $8.000000000e+00, v36  }
0xf0: {  	s28 =	simm.s32 $0x11;
	v56 =	vor.u32 s7, v10;
	v41 =	vmul.f32 $8.000000000e+00, v62;
	v40 =	vld.idx.msk [tilespmem:v30+s15+$0x0], $0xffff;
	v30 =	vadd.f32 v57, v21;
	[tilespmem:s10+$0xF0] =	vst v26  }
0xf1: {  	s11 =	simm.s32 $0x12;
	v37 =	vor.u32 s28, v17;
	v58 =	vor.u32 s8, v10;
	[tilespmem:s6+$0xFFFFFF40] =	vst v28;
	v29 =	vadd.f32 v29, v19  }
0xf2: {  	s1 =	simm.s32 $0x13;
	v35 =	vor.u32 s11, v17;
	v42 =	vmul.f32 $8.000000000e+00, v63;
	v31 =	vld.idx.msk [tilespmem:v51+s15+$0x0], $0xffff;
	v61 =	vadd.f32 v41, v20;
	[tilespmem:s6+$0xFFFFFFC0] =	vst v30  }
0xf3: {  	s24 =	simm.s32 $0x17;
	v34 =	vor.u32 s1, v17;
	v41 =	vor.u32 s22, v9;
	v26 =	vld.idx.msk [tilespmem:v52+s15+$0x0], $0xffff;
	v62 =	vmul.f32 $8.000000000e+00, v38;
	[tilespmem:s6+$0x40] =	vst v29  }
0xf4: {  	s30 =	sshll.u32 s14, $0x2;
	v39 =	vor.u32 s24, v17;
	v63 =	vmul.f32 $8.000000000e+00, v33;
	v42 =	vadd.f32 v42, v16;
	v28 =	vld.idx.msk [tilespmem:v54+s15+$0x0], $0xffff;
	[tilespmem:s6+$0xC0] =	vst v61  }
0xf5: {  	s26 =	simm.s32 $0x14;
	s25 =	simm.s32 $0x15;
	v36 =	vmul.f32 $8.000000000e+00, v60;
	v29 =	vld.idx.msk [tilespmem:v56+s15+$0x0], $0xffff;
	v43 =	vadd.f32 v62, v24;
	v44 =	vmul.f32 $8.000000000e+00, v59;
	[dreg:$0xc] =	wrdreg s30  }
0xf6: {  	s4 =	sadd.s32 $0x10, s0;
	s12 =	simm.s32 $0x18;
	v38 =	vor.u32 s26, v17;
	v30 =	vor.u32 s25, v17;
	[tilespmem:s6+$0xFFFFFE40] =	vst v42;
	v33 =	vld.idx.msk [tilespmem:v58+s15+$0x0], $0xffff;
	v42 =	vadd.f32 v63, v25  }
.LBB2_3:
0xf7: {  	p0 =	slt.u32 s12, $0x38;
	v25 =	vmov s4;
	s5 =	sadd.s32 $0x1, s4;
	s29 =	sadd.s32 $0x6, s4;
	v27 =	vld.idx.msk [tilespmem:v27+s15+$0x0], $0xffff;
	v40 =	vmul.f32 $8.000000000e+00, v40;
	[tilespmem:s6+$0x150] =	vst v43;
	v43 =	vadd.f32 v44, v14  }
0xf8: {  	s30 =	sadd.s32 $0x3, s4;
	v25 =	vand.u32 $0xFFFFFFF8, v25;
	v44 =	vmov s5;
	s5 =	sadd.s32 $0x2, s4;
	v45 =	vmov s29;
	s29 =	sadd.s32 $0x6, s23;
	v41 =	vld.idx.msk [tilespmem:v41+s15+$0x0], $0xffff;
	[tilespmem:s10+$0xFFFFFE70] =	vst v42  }
0xf9: {  	s16 =	sadd.s32 $0x5, s4;
	v37 =	vld.idx.msk [tilespmem:v37+s15+$0x0], $0xffff;
	v42 =	vmov s5;
	s5 =	sadd.s32 $0x4, s4;
	v45 =	vand.u32 $0xFFFFFFFE, v45;
	v46 =	vor.u32 s29, v17;
	s4 =	sadd.s32 $0x7, s4;
	[tilespmem:s6+$0x1D0] =	vst v43  }
0xfa: {  	v43 =	vmov s30;
	v47 =	vmov s5;
	v45 =	vbroadcast v45, $0x0;
	v32 =	vld.idx.msk [tilespmem:v32+s15+$0x0], $0xffff  }
0xfb: {  	v48 =	vmov s16;
	v44 =	vand.u32 $0xFFFFFFF9, v44;
	v42 =	vand.u32 $0xFFFFFFFA, v42;
	v35 =	vld.idx.msk [tilespmem:v35+s15+$0x0], $0xffff  }
0xfc: {  	v48 =	vand.u32 $0xFFFFFFFD, v48;
	v43 =	vand.u32 $0xFFFFFFFB, v43;
	v47 =	vand.u32 $0xFFFFFFFC, v47;
	v34 =	vld.idx.msk [tilespmem:v34+s15+$0x0], $0xffff  }
0xfd: {  	v44 =	vbroadcast v44, $0x0;
	v49 =	vmov s4;
	v42 =	vbroadcast v42, $0x0;
	v38 =	vld.idx.msk [tilespmem:v38+s15+$0x0], $0xffff  }
0xfe: {  	v50 =	vor.u32 s22, v8;
	s22 =	smov.u32 s29;
	v43 =	vbroadcast v43, $0x0;
	v41 =	vmul.f32 $8.000000000e+00, v41;
	v46 =	vld.idx.msk [tilespmem:v46+s15+$0x0], $0xffff  }
0xff: {  	v40 =	vadd.f32 v40, v23;
	v48 =	vbroadcast v48, $0x0;
	v47 =	vbroadcast v47, $0x0;
	v39 =	vld.idx.msk [tilespmem:v39+s15+$0x0], $0xffff  }
0x100: {  	v26 =	vmul.f32 $8.000000000e+00, v26;
	v25 =	vbroadcast v25, $0x0;
	v41 =	vadd.f32 v41, v24;
	v45 =	vld.idx.msk [tilespmem:v45+s9+$0x0], $0xffff  }
0x101: {  	v36 =	vadd.f32 v36, v18;
	v18 =	vmovc v14;
	v28 =	vmul.f32 $8.000000000e+00, v28;
	v29 =	vmul.f32 $8.000000000e+00, v29;
	v30 =	vld.idx.msk [tilespmem:v30+s15+$0x0], $0xffff;
	[tilespmem:s6+$0xFFFFFED0] =	vst v40  }
0x102: {  	v26 =	vadd.f32 v26, v22;
	v27 =	vmul.f32 $8.000000000e+00, v27;
	v40 =	vmul.f32 $8.000000000e+00, v33;
	v14 =	vld.idx.msk [tilespmem:v49+s9+$0x0], $0xffff;
	[tilespmem:s6+$0x160] =	vst v41  }
0x103: {  	v28 =	vadd.f32 v28, v21;
	v41 =	vadd.f32 v29, v19;
	v29 =	vmul.f32 $8.000000000e+00, v32;
	v49 =	vld.idx.msk [tilespmem:v50+s15+$0x0], $0xffff;
	[tilespmem:s10+$0x1F0] =	vst v36;
	s10 =	smov.u32 s6  }
0x104: {  	v36 =	vmul.f32 $8.000000000e+00, v46;
	v33 =	vld.idx.msk [tilespmem:v44+s9+$0x0], $0xffff;
	v44 =	vor.u32 s22, v15;
	[tilespmem:s6+$0xFFFFFF50] =	vst v26;
	v26 =	vadd.f32 v40, v20  }
0x105: {  	v27 =	vadd.f32 v27, v16;
	v40 =	vadd.f32 v29, v18;
	v32 =	vld.idx.msk [tilespmem:v42+s9+$0x0], $0xffff;
	[tilespmem:s6+$0xFFFFFFD0] =	vst v28  }
0x106: {  	v39 =	vmul.f32 $8.000000000e+00, v39;
	v36 =	vadd.f32 v36, v45;
	v42 =	vor.u32 s24, v15;
	v29 =	vld.idx.msk [tilespmem:v43+s9+$0x0], $0xffff;
	[tilespmem:s6+$0x50] =	vst v41  }
0x107: {  	v41 =	vor.u32 s13, v9;
	v43 =	vor.u32 s31, v9;
	s6 =	sadd.s32 $0x400, s6;
	v28 =	vld.idx.msk [tilespmem:v47+s9+$0x0], $0xffff;
	[tilespmem:s10+$0xD0] =	vst v26  }
0x108: {  	v37 =	vmul.f32 $8.000000000e+00, v37;
	v46 =	vor.u32 s28, v15;
	v26 =	vld.idx.msk [tilespmem:v48+s9+$0x0], $0xffff;
	[tilespmem:s6+$0x100] =	vst v36;
	v36 =	vadd.f32 v39, v14  }
0x109: {  	v35 =	vmul.f32 $8.000000000e+00, v35;
	v39 =	vor.u32 s11, v15;
	v44 =	vld.idx.msk [tilespmem:v44+s15+$0x0], $0xffff;
	[tilespmem:s10+$0xFFFFFE50] =	vst v27;
	v27 =	vmul.f32 $8.000000000e+00, v49  }
0x10a: {  	v34 =	vmul.f32 $8.000000000e+00, v34;
	v47 =	vor.u32 s1, v15;
	v37 =	vadd.f32 v37, v33;
	v25 =	vld.idx.msk [tilespmem:v25+s9+$0x0], $0xffff;
	[tilespmem:s6+$0x180] =	vst v36  }
0x10b: {  	v35 =	vadd.f32 v35, v32;
	v36 =	vmul.f32 $8.000000000e+00, v38;
	v38 =	vld.idx.msk [tilespmem:v42+s15+$0x0], $0xffff;
	v27 =	vadd.f32 v27, v24;
	[tilespmem:s10+$0x1E0] =	vst v40  }
0x10c: {  	v34 =	vadd.f32 v34, v29;
	v40 =	vmul.f32 $8.000000000e+00, v30;
	v24 =	vmovc v45;
	[tilespmem:s6+$0xFFFFFE80] =	vst v37;
	v37 =	vor.u32 s26, v15;
	v41 =	vld.idx.msk [tilespmem:v41+s15+$0x0], $0xffff  }
0x10d: {  	v45 =	vor.u32 s25, v15;
	v30 =	vor.u32 s18, v8;
	v36 =	vadd.f32 v36, v28;
	v42 =	vld.idx.msk [tilespmem:v46+s15+$0x0], $0xffff;
	[tilespmem:s10+$0x170] =	vst v27  }
0x10e: {  	v27 =	vmul.f32 $8.000000000e+00, v31;
	v46 =	vor.u32 s23, v15;
	v31 =	vadd.f32 v40, v26;
	[tilespmem:s6+$0xFFFFFF00] =	vst v35;
	v35 =	vld.idx.msk [tilespmem:v43+s15+$0x0], $0xffff  }
0x10f: {  	v40 =	vor.u32 s22, v13;
	v43 =	vor.u32 s18, v9;
	s18 =	smov.u32 s23;
	s23 =	smov.u32 s12;
	v39 =	vld.idx.msk [tilespmem:v39+s15+$0x0], $0xffff;
	[tilespmem:s6+$0xFFFFFF80] =	vst v34;
	v34 =	vmul.f32 $8.000000000e+00, v44  }
0x110: {  	v44 =	vadd.f32 v27, v25;
	v27 =	vor.u32 s18, v10;
	v47 =	vld.idx.msk [tilespmem:v47+s15+$0x0], $0xffff;
	[tilespmem:s6+$0x0] =	vst v36;
	v36 =	vor.u32 s20, v9  }
0x111: {  	v48 =	vor.u32 s24, v13;
	v38 =	vmul.f32 $8.000000000e+00, v38;
	v37 =	vld.idx.msk [tilespmem:v37+s15+$0x0], $0xffff;
	[tilespmem:s6+$0x80] =	vst v31;
	v34 =	vadd.f32 v34, v24  }
0x112: {  	v31 =	vor.u32 s18, v11;
	v41 =	vmul.f32 $8.000000000e+00, v41;
	[tilespmem:s6+$0xFFFFFE00] =	vst v44;
	v44 =	vld.idx.msk [tilespmem:v45+s15+$0x0], $0xffff;
	v45 =	vor.u32 s7, v9  }
0x113: {  	v49 =	vor.u32 s28, v13;
	v42 =	vmul.f32 $8.000000000e+00, v42;
	v46 =	vld.idx.msk [tilespmem:v46+s15+$0x0], $0xffff;
	[tilespmem:s6+$0x110] =	vst v34;
	v34 =	vadd.f32 v38, v14  }
0x114: {  	v35 =	vmul.f32 $8.000000000e+00, v35;
	v38 =	vld.idx.msk [tilespmem:v40+s15+$0x0], $0xffff;
	v40 =	vadd.f32 v41, v23;
	v41 =	vor.u32 s8, v9  }
0x115: {  	v50 =	vor.u32 s11, v13;
	v42 =	vadd.f32 v42, v33;
	v39 =	vmul.f32 $8.000000000e+00, v39;
	[tilespmem:s6+$0x190] =	vst v34;
	v34 =	vld.idx.msk [tilespmem:v36+s15+$0x0], $0xffff  }
0x116: {  	v36 =	vmul.f32 $8.000000000e+00, v47;
	v47 =	vor.u32 s1, v13;
	v35 =	vadd.f32 v35, v22;
	v48 =	vld.idx.msk [tilespmem:v48+s15+$0x0], $0xffff;
	[tilespmem:s10+$0xFFFFFEE0] =	vst v40  }
0x117: {  	v39 =	vadd.f32 v39, v32;
	v37 =	vmul.f32 $8.000000000e+00, v37;
	v40 =	vor.u32 s26, v13;
	[tilespmem:s6+$0xFFFFFE90] =	vst v42;
	v42 =	vld.idx.msk [tilespmem:v45+s15+$0x0], $0xffff  }
0x118: {  	v36 =	vadd.f32 v36, v29;
	v44 =	vmul.f32 $8.000000000e+00, v44;
	v45 =	vld.idx.msk [tilespmem:v49+s15+$0x0], $0xffff;
	v49 =	vor.u32 s25, v13;
	[tilespmem:s10+$0xFFFFFF60] =	vst v35  }
0x119: {  	v35 =	vmul.f32 $8.000000000e+00, v46;
	v46 =	vor.u32 s18, v13;
	v37 =	vadd.f32 v37, v28;
	[tilespmem:s6+$0xFFFFFF10] =	vst v39;
	v39 =	vld.idx.msk [tilespmem:v41+s15+$0x0], $0xffff  }
0x11a: {  	v38 =	vmul.f32 $8.000000000e+00, v38;
	v41 =	vld.idx.msk [tilespmem:v50+s15+$0x0], $0xffff;
	[tilespmem:s6+$0xFFFFFF90] =	vst v36;
	v36 =	vadd.f32 v44, v26;
	v44 =	vor.u32 s22, v12  }
0x11b: {  	v35 =	vadd.f32 v35, v25;
	v50 =	vor.u32 s18, v12;
	v34 =	vmul.f32 $8.000000000e+00, v34;
	v47 =	vld.idx.msk [tilespmem:v47+s15+$0x0], $0xffff;
	[tilespmem:s6+$0x10] =	vst v37  }
0x11c: {  	v37 =	vld.idx.msk [tilespmem:v40+s15+$0x0], $0xffff;
	[tilespmem:s6+$0x90] =	vst v36;
	v36 =	vadd.f32 v38, v24;
	v38 =	vmul.f32 $8.000000000e+00, v48;
	v40 =	vor.u32 s24, v12  }
0x11d: {  	v48 =	vor.u32 s13, v8;
	v34 =	vadd.f32 v34, v21;
	v42 =	vmul.f32 $8.000000000e+00, v42;
	s13 =	smov.u32 s28;
	[tilespmem:s6+$0xFFFFFE10] =	vst v35;
	v35 =	vld.idx.msk [tilespmem:v49+s15+$0x0], $0xffff  }
0x11e: {  	v45 =	vmul.f32 $8.000000000e+00, v45;
	v49 =	vor.u32 s13, v12;
	v46 =	vld.idx.msk [tilespmem:v46+s15+$0x0], $0xffff;
	[tilespmem:s6+$0x120] =	vst v36;
	v36 =	vadd.f32 v38, v14  }
0x11f: {  	v39 =	vmul.f32 $8.000000000e+00, v39;
	v38 =	vld.idx.msk [tilespmem:v44+s15+$0x0], $0xffff;
	v44 =	vor.u32 s31, v8;
	[tilespmem:s10+$0xFFFFFFE0] =	vst v34;
	v34 =	vadd.f32 v42, v19;
	s31 =	smov.u32 s11  }
0x120: {  	v42 =	vadd.f32 v45, v33;
	v41 =	vmul.f32 $8.000000000e+00, v41;
	v45 =	vor.u32 s31, v12;
	[tilespmem:s6+$0x1A0] =	vst v36;
	v36 =	vld.idx.msk [tilespmem:v43+s15+$0x0], $0xffff  }
0x121: {  	v43 =	vmul.f32 $8.000000000e+00, v47;
	v47 =	vor.u32 s1, v12;
	v40 =	vld.idx.msk [tilespmem:v40+s15+$0x0], $0xffff;
	[tilespmem:s10+$0x60] =	vst v34;
	v34 =	vadd.f32 v39, v20  }
0x122: {  	v39 =	vadd.f32 v41, v32;
	v37 =	vmul.f32 $8.000000000e+00, v37;
	v41 =	vor.u32 s26, v12;
	[tilespmem:s6+$0xFFFFFEA0] =	vst v42;
	v42 =	vld.idx.msk [tilespmem:v48+s15+$0x0], $0xffff  }
0x123: {  	v43 =	vadd.f32 v43, v29;
	v35 =	vmul.f32 $8.000000000e+00, v35;
	v48 =	vld.idx.msk [tilespmem:v49+s15+$0x0], $0xffff;
	v49 =	vor.u32 s25, v12;
	[tilespmem:s10+$0xE0] =	vst v34  }
0x124: {  	v34 =	vor.u32 s12, v17;
	v46 =	vmul.f32 $8.000000000e+00, v46;
	v37 =	vadd.f32 v37, v28;
	[tilespmem:s6+$0xFFFFFF20] =	vst v39;
	v39 =	vld.idx.msk [tilespmem:v44+s15+$0x0], $0xffff  }
0x125: {  	v35 =	vadd.f32 v35, v26;
	v38 =	vmul.f32 $8.000000000e+00, v38;
	v44 =	vld.idx.msk [tilespmem:v45+s15+$0x0], $0xffff;
	[tilespmem:s6+$0xFFFFFFA0] =	vst v43;
	v43 =	vor.u32 s22, v11  }
0x126: {  	v45 =	vadd.f32 v46, v25;
	v36 =	vmul.f32 $8.000000000e+00, v36;
	v46 =	vld.idx.msk [tilespmem:v47+s15+$0x0], $0xffff;
	[tilespmem:s6+$0x20] =	vst v37;
	v37 =	vor.u32 s20, v8;
	s20 =	smov.u32 s1  }
0x127: {  	v41 =	vld.idx.msk [tilespmem:v41+s15+$0x0], $0xffff;
	[tilespmem:s6+$0xA0] =	vst v35;
	v35 =	vadd.f32 v38, v24;
	v38 =	vmul.f32 $8.000000000e+00, v40;
	v40 =	vor.u32 s24, v11  }
0x128: {  	v47 =	vor.u32 s7, v8;
	s7 =	smov.u32 s26;
	v36 =	vadd.f32 v36, v16;
	v42 =	vmul.f32 $8.000000000e+00, v42;
	[tilespmem:s6+$0xFFFFFE20] =	vst v45;
	v45 =	vld.idx.msk [tilespmem:v49+s15+$0x0], $0xffff  }
0x129: {  	v48 =	vmul.f32 $8.000000000e+00, v48;
	v49 =	vld.idx.msk [tilespmem:v50+s15+$0x0], $0xffff;
	v50 =	vor.u32 s13, v11;
	[tilespmem:s6+$0x130] =	vst v35;
	v35 =	vadd.f32 v38, v14  }
0x12a: {  	v39 =	vmul.f32 $8.000000000e+00, v39;
	v38 =	vld.idx.msk [tilespmem:v43+s15+$0x0], $0xffff;
	[tilespmem:s10+$0xFFFFFE60] =	vst v36;
	v36 =	vadd.f32 v42, v23;
	v42 =	vor.u32 s8, v8;
	v23 =	vmovc v33;
	s8 =	smov.u32 s25  }
0x12b: {  	v43 =	vmul.f32 $8.000000000e+00, v44;
	v44 =	vor.u32 s31, v11;
	v33 =	vadd.f32 v48, v23;
	[tilespmem:s6+$0x1B0] =	vst v35;
	v35 =	vld.idx.msk [tilespmem:v37+s15+$0x0], $0xffff  }
0x12c: {  	v37 =	vmul.f32 $8.000000000e+00, v46;
	v46 =	vor.u32 s20, v11;
	v40 =	vld.idx.msk [tilespmem:v40+s15+$0x0], $0xffff;
	[tilespmem:s10+$0xFFFFFEF0] =	vst v36;
	v36 =	vadd.f32 v39, v22;
	v22 =	vmovc v32  }
0x12d: {  	v39 =	vor.u32 s7, v11;
	[tilespmem:s6+$0xFFFFFEB0] =	vst v33;
	v32 =	vadd.f32 v43, v22;
	v33 =	vmul.f32 $8.000000000e+00, v41;
	v41 =	vld.idx.msk [tilespmem:v47+s15+$0x0], $0xffff  }
0x12e: {  	v37 =	vadd.f32 v37, v29;
	v45 =	vmul.f32 $8.000000000e+00, v45;
	v47 =	vor.u32 s8, v11;
	v43 =	vld.idx.msk [tilespmem:v50+s15+$0x0], $0xffff;
	[tilespmem:s10+$0xFFFFFF70] =	vst v36  }
0x12f: {  	v36 =	vmul.f32 $8.000000000e+00, v49;
	[tilespmem:s6+$0xFFFFFF30] =	vst v32;
	v32 =	vadd.f32 v33, v28;
	v33 =	vld.idx.msk [tilespmem:v42+s15+$0x0], $0xffff;
	v42 =	vor.u32 s3, v8;
	s3 =	smov.u32 s24  }
0x130: {  	v38 =	vmul.f32 $8.000000000e+00, v38;
	v44 =	vld.idx.msk [tilespmem:v44+s15+$0x0], $0xffff;
	[tilespmem:s6+$0xFFFFFFB0] =	vst v37;
	v37 =	vadd.f32 v45, v26;
	v45 =	vor.u32 s22, v10  }
0x131: {  	v36 =	vadd.f32 v36, v25;
	v35 =	vmul.f32 $8.000000000e+00, v35;
	v46 =	vld.idx.msk [tilespmem:v46+s15+$0x0], $0xffff;
	[tilespmem:s6+$0x30] =	vst v32;
	v32 =	vor.u32 s3, v9  }
0x132: {  	v39 =	vld.idx.msk [tilespmem:v39+s15+$0x0], $0xffff;
	[tilespmem:s6+$0xB0] =	vst v37;
	v37 =	vadd.f32 v38, v24;
	v38 =	vmul.f32 $8.000000000e+00, v40;
	v40 =	vor.u32 s3, v10  }
0x133: {  	v35 =	vadd.f32 v35, v21;
	v41 =	vmul.f32 $8.000000000e+00, v41;
	v21 =	vmovc v29;
	[tilespmem:s6+$0xFFFFFE30] =	vst v36;
	v36 =	vor.u32 s13, v10;
	v47 =	vld.idx.msk [tilespmem:v47+s15+$0x0], $0xffff  }
0x134: {  	v29 =	vld.idx.msk [tilespmem:v31+s15+$0x0], $0xffff;
	v31 =	vmul.f32 $8.000000000e+00, v43;
	v43 =	vor.u32 s31, v10;
	[tilespmem:s6+$0x140] =	vst v37;
	v37 =	vadd.f32 v38, v14  }
0x135: {  	v48 =	vor.u32 s20, v10;
	v33 =	vmul.f32 $8.000000000e+00, v33;
	v38 =	vld.idx.msk [tilespmem:v45+s15+$0x0], $0xffff;
	[tilespmem:s10+$0xFFFFFFF0] =	vst v35;
	v35 =	vadd.f32 v41, v19;
	v19 =	vmovc v28  }
0x136: {  	v28 =	vadd.f32 v31, v23;
	v31 =	vmul.f32 $8.000000000e+00, v44;
	v44 =	vor.u32 s7, v10;
	[tilespmem:s6+$0x1C0] =	vst v37;
	v30 =	vld.idx.msk [tilespmem:v30+s15+$0x0], $0xffff  }
0x137: {  	s28 =	sadd.s32 $0x1, s12;
	v45 =	vor.u32 s8, v10;
	v41 =	vmul.f32 $8.000000000e+00, v46;
	v33 =	vadd.f32 v33, v20;
	v20 =	vmovc v26;
	v46 =	vld.idx.msk [tilespmem:v40+s15+$0x0], $0xffff;
	[tilespmem:s10+$0x70] =	vst v35  }
0x138: {  	s11 =	sadd.s32 $0x2, s12;
	v37 =	vor.u32 s28, v17;
	[tilespmem:s6+$0xFFFFFEC0] =	vst v28;
	v26 =	vadd.f32 v31, v22;
	v28 =	vmul.f32 $8.000000000e+00, v39;
	v49 =	vld.idx.msk [tilespmem:v42+s15+$0x0], $0xffff  }
0x139: {  	s1 =	sadd.s32 $0x3, s12;
	v35 =	vor.u32 s11, v17;
	v39 =	vmul.f32 $8.000000000e+00, v47;
	v40 =	vld.idx.msk [tilespmem:v36+s15+$0x0], $0xffff;
	v36 =	vadd.f32 v41, v21;
	[tilespmem:s10+$0xF0] =	vst v33  }
.Ltmp2:
0x13a: {  	v29 =	vmul.f32 $8.000000000e+00, v29;
	v31 =	vld.idx.msk [tilespmem:v34+s15+$0x0], $0xffff;
	v34 =	vor.u32 s1, v17;
	[tilespmem:s6+$0xFFFFFF40] =	vst v26;
	v33 =	vadd.f32 v28, v19;
	(pc) =	sbr.rel @p0 .LBB2_3-.Ltmp2, $4  }
0x13b: {  	s26 =	sadd.s32 $0x4, s12;
	v41 =	vor.u32 s22, v9;
	v26 =	vld.idx.msk [tilespmem:v43+s15+$0x0], $0xffff;
	[tilespmem:s6+$0xFFFFFFC0] =	vst v36;
	v36 =	vadd.f32 v39, v20;
	v39 =	vmul.f32 $8.000000000e+00, v38  }
0x13c: {  	s25 =	sadd.s32 $0x5, s12;
	v38 =	vor.u32 s26, v17;
	v42 =	vadd.f32 v29, v25;
	v47 =	vmul.f32 $8.000000000e+00, v30;
	v28 =	vld.idx.msk [tilespmem:v48+s15+$0x0], $0xffff;
	[tilespmem:s6+$0x40] =	vst v33  }
0x13d: {  	s24 =	sadd.s32 $0x7, s12;
	v30 =	vor.u32 s25, v17;
	v29 =	vld.idx.msk [tilespmem:v44+s15+$0x0], $0xffff;
	[tilespmem:s6+$0xC0] =	vst v36;
	v43 =	vadd.f32 v39, v24;
	v44 =	vmul.f32 $8.000000000e+00, v46  }
0x13e: {  	s4 =	sadd.s32 s23, s0;
	s12 =	sadd.s32 $0x8, s12;
	v39 =	vor.u32 s24, v17;
	v36 =	vmul.f32 $8.000000000e+00, v49;
	[tilespmem:s6+$0xFFFFFE40] =	vst v42;
	v33 =	vld.idx.msk [tilespmem:v45+s15+$0x0], $0xffff;
	v42 =	vadd.f32 v47, v16;
	v16 =	vmovc v25  }
0x13f: {  	_ =	sdelay $0x3  }
0x140: {  	s5 =	sadd.s32 $0x6, s4;
	v27 =	vld.idx.msk [tilespmem:v27+s15+$0x0], $0xffff;
	v25 =	vadd.f32 v44, v14;
	v57 =	vmov s4  }
0x141: {  	v40 =	vmul.f32 $8.000000000e+00, v40;
	s16 =	sadd.s32 $0x2, s4;
	v37 =	vld.idx.msk [tilespmem:v37+s15+$0x0], $0xffff;
	s2 =	sadd.s32 $0x4, s4;
	v59 =	vor.u32 s22, v8;
	v58 =	vmov s5  }
0x142: {  	[tilespmem:s6+$0x150] =	vst v43;
	v35 =	vld.idx.msk [tilespmem:v35+s15+$0x0], $0xffff;
	v45 =	vmov s16;
	v43 =	vand.u32 $0xFFFFFFF8, v57;
	v47 =	vmov s2  }
0x143: {  	s12 =	sadd.s32 $0x1, s4;
	v34 =	vld.idx.msk [tilespmem:v34+s15+$0x0], $0xffff;
	s5 =	sadd.s32 $0x6, s23;
	v26 =	vmul.f32 $8.000000000e+00, v26;
	v18 =	vadd.f32 v36, v18;
	v44 =	vand.u32 $0xFFFFFFFE, v58  }
0x144: {  	v41 =	vld.idx.msk [tilespmem:v41+s15+$0x0], $0xffff;
	s2 =	sadd.s32 $0x7, s4;
	v17 =	vor.u32 s5, v17;
	[tilespmem:s6+$0x1D0] =	vst v25;
	v25 =	vmov s12;
	v44 =	vbroadcast v44, $0x0  }
0x145: {  	v38 =	vld.idx.msk [tilespmem:v38+s15+$0x0], $0xffff;
	v45 =	vand.u32 $0xFFFFFFFA, v45;
	v47 =	vand.u32 $0xFFFFFFFC, v47;
	v49 =	vmov s2  }
0x146: {  	v39 =	vld.idx.msk [tilespmem:v39+s15+$0x0], $0xffff;
	s12 =	sadd.s32 $0x3, s4;
	v40 =	vadd.f32 v40, v23;
	v25 =	vand.u32 $0xFFFFFFF9, v25;
	v45 =	vbroadcast v45, $0x0  }
0x147: {  	v63 =	vld.idx.msk [tilespmem:v30+s15+$0x0], $0xffff;
	v28 =	vmul.f32 $8.000000000e+00, v28;
	v46 =	vmov s12;
	v50 =	vbroadcast v25, $0x0  }
0x148: {  	v32 =	vld.idx.msk [tilespmem:v32+s15+$0x0], $0xffff;
	s12 =	sadd.s32 $0x5, s4;
	v62 =	vbroadcast v47, $0x0;
	v29 =	vmul.f32 $8.000000000e+00, v29;
	v46 =	vand.u32 $0xFFFFFFFB, v46  }
0x149: {  	[tilespmem:s10+$0xFFFFFE70] =	vst v42;
	v48 =	vmov s12;
	v60 =	vbroadcast v46, $0x0;
	v51 =	vld.idx.msk [tilespmem:v17+s15+$0x0], $0xffff;
	v17 =	vmul.f32 $8.000000000e+00, v41  }
0x14a: {  	v26 =	vadd.f32 v26, v22;
	[tilespmem:s10+$0x1F0] =	vst v18;
	v33 =	vmul.f32 $8.000000000e+00, v33;
	v48 =	vand.u32 $0xFFFFFFFD, v48;
	v25 =	vld.idx.msk [tilespmem:v44+s9+$0x0], $0xffff  }
0x14b: {  	[tilespmem:s6+$0xFFFFFED0] =	vst v40;
	v28 =	vadd.f32 v28, v21;
	v30 =	vbroadcast v48, $0x0;
	v61 =	vadd.f32 v17, v24;
	v17 =	vld.idx.msk [tilespmem:v49+s9+$0x0], $0xffff  }
0x14c: {  	v29 =	vadd.f32 v29, v19;
	[tilespmem:s6+$0xFFFFFF50] =	vst v26;
	v52 =	vmul.f32 $8.000000000e+00, v27;
	v48 =	vbroadcast v43, $0x0;
	v27 =	vld.idx.msk [tilespmem:v45+s9+$0x0], $0xffff  }
0x14d: {  	[tilespmem:s6+$0xFFFFFFD0] =	vst v28;
	v18 =	vld.idx.msk [tilespmem:v50+s9+$0x0], $0xffff  }
0x14e: {  	v53 =	vor.u32 s5, v15;
	v33 =	vadd.f32 v33, v20;
	[tilespmem:s6+$0x50] =	vst v29;
	v28 =	vld.idx.msk [tilespmem:v62+s9+$0x0], $0xffff;
	v51 =	vmul.f32 $8.000000000e+00, v51  }
0x14f: {  	v54 =	vor.u32 s24, v15;
	v39 =	vmul.f32 $8.000000000e+00, v39;
	v43 =	vadd.f32 v52, v16;
	[tilespmem:s6+$0x160] =	vst v61;
	v26 =	vld.idx.msk [tilespmem:v60+s9+$0x0], $0xffff  }
0x150: {  	v56 =	vor.u32 s28, v15;
	v55 =	vmul.f32 $8.000000000e+00, v37;
	[tilespmem:s6+$0xD0] =	vst v33;
	v49 =	vld.idx.msk [tilespmem:v59+s15+$0x0], $0xffff;
	v41 =	vadd.f32 v51, v25  }
0x151: {  	v57 =	vor.u32 s11, v15;
	s12 =	sadd.s32 $0x400, s6;
	v35 =	vmul.f32 $8.000000000e+00, v35;
	[tilespmem:s6+$0xFFFFFE50] =	vst v43;
	v29 =	vld.idx.msk [tilespmem:v30+s9+$0x0], $0xffff;
	v39 =	vadd.f32 v39, v17  }
0x152: {  	v58 =	vor.u32 s1, v15;
	v34 =	vmul.f32 $8.000000000e+00, v34;
	v30 =	vld.idx.msk [tilespmem:v48+s9+$0x0], $0xffff;
	v33 =	vadd.f32 v55, v18;
	[tilespmem:s12+$0x100] =	vst v41  }
0x153: {  	v38 =	vmul.f32 $8.000000000e+00, v38;
	v60 =	vor.u32 s26, v15;
	v35 =	vadd.f32 v35, v27;
	[tilespmem:s12+$0x180] =	vst v39;
	v59 =	vld.idx.msk [tilespmem:v53+s15+$0x0], $0xffff  }
0x154: {  	v62 =	vmul.f32 $8.000000000e+00, v63;
	v63 =	vor.u32 s25, v15;
	v61 =	vadd.f32 v34, v26;
	v42 =	vld.idx.msk [tilespmem:v54+s15+$0x0], $0xffff;
	[tilespmem:s12+$0xFFFFFE80] =	vst v33  }
0x155: {  	v31 =	vmul.f32 $8.000000000e+00, v31;
	v15 =	vor.u32 s23, v15;
	v38 =	vadd.f32 v38, v28;
	[tilespmem:s12+$0xFFFFFF00] =	vst v35;
	v37 =	vld.idx.msk [tilespmem:v56+s15+$0x0], $0xffff  }
0x156: {  	v46 =	vor.u32 s13, v9;
	v32 =	vmul.f32 $8.000000000e+00, v32;
	v34 =	vadd.f32 v62, v29;
	v41 =	vld.idx.msk [tilespmem:v57+s15+$0x0], $0xffff;
	[tilespmem:s12+$0xFFFFFF80] =	vst v61  }
0x157: {  	v47 =	vor.u32 s31, v9;
	[tilespmem:s12+$0x0] =	vst v38;
	v40 =	vmul.f32 $8.000000000e+00, v49;
	v31 =	vadd.f32 v31, v30;
	v36 =	vld.idx.msk [tilespmem:v58+s15+$0x0], $0xffff  }
0x158: {  	v32 =	vadd.f32 v32, v14;
	v49 =	vor.u32 s5, v13;
	v39 =	vld.idx.msk [tilespmem:v60+s15+$0x0], $0xffff;
	[tilespmem:s12+$0x80] =	vst v34;
	v48 =	vmul.f32 $8.000000000e+00, v59  }
0x159: {  	v50 =	vor.u32 s20, v9;
	v24 =	vadd.f32 v40, v24;
	[tilespmem:s12+$0xFFFFFE00] =	vst v31;
	v31 =	vld.idx.msk [tilespmem:v63+s15+$0x0], $0xffff;
	v51 =	vmul.f32 $8.000000000e+00, v42  }
0x15a: {  	[tilespmem:s6+$0x1E0] =	vst v32;
	v53 =	vor.u32 s28, v13;
	v15 =	vld.idx.msk [tilespmem:v15+s15+$0x0], $0xffff;
	v37 =	vmul.f32 $8.000000000e+00, v37;
	v52 =	vadd.f32 v48, v25  }
0x15b: {  	v55 =	vor.u32 s11, v13;
	v35 =	vld.idx.msk [tilespmem:v46+s15+$0x0], $0xffff;
	[tilespmem:s6+$0x170] =	vst v24;
	v54 =	vmul.f32 $8.000000000e+00, v41;
	v24 =	vadd.f32 v51, v17  }
0x15c: {  	v33 =	vld.idx.msk [tilespmem:v47+s15+$0x0], $0xffff;
	v57 =	vor.u32 s1, v13;
	v36 =	vmul.f32 $8.000000000e+00, v36;
	v56 =	vadd.f32 v37, v18;
	[tilespmem:s12+$0x110] =	vst v52  }
0x15d: {  	v39 =	vmul.f32 $8.000000000e+00, v39;
	v59 =	vor.u32 s26, v13;
	[tilespmem:s12+$0x190] =	vst v24;
	v24 =	vadd.f32 v54, v27;
	v58 =	vld.idx.msk [tilespmem:v49+s15+$0x0], $0xffff  }
0x15e: {  	v61 =	vor.u32 s25, v13;
	v34 =	vld.idx.msk [tilespmem:v50+s15+$0x0], $0xffff;
	v31 =	vmul.f32 $8.000000000e+00, v31;
	v60 =	vadd.f32 v36, v26;
	[tilespmem:s12+$0xFFFFFE90] =	vst v56  }
0x15f: {  	v62 =	vor.u32 s23, v13;
	v15 =	vmul.f32 $8.000000000e+00, v15;
	v38 =	vld.idx.msk [tilespmem:v53+s15+$0x0], $0xffff;
	[tilespmem:s12+$0xFFFFFF10] =	vst v24;
	v24 =	vadd.f32 v39, v28  }
0x160: {  	v35 =	vmul.f32 $8.000000000e+00, v35;
	v13 =	vor.u32 s24, v13;
	v31 =	vadd.f32 v31, v29;
	[tilespmem:s12+$0xFFFFFF90] =	vst v60;
	v63 =	vld.idx.msk [tilespmem:v55+s15+$0x0], $0xffff  }
0x161: {  	v44 =	vor.u32 s7, v9;
	v33 =	vmul.f32 $8.000000000e+00, v33;
	v15 =	vadd.f32 v15, v30;
	v37 =	vld.idx.msk [tilespmem:v57+s15+$0x0], $0xffff;
	[tilespmem:s12+$0x10] =	vst v24  }
0x162: {  	v45 =	vor.u32 s8, v9;
	[tilespmem:s12+$0x90] =	vst v31;
	v24 =	vadd.f32 v35, v23;
	v40 =	vld.idx.msk [tilespmem:v59+s15+$0x0], $0xffff;
	v46 =	vmul.f32 $8.000000000e+00, v58  }
0x163: {  	v47 =	vor.u32 s5, v12;
	v34 =	vmul.f32 $8.000000000e+00, v34;
	v31 =	vadd.f32 v33, v22;
	[tilespmem:s12+$0xFFFFFE10] =	vst v15;
	v15 =	vld.idx.msk [tilespmem:v61+s15+$0x0], $0xffff  }
0x164: {  	v49 =	vor.u32 s28, v12;
	v48 =	vld.idx.msk [tilespmem:v62+s15+$0x0], $0xffff;
	[tilespmem:s6+$0xFFFFFEE0] =	vst v24;
	v38 =	vmul.f32 $8.000000000e+00, v38;
	v24 =	vadd.f32 v46, v25  }
0x165: {  	v51 =	vor.u32 s11, v12;
	v13 =	vld.idx.msk [tilespmem:v13+s15+$0x0], $0xffff;
	[tilespmem:s6+$0xFFFFFF60] =	vst v31;
	v31 =	vadd.f32 v34, v21;
	v50 =	vmul.f32 $8.000000000e+00, v63  }
0x166: {  	v32 =	vld.idx.msk [tilespmem:v44+s15+$0x0], $0xffff;
	v52 =	vor.u32 s1, v12;
	v37 =	vmul.f32 $8.000000000e+00, v37;
	[tilespmem:s12+$0x120] =	vst v24;
	v24 =	vadd.f32 v38, v18  }
0x167: {  	v54 =	vor.u32 s26, v12;
	v35 =	vld.idx.msk [tilespmem:v45+s15+$0x0], $0xffff;
	[tilespmem:s6+$0xFFFFFFE0] =	vst v31;
	v31 =	vadd.f32 v50, v27;
	v53 =	vmul.f32 $8.000000000e+00, v40  }
0x168: {  	v55 =	vor.u32 s25, v12;
	v15 =	vmul.f32 $8.000000000e+00, v15;
	v33 =	vld.idx.msk [tilespmem:v47+s15+$0x0], $0xffff;
	[tilespmem:s12+$0xFFFFFEA0] =	vst v24;
	v24 =	vadd.f32 v37, v26  }
0x169: {  	v56 =	vor.u32 s23, v12;
	v36 =	vmul.f32 $8.000000000e+00, v48;
	[tilespmem:s12+$0xFFFFFF20] =	vst v31;
	v31 =	vadd.f32 v53, v28;
	v41 =	vld.idx.msk [tilespmem:v49+s15+$0x0], $0xffff  }
0x16a: {  	v12 =	vor.u32 s24, v12;
	v13 =	vmul.f32 $8.000000000e+00, v13;
	v15 =	vadd.f32 v15, v29;
	v57 =	vld.idx.msk [tilespmem:v51+s15+$0x0], $0xffff;
	[tilespmem:s12+$0xFFFFFFA0] =	vst v24  }
0x16b: {  	v32 =	vmul.f32 $8.000000000e+00, v32;
	v36 =	vadd.f32 v36, v30;
	v24 =	vor.u32 s18, v9;
	[tilespmem:s12+$0x20] =	vst v31;
	v38 =	vld.idx.msk [tilespmem:v52+s15+$0x0], $0xffff  }
0x16c: {  	v13 =	vadd.f32 v13, v17;
	v35 =	vmul.f32 $8.000000000e+00, v35;
	[tilespmem:s12+$0xA0] =	vst v15;
	v31 =	vor.u32 s13, v8;
	v58 =	vld.idx.msk [tilespmem:v54+s15+$0x0], $0xffff  }
0x16d: {  	v60 =	vor.u32 s5, v11;
	v15 =	vadd.f32 v32, v19;
	[tilespmem:s12+$0xFFFFFE20] =	vst v36;
	v61 =	vld.idx.msk [tilespmem:v55+s15+$0x0], $0xffff;
	v59 =	vmul.f32 $8.000000000e+00, v33  }
0x16e: {  	v44 =	vor.u32 s28, v11;
	[tilespmem:s12+$0x1A0] =	vst v13;
	v13 =	vadd.f32 v35, v20;
	v62 =	vld.idx.msk [tilespmem:v56+s15+$0x0], $0xffff;
	v63 =	vmul.f32 $8.000000000e+00, v41  }
0x16f: {  	v46 =	vor.u32 s11, v11;
	v12 =	vld.idx.msk [tilespmem:v12+s15+$0x0], $0xffff;
	[tilespmem:s6+$0x60] =	vst v15;
	v15 =	vadd.f32 v59, v25;
	v45 =	vmul.f32 $8.000000000e+00, v57  }
0x170: {  	v48 =	vor.u32 s1, v11;
	[tilespmem:s6+$0xE0] =	vst v13;
	v24 =	vld.idx.msk [tilespmem:v24+s15+$0x0], $0xffff;
	v13 =	vadd.f32 v63, v18;
	v47 =	vmul.f32 $8.000000000e+00, v38  }
0x171: {  	v50 =	vor.u32 s26, v11;
	v31 =	vld.idx.msk [tilespmem:v31+s15+$0x0], $0xffff;
	[tilespmem:s12+$0x130] =	vst v15;
	v15 =	vadd.f32 v45, v27;
	v49 =	vmul.f32 $8.000000000e+00, v58  }
0x172: {  	v51 =	vor.u32 s25, v11;
	v36 =	vmul.f32 $8.000000000e+00, v61;
	v33 =	vld.idx.msk [tilespmem:v60+s15+$0x0], $0xffff;
	[tilespmem:s12+$0xFFFFFEB0] =	vst v13;
	v13 =	vadd.f32 v47, v26  }
0x173: {  	v52 =	vor.u32 s23, v11;
	v35 =	vmul.f32 $8.000000000e+00, v62;
	[tilespmem:s12+$0xFFFFFF30] =	vst v15;
	v15 =	vadd.f32 v49, v28;
	v40 =	vld.idx.msk [tilespmem:v44+s15+$0x0], $0xffff  }
0x174: {  	v11 =	vor.u32 s24, v11;
	v12 =	vmul.f32 $8.000000000e+00, v12;
	v53 =	vld.idx.msk [tilespmem:v46+s15+$0x0], $0xffff;
	[tilespmem:s12+$0xFFFFFFB0] =	vst v13;
	v13 =	vadd.f32 v36, v29  }
0x175: {  	v54 =	vor.u32 s31, v8;
	v35 =	vadd.f32 v35, v30;
	v24 =	vmul.f32 $8.000000000e+00, v24;
	[tilespmem:s12+$0x30] =	vst v15;
	v55 =	vld.idx.msk [tilespmem:v48+s15+$0x0], $0xffff  }
0x176: {  	v12 =	vadd.f32 v12, v17;
	v15 =	vor.u32 s20, v8;
	v31 =	vmul.f32 $8.000000000e+00, v31;
	v56 =	vld.idx.msk [tilespmem:v50+s15+$0x0], $0xffff;
	[tilespmem:s12+$0xB0] =	vst v13  }
0x177: {  	v57 =	vor.u32 s5, v10;
	[tilespmem:s12+$0xFFFFFE30] =	vst v35;
	v13 =	vadd.f32 v24, v16;
	v24 =	vmul.f32 $8.000000000e+00, v33;
	v58 =	vld.idx.msk [tilespmem:v51+s15+$0x0], $0xffff  }
0x178: {  	[tilespmem:s12+$0x1B0] =	vst v12;
	v12 =	vor.u32 s28, v10;
	v23 =	vadd.f32 v31, v23;
	v31 =	vld.idx.msk [tilespmem:v52+s15+$0x0], $0xffff;
	v59 =	vmul.f32 $8.000000000e+00, v40  }
0x179: {  	v11 =	vld.idx.msk [tilespmem:v11+s15+$0x0], $0xffff;
	[tilespmem:s6+$0xFFFFFE60] =	vst v13;
	v13 =	vadd.f32 v24, v25;
	v24 =	vor.u32 s11, v10;
	v32 =	vmul.f32 $8.000000000e+00, v53  }
0x17a: {  	v34 =	vld.idx.msk [tilespmem:v54+s15+$0x0], $0xffff;
	[tilespmem:s6+$0xFFFFFEF0] =	vst v23;
	v23 =	vor.u32 s1, v10;
	v37 =	vadd.f32 v59, v18;
	v36 =	vmul.f32 $8.000000000e+00, v55  }
0x17b: {  	v15 =	vld.idx.msk [tilespmem:v15+s15+$0x0], $0xffff;
	[tilespmem:s12+$0x140] =	vst v13;
	v13 =	vor.u32 s26, v10;
	v32 =	vadd.f32 v32, v27;
	v38 =	vmul.f32 $8.000000000e+00, v56  }
0x17c: {  	v60 =	vor.u32 s25, v10;
	v33 =	vld.idx.msk [tilespmem:v57+s15+$0x0], $0xffff;
	[tilespmem:s12+$0xFFFFFEC0] =	vst v37;
	v36 =	vadd.f32 v36, v26;
	v35 =	vmul.f32 $8.000000000e+00, v58  }
0x17d: {  	v61 =	vor.u32 s23, v10;
	v31 =	vmul.f32 $8.000000000e+00, v31;
	[tilespmem:s12+$0xFFFFFF40] =	vst v32;
	v62 =	vadd.f32 v38, v28;
	v12 =	vld.idx.msk [tilespmem:v12+s15+$0x0], $0xffff  }
0x17e: {  	v11 =	vmul.f32 $8.000000000e+00, v11;
	v10 =	vor.u32 s24, v10;
	v24 =	vld.idx.msk [tilespmem:v24+s15+$0x0], $0xffff;
	[tilespmem:s12+$0xFFFFFFC0] =	vst v36;
	v35 =	vadd.f32 v35, v29  }
0x17f: {  	v63 =	vor.u32 s7, v8;
	v34 =	vmul.f32 $8.000000000e+00, v34;
	v31 =	vadd.f32 v31, v30;
	[tilespmem:s12+$0x40] =	vst v62;
	v23 =	vld.idx.msk [tilespmem:v23+s15+$0x0], $0xffff  }
0x180: {  	v11 =	vadd.f32 v11, v17;
	v38 =	vor.u32 s8, v8;
	v15 =	vmul.f32 $8.000000000e+00, v15;
	v13 =	vld.idx.msk [tilespmem:v13+s15+$0x0], $0xffff;
	[tilespmem:s12+$0xC0] =	vst v35  }
0x181: {  	v22 =	vadd.f32 v34, v22;
	v40 =	vor.u32 s5, v9;
	[tilespmem:s12+$0xFFFFFE40] =	vst v31;
	v33 =	vmul.f32 $8.000000000e+00, v33;
	v31 =	vld.idx.msk [tilespmem:v60+s15+$0x0], $0xffff  }
0x182: {  	[tilespmem:s12+$0x1C0] =	vst v11;
	v15 =	vadd.f32 v15, v21;
	v11 =	vld.idx.msk [tilespmem:v61+s15+$0x0], $0xffff;
	v21 =	vor.u32 s28, v9;
	v12 =	vmul.f32 $8.000000000e+00, v12  }
0x183: {  	v41 =	vor.u32 s11, v9;
	[tilespmem:s6+$0xFFFFFF70] =	vst v22;
	v10 =	vld.idx.msk [tilespmem:v10+s15+$0x0], $0xffff;
	v22 =	vadd.f32 v33, v25;
	v24 =	vmul.f32 $8.000000000e+00, v24  }
0x184: {  	v42 =	vld.idx.msk [tilespmem:v63+s15+$0x0], $0xffff;
	[tilespmem:s6+$0xFFFFFFF0] =	vst v15;
	v12 =	vadd.f32 v12, v18;
	v15 =	vmul.f32 $8.000000000e+00, v23;
	v23 =	vor.u32 s1, v9  }
0x185: {  	v32 =	vld.idx.msk [tilespmem:v38+s15+$0x0], $0xffff;
	[tilespmem:s12+$0x150] =	vst v22;
	v13 =	vmul.f32 $8.000000000e+00, v13;
	v22 =	vadd.f32 v24, v27;
	v24 =	vor.u32 s26, v9  }
0x186: {  	v34 =	vld.idx.msk [tilespmem:v40+s15+$0x0], $0xffff;
	[tilespmem:s12+$0xFFFFFED0] =	vst v12;
	v12 =	vmul.f32 $8.000000000e+00, v31;
	v15 =	vadd.f32 v15, v26;
	v31 =	vor.u32 s25, v9  }
0x187: {  	v11 =	vmul.f32 $8.000000000e+00, v11;
	v13 =	vadd.f32 v13, v28;
	[tilespmem:s12+$0xFFFFFF50] =	vst v22;
	v22 =	vor.u32 s23, v9;
	v21 =	vld.idx.msk [tilespmem:v21+s15+$0x0], $0xffff  }
0x188: {  	v10 =	vmul.f32 $8.000000000e+00, v10;
	v9 =	vor.u32 s24, v9;
	v12 =	vadd.f32 v12, v29;
	[tilespmem:s12+$0xFFFFFFD0] =	vst v15;
	v15 =	vld.idx.msk [tilespmem:v41+s15+$0x0], $0xffff  }
0x189: {  	v43 =	vor.u32 s18, v8;
	v35 =	vmul.f32 $8.000000000e+00, v42;
	v11 =	vadd.f32 v11, v30;
	[tilespmem:s12+$0x50] =	vst v13;
	v13 =	vld.idx.msk [tilespmem:v23+s15+$0x0], $0xffff  }
0x18a: {  	v32 =	vmul.f32 $8.000000000e+00, v32;
	v10 =	vadd.f32 v10, v17;
	v23 =	vor.u32 s3, v8;
	[tilespmem:s12+$0xD0] =	vst v12;
	v12 =	vld.idx.msk [tilespmem:v24+s15+$0x0], $0xffff  }
0x18b: {  	v44 =	vor.u32 s5, v8;
	v19 =	vadd.f32 v35, v19;
	[tilespmem:s12+$0xFFFFFE50] =	vst v11;
	v24 =	vmul.f32 $8.000000000e+00, v34;
	v11 =	vld.idx.msk [tilespmem:v31+s15+$0x0], $0xffff  }
0x18c: {  	v20 =	vadd.f32 v32, v20;
	[tilespmem:s12+$0x1D0] =	vst v10;
	v22 =	vld.idx.msk [tilespmem:v22+s15+$0x0], $0xffff;
	v10 =	vmul.f32 $8.000000000e+00, v21;
	v21 =	vor.u32 s28, v8  }
0x18d: {  	[tilespmem:s6+$0x70] =	vst v19;
	v9 =	vld.idx.msk [tilespmem:v9+s15+$0x0], $0xffff;
	v19 =	vadd.f32 v24, v25;
	v24 =	vor.u32 s11, v8;
	v15 =	vmul.f32 $8.000000000e+00, v15  }
0x18e: {  	[tilespmem:s6+$0xF0] =	vst v20;
	v20 =	vor.u32 s1, v8;
	v31 =	vld.idx.msk [tilespmem:v43+s15+$0x0], $0xffff;
	v10 =	vadd.f32 v10, v18;
	v13 =	vmul.f32 $8.000000000e+00, v13  }
0x18f: {  	v23 =	vld.idx.msk [tilespmem:v23+s15+$0x0], $0xffff;
	[tilespmem:s12+$0x160] =	vst v19;
	v19 =	vor.u32 s26, v8;
	v15 =	vadd.f32 v15, v27;
	v12 =	vmul.f32 $8.000000000e+00, v12  }
0x190: {  	v45 =	vld.idx.msk [tilespmem:v44+s15+$0x0], $0xffff;
	[tilespmem:s12+$0xFFFFFEE0] =	vst v10;
	v10 =	vadd.f32 v13, v26;
	v11 =	vmul.f32 $8.000000000e+00, v11;
	v13 =	vor.u32 s25, v8  }
0x191: {  	[tilespmem:s12+$0xFFFFFF60] =	vst v15;
	v12 =	vadd.f32 v12, v28;
	v15 =	vld.idx.msk [tilespmem:v21+s15+$0x0], $0xffff;
	v21 =	vmul.f32 $8.000000000e+00, v22  }
0x192: {  	v9 =	vmul.f32 $8.000000000e+00, v9;
	[tilespmem:s12+$0xFFFFFFE0] =	vst v10;
	v10 =	vadd.f32 v11, v29;
	v11 =	vld.idx.msk [tilespmem:v24+s15+$0x0], $0xffff  }
0x193: {  	v46 =	vor.u32 s23, v8;
	v22 =	vmul.f32 $8.000000000e+00, v31;
	[tilespmem:s12+$0x60] =	vst v12;
	v12 =	vadd.f32 v21, v30;
	v20 =	vld.idx.msk [tilespmem:v20+s15+$0x0], $0xffff  }
0x194: {  	v8 =	vor.u32 s24, v8;
	v9 =	vadd.f32 v9, v17;
	v21 =	vmul.f32 $8.000000000e+00, v23;
	[tilespmem:s12+$0xE0] =	vst v10;
	v10 =	vld.idx.msk [tilespmem:v19+s15+$0x0], $0xffff  }
0x195: {  	v16 =	vadd.f32 v22, v16;
	v19 =	vmul.f32 $8.000000000e+00, v45;
	[tilespmem:s12+$0xFFFFFE60] =	vst v12;
	v12 =	vld.idx.msk [tilespmem:v13+s15+$0x0], $0xffff  }
0x196: {  	[tilespmem:s12+$0x1E0] =	vst v9;
	v13 =	vadd.f32 v21, v14;
	v9 =	vmul.f32 $8.000000000e+00, v15  }
0x197: {  	[tilespmem:s6+$0xFFFFFE70] =	vst v16;
	v15 =	vadd.f32 v19, v25;
	v11 =	vmul.f32 $8.000000000e+00, v11  }
0x198: {  	v14 =	vld.idx.msk [tilespmem:v46+s15+$0x0], $0xffff;
	[tilespmem:s6+$0x1F0] =	vst v13;
	v9 =	vadd.f32 v9, v18;
	v13 =	vmul.f32 $8.000000000e+00, v20  }
0x199: {  	v8 =	vld.idx.msk [tilespmem:v8+s15+$0x0], $0xffff;
	[tilespmem:s12+$0x170] =	vst v15;
	v11 =	vadd.f32 v11, v27;
	v10 =	vmul.f32 $8.000000000e+00, v10  }
0x19a: {  	[tilespmem:s12+$0xFFFFFEF0] =	vst v9;
	v9 =	vadd.f32 v13, v26;
	v12 =	vmul.f32 $8.000000000e+00, v12  }
0x19b: {  	[tilespmem:s12+$0xFFFFFF70] =	vst v11;
	v10 =	vadd.f32 v10, v28  }
0x19c: {  	[tilespmem:s12+$0xFFFFFFF0] =	vst v9;
	v9 =	vadd.f32 v12, v29  }
0x19d: {  	v11 =	vmul.f32 $8.000000000e+00, v14;
	[tilespmem:s12+$0x70] =	vst v10  }
0x19e: {  	v8 =	vmul.f32 $8.000000000e+00, v8;
	[tilespmem:s12+$0xF0] =	vst v9  }
0x19f: {  	s13 =	sshll.u32 s14, $0x14;
	v10 =	vadd.f32 v11, v30;
	s2 =	rddreg [dreg:$0x5]  }
0x1a0: {  	v8 =	vadd.f32 v8, v17;
	s1 =	sor.u32 s2, s13  }
0x1a1: {  	s22 =	simm.s32 $0x16600;
	s16 =	rddreg [dreg:$0x2];
	[tilespmem:s12+$0xFFFFFE70] =	vst v10;
	s1 =	sshrl.u32 s1, $0x3  }
0x1a2: {  	s18 =	simm.s32 $0x400;
	s20 =	simm.s32 $0x8000;
	[tilespmem:s12+$0x1F0] =	vst v8;
	s1 =	sadd.s32 s16, s1  }
0x1a3: {  	[hbm4b:s1+s18] =	stream.strided.scatter [tilespmem:s22], [sflag:$0x5], $0x2000, s20, s18, $0x38;
	[tilespmem:$0x1D800] =	vst v63  }
0x1a4: {  	p0 =	seq.s32 s14, $0x31;
	s1 =	rddreg [dreg:$0xb]  }
0x1a5: {  	v8 =	vld @!p0 [tilespmem:s1+$0x200];
	_ =	sdelay $0x4  }
0x1a6: {  	v8 =	vshrl.u32 @!p0 v8, $0x1  }
0x1a7: {  	[tilespmem:$0x6400] =	vst @!p0 v8  }
0x1a8: {  	v8 =	vld @!p0 [tilespmem:s1+$0x210];
	_ =	sdelay $0x4  }
0x1a9: {  	v8 =	vshrl.u32 @!p0 v8, $0x1  }
0x1aa: {  	[tilespmem:$0x6410] =	vst @!p0 v8  }
0x1ab: {  	v8 =	vld @!p0 [tilespmem:s1+$0x220];
	_ =	sdelay $0x4  }
0x1ac: {  	v8 =	vshrl.u32 @!p0 v8, $0x1  }
0x1ad: {  	[tilespmem:$0x6420] =	vst @!p0 v8  }
0x1ae: {  	v8 =	vld @!p0 [tilespmem:s1+$0x230];
	_ =	sdelay $0x4  }
0x1af: {  	v8 =	vshrl.u32 @!p0 v8, $0x1  }
0x1b0: {  	[tilespmem:$0x6430] =	vst @!p0 v8  }
0x1b1: {  	v8 =	vld @!p0 [tilespmem:s1+$0x240];
	_ =	sdelay $0x4  }
0x1b2: {  	v8 =	vshrl.u32 @!p0 v8, $0x1  }
0x1b3: {  	[tilespmem:$0x6440] =	vst @!p0 v8  }
0x1b4: {  	v8 =	vld @!p0 [tilespmem:s1+$0x250];
	_ =	sdelay $0x4  }
0x1b5: {  	v8 =	vshrl.u32 @!p0 v8, $0x1  }
0x1b6: {  	[tilespmem:$0x6450] =	vst @!p0 v8  }
0x1b7: {  	v8 =	vld @!p0 [tilespmem:s1+$0x260];
	_ =	sdelay $0x4  }
0x1b8: {  	v8 =	vshrl.u32 @!p0 v8, $0x1  }
0x1b9: {  	[tilespmem:$0x6460] =	vst @!p0 v8  }
0x1ba: {  	v8 =	vld @!p0 [tilespmem:s1+$0x270];
	_ =	sdelay $0x4  }
0x1bb: {  	s4 =	simm.s32 @!p0 $0x6600;
	s23 =	simm.s32 $0x2;
	[dreg:$0xa] =	wrdreg s14;
	v8 =	vshrl.u32 @!p0 v8, $0x1  }
0x1bc: {  	s3 =	simm.s32 @!p0 $0x6400;
	s2 =	rddreg [dreg:$0x4];
	s1 =	simm.s32 @!p0 $0x80;
	[tilespmem:$0x6470] =	vst @!p0 v8  }
0x1bd: {  	[tilespmem:s4], [sflag:$0x1] =	stream.indirect.gather @!p0 [hbm4b:s2+s1], $0x80, s3, s1, $0xb8;
	[tilespmem:$0x1D800] =	vst v63  }
0x1be: {  	_ =	swait.ge [sflag:s23], $0x4000  }
0x1bf: {  	[sflag:s23] =	ssyncset.done $0x0  }
0x1c0: {  	s1 =	simm.s32 @!p1 $0x6;
	s24 =	rddreg [dreg:$0xc];
	[sflag:s23] =	ssyncadd.s32 $0xFFFFC000  }
0x1c1: {  	s2 =	sor.u32 $0x1, s24;
	_ =	swait.ge @!p1 [sflag:s1], $0x2000  }
0x1c2: {  	s25 =	sshll.u32 s2, $0x7;
	[sflag:s1] =	ssyncset.done @!p1 $0x0  }
0x1c3: {  	s26 =	sand.u32 $0x3FFFFF80, s25;
	[sflag:s1] =	ssyncadd.s32 @!p1 $0xFFFFE000  }
0x1c4: {  	v8 =	vld [tilespmem:s26+$0x0];
	_ =	sdelay $0x3  }
0x1c5: {  	[dreg:$0xd] =	wrdreg s2;
	s2 =	sadd.s32 $0x0, s0  }
0x1c6: {  	s8 =	sadd.s32 $0x40, s2;
	v8 =	vshll.u32 v8, $0x6  }
0x1c7: {  	s10 =	sadd.s32 $0x41, s2;
	v24 =	vmov s8;
	v12 =	vld [tilespmem:s26+$0x10];
	v8 =	vand.u32 $0x40, v8  }
0x1c8: {  	s12 =	simm.s32 $0x0;
	v26 =	vmov s10;
	v13 =	vld [tilespmem:s26+$0x20];
	v24 =	vand.u32 $0xFFFFFFF8, v24;
	v16 =	vor.u32 v0, v8  }
0x1c9: {  	v17 =	vld [tilespmem:s26+$0x30];
	v26 =	vand.u32 $0xFFFFFFF9, v26;
	v24 =	vbroadcast v24, $0x0;
	v14 =	vor.u32 s12, v16  }
0x1ca: {  	v11 =	vld [tilespmem:s26+$0x40];
	v26 =	vbroadcast v26, $0x0  }
0x1cb: {  	s29 =	simm.s32 $0x1;
	s7 =	sadd.s32 $0x46, s2;
	v10 =	vld [tilespmem:s26+$0x50]  }
0x1cc: {  	s5 =	simm.s32 $0x6;
	v20 =	vmov s7;
	v9 =	vld [tilespmem:s26+$0x70];
	v15 =	vor.u32 s29, v16  }
0x1cd: {  	s25 =	simm.s32 $0x2;
	s16 =	sadd.s32 $0x44, s2;
	v20 =	vand.u32 $0xFFFFFFFE, v20;
	v8 =	vld [tilespmem:s26+$0x60];
	v21 =	vor.u32 s5, v16  }
0x1ce: {  	v29 =	vmov s16;
	v18 =	vor.u32 s25, v16;
	v23 =	vld.idx.msk [tilespmem:v14+s17+$0x0], $0xffff;
	v14 =	vbroadcast v20, $0x0  }
0x1cf: {  	s11 =	simm.s32 $0x3;
	v29 =	vand.u32 $0xFFFFFFFC, v29;
	v30 =	vld.idx.msk [tilespmem:v24+s9+$0x0], $0xffff  }
0x1d0: {  	s28 =	simm.s32 $0x4;
	v48 =	vbroadcast v29, $0x0;
	v29 =	vld.idx.msk [tilespmem:v26+s9+$0x0], $0xffff;
	v19 =	vor.u32 s11, v16  }
0x1d1: {  	s13 =	sadd.s32 $0x42, s2;
	s1 =	simm.s32 $0x7;
	v22 =	vor.u32 s28, v16;
	v15 =	vld.idx.msk [tilespmem:v15+s17+$0x0], $0xffff  }
0x1d2: {  	s14 =	sadd.s32 $0x43, s2;
	v27 =	vmov s13;
	s26 =	simm.s32 $0x5;
	v25 =	vor.u32 s1, v16;
	v21 =	vld.idx.msk [tilespmem:v21+s17+$0x0], $0xffff  }
0x1d3: {  	v28 =	vmov s14;
	v27 =	vand.u32 $0xFFFFFFFA, v27;
	v20 =	vor.u32 s26, v16;
	v18 =	vld.idx.msk [tilespmem:v18+s17+$0x0], $0xffff  }
0x1d4: {  	s18 =	sadd.s32 $0x45, s2;
	v28 =	vand.u32 $0xFFFFFFFB, v28;
	v27 =	vbroadcast v27, $0x0;
	v12 =	vshll.u32 v12, $0x6;
	v31 =	vld.idx.msk [tilespmem:v14+s9+$0x0], $0xffff  }
0x1d5: {  	v47 =	vbroadcast v28, $0x0;
	v28 =	vmov s18;
	v12 =	vand.u32 $0x40, v12;
	v19 =	vld.idx.msk [tilespmem:v19+s17+$0x0], $0xffff  }
0x1d6: {  	v22 =	vld.idx.msk [tilespmem:v22+s17+$0x0], $0xffff;
	v14 =	vor.u32 v1, v12;
	v12 =	vand.u32 $0xFFFFFFFD, v28  }
0x1d7: {  	v25 =	vld.idx.msk [tilespmem:v25+s17+$0x0], $0xffff;
	v21 =	vmul.f32 $8.000000000e+00, v21;
	v12 =	vbroadcast v12, $0x0;
	v24 =	vor.u32 s5, v14  }
0x1d8: {  	v20 =	vld.idx.msk [tilespmem:v20+s17+$0x0], $0xffff  }
0x1d9: {  	s20 =	sadd.s32 $0x47, s2;
	v49 =	vmul.f32 $8.000000000e+00, v23;
	v23 =	vld.idx.msk [tilespmem:v48+s9+$0x0], $0xffff;
	v21 =	vadd.f32 v21, v31  }
0x1da: {  	s3 =	simm.s32 $0x18800;
	v13 =	vshll.u32 v13, $0x6;
	v26 =	vmov s20;
	v28 =	vld.idx.msk [tilespmem:v27+s9+$0x0], $0xffff  }
0x1db: {  	v13 =	vand.u32 $0x40, v13;
	v27 =	vld.idx.msk [tilespmem:v47+s9+$0x0], $0xffff;
	v50 =	vor.u32 s12, v14;
	[tilespmem:s3+$0x100] =	vst v21  }
0x1dc: {  	v13 =	vor.u32 v2, v13;
	v15 =	vmul.f32 $8.000000000e+00, v15;
	v51 =	vor.u32 s29, v14;
	v24 =	vld.idx.msk [tilespmem:v24+s17+$0x0], $0xffff  }
0x1dd: {  	v18 =	vmul.f32 $8.000000000e+00, v18;
	v32 =	vadd.f32 v49, v30;
	v52 =	vor.u32 s25, v14;
	v21 =	vld.idx.msk [tilespmem:v12+s9+$0x0], $0xffff  }
0x1de: {  	v19 =	vmul.f32 $8.000000000e+00, v19;
	v53 =	vor.u32 s11, v14;
	v12 =	vadd.f32 v15, v29  }
0x1df: {  	v22 =	vmul.f32 $8.000000000e+00, v22;
	[tilespmem:s3+$0xFFFFFE00] =	vst v32;
	v18 =	vadd.f32 v18, v28;
	v15 =	vld.idx.msk [tilespmem:v26+s9+$0x0], $0xffff;
	v26 =	vor.u32 s28, v14  }
0x1e0: {  	v19 =	vadd.f32 v19, v27;
	v32 =	vld.idx.msk [tilespmem:v50+s17+$0x0], $0xffff;
	[tilespmem:s3+$0xFFFFFE80] =	vst v12;
	v12 =	vmul.f32 $8.000000000e+00, v20;
	v20 =	vor.u32 s26, v14  }
0x1e1: {  	v22 =	vadd.f32 v22, v23;
	[tilespmem:s3+$0xFFFFFF00] =	vst v18;
	v33 =	vld.idx.msk [tilespmem:v51+s17+$0x0], $0xffff;
	v18 =	vmul.f32 $8.000000000e+00, v24;
	v24 =	vor.u32 s5, v13  }
0x1e2: {  	v25 =	vmul.f32 $8.000000000e+00, v25;
	[tilespmem:s3+$0xFFFFFF80] =	vst v19;
	v19 =	vor.u32 s1, v14;
	v54 =	vld.idx.msk [tilespmem:v52+s17+$0x0], $0xffff;
	v12 =	vadd.f32 v12, v21  }
0x1e3: {  	v17 =	vshll.u32 v17, $0x6;
	[tilespmem:s3+$0x0] =	vst v22;
	v55 =	vld.idx.msk [tilespmem:v53+s17+$0x0], $0xffff;
	v18 =	vadd.f32 v18, v31  }
0x1e4: {  	v11 =	vshll.u32 v11, $0x6;
	v10 =	vshll.u32 v10, $0x6;
	v22 =	vadd.f32 v25, v15;
	v25 =	vld.idx.msk [tilespmem:v26+s17+$0x0], $0xffff;
	[tilespmem:s3+$0x80] =	vst v12  }
0x1e5: {  	v26 =	vor.u32 s12, v13;
	v12 =	vand.u32 $0x40, v17;
	v17 =	vmul.f32 $8.000000000e+00, v32;
	v20 =	vld.idx.msk [tilespmem:v20+s17+$0x0], $0xffff;
	[tilespmem:s3+$0x110] =	vst v18  }
0x1e6: {  	v57 =	vor.u32 s25, v13;
	[tilespmem:s3+$0x180] =	vst v22;
	v22 =	vmul.f32 $8.000000000e+00, v33;
	v18 =	vld.idx.msk [tilespmem:v24+s17+$0x0], $0xffff;
	v24 =	vor.u32 s29, v13  }
0x1e7: {  	v59 =	vor.u32 s11, v13;
	v56 =	vmul.f32 $8.000000000e+00, v54;
	v19 =	vld.idx.msk [tilespmem:v19+s17+$0x0], $0xffff;
	v17 =	vadd.f32 v17, v30  }
0x1e8: {  	v60 =	vor.u32 s28, v13;
	v58 =	vmul.f32 $8.000000000e+00, v55;
	v22 =	vadd.f32 v22, v29  }
0x1e9: {  	v61 =	vor.u32 s26, v13;
	v25 =	vmul.f32 $8.000000000e+00, v25;
	[tilespmem:s3+$0xFFFFFE10] =	vst v17;
	v17 =	vadd.f32 v56, v28  }
0x1ea: {  	v12 =	vor.u32 v3, v12;
	v26 =	vld.idx.msk [tilespmem:v26+s17+$0x0], $0xffff;
	[tilespmem:s3+$0xFFFFFE90] =	vst v22;
	v22 =	vadd.f32 v58, v27;
	v20 =	vmul.f32 $8.000000000e+00, v20  }
0x1eb: {  	[tilespmem:s3+$0xFFFFFF10] =	vst v17;
	v17 =	vadd.f32 v25, v23;
	v25 =	vor.u32 s5, v12;
	v24 =	vld.idx.msk [tilespmem:v24+s17+$0x0], $0xffff;
	v18 =	vmul.f32 $8.000000000e+00, v18  }
0x1ec: {  	v19 =	vmul.f32 $8.000000000e+00, v19;
	v33 =	vld.idx.msk [tilespmem:v57+s17+$0x0], $0xffff;
	[tilespmem:s3+$0xFFFFFF90] =	vst v22;
	v22 =	vor.u32 s1, v13;
	v20 =	vadd.f32 v20, v21  }
0x1ed: {  	v9 =	vshll.u32 v9, $0x6;
	v11 =	vand.u32 $0x40, v11;
	v35 =	vld.idx.msk [tilespmem:v59+s17+$0x0], $0xffff;
	[tilespmem:s3+$0x10] =	vst v17;
	v17 =	vadd.f32 v18, v31  }
0x1ee: {  	v10 =	vand.u32 $0x40, v10;
	v9 =	vand.u32 $0x40, v9;
	v19 =	vadd.f32 v19, v15;
	[tilespmem:s3+$0x90] =	vst v20;
	v18 =	vld.idx.msk [tilespmem:v60+s17+$0x0], $0xffff  }
0x1ef: {  	v11 =	vor.u32 v4, v11;
	v20 =	vor.u32 s12, v12;
	v26 =	vmul.f32 $8.000000000e+00, v26;
	v62 =	vld.idx.msk [tilespmem:v61+s17+$0x0], $0xffff;
	[tilespmem:s3+$0x120] =	vst v17  }
0x1f0: {  	v10 =	vor.u32 v5, v10;
	[tilespmem:s3+$0x190] =	vst v19;
	v17 =	vld.idx.msk [tilespmem:v25+s17+$0x0], $0xffff;
	v19 =	vmul.f32 $8.000000000e+00, v24;
	v24 =	vor.u32 s29, v12  }
0x1f1: {  	v63 =	vor.u32 s25, v12;
	v22 =	vld.idx.msk [tilespmem:v22+s17+$0x0], $0xffff;
	v25 =	vadd.f32 v26, v30;
	v26 =	vmul.f32 $8.000000000e+00, v33  }
0x1f2: {  	v37 =	vor.u32 s11, v12;
	v36 =	vmul.f32 $8.000000000e+00, v35;
	v19 =	vadd.f32 v19, v29  }
0x1f3: {  	[tilespmem:s3+$0xFFFFFE20] =	vst v25;
	v25 =	vadd.f32 v26, v28;
	v18 =	vmul.f32 $8.000000000e+00, v18;
	v26 =	vor.u32 s28, v12  }
0x1f4: {  	v38 =	vor.u32 s26, v12;
	v32 =	vmul.f32 $8.000000000e+00, v62;
	v20 =	vld.idx.msk [tilespmem:v20+s17+$0x0], $0xffff;
	[tilespmem:s3+$0xFFFFFEA0] =	vst v19;
	v19 =	vadd.f32 v36, v27  }
0x1f5: {  	[tilespmem:s3+$0xFFFFFF20] =	vst v25;
	v18 =	vadd.f32 v18, v23;
	v25 =	vor.u32 s5, v11;
	v24 =	vld.idx.msk [tilespmem:v24+s17+$0x0], $0xffff;
	v17 =	vmul.f32 $8.000000000e+00, v17  }
0x1f6: {  	v39 =	vor.u32 s1, v12;
	v22 =	vmul.f32 $8.000000000e+00, v22;
	v33 =	vld.idx.msk [tilespmem:v63+s17+$0x0], $0xffff;
	[tilespmem:s3+$0xFFFFFFA0] =	vst v19;
	v19 =	vadd.f32 v32, v21  }
0x1f7: {  	s10 =	simm.s32 $0xB;
	v9 =	vor.u32 v7, v9;
	[tilespmem:s3+$0x20] =	vst v18;
	v35 =	vld.idx.msk [tilespmem:v37+s17+$0x0], $0xffff;
	v17 =	vadd.f32 v17, v31  }
0x1f8: {  	v41 =	vor.u32 s25, v11;
	v52 =	vor.u32 s10, v16;
	v18 =	vld.idx.msk [tilespmem:v26+s17+$0x0], $0xffff;
	[tilespmem:s3+$0xA0] =	vst v19;
	v19 =	vadd.f32 v22, v15  }
0x1f9: {  	v43 =	vor.u32 s11, v11;
	v22 =	vor.u32 s12, v11;
	v20 =	vmul.f32 $8.000000000e+00, v20;
	v26 =	vld.idx.msk [tilespmem:v38+s17+$0x0], $0xffff;
	[tilespmem:s3+$0x130] =	vst v17  }
0x1fa: {  	v44 =	vor.u32 s28, v11;
	v17 =	vld.idx.msk [tilespmem:v25+s17+$0x0], $0xffff;
	[tilespmem:s3+$0x1A0] =	vst v19;
	v19 =	vmul.f32 $8.000000000e+00, v24;
	v24 =	vor.u32 s29, v11  }
0x1fb: {  	v45 =	vor.u32 s26, v11;
	v20 =	vadd.f32 v20, v30;
	v40 =	vmul.f32 $8.000000000e+00, v33;
	v25 =	vld.idx.msk [tilespmem:v39+s17+$0x0], $0xffff  }
0x1fc: {  	s4 =	sadd.s32 $0x8, s0;
	v8 =	vshll.u32 v8, $0x6;
	v19 =	vadd.f32 v19, v29;
	v42 =	vmul.f32 $8.000000000e+00, v35  }
0x1fd: {  	s22 =	sadd.s32 $0x46, s4;
	v8 =	vand.u32 $0x40, v8;
	v37 =	vld.idx.msk [tilespmem:v52+s17+$0x0], $0xffff;
	[tilespmem:s3+$0xFFFFFE30] =	vst v20;
	v20 =	vadd.f32 v40, v28;
	v18 =	vmul.f32 $8.000000000e+00, v18  }
0x1fe: {  	v53 =	vmov s22;
	v22 =	vld.idx.msk [tilespmem:v22+s17+$0x0], $0xffff;
	[tilespmem:s3+$0xFFFFFEB0] =	vst v19;
	v19 =	vadd.f32 v42, v27;
	v26 =	vmul.f32 $8.000000000e+00, v26  }
0x1ff: {  	s22 =	simm.s32 $0xE;
	[tilespmem:s3+$0xFFFFFF30] =	vst v20;
	v18 =	vadd.f32 v18, v23;
	v20 =	vor.u32 s5, v10;
	v24 =	vld.idx.msk [tilespmem:v24+s17+$0x0], $0xffff;
	v17 =	vmul.f32 $8.000000000e+00, v17  }
0x200: {  	v54 =	vor.u32 s22, v16;
	v33 =	vld.idx.msk [tilespmem:v41+s17+$0x0], $0xffff;
	[tilespmem:s3+$0xFFFFFFB0] =	vst v19;
	v19 =	vadd.f32 v26, v21;
	v25 =	vmul.f32 $8.000000000e+00, v25  }
0x201: {  	s6 =	simm.s32 $0xF;
	v8 =	vor.u32 v6, v8;
	v26 =	vor.u32 s1, v11;
	[tilespmem:s3+$0x30] =	vst v18;
	v35 =	vld.idx.msk [tilespmem:v43+s17+$0x0], $0xffff;
	v17 =	vadd.f32 v17, v31  }
0x202: {  	v48 =	vor.u32 s28, v10;
	v55 =	vor.u32 s6, v16;
	v18 =	vld.idx.msk [tilespmem:v44+s17+$0x0], $0xffff;
	[tilespmem:s3+$0xB0] =	vst v19;
	v19 =	vadd.f32 v25, v15  }
0x203: {  	v47 =	vor.u32 s11, v10;
	v25 =	vor.u32 s12, v10;
	v22 =	vmul.f32 $8.000000000e+00, v22;
	v46 =	vld.idx.msk [tilespmem:v45+s17+$0x0], $0xffff;
	[tilespmem:s3+$0x140] =	vst v17  }
0x204: {  	v49 =	vor.u32 s26, v10;
	v17 =	vor.u32 s29, v10;
	v20 =	vld.idx.msk [tilespmem:v20+s17+$0x0], $0xffff;
	[tilespmem:s3+$0x1B0] =	vst v19;
	v19 =	vmul.f32 $8.000000000e+00, v24  }
0x205: {  	s13 =	simm.s32 $0x8;
	v39 =	vld.idx.msk [tilespmem:v54+s17+$0x0], $0xffff;
	v24 =	vor.u32 s25, v10;
	v22 =	vadd.f32 v22, v30;
	v33 =	vmul.f32 $8.000000000e+00, v33  }
0x206: {  	v51 =	vor.u32 s13, v16;
	v26 =	vld.idx.msk [tilespmem:v26+s17+$0x0], $0xffff;
	v19 =	vadd.f32 v19, v29;
	v35 =	vmul.f32 $8.000000000e+00, v35  }
0x207: {  	s23 =	sadd.s32 $0x40, s4;
	v50 =	vor.u32 s1, v10;
	v40 =	vld.idx.msk [tilespmem:v55+s17+$0x0], $0xffff;
	[tilespmem:s3+$0xFFFFFE40] =	vst v22;
	v22 =	vadd.f32 v33, v28;
	v18 =	vmul.f32 $8.000000000e+00, v18  }
0x208: {  	v56 =	vmov s23;
	v25 =	vld.idx.msk [tilespmem:v25+s17+$0x0], $0xffff;
	[tilespmem:s3+$0xFFFFFEC0] =	vst v19;
	v19 =	vadd.f32 v35, v27;
	v32 =	vmul.f32 $8.000000000e+00, v46  }
0x209: {  	s24 =	sadd.s32 $0x41, s4;
	s2 =	sadd.s32 $0x42, s4;
	[tilespmem:s3+$0xFFFFFF40] =	vst v22;
	v18 =	vadd.f32 v18, v23;
	v22 =	vor.u32 s5, v8;
	v17 =	vld.idx.msk [tilespmem:v17+s17+$0x0], $0xffff;
	v20 =	vmul.f32 $8.000000000e+00, v20  }
0x20a: {  	s18 =	sadd.s32 $0x44, s4;
	v58 =	vmov s2;
	v57 =	vmov s24;
	v24 =	vld.idx.msk [tilespmem:v24+s17+$0x0], $0xffff;
	[tilespmem:s3+$0xFFFFFFC0] =	vst v19;
	v19 =	vadd.f32 v32, v21  }
0x20b: {  	s20 =	simm.s32 $0x9;
	s24 =	sadd.s32 $0x45, s4;
	v59 =	vmov s18;
	v26 =	vmul.f32 $8.000000000e+00, v26;
	[tilespmem:s3+$0x40] =	vst v18;
	v32 =	vld.idx.msk [tilespmem:v51+s17+$0x0], $0xffff;
	v18 =	vadd.f32 v20, v31  }
0x20c: {  	s31 =	simm.s32 $0xA;
	v60 =	vmov s24;
	v61 =	vand.u32 $0xFFFFFFFA, v58;
	v20 =	vor.u32 s20, v16;
	v36 =	vld.idx.msk [tilespmem:v48+s17+$0x0], $0xffff;
	[tilespmem:s3+$0xC0] =	vst v19  }
0x20d: {  	s8 =	simm.s32 $0xC;
	v38 =	vand.u32 $0xFFFFFFFE, v53;
	v34 =	vld.idx.msk [tilespmem:v47+s17+$0x0], $0xffff;
	v19 =	vadd.f32 v26, v15;
	v26 =	vor.u32 s31, v16;
	[tilespmem:s3+$0x150] =	vst v18  }
0x20e: {  	v38 =	vbroadcast v38, $0x0;
	v41 =	vand.u32 $0xFFFFFFF8, v56;
	v18 =	vor.u32 s8, v16;
	v22 =	vld.idx.msk [tilespmem:v22+s17+$0x0], $0xffff  }
0x20f: {  	s7 =	simm.s32 $0xD;
	v41 =	vbroadcast v41, $0x0;
	v45 =	vand.u32 $0xFFFFFFFC, v59;
	v33 =	vld.idx.msk [tilespmem:v49+s17+$0x0], $0xffff;
	[tilespmem:s3+$0x1C0] =	vst v19;
	v17 =	vmul.f32 $8.000000000e+00, v17  }
0x210: {  	s14 =	sadd.s32 $0x43, s4;
	v52 =	vbroadcast v45, $0x0;
	v25 =	vmul.f32 $8.000000000e+00, v25;
	v19 =	vor.u32 s7, v16;
	v35 =	vld.idx.msk [tilespmem:v50+s17+$0x0], $0xffff  }
0x211: {  	s4 =	sadd.s32 $0x47, s4;
	v44 =	vld.idx.msk [tilespmem:v20+s17+$0x0], $0xffff;
	v20 =	vmov s14;
	v53 =	vmul.f32 $8.000000000e+00, v36;
	v17 =	vadd.f32 v17, v29  }
0x212: {  	v46 =	vld.idx.msk [tilespmem:v26+s17+$0x0], $0xffff;
	v26 =	vand.u32 $0xFFFFFFF9, v57;
	v20 =	vand.u32 $0xFFFFFFFB, v20;
	v57 =	vmov s4  }
0x213: {  	v49 =	vld.idx.msk [tilespmem:v18+s17+$0x0], $0xffff;
	v18 =	vbroadcast v61, $0x0;
	v61 =	vor.u32 s29, v8;
	v22 =	vmul.f32 $8.000000000e+00, v22  }
0x214: {  	v62 =	vor.u32 s5, v9;
	v63 =	vbroadcast v26, $0x0;
	v51 =	vbroadcast v20, $0x0;
	v26 =	vld.idx.msk [tilespmem:v38+s9+$0x0], $0xffff  }
0x215: {  	[tilespmem:s3+$0xFFFFFED0] =	vst v17;
	v17 =	vadd.f32 v53, v23;
	v45 =	vld.idx.msk [tilespmem:v19+s17+$0x0], $0xffff;
	v20 =	vadd.f32 v22, v31;
	v22 =	vand.u32 $0xFFFFFFFD, v60  }
0x216: {  	v19 =	vbroadcast v22, $0x0;
	v22 =	vadd.f32 v25, v30;
	v25 =	vmul.f32 $8.000000000e+00, v24;
	v24 =	vld.idx.msk [tilespmem:v41+s9+$0x0], $0xffff  }
0x217: {  	v33 =	vmul.f32 $8.000000000e+00, v33;
	[tilespmem:s3+$0x50] =	vst v17;
	v17 =	vld.idx.msk [tilespmem:v57+s9+$0x0], $0xffff  }
0x218: {  	v55 =	vor.u32 s22, v14;
	v39 =	vmul.f32 $8.000000000e+00, v39;
	[tilespmem:s3+$0x160] =	vst v20;
	v20 =	vmul.f32 $8.000000000e+00, v34;
	v34 =	vld.idx.msk [tilespmem:v61+s17+$0x0], $0xffff  }
0x219: {  	v37 =	vmul.f32 $8.000000000e+00, v37;
	v40 =	vmul.f32 $8.000000000e+00, v40;
	v33 =	vadd.f32 v33, v21;
	v54 =	vld.idx.msk [tilespmem:v62+s17+$0x0], $0xffff  }
0x21a: {  	v59 =	vor.u32 s12, v8;
	v35 =	vmul.f32 $8.000000000e+00, v35;
	v58 =	vadd.f32 v39, v26;
	[tilespmem:s3+$0xFFFFFE50] =	vst v22;
	v22 =	vld.idx.msk [tilespmem:v63+s9+$0x0], $0xffff  }
0x21b: {  	s24 =	simm.s32 $0x18C00;
	v32 =	vmul.f32 $8.000000000e+00, v32;
	[tilespmem:s3+$0xD0] =	vst v33;
	v25 =	vadd.f32 v25, v28;
	v56 =	vadd.f32 v20, v27;
	v20 =	vld.idx.msk [tilespmem:v18+s9+$0x0], $0xffff  }
0x21c: {  	v50 =	vor.u32 s31, v14;
	v60 =	vor.u32 s13, v14;
	v35 =	vadd.f32 v35, v15;
	v18 =	vld.idx.msk [tilespmem:v51+s9+$0x0], $0xffff;
	[tilespmem:s24+$0x100] =	vst v58  }
0x21d: {  	v53 =	vor.u32 s10, v14;
	v62 =	vmul.f32 $8.000000000e+00, v44;
	v63 =	vor.u32 s20, v14;
	[tilespmem:s3+$0xFFFFFF50] =	vst v25;
	v25 =	vld.idx.msk [tilespmem:v52+s9+$0x0], $0xffff  }
0x21e: {  	v48 =	vmul.f32 $8.000000000e+00, v46;
	v33 =	vor.u32 s13, v11;
	[tilespmem:s3+$0x1D0] =	vst v35;
	v41 =	vld.idx.msk [tilespmem:v55+s17+$0x0], $0xffff;
	v32 =	vadd.f32 v32, v24  }
0x21f: {  	v44 =	vor.u32 s12, v9;
	[tilespmem:s3+$0xFFFFFFD0] =	vst v56;
	v56 =	vor.u32 s8, v14;
	v19 =	vld.idx.msk [tilespmem:v19+s9+$0x0], $0xffff;
	v51 =	vadd.f32 v62, v22  }
0x220: {  	v39 =	vld.idx.msk [tilespmem:v59+s17+$0x0], $0xffff;
	v36 =	vmul.f32 $8.000000000e+00, v54;
	[tilespmem:s24+$0xFFFFFE00] =	vst v32;
	v54 =	vmul.f32 $8.000000000e+00, v49;
	v52 =	vadd.f32 v48, v20  }
0x221: {  	v58 =	vmul.f32 $8.000000000e+00, v45;
	v62 =	vor.u32 s6, v14;
	v55 =	vld.idx.msk [tilespmem:v60+s17+$0x0], $0xffff;
	v37 =	vadd.f32 v37, v18;
	[tilespmem:s24+$0xFFFFFE80] =	vst v51  }
0x222: {  	v59 =	vor.u32 s7, v14;
	v40 =	vadd.f32 v40, v17;
	v57 =	vadd.f32 v54, v25;
	v43 =	vld.idx.msk [tilespmem:v63+s17+$0x0], $0xffff;
	[tilespmem:s24+$0xFFFFFF00] =	vst v52  }
0x223: {  	v34 =	vmul.f32 $8.000000000e+00, v34;
	v60 =	vor.u32 s22, v13;
	v41 =	vmul.f32 $8.000000000e+00, v41;
	[tilespmem:s24+$0xFFFFFF80] =	vst v37;
	v46 =	vld.idx.msk [tilespmem:v50+s17+$0x0], $0xffff  }
0x224: {  	v31 =	vadd.f32 v36, v31;
	v63 =	vor.u32 s25, v8;
	v61 =	vadd.f32 v58, v19;
	v36 =	vld.idx.msk [tilespmem:v53+s17+$0x0], $0xffff;
	[tilespmem:s24+$0x0] =	vst v57  }
0x225: {  	v32 =	vor.u32 s13, v10;
	[tilespmem:s24+$0x180] =	vst v40;
	v41 =	vadd.f32 v41, v26;
	v53 =	vor.u32 s11, v8;
	v42 =	vld.idx.msk [tilespmem:v56+s17+$0x0], $0xffff  }
0x226: {  	v34 =	vadd.f32 v34, v29;
	v54 =	vor.u32 s13, v13;
	v38 =	vld.idx.msk [tilespmem:v62+s17+$0x0], $0xffff;
	[tilespmem:s24+$0x80] =	vst v61;
	v35 =	vmul.f32 $8.000000000e+00, v55  }
0x227: {  	v51 =	vor.u32 s10, v10;
	v52 =	vmul.f32 $8.000000000e+00, v39;
	[tilespmem:s24+$0x110] =	vst v41;
	v55 =	vor.u32 s28, v8;
	v45 =	vld.idx.msk [tilespmem:v59+s17+$0x0], $0xffff  }
0x228: {  	[tilespmem:s3+$0x170] =	vst v31;
	v57 =	vor.u32 s20, v13;
	v41 =	vld.idx.msk [tilespmem:v60+s17+$0x0], $0xffff;
	v31 =	vadd.f32 v35, v24;
	v56 =	vmul.f32 $8.000000000e+00, v43  }
0x229: {  	[tilespmem:s3+$0xFFFFFEE0] =	vst v34;
	v58 =	vor.u32 s31, v13;
	v37 =	vadd.f32 v52, v30;
	v59 =	vld.idx.msk [tilespmem:v63+s17+$0x0], $0xffff;
	v46 =	vmul.f32 $8.000000000e+00, v46  }
0x22a: {  	v61 =	vor.u32 s10, v13;
	v60 =	vmul.f32 $8.000000000e+00, v36;
	v39 =	vld.idx.msk [tilespmem:v53+s17+$0x0], $0xffff;
	[tilespmem:s24+$0xFFFFFE10] =	vst v31;
	v31 =	vadd.f32 v56, v22  }
0x22b: {  	[tilespmem:s3+$0xFFFFFE60] =	vst v37;
	v63 =	vor.u32 s8, v13;
	v42 =	vmul.f32 $8.000000000e+00, v42;
	v62 =	vld.idx.msk [tilespmem:v54+s17+$0x0], $0xffff;
	v46 =	vadd.f32 v46, v20  }
0x22c: {  	v56 =	vor.u32 s6, v13;
	v40 =	vld.idx.msk [tilespmem:v55+s17+$0x0], $0xffff;
	v55 =	vmul.f32 $8.000000000e+00, v38;
	[tilespmem:s24+$0xFFFFFE90] =	vst v31;
	v31 =	vadd.f32 v60, v18  }
0x22d: {  	v53 =	vor.u32 s7, v13;
	v52 =	vmul.f32 $8.000000000e+00, v45;
	v42 =	vadd.f32 v42, v25;
	v43 =	vld.idx.msk [tilespmem:v57+s17+$0x0], $0xffff;
	[tilespmem:s24+$0xFFFFFF10] =	vst v46  }
0x22e: {  	v54 =	vor.u32 s22, v12;
	v41 =	vmul.f32 $8.000000000e+00, v41;
	v34 =	vadd.f32 v55, v17;
	v46 =	vld.idx.msk [tilespmem:v58+s17+$0x0], $0xffff;
	[tilespmem:s24+$0xFFFFFF90] =	vst v31  }
0x22f: {  	v37 =	vmul.f32 $8.000000000e+00, v59;
	v57 =	vor.u32 s26, v8;
	v31 =	vadd.f32 v52, v19;
	[tilespmem:s24+$0x10] =	vst v42;
	v36 =	vld.idx.msk [tilespmem:v61+s17+$0x0], $0xffff  }
0x230: {  	v59 =	vor.u32 s1, v8;
	v41 =	vadd.f32 v41, v26;
	v39 =	vmul.f32 $8.000000000e+00, v39;
	v58 =	vld.idx.msk [tilespmem:v63+s17+$0x0], $0xffff;
	[tilespmem:s24+$0x190] =	vst v34  }
0x231: {  	v50 =	vor.u32 s13, v12;
	v37 =	vadd.f32 v37, v28;
	[tilespmem:s24+$0x90] =	vst v31;
	v48 =	vmul.f32 $8.000000000e+00, v62;
	v38 =	vld.idx.msk [tilespmem:v56+s17+$0x0], $0xffff  }
0x232: {  	v55 =	vor.u32 s8, v12;
	[tilespmem:s24+$0x120] =	vst v41;
	v39 =	vadd.f32 v39, v27;
	v40 =	vmul.f32 $8.000000000e+00, v40;
	v35 =	vld.idx.msk [tilespmem:v53+s17+$0x0], $0xffff  }
0x233: {  	v34 =	vor.u32 s29, v9;
	v41 =	vld.idx.msk [tilespmem:v54+s17+$0x0], $0xffff;
	[tilespmem:s3+$0xFFFFFF60] =	vst v37;
	v60 =	vadd.f32 v48, v24;
	v43 =	vmul.f32 $8.000000000e+00, v43  }
0x234: {  	v61 =	vor.u32 s20, v12;
	[tilespmem:s3+$0xFFFFFFE0] =	vst v39;
	v52 =	vadd.f32 v40, v23;
	v40 =	vld.idx.msk [tilespmem:v57+s17+$0x0], $0xffff;
	v62 =	vmul.f32 $8.000000000e+00, v46  }
0x235: {  	v63 =	vor.u32 s31, v12;
	v45 =	vld.idx.msk [tilespmem:v59+s17+$0x0], $0xffff;
	[tilespmem:s24+$0xFFFFFE20] =	vst v60;
	v53 =	vadd.f32 v43, v22;
	v36 =	vmul.f32 $8.000000000e+00, v36  }
0x236: {  	v54 =	vor.u32 s10, v12;
	v57 =	vld.idx.msk [tilespmem:v44+s17+$0x0], $0xffff;
	v47 =	vmul.f32 $8.000000000e+00, v58;
	[tilespmem:s3+$0x60] =	vst v52;
	v37 =	vadd.f32 v62, v20  }
0x237: {  	v42 =	vor.u32 s26, v9;
	v49 =	vld.idx.msk [tilespmem:v50+s17+$0x0], $0xffff;
	[tilespmem:s24+$0xFFFFFEA0] =	vst v53;
	v36 =	vadd.f32 v36, v18;
	v35 =	vmul.f32 $8.000000000e+00, v35  }
0x238: {  	v56 =	vor.u32 s7, v12;
	v34 =	vld.idx.msk [tilespmem:v34+s17+$0x0], $0xffff;
	v59 =	vadd.f32 v47, v25;
	v41 =	vmul.f32 $8.000000000e+00, v41;
	[tilespmem:s24+$0xFFFFFF20] =	vst v37  }
0x239: {  	v60 =	vor.u32 s22, v11;
	v58 =	vld.idx.msk [tilespmem:v61+s17+$0x0], $0xffff;
	v61 =	vmul.f32 $8.000000000e+00, v38;
	[tilespmem:s24+$0xFFFFFFA0] =	vst v36;
	v35 =	vadd.f32 v35, v19  }
0x23a: {  	v62 =	vor.u32 s6, v12;
	v40 =	vmul.f32 $8.000000000e+00, v40;
	v46 =	vld.idx.msk [tilespmem:v63+s17+$0x0], $0xffff;
	[tilespmem:s24+$0x20] =	vst v59;
	v63 =	vadd.f32 v41, v26  }
0x23b: {  	v52 =	vor.u32 s25, v9;
	v45 =	vmul.f32 $8.000000000e+00, v45;
	v43 =	vld.idx.msk [tilespmem:v54+s17+$0x0], $0xffff;
	v54 =	vadd.f32 v61, v17;
	[tilespmem:s24+$0xA0] =	vst v35  }
0x23c: {  	s23 =	simm.s32 $0x10;
	v53 =	vld.idx.msk [tilespmem:v55+s17+$0x0], $0xffff;
	v55 =	vor.u32 s11, v9;
	v40 =	vadd.f32 v40, v21;
	v49 =	vmul.f32 $8.000000000e+00, v49;
	[tilespmem:s24+$0x130] =	vst v63  }
0x23d: {  	v31 =	vor.u32 s23, v16;
	v45 =	vadd.f32 v45, v15;
	v39 =	vld.idx.msk [tilespmem:v56+s17+$0x0], $0xffff;
	[tilespmem:s24+$0x1A0] =	vst v54;
	v56 =	vmul.f32 $8.000000000e+00, v57  }
0x23e: {  	v47 =	vld.idx.msk [tilespmem:v60+s17+$0x0], $0xffff;
	v57 =	vor.u32 s20, v11;
	[tilespmem:s3+$0xE0] =	vst v40;
	v49 =	vadd.f32 v49, v24;
	v44 =	vmul.f32 $8.000000000e+00, v58  }
0x23f: {  	v59 =	vor.u32 s31, v11;
	[tilespmem:s3+$0x1E0] =	vst v45;
	v38 =	vld.idx.msk [tilespmem:v62+s17+$0x0], $0xffff;
	v58 =	vmul.f32 $8.000000000e+00, v46;
	v30 =	vadd.f32 v56, v30  }
0x240: {  	v61 =	vor.u32 s10, v11;
	v41 =	vld.idx.msk [tilespmem:v52+s17+$0x0], $0xffff;
	[tilespmem:s24+$0xFFFFFE30] =	vst v49;
	v60 =	vadd.f32 v44, v22;
	v43 =	vmul.f32 $8.000000000e+00, v43  }
0x241: {  	v63 =	vor.u32 s8, v11;
	v62 =	vmul.f32 $8.000000000e+00, v53;
	v36 =	vld.idx.msk [tilespmem:v55+s17+$0x0], $0xffff;
	v40 =	vadd.f32 v58, v20;
	[tilespmem:s3+$0xFFFFFE70] =	vst v30  }
0x242: {  	v34 =	vmul.f32 $8.000000000e+00, v34;
	v33 =	vld.idx.msk [tilespmem:v33+s17+$0x0], $0xffff;
	[tilespmem:s24+$0xFFFFFEB0] =	vst v60;
	v30 =	vadd.f32 v43, v18;
	v52 =	vmul.f32 $8.000000000e+00, v39  }
0x243: {  	v53 =	vor.u32 s7, v11;
	v54 =	vadd.f32 v62, v25;
	v55 =	vmul.f32 $8.000000000e+00, v47;
	v43 =	vld.idx.msk [tilespmem:v57+s17+$0x0], $0xffff;
	[tilespmem:s24+$0xFFFFFF30] =	vst v40  }
0x244: {  	v56 =	vor.u32 s22, v10;
	v57 =	vmul.f32 $8.000000000e+00, v38;
	v46 =	vld.idx.msk [tilespmem:v59+s17+$0x0], $0xffff;
	[tilespmem:s24+$0xFFFFFFB0] =	vst v30;
	v30 =	vadd.f32 v52, v19  }
0x245: {  	v37 =	vor.u32 s28, v9;
	v58 =	vor.u32 s6, v11;
	[tilespmem:s24+$0x30] =	vst v54;
	v59 =	vadd.f32 v55, v26;
	v44 =	vld.idx.msk [tilespmem:v61+s17+$0x0], $0xffff  }
0x246: {  	s29 =	simm.s32 $0x12;
	v29 =	vadd.f32 v34, v29;
	v62 =	vmul.f32 $8.000000000e+00, v41;
	v48 =	vld.idx.msk [tilespmem:v63+s17+$0x0], $0xffff;
	[tilespmem:s24+$0xB0] =	vst v30;
	v30 =	vadd.f32 v57, v17  }
0x247: {  	v34 =	vor.u32 s29, v16;
	v60 =	vor.u32 s1, v9;
	v33 =	vmul.f32 $8.000000000e+00, v33;
	[tilespmem:s24+$0x140] =	vst v59;
	v57 =	vld.idx.msk [tilespmem:v42+s17+$0x0], $0xffff  }
0x248: {  	v40 =	vor.u32 s7, v10;
	v28 =	vadd.f32 v62, v28;
	v39 =	vld.idx.msk [tilespmem:v53+s17+$0x0], $0xffff;
	[tilespmem:s24+$0x1B0] =	vst v30;
	v30 =	vmul.f32 $8.000000000e+00, v36  }
0x249: {  	[tilespmem:s3+$0xFFFFFEF0] =	vst v29;
	v61 =	vor.u32 s20, v10;
	v47 =	vld.idx.msk [tilespmem:v56+s17+$0x0], $0xffff;
	v33 =	vadd.f32 v33, v24;
	v53 =	vmul.f32 $8.000000000e+00, v43  }
0x24a: {  	v63 =	vor.u32 s31, v10;
	[tilespmem:s3+$0xFFFFFF70] =	vst v28;
	v55 =	vld.idx.msk [tilespmem:v58+s17+$0x0], $0xffff;
	v29 =	vmul.f32 $8.000000000e+00, v46;
	v27 =	vadd.f32 v30, v27  }
0x24b: {  	v38 =	vor.u32 s6, v10;
	v30 =	vld.idx.msk [tilespmem:v37+s17+$0x0], $0xffff;
	[tilespmem:s24+$0xFFFFFE40] =	vst v33;
	v28 =	vadd.f32 v53, v22;
	v56 =	vmul.f32 $8.000000000e+00, v44  }
0x24c: {  	s1 =	simm.s32 $0x15;
	v54 =	vor.u32 s8, v10;
	v58 =	vmul.f32 $8.000000000e+00, v48;
	v41 =	vld.idx.msk [tilespmem:v32+s17+$0x0], $0xffff;
	v29 =	vadd.f32 v29, v20;
	[tilespmem:s3+$0xFFFFFFF0] =	vst v27  }
0x24d: {  	v35 =	vor.u32 s1, v16;
	v32 =	vld.idx.msk [tilespmem:v60+s17+$0x0], $0xffff;
	[tilespmem:s24+$0xFFFFFEC0] =	vst v28;
	v37 =	vadd.f32 v56, v18;
	v59 =	vmul.f32 $8.000000000e+00, v39  }
0x24e: {  	s11 =	simm.s32 $0x11;
	v42 =	vor.u32 s22, v8;
	v60 =	vadd.f32 v58, v25;
	v27 =	vld.idx.msk [tilespmem:v61+s17+$0x0], $0xffff;
	[tilespmem:s24+$0xFFFFFF40] =	vst v29;
	v61 =	vmul.f32 $8.000000000e+00, v47  }
0x24f: {  	v33 =	vor.u32 s11, v16;
	v28 =	vld.idx.msk [tilespmem:v63+s17+$0x0], $0xffff;
	[tilespmem:s24+$0xFFFFFFC0] =	vst v37;
	v62 =	vadd.f32 v59, v19;
	v63 =	vmul.f32 $8.000000000e+00, v55  }
0x250: {  	s30 =	simm.s32 $0x14;
	s4 =	sadd.s32 $0x10, s0;
	s28 =	simm.s32 $0x13;
	v36 =	vmul.f32 $8.000000000e+00, v57;
	[tilespmem:s24+$0x40] =	vst v60;
	v29 =	vld.idx.msk [tilespmem:v51+s17+$0x0], $0xffff;
	v44 =	vadd.f32 v61, v26;
	v43 =	vmul.f32 $8.000000000e+00, v30  }
0x251: {  	s12 =	simm.s32 $0x18;
	s26 =	simm.s32 $0x17;
	s25 =	simm.s32 $0x18C00;
	v39 =	vor.u32 s28, v16;
	v37 =	vor.u32 s30, v16;
	v30 =	vld.idx.msk [tilespmem:v54+s17+$0x0], $0xffff;
	[tilespmem:s24+$0xC0] =	vst v62;
	v45 =	vadd.f32 v63, v17  }
.LBB2_5:
0x252: {  	p1 =	slt.u32 s12, $0x38;
	s5 =	sadd.s32 $0x40, s4;
	s16 =	sadd.s32 $0x46, s4;
	v46 =	vor.u32 s26, v16;
	v41 =	vmul.f32 $8.000000000e+00, v41;
	v40 =	vld.idx.msk [tilespmem:v40+s17+$0x0], $0xffff;
	[tilespmem:s24+$0x150] =	vst v44;
	v43 =	vadd.f32 v43, v23;
	v23 =	vmovc v25  }
0x253: {  	s2 =	sadd.s32 $0x42, s4;
	v25 =	vmov s5;
	s5 =	sadd.s32 $0x41, s4;
	v44 =	vmov s16;
	s16 =	sadd.s32 $0x6, s23;
	v42 =	vld.idx.msk [tilespmem:v42+s17+$0x0], $0xffff;
	[tilespmem:s24+$0x1C0] =	vst v45;
	v45 =	vmul.f32 $8.000000000e+00, v32  }
0x254: {  	s18 =	sadd.s32 $0x44, s4;
	s14 =	sadd.s32 $0x45, s4;
	v32 =	vmov s5;
	s5 =	sadd.s32 $0x43, s4;
	v44 =	vand.u32 $0xFFFFFFFE, v44;
	v47 =	vor.u32 s16, v16;
	v38 =	vld.idx.msk [tilespmem:v38+s17+$0x0], $0xffff;
	[tilespmem:s3+$0x70] =	vst v43  }
0x255: {  	v43 =	vmov s2;
	s2 =	sadd.s32 $0x47, s4;
	v31 =	vld.idx.msk [tilespmem:v31+s17+$0x0], $0xffff;
	v48 =	vmov s5;
	v44 =	vbroadcast v44, $0x0  }
0x256: {  	v49 =	vmov s18;
	v50 =	vmov s14;
	v25 =	vand.u32 $0xFFFFFFF8, v25;
	v33 =	vld.idx.msk [tilespmem:v33+s17+$0x0], $0xffff  }
0x257: {  	v32 =	vand.u32 $0xFFFFFFF9, v32;
	v43 =	vand.u32 $0xFFFFFFFA, v43;
	v48 =	vand.u32 $0xFFFFFFFB, v48;
	v34 =	vld.idx.msk [tilespmem:v34+s17+$0x0], $0xffff  }
0x258: {  	v49 =	vand.u32 $0xFFFFFFFC, v49;
	v50 =	vand.u32 $0xFFFFFFFD, v50;
	v25 =	vbroadcast v25, $0x0;
	v39 =	vld.idx.msk [tilespmem:v39+s17+$0x0], $0xffff  }
0x259: {  	v51 =	vbroadcast v32, $0x0;
	v32 =	vmul.f32 $8.000000000e+00, v42;
	v42 =	vor.u32 s22, v9;
	s22 =	smov.u32 s16;
	v47 =	vld.idx.msk [tilespmem:v47+s17+$0x0], $0xffff  }
0x25a: {  	v52 =	vmov s2;
	v43 =	vbroadcast v43, $0x0;
	v48 =	vbroadcast v48, $0x0;
	v37 =	vld.idx.msk [tilespmem:v37+s17+$0x0], $0xffff  }
0x25b: {  	v49 =	vbroadcast v49, $0x0;
	v50 =	vbroadcast v50, $0x0;
	v32 =	vadd.f32 v32, v26;
	v44 =	vld.idx.msk [tilespmem:v44+s9+$0x0], $0xffff  }
0x25c: {  	v27 =	vmul.f32 $8.000000000e+00, v27;
	v41 =	vadd.f32 v41, v24;
	v28 =	vmul.f32 $8.000000000e+00, v28;
	v35 =	vld.idx.msk [tilespmem:v35+s17+$0x0], $0xffff  }
0x25d: {  	v53 =	vmul.f32 $8.000000000e+00, v29;
	v29 =	vadd.f32 v36, v21;
	v21 =	vmovc v19;
	v30 =	vmul.f32 $8.000000000e+00, v30;
	v46 =	vld.idx.msk [tilespmem:v46+s17+$0x0], $0xffff;
	[tilespmem:s24+$0x160] =	vst v32  }
0x25e: {  	v19 =	vadd.f32 v27, v22;
	v27 =	vmul.f32 $8.000000000e+00, v40;
	v38 =	vmul.f32 $8.000000000e+00, v38;
	[tilespmem:s24+$0xFFFFFE50] =	vst v41;
	v36 =	vld.idx.msk [tilespmem:v42+s17+$0x0], $0xffff  }
0x25f: {  	v40 =	vor.u32 s22, v14;
	v41 =	vadd.f32 v28, v20;
	v32 =	vld.idx.msk [tilespmem:v25+s9+$0x0], $0xffff;
	v25 =	vmul.f32 $8.000000000e+00, v47;
	[tilespmem:s3+$0xF0] =	vst v29  }
0x260: {  	v30 =	vadd.f32 v30, v23;
	v29 =	vld.idx.msk [tilespmem:v51+s9+$0x0], $0xffff;
	[tilespmem:s24+$0xFFFFFED0] =	vst v19;
	v19 =	vadd.f32 v53, v18  }
0x261: {  	v28 =	vld.idx.msk [tilespmem:v43+s9+$0x0], $0xffff;
	v42 =	vadd.f32 v25, v44;
	[tilespmem:s24+$0xFFFFFF50] =	vst v41;
	v41 =	vadd.f32 v27, v21  }
0x262: {  	v45 =	vadd.f32 v45, v15;
	v38 =	vadd.f32 v38, v17;
	v43 =	vor.u32 s13, v8;
	s24 =	sadd.s32 $0x400, s24;
	v27 =	vld.idx.msk [tilespmem:v48+s9+$0x0], $0xffff;
	[tilespmem:s25+$0xFFFFFFD0] =	vst v19  }
0x263: {  	v15 =	vmovc v17;
	v19 =	vmul.f32 $8.000000000e+00, v31;
	v31 =	vor.u32 s23, v14;
	v25 =	vld.idx.msk [tilespmem:v49+s9+$0x0], $0xffff;
	[tilespmem:s24+$0x100] =	vst v42;
	v42 =	vor.u32 s20, v8  }
0x264: {  	v17 =	vmul.f32 $8.000000000e+00, v33;
	v33 =	vor.u32 s11, v14;
	v40 =	vld.idx.msk [tilespmem:v40+s17+$0x0], $0xffff;
	[tilespmem:s25+$0x50] =	vst v30;
	v30 =	vmul.f32 $8.000000000e+00, v36  }
0x265: {  	v34 =	vmul.f32 $8.000000000e+00, v34;
	v47 =	vor.u32 s29, v14;
	v36 =	vadd.f32 v19, v32;
	v19 =	vld.idx.msk [tilespmem:v50+s9+$0x0], $0xffff;
	[tilespmem:s25+$0xD0] =	vst v41  }
0x266: {  	v39 =	vmul.f32 $8.000000000e+00, v39;
	v41 =	vadd.f32 v17, v29;
	v17 =	vld.idx.msk [tilespmem:v52+s9+$0x0], $0xffff;
	v30 =	vadd.f32 v30, v26;
	[tilespmem:s25+$0x1D0] =	vst v38  }
0x267: {  	v37 =	vmul.f32 $8.000000000e+00, v37;
	v38 =	vor.u32 s28, v14;
	v26 =	vmovc v44;
	[tilespmem:s24+$0xFFFFFE00] =	vst v36;
	v36 =	vadd.f32 v34, v28;
	v43 =	vld.idx.msk [tilespmem:v43+s17+$0x0], $0xffff  }
0x268: {  	v44 =	vor.u32 s30, v14;
	v39 =	vadd.f32 v39, v27;
	v34 =	vor.u32 s13, v9;
	s13 =	smov.u32 s23;
	s23 =	smov.u32 s12;
	v31 =	vld.idx.msk [tilespmem:v31+s17+$0x0], $0xffff;
	[tilespmem:s25+$0x170] =	vst v30  }
0x269: {  	v35 =	vmul.f32 $8.000000000e+00, v35;
	v37 =	vadd.f32 v37, v25;
	[tilespmem:s24+$0xFFFFFE80] =	vst v41;
	v41 =	vor.u32 s1, v14;
	v42 =	vld.idx.msk [tilespmem:v42+s17+$0x0], $0xffff  }
0x26a: {  	v48 =	vld.idx.msk [tilespmem:v33+s17+$0x0], $0xffff;
	[tilespmem:s24+$0xFFFFFF00] =	vst v36;
	v33 =	vmul.f32 $8.000000000e+00, v40;
	v36 =	vor.u32 s22, v13;
	v40 =	vmul.f32 $8.000000000e+00, v46  }
0x26b: {  	v30 =	vor.u32 s13, v10;
	v35 =	vadd.f32 v35, v19;
	v46 =	vld.idx.msk [tilespmem:v47+s17+$0x0], $0xffff;
	[tilespmem:s24+$0xFFFFFF80] =	vst v39;
	v39 =	vor.u32 s26, v14  }
0x26c: {  	v47 =	vor.u32 s31, v8;
	v38 =	vld.idx.msk [tilespmem:v38+s17+$0x0], $0xffff;
	[tilespmem:s24+$0x0] =	vst v37;
	v37 =	vadd.f32 v33, v26;
	v40 =	vadd.f32 v40, v17  }
0x26d: {  	v33 =	vor.u32 s13, v11;
	v44 =	vld.idx.msk [tilespmem:v44+s17+$0x0], $0xffff;
	[tilespmem:s24+$0x80] =	vst v35;
	v35 =	vmul.f32 $8.000000000e+00, v43;
	v43 =	vor.u32 s10, v8  }
0x26e: {  	v49 =	vor.u32 s13, v13;
	v50 =	vor.u32 s13, v12;
	v31 =	vmul.f32 $8.000000000e+00, v31;
	v41 =	vld.idx.msk [tilespmem:v41+s17+$0x0], $0xffff;
	[tilespmem:s24+$0x110] =	vst v37  }
0x26f: {  	v37 =	vmul.f32 $8.000000000e+00, v42;
	v36 =	vld.idx.msk [tilespmem:v36+s17+$0x0], $0xffff;
	[tilespmem:s24+$0x180] =	vst v40;
	v35 =	vadd.f32 v35, v24;
	v40 =	vor.u32 s8, v8  }
0x270: {  	v31 =	vadd.f32 v31, v32;
	v42 =	vmul.f32 $8.000000000e+00, v48;
	v48 =	vor.u32 s11, v13;
	v39 =	vld.idx.msk [tilespmem:v39+s17+$0x0], $0xffff;
	[tilespmem:s3+$0x1F0] =	vst v45;
	s3 =	smov.u32 s25;
	s25 =	smov.u32 s24  }
0x271: {  	v45 =	vmul.f32 $8.000000000e+00, v46;
	v46 =	vor.u32 s29, v13;
	[tilespmem:s3+$0xFFFFFE60] =	vst v35;
	v35 =	vadd.f32 v37, v22;
	v37 =	vld.idx.msk [tilespmem:v47+s17+$0x0], $0xffff  }
0x272: {  	v38 =	vmul.f32 $8.000000000e+00, v38;
	[tilespmem:s24+$0xFFFFFE10] =	vst v31;
	v31 =	vadd.f32 v42, v29;
	v42 =	vor.u32 s28, v13;
	v43 =	vld.idx.msk [tilespmem:v43+s17+$0x0], $0xffff  }
0x273: {  	v45 =	vadd.f32 v45, v28;
	v44 =	vmul.f32 $8.000000000e+00, v44;
	v47 =	vld.idx.msk [tilespmem:v49+s17+$0x0], $0xffff;
	v49 =	vor.u32 s30, v13;
	[tilespmem:s3+$0xFFFFFEE0] =	vst v35  }
0x274: {  	v35 =	vmul.f32 $8.000000000e+00, v41;
	[tilespmem:s24+$0xFFFFFE90] =	vst v31;
	v31 =	vadd.f32 v38, v27;
	v38 =	vor.u32 s1, v13;
	v40 =	vld.idx.msk [tilespmem:v40+s17+$0x0], $0xffff  }
0x275: {  	v44 =	vadd.f32 v44, v25;
	v36 =	vmul.f32 $8.000000000e+00, v36;
	v41 =	vld.idx.msk [tilespmem:v48+s17+$0x0], $0xffff;
	[tilespmem:s24+$0xFFFFFF10] =	vst v45;
	v45 =	vor.u32 s22, v12  }
0x276: {  	v46 =	vld.idx.msk [tilespmem:v46+s17+$0x0], $0xffff;
	[tilespmem:s24+$0xFFFFFF90] =	vst v31;
	v31 =	vadd.f32 v35, v19;
	v35 =	vmul.f32 $8.000000000e+00, v39;
	v39 =	vor.u32 s26, v13  }
0x277: {  	v36 =	vadd.f32 v36, v26;
	v37 =	vmul.f32 $8.000000000e+00, v37;
	v42 =	vld.idx.msk [tilespmem:v42+s17+$0x0], $0xffff;
	[tilespmem:s24+$0x10] =	vst v44;
	v44 =	vor.u32 s7, v8  }
0x278: {  	v43 =	vmul.f32 $8.000000000e+00, v43;
	v48 =	vld.idx.msk [tilespmem:v49+s17+$0x0], $0xffff;
	[tilespmem:s24+$0x90] =	vst v31;
	v35 =	vadd.f32 v35, v17;
	v49 =	vor.u32 s6, v8  }
0x279: {  	v31 =	vor.u32 s12, v16;
	v47 =	vmul.f32 $8.000000000e+00, v47;
	v38 =	vld.idx.msk [tilespmem:v38+s17+$0x0], $0xffff;
	[tilespmem:s24+$0x120] =	vst v36;
	v36 =	vadd.f32 v37, v20  }
0x27a: {  	v43 =	vadd.f32 v43, v18;
	v40 =	vmul.f32 $8.000000000e+00, v40;
	v37 =	vld.idx.msk [tilespmem:v45+s17+$0x0], $0xffff;
	[tilespmem:s24+$0x190] =	vst v35;
	v35 =	vor.u32 s20, v9;
	s20 =	smov.u32 s11  }
0x27b: {  	v45 =	vadd.f32 v47, v32;
	v41 =	vmul.f32 $8.000000000e+00, v41;
	v47 =	vor.u32 s20, v12;
	v39 =	vld.idx.msk [tilespmem:v39+s17+$0x0], $0xffff;
	[tilespmem:s3+$0xFFFFFF60] =	vst v36  }
0x27c: {  	v36 =	vmul.f32 $8.000000000e+00, v46;
	v46 =	vor.u32 s29, v12;
	v40 =	vadd.f32 v40, v23;
	[tilespmem:s3+$0xFFFFFFE0] =	vst v43;
	v43 =	vld.idx.msk [tilespmem:v44+s17+$0x0], $0xffff  }
0x27d: {  	v41 =	vadd.f32 v41, v29;
	v42 =	vmul.f32 $8.000000000e+00, v42;
	v44 =	vor.u32 s28, v12;
	[tilespmem:s24+$0xFFFFFE20] =	vst v45;
	v45 =	vld.idx.msk [tilespmem:v49+s17+$0x0], $0xffff  }
0x27e: {  	v36 =	vadd.f32 v36, v28;
	v48 =	vmul.f32 $8.000000000e+00, v48;
	v49 =	vld.idx.msk [tilespmem:v50+s17+$0x0], $0xffff;
	v50 =	vor.u32 s30, v12;
	[tilespmem:s3+$0x60] =	vst v40  }
0x27f: {  	v40 =	vadd.f32 v42, v27;
	v38 =	vmul.f32 $8.000000000e+00, v38;
	[tilespmem:s24+$0xFFFFFEA0] =	vst v41;
	v41 =	vor.u32 s1, v12;
	v34 =	vld.idx.msk [tilespmem:v34+s17+$0x0], $0xffff  }
0x280: {  	v37 =	vmul.f32 $8.000000000e+00, v37;
	v42 =	vld.idx.msk [tilespmem:v47+s17+$0x0], $0xffff;
	[tilespmem:s24+$0xFFFFFF20] =	vst v36;
	v36 =	vadd.f32 v48, v25;
	v47 =	vor.u32 s22, v11  }
0x281: {  	v38 =	vadd.f32 v38, v19;
	v39 =	vmul.f32 $8.000000000e+00, v39;
	v46 =	vld.idx.msk [tilespmem:v46+s17+$0x0], $0xffff;
	[tilespmem:s24+$0xFFFFFFA0] =	vst v40;
	v40 =	vor.u32 s26, v12  }
0x282: {  	v43 =	vmul.f32 $8.000000000e+00, v43;
	v44 =	vld.idx.msk [tilespmem:v44+s17+$0x0], $0xffff;
	[tilespmem:s24+$0x20] =	vst v36;
	v36 =	vadd.f32 v37, v26;
	v37 =	vor.u32 s31, v9;
	s31 =	smov.u32 s29  }
0x283: {  	v45 =	vmul.f32 $8.000000000e+00, v45;
	v48 =	vld.idx.msk [tilespmem:v50+s17+$0x0], $0xffff;
	[tilespmem:s24+$0xA0] =	vst v38;
	v38 =	vadd.f32 v39, v17;
	v39 =	vor.u32 s10, v9;
	s10 =	smov.u32 s28  }
0x284: {  	v49 =	vmul.f32 $8.000000000e+00, v49;
	v43 =	vadd.f32 v43, v21;
	v41 =	vld.idx.msk [tilespmem:v41+s17+$0x0], $0xffff;
	[tilespmem:s24+$0x130] =	vst v36;
	v36 =	vor.u32 s8, v9;
	s8 =	smov.u32 s30  }
0x285: {  	v50 =	vor.u32 s7, v9;
	s7 =	smov.u32 s1;
	v34 =	vmul.f32 $8.000000000e+00, v34;
	v47 =	vld.idx.msk [tilespmem:v47+s17+$0x0], $0xffff;
	[tilespmem:s24+$0x1A0] =	vst v38;
	v38 =	vadd.f32 v45, v15  }
0x286: {  	v45 =	vadd.f32 v49, v32;
	v42 =	vmul.f32 $8.000000000e+00, v42;
	v49 =	vor.u32 s20, v11;
	v40 =	vld.idx.msk [tilespmem:v40+s17+$0x0], $0xffff;
	[tilespmem:s3+$0xE0] =	vst v43  }
0x287: {  	v43 =	vmul.f32 $8.000000000e+00, v46;
	v46 =	vor.u32 s31, v11;
	v34 =	vadd.f32 v34, v24;
	v24 =	vmovc v32;
	v35 =	vld.idx.msk [tilespmem:v35+s17+$0x0], $0xffff;
	[tilespmem:s3+$0x1E0] =	vst v38  }
0x288: {  	v32 =	vadd.f32 v42, v29;
	v38 =	vmul.f32 $8.000000000e+00, v44;
	v42 =	vor.u32 s10, v11;
	[tilespmem:s24+$0xFFFFFE30] =	vst v45;
	v37 =	vld.idx.msk [tilespmem:v37+s17+$0x0], $0xffff  }
0x289: {  	v43 =	vadd.f32 v43, v28;
	v44 =	vmul.f32 $8.000000000e+00, v48;
	v45 =	vor.u32 s8, v11;
	v33 =	vld.idx.msk [tilespmem:v33+s17+$0x0], $0xffff;
	[tilespmem:s3+$0xFFFFFE70] =	vst v34  }
0x28a: {  	v34 =	vmul.f32 $8.000000000e+00, v41;
	[tilespmem:s24+$0xFFFFFEB0] =	vst v32;
	v32 =	vadd.f32 v38, v27;
	v38 =	vor.u32 s7, v11;
	v39 =	vld.idx.msk [tilespmem:v39+s17+$0x0], $0xffff  }
0x28b: {  	v41 =	vld.idx.msk [tilespmem:v49+s17+$0x0], $0xffff;
	[tilespmem:s24+$0xFFFFFF30] =	vst v43;
	v43 =	vadd.f32 v44, v25;
	v44 =	vmul.f32 $8.000000000e+00, v47;
	v47 =	vor.u32 s22, v10  }
0x28c: {  	v46 =	vld.idx.msk [tilespmem:v46+s17+$0x0], $0xffff;
	[tilespmem:s24+$0xFFFFFFB0] =	vst v32;
	v32 =	vadd.f32 v34, v19;
	v34 =	vmul.f32 $8.000000000e+00, v40;
	v40 =	vor.u32 s26, v11  }
0x28d: {  	v35 =	vmul.f32 $8.000000000e+00, v35;
	v42 =	vld.idx.msk [tilespmem:v42+s17+$0x0], $0xffff;
	[tilespmem:s24+$0x30] =	vst v43;
	v43 =	vadd.f32 v44, v26;
	v44 =	vor.u32 s6, v9;
	s6 =	smov.u32 s26  }
0x28e: {  	v48 =	vor.u32 s20, v10;
	v45 =	vld.idx.msk [tilespmem:v45+s17+$0x0], $0xffff;
	[tilespmem:s24+$0xB0] =	vst v32;
	v32 =	vadd.f32 v34, v17;
	v34 =	vmul.f32 $8.000000000e+00, v37  }
0x28f: {  	v33 =	vmul.f32 $8.000000000e+00, v33;
	v37 =	vor.u32 s31, v10;
	v35 =	vadd.f32 v35, v22;
	v22 =	vmovc v29;
	v49 =	vld.idx.msk [tilespmem:v38+s17+$0x0], $0xffff;
	[tilespmem:s24+$0x140] =	vst v43  }
0x290: {  	v29 =	vor.u32 s10, v10;
	v43 =	vld.idx.msk [tilespmem:v47+s17+$0x0], $0xffff;
	[tilespmem:s24+$0x1B0] =	vst v32;
	v32 =	vadd.f32 v34, v20;
	v34 =	vmul.f32 $8.000000000e+00, v39;
	v20 =	vmovc v28  }
0x291: {  	v28 =	vadd.f32 v33, v24;
	v33 =	vmul.f32 $8.000000000e+00, v41;
	v47 =	vor.u32 s8, v10;
	v51 =	vld.idx.msk [tilespmem:v40+s17+$0x0], $0xffff;
	[tilespmem:s3+$0xFFFFFEF0] =	vst v35  }
0x292: {  	v35 =	vmul.f32 $8.000000000e+00, v46;
	v40 =	vor.u32 s7, v10;
	[tilespmem:s3+$0xFFFFFF70] =	vst v32;
	v32 =	vadd.f32 v34, v18;
	v36 =	vld.idx.msk [tilespmem:v36+s17+$0x0], $0xffff;
	v18 =	vmovc v27  }
0x293: {  	s11 =	sadd.s32 $0x1, s12;
	v38 =	vor.u32 s6, v10;
	v27 =	vadd.f32 v33, v22;
	[tilespmem:s24+$0xFFFFFE40] =	vst v28;
	v28 =	vmul.f32 $8.000000000e+00, v42;
	v46 =	vld.idx.msk [tilespmem:v50+s17+$0x0], $0xffff  }
0x294: {  	s29 =	sadd.s32 $0x2, s12;
	v33 =	vor.u32 s11, v16;
	v41 =	vld.idx.msk [tilespmem:v30+s17+$0x0], $0xffff;
	v30 =	vadd.f32 v35, v20;
	v35 =	vmul.f32 $8.000000000e+00, v45;
	[tilespmem:s3+$0xFFFFFFF0] =	vst v32  }
.Ltmp3:
0x295: {  	v34 =	vor.u32 s29, v16;
	v49 =	vmul.f32 $8.000000000e+00, v49;
	[tilespmem:s24+$0xFFFFFEC0] =	vst v27;
	v45 =	vadd.f32 v28, v18;
	v32 =	vld.idx.msk [tilespmem:v44+s17+$0x0], $0xffff;
	(pc) =	sbr.rel @p1 .LBB2_5-.Ltmp3, $4  }
0x296: {  	s28 =	sadd.s32 $0x3, s12;
	v42 =	vor.u32 s22, v8;
	v27 =	vld.idx.msk [tilespmem:v48+s17+$0x0], $0xffff;
	[tilespmem:s24+$0xFFFFFF40] =	vst v30;
	v30 =	vadd.f32 v35, v25;
	v35 =	vmul.f32 $8.000000000e+00, v43  }
0x297: {  	s30 =	sadd.s32 $0x4, s12;
	v39 =	vor.u32 s28, v16;
	v48 =	vmul.f32 $8.000000000e+00, v51;
	v28 =	vld.idx.msk [tilespmem:v37+s17+$0x0], $0xffff;
	[tilespmem:s24+$0xFFFFFFC0] =	vst v45;
	v45 =	vadd.f32 v49, v19  }
0x298: {  	s1 =	sadd.s32 $0x5, s12;
	v37 =	vor.u32 s30, v16;
	v43 =	vmul.f32 $8.000000000e+00, v36;
	v29 =	vld.idx.msk [tilespmem:v29+s17+$0x0], $0xffff;
	[tilespmem:s24+$0x40] =	vst v30;
	v44 =	vadd.f32 v35, v26  }
0x299: {  	s4 =	sadd.s32 s23, s0;
	s12 =	sadd.s32 $0x8, s12;
	s26 =	sadd.s32 $0x7, s23;
	v35 =	vor.u32 s1, v16;
	v36 =	vmul.f32 $8.000000000e+00, v46;
	v30 =	vld.idx.msk [tilespmem:v47+s17+$0x0], $0xffff;
	[tilespmem:s24+$0xC0] =	vst v45;
	v45 =	vadd.f32 v48, v17  }
0x29a: {  	_ =	sdelay $0x3  }
0x29b: {  	s2 =	sadd.s32 $0x40, s4;
	v40 =	vld.idx.msk [tilespmem:v40+s17+$0x0], $0xffff;
	v52 =	vor.u32 s26, v16  }
0x29c: {  	s5 =	sadd.s32 $0x46, s4;
	[tilespmem:s24+$0x150] =	vst v44;
	s14 =	sadd.s32 $0x41, s4;
	s12 =	sadd.s32 $0x42, s4;
	v31 =	vld.idx.msk [tilespmem:v31+s17+$0x0], $0xffff;
	v41 =	vmul.f32 $8.000000000e+00, v41;
	v55 =	vor.u32 s22, v9;
	v60 =	vmov s2  }
0x29d: {  	s16 =	sadd.s32 $0x43, s4;
	v33 =	vld.idx.msk [tilespmem:v33+s17+$0x0], $0xffff;
	v46 =	vmov s5;
	s5 =	sadd.s32 $0x6, s23;
	v61 =	vmov s14;
	v47 =	vmov s12  }
0x29e: {  	v42 =	vld.idx.msk [tilespmem:v42+s17+$0x0], $0xffff;
	v49 =	vmov s16;
	v46 =	vand.u32 $0xFFFFFFFE, v46;
	v48 =	vor.u32 s5, v16  }
0x29f: {  	s18 =	sadd.s32 $0x44, s4;
	v34 =	vld.idx.msk [tilespmem:v34+s17+$0x0], $0xffff;
	v16 =	vadd.f32 v43, v23;
	v23 =	vand.u32 $0xFFFFFFF8, v60;
	v46 =	vbroadcast v46, $0x0  }
0x2a0: {  	v39 =	vld.idx.msk [tilespmem:v39+s17+$0x0], $0xffff;
	v50 =	vmov s18;
	v62 =	vand.u32 $0xFFFFFFF9, v61;
	v23 =	vbroadcast v23, $0x0  }
0x2a1: {  	v37 =	vld.idx.msk [tilespmem:v37+s17+$0x0], $0xffff;
	s14 =	sadd.s32 $0x45, s4;
	v27 =	vmul.f32 $8.000000000e+00, v27;
	v21 =	vadd.f32 v36, v21;
	v43 =	vbroadcast v62, $0x0  }
0x2a2: {  	v35 =	vld.idx.msk [tilespmem:v35+s17+$0x0], $0xffff;
	[tilespmem:s24+$0x1C0] =	vst v45;
	v51 =	vmov s14;
	v63 =	vand.u32 $0xFFFFFFFA, v47;
	v53 =	vand.u32 $0xFFFFFFFB, v49  }
0x2a3: {  	v38 =	vld.idx.msk [tilespmem:v38+s17+$0x0], $0xffff;
	v54 =	vand.u32 $0xFFFFFFFC, v50;
	v44 =	vbroadcast v63, $0x0;
	v42 =	vmul.f32 $8.000000000e+00, v42  }
0x2a4: {  	v41 =	vadd.f32 v41, v24;
	v28 =	vmul.f32 $8.000000000e+00, v28;
	v45 =	vbroadcast v53, $0x0;
	[tilespmem:s3+$0xF0] =	vst v21;
	v48 =	vld.idx.msk [tilespmem:v48+s17+$0x0], $0xffff  }
0x2a5: {  	v56 =	vand.u32 $0xFFFFFFFD, v51;
	v57 =	vbroadcast v54, $0x0;
	[tilespmem:s3+$0x70] =	vst v16;
	v42 =	vadd.f32 v42, v26;
	v16 =	vld.idx.msk [tilespmem:v46+s9+$0x0], $0xffff  }
0x2a6: {  	v29 =	vmul.f32 $8.000000000e+00, v29;
	v27 =	vadd.f32 v27, v22;
	[tilespmem:s24+$0xFFFFFE50] =	vst v41;
	v58 =	vbroadcast v56, $0x0;
	v21 =	vld.idx.msk [tilespmem:v23+s9+$0x0], $0xffff  }
0x2a7: {  	v61 =	vor.u32 s5, v14;
	v28 =	vadd.f32 v28, v20;
	v30 =	vmul.f32 $8.000000000e+00, v30;
	v23 =	vld.idx.msk [tilespmem:v43+s9+$0x0], $0xffff;
	[tilespmem:s24+$0x160] =	vst v42  }
0x2a8: {  	v49 =	vor.u32 s13, v8;
	[tilespmem:s24+$0xFFFFFED0] =	vst v27;
	v29 =	vadd.f32 v29, v18;
	v40 =	vmul.f32 $8.000000000e+00, v40;
	v59 =	vld.idx.msk [tilespmem:v55+s17+$0x0], $0xffff  }
0x2a9: {  	s16 =	sadd.s32 $0x47, s4;
	v50 =	vor.u32 s23, v14;
	[tilespmem:s24+$0xFFFFFF50] =	vst v28;
	v30 =	vadd.f32 v30, v25;
	v27 =	vld.idx.msk [tilespmem:v44+s9+$0x0], $0xffff;
	v60 =	vmul.f32 $8.000000000e+00, v48  }
0x2aa: {  	v63 =	vmov s16;
	v38 =	vmul.f32 $8.000000000e+00, v38;
	[tilespmem:s25+$0xFFFFFFD0] =	vst v29;
	v40 =	vadd.f32 v40, v19;
	v28 =	vld.idx.msk [tilespmem:v45+s9+$0x0], $0xffff  }
0x2ab: {  	v54 =	vor.u32 s11, v14;
	v31 =	vmul.f32 $8.000000000e+00, v31;
	[tilespmem:s25+$0x50] =	vst v30;
	v29 =	vld.idx.msk [tilespmem:v57+s9+$0x0], $0xffff;
	v62 =	vadd.f32 v60, v16  }
0x2ac: {  	s18 =	sadd.s32 $0x400, s24;
	v56 =	vor.u32 s28, v14;
	v33 =	vmul.f32 $8.000000000e+00, v33;
	v38 =	vadd.f32 v38, v17;
	[tilespmem:s25+$0xD0] =	vst v40;
	v30 =	vld.idx.msk [tilespmem:v58+s9+$0x0], $0xffff  }
0x2ad: {  	v39 =	vmul.f32 $8.000000000e+00, v39;
	v42 =	vld.idx.msk [tilespmem:v52+s17+$0x0], $0xffff;
	v31 =	vadd.f32 v31, v21;
	[tilespmem:s18+$0x100] =	vst v62;
	v51 =	vmul.f32 $8.000000000e+00, v59  }
0x2ae: {  	v34 =	vmul.f32 $8.000000000e+00, v34;
	[tilespmem:s25+$0x1D0] =	vst v38;
	v55 =	vor.u32 s29, v14;
	v33 =	vadd.f32 v33, v23;
	v53 =	vld.idx.msk [tilespmem:v61+s17+$0x0], $0xffff  }
0x2af: {  	v39 =	vadd.f32 v39, v28;
	v60 =	vmul.f32 $8.000000000e+00, v35;
	[tilespmem:s18+$0xFFFFFE00] =	vst v31;
	v36 =	vadd.f32 v51, v26;
	v26 =	vld.idx.msk [tilespmem:v63+s9+$0x0], $0xffff  }
0x2b0: {  	v37 =	vmul.f32 $8.000000000e+00, v37;
	v57 =	vld.idx.msk [tilespmem:v49+s17+$0x0], $0xffff;
	v52 =	vor.u32 s20, v8;
	v31 =	vadd.f32 v34, v27;
	[tilespmem:s18+$0xFFFFFE80] =	vst v33  }
0x2b1: {  	v59 =	vor.u32 s30, v14;
	[tilespmem:s18+$0xFFFFFF80] =	vst v39;
	v33 =	vadd.f32 v60, v30;
	v58 =	vld.idx.msk [tilespmem:v50+s17+$0x0], $0xffff  }
0x2b2: {  	v42 =	vmul.f32 $8.000000000e+00, v42;
	v62 =	vor.u32 s1, v14;
	v61 =	vadd.f32 v37, v29;
	v40 =	vld.idx.msk [tilespmem:v54+s17+$0x0], $0xffff;
	[tilespmem:s18+$0xFFFFFF00] =	vst v31  }
0x2b3: {  	v14 =	vor.u32 s26, v14;
	v34 =	vld.idx.msk [tilespmem:v56+s17+$0x0], $0xffff;
	[tilespmem:s18+$0x80] =	vst v33;
	v31 =	vmul.f32 $8.000000000e+00, v53  }
0x2b4: {  	v32 =	vmul.f32 $8.000000000e+00, v32;
	v47 =	vor.u32 s5, v13;
	v38 =	vld.idx.msk [tilespmem:v55+s17+$0x0], $0xffff;
	[tilespmem:s18+$0x0] =	vst v61;
	v48 =	vadd.f32 v42, v26  }
0x2b5: {  	v49 =	vor.u32 s31, v8;
	v50 =	vmul.f32 $8.000000000e+00, v57;
	v63 =	vld.idx.msk [tilespmem:v52+s17+$0x0], $0xffff;
	[tilespmem:s25+$0x170] =	vst v36;
	v31 =	vadd.f32 v31, v16  }
0x2b6: {  	v15 =	vadd.f32 v32, v15;
	v52 =	vor.u32 s10, v8;
	v51 =	vld.idx.msk [tilespmem:v59+s17+$0x0], $0xffff;
	v36 =	vmul.f32 $8.000000000e+00, v58;
	[tilespmem:s18+$0x180] =	vst v48  }
0x2b7: {  	v33 =	vadd.f32 v50, v24;
	v37 =	vld.idx.msk [tilespmem:v62+s17+$0x0], $0xffff;
	v40 =	vmul.f32 $8.000000000e+00, v40;
	[tilespmem:s18+$0x110] =	vst v31;
	v31 =	vor.u32 s23, v13  }
0x2b8: {  	[tilespmem:s3+$0x1F0] =	vst v15;
	v54 =	vor.u32 s11, v13;
	v34 =	vmul.f32 $8.000000000e+00, v34;
	v36 =	vadd.f32 v36, v21;
	v14 =	vld.idx.msk [tilespmem:v14+s17+$0x0], $0xffff  }
0x2b9: {  	v55 =	vor.u32 s29, v13;
	[tilespmem:s25+$0xFFFFFE60] =	vst v33;
	v38 =	vmul.f32 $8.000000000e+00, v38;
	v58 =	vadd.f32 v40, v23;
	v15 =	vld.idx.msk [tilespmem:v47+s17+$0x0], $0xffff  }
0x2ba: {  	v57 =	vld.idx.msk [tilespmem:v49+s17+$0x0], $0xffff;
	v59 =	vor.u32 s28, v13;
	v53 =	vmul.f32 $8.000000000e+00, v63;
	v61 =	vadd.f32 v34, v28;
	[tilespmem:s18+$0xFFFFFE10] =	vst v36  }
0x2bb: {  	v60 =	vor.u32 s30, v13;
	v41 =	vld.idx.msk [tilespmem:v52+s17+$0x0], $0xffff;
	v38 =	vadd.f32 v38, v27;
	v32 =	vmul.f32 $8.000000000e+00, v51;
	[tilespmem:s18+$0xFFFFFE90] =	vst v58  }
0x2bc: {  	v63 =	vor.u32 s1, v13;
	v56 =	vadd.f32 v53, v22;
	v62 =	vmul.f32 $8.000000000e+00, v37;
	[tilespmem:s18+$0xFFFFFF90] =	vst v61;
	v31 =	vld.idx.msk [tilespmem:v31+s17+$0x0], $0xffff  }
0x2bd: {  	v13 =	vor.u32 s26, v13;
	v45 =	vld.idx.msk [tilespmem:v54+s17+$0x0], $0xffff;
	[tilespmem:s18+$0xFFFFFF10] =	vst v38;
	v32 =	vadd.f32 v32, v29;
	v14 =	vmul.f32 $8.000000000e+00, v14  }
0x2be: {  	v46 =	vor.u32 s8, v8;
	[tilespmem:s25+$0xFFFFFEE0] =	vst v56;
	v47 =	vadd.f32 v62, v30;
	v39 =	vld.idx.msk [tilespmem:v55+s17+$0x0], $0xffff;
	v15 =	vmul.f32 $8.000000000e+00, v15  }
0x2bf: {  	v49 =	vmul.f32 $8.000000000e+00, v57;
	v48 =	vor.u32 s5, v12;
	v40 =	vld.idx.msk [tilespmem:v59+s17+$0x0], $0xffff;
	[tilespmem:s18+$0x10] =	vst v32;
	v14 =	vadd.f32 v14, v26  }
0x2c0: {  	v50 =	vor.u32 s7, v8;
	v51 =	vmul.f32 $8.000000000e+00, v41;
	[tilespmem:s18+$0x90] =	vst v47;
	v42 =	vld.idx.msk [tilespmem:v60+s17+$0x0], $0xffff;
	v15 =	vadd.f32 v15, v16  }
0x2c1: {  	v52 =	vor.u32 s23, v12;
	v32 =	vadd.f32 v49, v20;
	v36 =	vld.idx.msk [tilespmem:v63+s17+$0x0], $0xffff;
	[tilespmem:s18+$0x190] =	vst v14;
	v31 =	vmul.f32 $8.000000000e+00, v31  }
0x2c2: {  	v53 =	vor.u32 s11, v12;
	v14 =	vadd.f32 v51, v18;
	[tilespmem:s18+$0x120] =	vst v15;
	v15 =	vmul.f32 $8.000000000e+00, v45;
	v13 =	vld.idx.msk [tilespmem:v13+s17+$0x0], $0xffff  }
0x2c3: {  	v54 =	vld.idx.msk [tilespmem:v46+s17+$0x0], $0xffff;
	v56 =	vor.u32 s29, v12;
	[tilespmem:s25+$0xFFFFFF60] =	vst v32;
	v55 =	vmul.f32 $8.000000000e+00, v39;
	v31 =	vadd.f32 v31, v21  }
0x2c4: {  	v57 =	vor.u32 s28, v12;
	v34 =	vld.idx.msk [tilespmem:v48+s17+$0x0], $0xffff;
	[tilespmem:s25+$0xFFFFFFE0] =	vst v14;
	v14 =	vadd.f32 v15, v23;
	v15 =	vmul.f32 $8.000000000e+00, v40  }
0x2c5: {  	v35 =	vld.idx.msk [tilespmem:v50+s17+$0x0], $0xffff;
	v59 =	vor.u32 s30, v12;
	v58 =	vmul.f32 $8.000000000e+00, v42;
	[tilespmem:s18+$0xFFFFFE20] =	vst v31;
	v31 =	vadd.f32 v55, v27  }
0x2c6: {  	v60 =	vor.u32 s1, v12;
	[tilespmem:s18+$0xFFFFFEA0] =	vst v14;
	v14 =	vadd.f32 v15, v28;
	v15 =	vmul.f32 $8.000000000e+00, v36;
	v41 =	vld.idx.msk [tilespmem:v52+s17+$0x0], $0xffff  }
0x2c7: {  	v12 =	vor.u32 s26, v12;
	v33 =	vld.idx.msk [tilespmem:v53+s17+$0x0], $0xffff;
	v13 =	vmul.f32 $8.000000000e+00, v13;
	[tilespmem:s18+$0xFFFFFF20] =	vst v31;
	v31 =	vadd.f32 v58, v29  }
0x2c8: {  	v61 =	vor.u32 s6, v8;
	v37 =	vmul.f32 $8.000000000e+00, v54;
	[tilespmem:s18+$0xFFFFFFA0] =	vst v14;
	v14 =	vadd.f32 v15, v30;
	v38 =	vld.idx.msk [tilespmem:v56+s17+$0x0], $0xffff  }
0x2c9: {  	v62 =	vor.u32 s5, v11;
	v15 =	vmul.f32 $8.000000000e+00, v34;
	v39 =	vld.idx.msk [tilespmem:v57+s17+$0x0], $0xffff;
	v13 =	vadd.f32 v13, v26;
	[tilespmem:s18+$0x20] =	vst v31  }
0x2ca: {  	v35 =	vmul.f32 $8.000000000e+00, v35;
	v37 =	vadd.f32 v37, v25;
	v31 =	vor.u32 s13, v9;
	[tilespmem:s18+$0xA0] =	vst v14;
	v40 =	vld.idx.msk [tilespmem:v59+s17+$0x0], $0xffff  }
0x2cb: {  	v14 =	vor.u32 s23, v11;
	v15 =	vadd.f32 v15, v16;
	v36 =	vld.idx.msk [tilespmem:v60+s17+$0x0], $0xffff;
	[tilespmem:s18+$0x1A0] =	vst v13;
	v41 =	vmul.f32 $8.000000000e+00, v41  }
0x2cc: {  	v63 =	vor.u32 s11, v11;
	[tilespmem:s25+$0x60] =	vst v37;
	v13 =	vadd.f32 v35, v19;
	v33 =	vmul.f32 $8.000000000e+00, v33;
	v12 =	vld.idx.msk [tilespmem:v12+s17+$0x0], $0xffff  }
0x2cd: {  	v32 =	vld.idx.msk [tilespmem:v61+s17+$0x0], $0xffff;
	v45 =	vor.u32 s29, v11;
	[tilespmem:s18+$0x130] =	vst v15;
	v15 =	vadd.f32 v41, v21;
	v44 =	vmul.f32 $8.000000000e+00, v38  }
0x2ce: {  	v47 =	vor.u32 s28, v11;
	v34 =	vld.idx.msk [tilespmem:v62+s17+$0x0], $0xffff;
	[tilespmem:s25+$0xE0] =	vst v13;
	v13 =	vadd.f32 v33, v23;
	v46 =	vmul.f32 $8.000000000e+00, v39  }
0x2cf: {  	v49 =	vor.u32 s30, v11;
	v31 =	vld.idx.msk [tilespmem:v31+s17+$0x0], $0xffff;
	[tilespmem:s18+$0xFFFFFE30] =	vst v15;
	v15 =	vadd.f32 v44, v27;
	v48 =	vmul.f32 $8.000000000e+00, v40  }
0x2d0: {  	v51 =	vor.u32 s1, v11;
	[tilespmem:s18+$0xFFFFFEB0] =	vst v13;
	v13 =	vadd.f32 v46, v28;
	v50 =	vmul.f32 $8.000000000e+00, v36;
	v14 =	vld.idx.msk [tilespmem:v14+s17+$0x0], $0xffff  }
0x2d1: {  	v11 =	vor.u32 s26, v11;
	v35 =	vld.idx.msk [tilespmem:v63+s17+$0x0], $0xffff;
	v12 =	vmul.f32 $8.000000000e+00, v12;
	[tilespmem:s18+$0xFFFFFF30] =	vst v15;
	v15 =	vadd.f32 v48, v29  }
0x2d2: {  	v32 =	vmul.f32 $8.000000000e+00, v32;
	v52 =	vor.u32 s20, v9;
	[tilespmem:s18+$0xFFFFFFB0] =	vst v13;
	v13 =	vadd.f32 v50, v30;
	v38 =	vld.idx.msk [tilespmem:v45+s17+$0x0], $0xffff  }
0x2d3: {  	v54 =	vor.u32 s5, v10;
	v53 =	vmul.f32 $8.000000000e+00, v34;
	v39 =	vld.idx.msk [tilespmem:v47+s17+$0x0], $0xffff;
	v12 =	vadd.f32 v12, v26;
	[tilespmem:s18+$0x30] =	vst v15  }
0x2d4: {  	v32 =	vadd.f32 v32, v17;
	v15 =	vor.u32 s31, v9;
	v31 =	vmul.f32 $8.000000000e+00, v31;
	[tilespmem:s18+$0xB0] =	vst v13;
	v40 =	vld.idx.msk [tilespmem:v49+s17+$0x0], $0xffff  }
0x2d5: {  	v13 =	vor.u32 s23, v10;
	v33 =	vadd.f32 v53, v16;
	v36 =	vld.idx.msk [tilespmem:v51+s17+$0x0], $0xffff;
	[tilespmem:s18+$0x1B0] =	vst v12;
	v14 =	vmul.f32 $8.000000000e+00, v14  }
0x2d6: {  	[tilespmem:s25+$0x1E0] =	vst v32;
	v12 =	vadd.f32 v31, v24;
	v24 =	vor.u32 s11, v10;
	v31 =	vmul.f32 $8.000000000e+00, v35;
	v11 =	vld.idx.msk [tilespmem:v11+s17+$0x0], $0xffff  }
0x2d7: {  	v56 =	vor.u32 s29, v10;
	v55 =	vld.idx.msk [tilespmem:v52+s17+$0x0], $0xffff;
	[tilespmem:s18+$0x140] =	vst v33;
	v14 =	vadd.f32 v14, v21;
	v57 =	vmul.f32 $8.000000000e+00, v38  }
0x2d8: {  	v34 =	vld.idx.msk [tilespmem:v54+s17+$0x0], $0xffff;
	[tilespmem:s25+$0xFFFFFE70] =	vst v12;
	v12 =	vor.u32 s28, v10;
	v31 =	vadd.f32 v31, v23;
	v58 =	vmul.f32 $8.000000000e+00, v39  }
0x2d9: {  	v59 =	vor.u32 s30, v10;
	v15 =	vld.idx.msk [tilespmem:v15+s17+$0x0], $0xffff;
	[tilespmem:s18+$0xFFFFFE40] =	vst v14;
	v14 =	vadd.f32 v57, v27;
	v60 =	vmul.f32 $8.000000000e+00, v40  }
0x2da: {  	v61 =	vor.u32 s1, v10;
	[tilespmem:s18+$0xFFFFFEC0] =	vst v31;
	v31 =	vadd.f32 v58, v28;
	v36 =	vmul.f32 $8.000000000e+00, v36;
	v13 =	vld.idx.msk [tilespmem:v13+s17+$0x0], $0xffff  }
0x2db: {  	v10 =	vor.u32 s26, v10;
	v24 =	vld.idx.msk [tilespmem:v24+s17+$0x0], $0xffff;
	v11 =	vmul.f32 $8.000000000e+00, v11;
	[tilespmem:s18+$0xFFFFFF40] =	vst v14;
	v14 =	vadd.f32 v60, v29  }
0x2dc: {  	v62 =	vor.u32 s10, v9;
	v32 =	vmul.f32 $8.000000000e+00, v55;
	[tilespmem:s18+$0xFFFFFFC0] =	vst v31;
	v31 =	vadd.f32 v36, v30;
	v35 =	vld.idx.msk [tilespmem:v56+s17+$0x0], $0xffff  }
0x2dd: {  	v63 =	vor.u32 s5, v8;
	v34 =	vmul.f32 $8.000000000e+00, v34;
	v12 =	vld.idx.msk [tilespmem:v12+s17+$0x0], $0xffff;
	v11 =	vadd.f32 v11, v26;
	[tilespmem:s18+$0x40] =	vst v14  }
0x2de: {  	v22 =	vadd.f32 v32, v22;
	v14 =	vor.u32 s8, v9;
	v15 =	vmul.f32 $8.000000000e+00, v15;
	[tilespmem:s18+$0xC0] =	vst v31;
	v38 =	vld.idx.msk [tilespmem:v59+s17+$0x0], $0xffff  }
0x2df: {  	v31 =	vadd.f32 v34, v16;
	v40 =	vld.idx.msk [tilespmem:v61+s17+$0x0], $0xffff;
	[tilespmem:s18+$0x1C0] =	vst v11;
	v11 =	vor.u32 s23, v8;
	v13 =	vmul.f32 $8.000000000e+00, v13  }
0x2e0: {  	[tilespmem:s25+$0xFFFFFEF0] =	vst v22;
	v22 =	vor.u32 s11, v8;
	v15 =	vadd.f32 v15, v20;
	v10 =	vld.idx.msk [tilespmem:v10+s17+$0x0], $0xffff;
	v20 =	vmul.f32 $8.000000000e+00, v24  }
0x2e1: {  	v41 =	vor.u32 s29, v8;
	v24 =	vld.idx.msk [tilespmem:v62+s17+$0x0], $0xffff;
	[tilespmem:s18+$0x150] =	vst v31;
	v13 =	vadd.f32 v13, v21;
	v31 =	vmul.f32 $8.000000000e+00, v35  }
0x2e2: {  	v42 =	vor.u32 s28, v8;
	[tilespmem:s25+$0xFFFFFF70] =	vst v15;
	v15 =	vld.idx.msk [tilespmem:v63+s17+$0x0], $0xffff;
	v12 =	vmul.f32 $8.000000000e+00, v12;
	v20 =	vadd.f32 v20, v23  }
0x2e3: {  	v14 =	vld.idx.msk [tilespmem:v14+s17+$0x0], $0xffff;
	v32 =	vmul.f32 $8.000000000e+00, v38;
	[tilespmem:s18+$0xFFFFFE50] =	vst v13;
	v13 =	vadd.f32 v31, v27;
	v31 =	vor.u32 s30, v8  }
0x2e4: {  	v34 =	vmul.f32 $8.000000000e+00, v40;
	[tilespmem:s18+$0xFFFFFED0] =	vst v20;
	v12 =	vadd.f32 v12, v28;
	v20 =	vor.u32 s1, v8;
	v11 =	vld.idx.msk [tilespmem:v11+s17+$0x0], $0xffff  }
0x2e5: {  	v8 =	vor.u32 s26, v8;
	v10 =	vmul.f32 $8.000000000e+00, v10;
	v32 =	vadd.f32 v32, v29;
	[tilespmem:s18+$0xFFFFFF50] =	vst v13;
	v13 =	vld.idx.msk [tilespmem:v22+s17+$0x0], $0xffff  }
0x2e6: {  	v24 =	vmul.f32 $8.000000000e+00, v24;
	v22 =	vor.u32 s7, v9;
	v34 =	vadd.f32 v34, v30;
	[tilespmem:s18+$0xFFFFFFD0] =	vst v12;
	v12 =	vld.idx.msk [tilespmem:v41+s17+$0x0], $0xffff  }
0x2e7: {  	v43 =	vor.u32 s5, v9;
	v15 =	vmul.f32 $8.000000000e+00, v15;
	v10 =	vadd.f32 v10, v26;
	v44 =	vld.idx.msk [tilespmem:v42+s17+$0x0], $0xffff;
	[tilespmem:s18+$0x50] =	vst v32  }
0x2e8: {  	v45 =	vor.u32 s6, v9;
	v18 =	vadd.f32 v24, v18;
	v14 =	vmul.f32 $8.000000000e+00, v14;
	[tilespmem:s18+$0xD0] =	vst v34;
	v24 =	vld.idx.msk [tilespmem:v31+s17+$0x0], $0xffff  }
0x2e9: {  	v15 =	vadd.f32 v15, v16;
	[tilespmem:s18+$0x1D0] =	vst v10;
	v10 =	vor.u32 s23, v9;
	v20 =	vld.idx.msk [tilespmem:v20+s17+$0x0], $0xffff;
	v11 =	vmul.f32 $8.000000000e+00, v11  }
0x2ea: {  	[tilespmem:s25+$0xFFFFFFF0] =	vst v18;
	v18 =	vor.u32 s11, v9;
	v14 =	vadd.f32 v14, v25;
	v8 =	vld.idx.msk [tilespmem:v8+s17+$0x0], $0xffff;
	v13 =	vmul.f32 $8.000000000e+00, v13  }
0x2eb: {  	v22 =	vld.idx.msk [tilespmem:v22+s17+$0x0], $0xffff;
	[tilespmem:s18+$0x160] =	vst v15;
	v15 =	vor.u32 s29, v9;
	v11 =	vadd.f32 v11, v21;
	v12 =	vmul.f32 $8.000000000e+00, v12  }
0x2ec: {  	v31 =	vor.u32 s28, v9;
	[tilespmem:s25+$0x70] =	vst v14;
	v14 =	vld.idx.msk [tilespmem:v43+s17+$0x0], $0xffff;
	v25 =	vmul.f32 $8.000000000e+00, v44;
	v13 =	vadd.f32 v13, v23  }
0x2ed: {  	v46 =	vld.idx.msk [tilespmem:v45+s17+$0x0], $0xffff;
	[tilespmem:s18+$0xFFFFFE60] =	vst v11;
	v11 =	vadd.f32 v12, v27;
	v12 =	vmul.f32 $8.000000000e+00, v24;
	v24 =	vor.u32 s30, v9  }
0x2ee: {  	v20 =	vmul.f32 $8.000000000e+00, v20;
	[tilespmem:s18+$0xFFFFFEE0] =	vst v13;
	v13 =	vadd.f32 v25, v28;
	v10 =	vld.idx.msk [tilespmem:v10+s17+$0x0], $0xffff  }
0x2ef: {  	v8 =	vmul.f32 $8.000000000e+00, v8;
	[tilespmem:s18+$0xFFFFFF60] =	vst v11;
	v11 =	vadd.f32 v12, v29;
	v12 =	vld.idx.msk [tilespmem:v18+s17+$0x0], $0xffff  }
0x2f0: {  	v25 =	vor.u32 s1, v9;
	v18 =	vmul.f32 $8.000000000e+00, v22;
	[tilespmem:s18+$0xFFFFFFE0] =	vst v13;
	v13 =	vadd.f32 v20, v30;
	v15 =	vld.idx.msk [tilespmem:v15+s17+$0x0], $0xffff  }
0x2f1: {  	v9 =	vor.u32 s26, v9;
	v14 =	vmul.f32 $8.000000000e+00, v14;
	v8 =	vadd.f32 v8, v26;
	[tilespmem:s18+$0x60] =	vst v11;
	v11 =	vld.idx.msk [tilespmem:v31+s17+$0x0], $0xffff  }
0x2f2: {  	v20 =	vmul.f32 $8.000000000e+00, v46;
	v18 =	vadd.f32 v18, v19;
	[tilespmem:s18+$0xE0] =	vst v13;
	v13 =	vld.idx.msk [tilespmem:v24+s17+$0x0], $0xffff  }
0x2f3: {  	v14 =	vadd.f32 v14, v16;
	[tilespmem:s18+$0x1E0] =	vst v8;
	v10 =	vmul.f32 $8.000000000e+00, v10  }
0x2f4: {  	v16 =	vadd.f32 v20, v17;
	[tilespmem:s25+$0xF0] =	vst v18;
	v12 =	vmul.f32 $8.000000000e+00, v12  }
0x2f5: {  	v8 =	vld.idx.msk [tilespmem:v25+s17+$0x0], $0xffff;
	[tilespmem:s18+$0x170] =	vst v14;
	v10 =	vadd.f32 v10, v21;
	v14 =	vmul.f32 $8.000000000e+00, v15  }
0x2f6: {  	v9 =	vld.idx.msk [tilespmem:v9+s17+$0x0], $0xffff;
	[tilespmem:s25+$0x1F0] =	vst v16;
	v12 =	vadd.f32 v12, v23;
	v11 =	vmul.f32 $8.000000000e+00, v11  }
0x2f7: {  	[tilespmem:s18+$0xFFFFFE70] =	vst v10;
	v10 =	vadd.f32 v14, v27;
	v13 =	vmul.f32 $8.000000000e+00, v13  }
0x2f8: {  	[tilespmem:s18+$0xFFFFFEF0] =	vst v12;
	v11 =	vadd.f32 v11, v28  }
0x2f9: {  	[tilespmem:s18+$0xFFFFFF70] =	vst v10;
	v10 =	vadd.f32 v13, v29  }
0x2fa: {  	v8 =	vmul.f32 $8.000000000e+00, v8;
	[tilespmem:s18+$0xFFFFFFF0] =	vst v11  }
0x2fb: {  	v9 =	vmul.f32 $8.000000000e+00, v9;
	s20 =	rddreg [dreg:$0xd];
	[tilespmem:s18+$0x70] =	vst v10  }
0x2fc: {  	v8 =	vadd.f32 v8, v30;
	s1 =	sshll.u32 s20, $0x12;
	s22 =	rddreg [dreg:$0x5]  }
0x2fd: {  	v9 =	vadd.f32 v9, v26;
	s1 =	sor.u32 s22, s1  }
0x2fe: {  	s24 =	simm.s32 $0x400;
	s23 =	rddreg [dreg:$0x2];
	[tilespmem:s18+$0xF0] =	vst v8;
	s1 =	sshrl.u32 s1, $0x3  }
0x2ff: {  	s26 =	simm.s32 $0x18600;
	s25 =	simm.s32 $0x8000;
	[tilespmem:s18+$0x1F0] =	vst v9;
	s1 =	sadd.s32 s23, s1  }
0x300: {  	[hbm4b:s1+s24] =	stream.strided.scatter [tilespmem:s26], [sflag:$0x6], $0x2000, s25, s24, $0x38;
	[tilespmem:$0x1D800] =	vst v63  }
0x301: {  	s1 =	rddreg [dreg:$0xb]  }
0x302: {  	v8 =	vld @!p0 [tilespmem:s1+$0x280];
	_ =	sdelay $0x4  }
0x303: {  	v8 =	vshrl.u32 @!p0 v8, $0x1  }
0x304: {  	[tilespmem:$0x6480] =	vst @!p0 v8  }
0x305: {  	v8 =	vld @!p0 [tilespmem:s1+$0x290];
	_ =	sdelay $0x4  }
0x306: {  	v8 =	vshrl.u32 @!p0 v8, $0x1  }
0x307: {  	[tilespmem:$0x6490] =	vst @!p0 v8  }
0x308: {  	v8 =	vld @!p0 [tilespmem:s1+$0x2A0];
	_ =	sdelay $0x4  }
0x309: {  	v8 =	vshrl.u32 @!p0 v8, $0x1  }
0x30a: {  	[tilespmem:$0x64A0] =	vst @!p0 v8  }
0x30b: {  	v8 =	vld @!p0 [tilespmem:s1+$0x2B0];
	_ =	sdelay $0x4  }
0x30c: {  	v8 =	vshrl.u32 @!p0 v8, $0x1  }
0x30d: {  	[tilespmem:$0x64B0] =	vst @!p0 v8  }
0x30e: {  	v8 =	vld @!p0 [tilespmem:s1+$0x2C0];
	_ =	sdelay $0x4  }
0x30f: {  	v8 =	vshrl.u32 @!p0 v8, $0x1  }
0x310: {  	[tilespmem:$0x64C0] =	vst @!p0 v8  }
0x311: {  	v8 =	vld @!p0 [tilespmem:s1+$0x2D0];
	_ =	sdelay $0x4  }
0x312: {  	v8 =	vshrl.u32 @!p0 v8, $0x1  }
0x313: {  	[tilespmem:$0x64D0] =	vst @!p0 v8  }
0x314: {  	v8 =	vld @!p0 [tilespmem:s1+$0x2E0];
	_ =	sdelay $0x4  }
0x315: {  	v8 =	vshrl.u32 @!p0 v8, $0x1  }
0x316: {  	[tilespmem:$0x64E0] =	vst @!p0 v8  }
0x317: {  	v8 =	vld @!p0 [tilespmem:s1+$0x2F0];
	_ =	sdelay $0x4  }
0x318: {  	s2 =	simm.s32 @!p0 $0x6480;
	v8 =	vshrl.u32 @!p0 v8, $0x1  }
0x319: {  	s3 =	simm.s32 @!p0 $0xA600;
	s4 =	rddreg [dreg:$0x4];
	s1 =	simm.s32 @!p0 $0x80;
	[tilespmem:$0x64F0] =	vst @!p0 v8  }
0x31a: {  	[tilespmem:s3], [sflag:$0x2] =	stream.indirect.gather @!p0 [hbm4b:s4+s1], $0x80, s2, s1, $0xb8;
	[tilespmem:$0x1D800] =	vst v63  }
0x31b: {  	s4 =	simm.s32 $0x3  }
0x31c: {  	_ =	swait.ge [sflag:s4], $0x4000  }
0x31d: {  	[sflag:s4] =	ssyncset.done $0x0  }
0x31e: {  	s6 =	simm.s32 $0x5;
	s5 =	rddreg [dreg:$0xc];
	[sflag:s4] =	ssyncadd.s32 $0xFFFFC000  }
0x31f: {  	s1 =	sor.u32 $0x2, s5;
	_ =	swait.ge [sflag:s6], $0x2000  }
0x320: {  	[dreg:$0xe] =	wrdreg s1;
	s1 =	sshll.u32 s1, $0x7;
	[sflag:s6] =	ssyncset.done $0x0  }
0x321: {  	s1 =	sand.u32 $0x3FFFFF80, s1;
	[sflag:s6] =	ssyncadd.s32 $0xFFFFE000  }
0x322: {  	v8 =	vld [tilespmem:s1+$0x0];
	_ =	sdelay $0x1  }
0x323: {  	s7 =	sadd.s32 $0x0, s0  }
0x324: {  	s10 =	sadd.s32 $0x80, s7  }
0x325: {  	v24 =	vmov s10  }
0x326: {  	s13 =	sadd.s32 $0x81, s7;
	v24 =	vand.u32 $0xFFFFFFF8, v24;
	v8 =	vshll.u32 v8, $0x6  }
0x327: {  	v24 =	vbroadcast v24, $0x0;
	v26 =	vmov s13;
	v12 =	vld [tilespmem:s1+$0x10];
	v8 =	vand.u32 $0x40, v8  }
0x328: {  	s12 =	simm.s32 $0x0;
	v26 =	vand.u32 $0xFFFFFFF9, v26;
	v13 =	vld [tilespmem:s1+$0x20];
	v16 =	vor.u32 v0, v8  }
0x329: {  	v26 =	vbroadcast v26, $0x0;
	v17 =	vld [tilespmem:s1+$0x30];
	v14 =	vor.u32 s12, v16  }
0x32a: {  	v11 =	vld [tilespmem:s1+$0x40]  }
0x32b: {  	s8 =	sadd.s32 $0x86, s7;
	s29 =	simm.s32 $0x1;
	v10 =	vld [tilespmem:s1+$0x50]  }
0x32c: {  	v20 =	vmov s8;
	s18 =	sadd.s32 $0x84, s7;
	s5 =	simm.s32 $0x6;
	v9 =	vld [tilespmem:s1+$0x70];
	v15 =	vor.u32 s29, v16  }
0x32d: {  	v20 =	vand.u32 $0xFFFFFFFE, v20;
	v29 =	vmov s18;
	s25 =	simm.s32 $0x2;
	v30 =	vld.idx.msk [tilespmem:v24+s9+$0x0], $0xffff;
	v21 =	vor.u32 s5, v16  }
0x32e: {  	v29 =	vand.u32 $0xFFFFFFFC, v29;
	v18 =	vor.u32 s25, v16;
	v23 =	vld.idx.msk [tilespmem:v14+s19+$0x0], $0xffff;
	v14 =	vbroadcast v20, $0x0  }
0x32f: {  	s11 =	simm.s32 $0x3;
	v48 =	vbroadcast v29, $0x0;
	v29 =	vld.idx.msk [tilespmem:v26+s9+$0x0], $0xffff  }
0x330: {  	s28 =	simm.s32 $0x4;
	v8 =	vld [tilespmem:s1+$0x60];
	v19 =	vor.u32 s11, v16  }
0x331: {  	s14 =	sadd.s32 $0x82, s7;
	s1 =	simm.s32 $0x7;
	v22 =	vor.u32 s28, v16;
	v15 =	vld.idx.msk [tilespmem:v15+s19+$0x0], $0xffff  }
0x332: {  	s16 =	sadd.s32 $0x83, s7;
	v27 =	vmov s14;
	s26 =	simm.s32 $0x5;
	v25 =	vor.u32 s1, v16;
	v21 =	vld.idx.msk [tilespmem:v21+s19+$0x0], $0xffff  }
0x333: {  	v28 =	vmov s16;
	v27 =	vand.u32 $0xFFFFFFFA, v27;
	v20 =	vor.u32 s26, v16;
	v18 =	vld.idx.msk [tilespmem:v18+s19+$0x0], $0xffff  }
0x334: {  	v28 =	vand.u32 $0xFFFFFFFB, v28;
	v27 =	vbroadcast v27, $0x0;
	s20 =	sadd.s32 $0x85, s7;
	v12 =	vshll.u32 v12, $0x6;
	v31 =	vld.idx.msk [tilespmem:v14+s9+$0x0], $0xffff  }
0x335: {  	v47 =	vbroadcast v28, $0x0;
	v28 =	vmov s20;
	v12 =	vand.u32 $0x40, v12;
	v19 =	vld.idx.msk [tilespmem:v19+s19+$0x0], $0xffff  }
0x336: {  	v22 =	vld.idx.msk [tilespmem:v22+s19+$0x0], $0xffff;
	v14 =	vor.u32 v1, v12;
	v12 =	vand.u32 $0xFFFFFFFD, v28  }
0x337: {  	v25 =	vld.idx.msk [tilespmem:v25+s19+$0x0], $0xffff;
	v21 =	vmul.f32 $8.000000000e+00, v21;
	v12 =	vbroadcast v12, $0x0;
	v24 =	vor.u32 s5, v14  }
0x338: {  	v20 =	vld.idx.msk [tilespmem:v20+s19+$0x0], $0xffff  }
0x339: {  	s2 =	sadd.s32 $0x87, s7;
	v49 =	vmul.f32 $8.000000000e+00, v23;
	v23 =	vld.idx.msk [tilespmem:v48+s9+$0x0], $0xffff;
	v21 =	vadd.f32 v21, v31  }
0x33a: {  	s3 =	simm.s32 $0x16800;
	v26 =	vmov s2;
	v13 =	vshll.u32 v13, $0x6;
	v28 =	vld.idx.msk [tilespmem:v27+s9+$0x0], $0xffff  }
0x33b: {  	v13 =	vand.u32 $0x40, v13;
	v27 =	vld.idx.msk [tilespmem:v47+s9+$0x0], $0xffff;
	v50 =	vor.u32 s12, v14;
	[tilespmem:s3+$0x100] =	vst v21  }
0x33c: {  	v13 =	vor.u32 v2, v13;
	v15 =	vmul.f32 $8.000000000e+00, v15;
	v51 =	vor.u32 s29, v14;
	v24 =	vld.idx.msk [tilespmem:v24+s19+$0x0], $0xffff  }
0x33d: {  	v18 =	vmul.f32 $8.000000000e+00, v18;
	v32 =	vadd.f32 v49, v30;
	v52 =	vor.u32 s25, v14;
	v21 =	vld.idx.msk [tilespmem:v12+s9+$0x0], $0xffff  }
0x33e: {  	v19 =	vmul.f32 $8.000000000e+00, v19;
	v53 =	vor.u32 s11, v14;
	v12 =	vadd.f32 v15, v29  }
0x33f: {  	v22 =	vmul.f32 $8.000000000e+00, v22;
	[tilespmem:s3+$0xFFFFFE00] =	vst v32;
	v18 =	vadd.f32 v18, v28;
	v15 =	vld.idx.msk [tilespmem:v26+s9+$0x0], $0xffff;
	v26 =	vor.u32 s28, v14  }
0x340: {  	v19 =	vadd.f32 v19, v27;
	v32 =	vld.idx.msk [tilespmem:v50+s19+$0x0], $0xffff;
	[tilespmem:s3+$0xFFFFFE80] =	vst v12;
	v12 =	vmul.f32 $8.000000000e+00, v20;
	v20 =	vor.u32 s26, v14  }
0x341: {  	v22 =	vadd.f32 v22, v23;
	[tilespmem:s3+$0xFFFFFF00] =	vst v18;
	v33 =	vld.idx.msk [tilespmem:v51+s19+$0x0], $0xffff;
	v18 =	vmul.f32 $8.000000000e+00, v24;
	v24 =	vor.u32 s5, v13  }
0x342: {  	v25 =	vmul.f32 $8.000000000e+00, v25;
	[tilespmem:s3+$0xFFFFFF80] =	vst v19;
	v19 =	vor.u32 s1, v14;
	v54 =	vld.idx.msk [tilespmem:v52+s19+$0x0], $0xffff;
	v12 =	vadd.f32 v12, v21  }
0x343: {  	v17 =	vshll.u32 v17, $0x6;
	[tilespmem:s3+$0x0] =	vst v22;
	v55 =	vld.idx.msk [tilespmem:v53+s19+$0x0], $0xffff;
	v18 =	vadd.f32 v18, v31  }
0x344: {  	v11 =	vshll.u32 v11, $0x6;
	v10 =	vshll.u32 v10, $0x6;
	v22 =	vadd.f32 v25, v15;
	v25 =	vld.idx.msk [tilespmem:v26+s19+$0x0], $0xffff;
	[tilespmem:s3+$0x80] =	vst v12  }
0x345: {  	v26 =	vor.u32 s12, v13;
	v12 =	vand.u32 $0x40, v17;
	v17 =	vmul.f32 $8.000000000e+00, v32;
	v20 =	vld.idx.msk [tilespmem:v20+s19+$0x0], $0xffff;
	[tilespmem:s3+$0x110] =	vst v18  }
0x346: {  	v57 =	vor.u32 s25, v13;
	[tilespmem:s3+$0x180] =	vst v22;
	v22 =	vmul.f32 $8.000000000e+00, v33;
	v18 =	vld.idx.msk [tilespmem:v24+s19+$0x0], $0xffff;
	v24 =	vor.u32 s29, v13  }
0x347: {  	v59 =	vor.u32 s11, v13;
	v56 =	vmul.f32 $8.000000000e+00, v54;
	v19 =	vld.idx.msk [tilespmem:v19+s19+$0x0], $0xffff;
	v17 =	vadd.f32 v17, v30  }
0x348: {  	v60 =	vor.u32 s28, v13;
	v58 =	vmul.f32 $8.000000000e+00, v55;
	v22 =	vadd.f32 v22, v29  }
0x349: {  	v61 =	vor.u32 s26, v13;
	v25 =	vmul.f32 $8.000000000e+00, v25;
	[tilespmem:s3+$0xFFFFFE10] =	vst v17;
	v17 =	vadd.f32 v56, v28  }
0x34a: {  	v12 =	vor.u32 v3, v12;
	v26 =	vld.idx.msk [tilespmem:v26+s19+$0x0], $0xffff;
	[tilespmem:s3+$0xFFFFFE90] =	vst v22;
	v22 =	vadd.f32 v58, v27;
	v20 =	vmul.f32 $8.000000000e+00, v20  }
0x34b: {  	[tilespmem:s3+$0xFFFFFF10] =	vst v17;
	v17 =	vadd.f32 v25, v23;
	v25 =	vor.u32 s5, v12;
	v24 =	vld.idx.msk [tilespmem:v24+s19+$0x0], $0xffff;
	v18 =	vmul.f32 $8.000000000e+00, v18  }
0x34c: {  	v19 =	vmul.f32 $8.000000000e+00, v19;
	v33 =	vld.idx.msk [tilespmem:v57+s19+$0x0], $0xffff;
	[tilespmem:s3+$0xFFFFFF90] =	vst v22;
	v22 =	vor.u32 s1, v13;
	v20 =	vadd.f32 v20, v21  }
0x34d: {  	v9 =	vshll.u32 v9, $0x6;
	v11 =	vand.u32 $0x40, v11;
	v35 =	vld.idx.msk [tilespmem:v59+s19+$0x0], $0xffff;
	[tilespmem:s3+$0x10] =	vst v17;
	v17 =	vadd.f32 v18, v31  }
0x34e: {  	v10 =	vand.u32 $0x40, v10;
	v9 =	vand.u32 $0x40, v9;
	v19 =	vadd.f32 v19, v15;
	[tilespmem:s3+$0x90] =	vst v20;
	v18 =	vld.idx.msk [tilespmem:v60+s19+$0x0], $0xffff  }
0x34f: {  	v11 =	vor.u32 v4, v11;
	v20 =	vor.u32 s12, v12;
	v26 =	vmul.f32 $8.000000000e+00, v26;
	v62 =	vld.idx.msk [tilespmem:v61+s19+$0x0], $0xffff;
	[tilespmem:s3+$0x120] =	vst v17  }
0x350: {  	v10 =	vor.u32 v5, v10;
	[tilespmem:s3+$0x190] =	vst v19;
	v17 =	vld.idx.msk [tilespmem:v25+s19+$0x0], $0xffff;
	v19 =	vmul.f32 $8.000000000e+00, v24;
	v24 =	vor.u32 s29, v12  }
0x351: {  	v63 =	vor.u32 s25, v12;
	v22 =	vld.idx.msk [tilespmem:v22+s19+$0x0], $0xffff;
	v25 =	vadd.f32 v26, v30;
	v26 =	vmul.f32 $8.000000000e+00, v33  }
0x352: {  	v37 =	vor.u32 s11, v12;
	v36 =	vmul.f32 $8.000000000e+00, v35;
	v19 =	vadd.f32 v19, v29  }
0x353: {  	[tilespmem:s3+$0xFFFFFE20] =	vst v25;
	v25 =	vadd.f32 v26, v28;
	v18 =	vmul.f32 $8.000000000e+00, v18;
	v26 =	vor.u32 s28, v12  }
0x354: {  	v38 =	vor.u32 s26, v12;
	v32 =	vmul.f32 $8.000000000e+00, v62;
	v20 =	vld.idx.msk [tilespmem:v20+s19+$0x0], $0xffff;
	[tilespmem:s3+$0xFFFFFEA0] =	vst v19;
	v19 =	vadd.f32 v36, v27  }
0x355: {  	[tilespmem:s3+$0xFFFFFF20] =	vst v25;
	v18 =	vadd.f32 v18, v23;
	v25 =	vor.u32 s5, v11;
	v24 =	vld.idx.msk [tilespmem:v24+s19+$0x0], $0xffff;
	v17 =	vmul.f32 $8.000000000e+00, v17  }
0x356: {  	v39 =	vor.u32 s1, v12;
	v22 =	vmul.f32 $8.000000000e+00, v22;
	v33 =	vld.idx.msk [tilespmem:v63+s19+$0x0], $0xffff;
	[tilespmem:s3+$0xFFFFFFA0] =	vst v19;
	v19 =	vadd.f32 v32, v21  }
0x357: {  	s10 =	simm.s32 $0xB;
	v9 =	vor.u32 v7, v9;
	[tilespmem:s3+$0x20] =	vst v18;
	v35 =	vld.idx.msk [tilespmem:v37+s19+$0x0], $0xffff;
	v17 =	vadd.f32 v17, v31  }
0x358: {  	v41 =	vor.u32 s25, v11;
	v52 =	vor.u32 s10, v16;
	v18 =	vld.idx.msk [tilespmem:v26+s19+$0x0], $0xffff;
	[tilespmem:s3+$0xA0] =	vst v19;
	v19 =	vadd.f32 v22, v15  }
0x359: {  	v43 =	vor.u32 s11, v11;
	v22 =	vor.u32 s12, v11;
	v20 =	vmul.f32 $8.000000000e+00, v20;
	v26 =	vld.idx.msk [tilespmem:v38+s19+$0x0], $0xffff;
	[tilespmem:s3+$0x130] =	vst v17  }
0x35a: {  	v44 =	vor.u32 s28, v11;
	v17 =	vld.idx.msk [tilespmem:v25+s19+$0x0], $0xffff;
	[tilespmem:s3+$0x1A0] =	vst v19;
	v19 =	vmul.f32 $8.000000000e+00, v24;
	v24 =	vor.u32 s29, v11  }
0x35b: {  	v45 =	vor.u32 s26, v11;
	v20 =	vadd.f32 v20, v30;
	v40 =	vmul.f32 $8.000000000e+00, v33;
	v25 =	vld.idx.msk [tilespmem:v39+s19+$0x0], $0xffff  }
0x35c: {  	s4 =	sadd.s32 $0x8, s0;
	v8 =	vshll.u32 v8, $0x6;
	v19 =	vadd.f32 v19, v29;
	v42 =	vmul.f32 $8.000000000e+00, v35  }
0x35d: {  	s22 =	sadd.s32 $0x86, s4;
	v8 =	vand.u32 $0x40, v8;
	v37 =	vld.idx.msk [tilespmem:v52+s19+$0x0], $0xffff;
	[tilespmem:s3+$0xFFFFFE30] =	vst v20;
	v20 =	vadd.f32 v40, v28;
	v18 =	vmul.f32 $8.000000000e+00, v18  }
0x35e: {  	v53 =	vmov s22;
	v22 =	vld.idx.msk [tilespmem:v22+s19+$0x0], $0xffff;
	[tilespmem:s3+$0xFFFFFEB0] =	vst v19;
	v19 =	vadd.f32 v42, v27;
	v26 =	vmul.f32 $8.000000000e+00, v26  }
0x35f: {  	s22 =	simm.s32 $0xE;
	[tilespmem:s3+$0xFFFFFF30] =	vst v20;
	v18 =	vadd.f32 v18, v23;
	v20 =	vor.u32 s5, v10;
	v24 =	vld.idx.msk [tilespmem:v24+s19+$0x0], $0xffff;
	v17 =	vmul.f32 $8.000000000e+00, v17  }
0x360: {  	v54 =	vor.u32 s22, v16;
	v33 =	vld.idx.msk [tilespmem:v41+s19+$0x0], $0xffff;
	[tilespmem:s3+$0xFFFFFFB0] =	vst v19;
	v19 =	vadd.f32 v26, v21;
	v25 =	vmul.f32 $8.000000000e+00, v25  }
0x361: {  	s6 =	simm.s32 $0xF;
	v8 =	vor.u32 v6, v8;
	v26 =	vor.u32 s1, v11;
	[tilespmem:s3+$0x30] =	vst v18;
	v35 =	vld.idx.msk [tilespmem:v43+s19+$0x0], $0xffff;
	v17 =	vadd.f32 v17, v31  }
0x362: {  	v48 =	vor.u32 s28, v10;
	v55 =	vor.u32 s6, v16;
	v18 =	vld.idx.msk [tilespmem:v44+s19+$0x0], $0xffff;
	[tilespmem:s3+$0xB0] =	vst v19;
	v19 =	vadd.f32 v25, v15  }
0x363: {  	v47 =	vor.u32 s11, v10;
	v25 =	vor.u32 s12, v10;
	v22 =	vmul.f32 $8.000000000e+00, v22;
	v46 =	vld.idx.msk [tilespmem:v45+s19+$0x0], $0xffff;
	[tilespmem:s3+$0x140] =	vst v17  }
0x364: {  	v49 =	vor.u32 s26, v10;
	v17 =	vor.u32 s29, v10;
	v20 =	vld.idx.msk [tilespmem:v20+s19+$0x0], $0xffff;
	[tilespmem:s3+$0x1B0] =	vst v19;
	v19 =	vmul.f32 $8.000000000e+00, v24  }
0x365: {  	s13 =	simm.s32 $0x8;
	v39 =	vld.idx.msk [tilespmem:v54+s19+$0x0], $0xffff;
	v24 =	vor.u32 s25, v10;
	v22 =	vadd.f32 v22, v30;
	v33 =	vmul.f32 $8.000000000e+00, v33  }
0x366: {  	v51 =	vor.u32 s13, v16;
	v26 =	vld.idx.msk [tilespmem:v26+s19+$0x0], $0xffff;
	v19 =	vadd.f32 v19, v29;
	v35 =	vmul.f32 $8.000000000e+00, v35  }
0x367: {  	s23 =	sadd.s32 $0x80, s4;
	v50 =	vor.u32 s1, v10;
	v40 =	vld.idx.msk [tilespmem:v55+s19+$0x0], $0xffff;
	[tilespmem:s3+$0xFFFFFE40] =	vst v22;
	v22 =	vadd.f32 v33, v28;
	v18 =	vmul.f32 $8.000000000e+00, v18  }
0x368: {  	v56 =	vmov s23;
	v25 =	vld.idx.msk [tilespmem:v25+s19+$0x0], $0xffff;
	[tilespmem:s3+$0xFFFFFEC0] =	vst v19;
	v19 =	vadd.f32 v35, v27;
	v32 =	vmul.f32 $8.000000000e+00, v46  }
0x369: {  	s24 =	sadd.s32 $0x81, s4;
	s14 =	sadd.s32 $0x82, s4;
	[tilespmem:s3+$0xFFFFFF40] =	vst v22;
	v18 =	vadd.f32 v18, v23;
	v22 =	vor.u32 s5, v8;
	v17 =	vld.idx.msk [tilespmem:v17+s19+$0x0], $0xffff;
	v20 =	vmul.f32 $8.000000000e+00, v20  }
0x36a: {  	s18 =	sadd.s32 $0x84, s4;
	v58 =	vmov s14;
	v57 =	vmov s24;
	v24 =	vld.idx.msk [tilespmem:v24+s19+$0x0], $0xffff;
	[tilespmem:s3+$0xFFFFFFC0] =	vst v19;
	v19 =	vadd.f32 v32, v21  }
0x36b: {  	s20 =	simm.s32 $0x9;
	s23 =	sadd.s32 $0x85, s4;
	v59 =	vmov s18;
	v26 =	vmul.f32 $8.000000000e+00, v26;
	[tilespmem:s3+$0x40] =	vst v18;
	v32 =	vld.idx.msk [tilespmem:v51+s19+$0x0], $0xffff;
	v18 =	vadd.f32 v20, v31  }
0x36c: {  	s31 =	simm.s32 $0xA;
	v60 =	vmov s23;
	v61 =	vand.u32 $0xFFFFFFFA, v58;
	v20 =	vor.u32 s20, v16;
	v36 =	vld.idx.msk [tilespmem:v48+s19+$0x0], $0xffff;
	[tilespmem:s3+$0xC0] =	vst v19  }
0x36d: {  	s8 =	simm.s32 $0xC;
	v38 =	vand.u32 $0xFFFFFFFE, v53;
	v34 =	vld.idx.msk [tilespmem:v47+s19+$0x0], $0xffff;
	v19 =	vadd.f32 v26, v15;
	v26 =	vor.u32 s31, v16;
	[tilespmem:s3+$0x150] =	vst v18  }
0x36e: {  	v38 =	vbroadcast v38, $0x0;
	v41 =	vand.u32 $0xFFFFFFF8, v56;
	v18 =	vor.u32 s8, v16;
	v22 =	vld.idx.msk [tilespmem:v22+s19+$0x0], $0xffff  }
0x36f: {  	s7 =	simm.s32 $0xD;
	v41 =	vbroadcast v41, $0x0;
	v45 =	vand.u32 $0xFFFFFFFC, v59;
	v33 =	vld.idx.msk [tilespmem:v49+s19+$0x0], $0xffff;
	[tilespmem:s3+$0x1C0] =	vst v19;
	v17 =	vmul.f32 $8.000000000e+00, v17  }
0x370: {  	s16 =	sadd.s32 $0x83, s4;
	v52 =	vbroadcast v45, $0x0;
	v25 =	vmul.f32 $8.000000000e+00, v25;
	v19 =	vor.u32 s7, v16;
	v35 =	vld.idx.msk [tilespmem:v50+s19+$0x0], $0xffff  }
0x371: {  	s24 =	sadd.s32 $0x87, s4;
	v44 =	vld.idx.msk [tilespmem:v20+s19+$0x0], $0xffff;
	v20 =	vmov s16;
	v53 =	vmul.f32 $8.000000000e+00, v36;
	v17 =	vadd.f32 v17, v29  }
0x372: {  	v46 =	vld.idx.msk [tilespmem:v26+s19+$0x0], $0xffff;
	v26 =	vand.u32 $0xFFFFFFF9, v57;
	v20 =	vand.u32 $0xFFFFFFFB, v20;
	v57 =	vmov s24  }
0x373: {  	v49 =	vld.idx.msk [tilespmem:v18+s19+$0x0], $0xffff;
	v18 =	vbroadcast v61, $0x0;
	v61 =	vor.u32 s29, v8;
	v22 =	vmul.f32 $8.000000000e+00, v22  }
0x374: {  	v62 =	vor.u32 s5, v9;
	v63 =	vbroadcast v26, $0x0;
	v51 =	vbroadcast v20, $0x0;
	v26 =	vld.idx.msk [tilespmem:v38+s9+$0x0], $0xffff  }
0x375: {  	[tilespmem:s3+$0xFFFFFED0] =	vst v17;
	v17 =	vadd.f32 v53, v23;
	v45 =	vld.idx.msk [tilespmem:v19+s19+$0x0], $0xffff;
	v20 =	vadd.f32 v22, v31;
	v22 =	vand.u32 $0xFFFFFFFD, v60  }
0x376: {  	v19 =	vbroadcast v22, $0x0;
	v22 =	vadd.f32 v25, v30;
	v25 =	vmul.f32 $8.000000000e+00, v24;
	v24 =	vld.idx.msk [tilespmem:v41+s9+$0x0], $0xffff  }
0x377: {  	v33 =	vmul.f32 $8.000000000e+00, v33;
	[tilespmem:s3+$0x50] =	vst v17;
	v17 =	vld.idx.msk [tilespmem:v57+s9+$0x0], $0xffff  }
0x378: {  	v55 =	vor.u32 s22, v14;
	v39 =	vmul.f32 $8.000000000e+00, v39;
	[tilespmem:s3+$0x160] =	vst v20;
	v20 =	vmul.f32 $8.000000000e+00, v34;
	v34 =	vld.idx.msk [tilespmem:v61+s19+$0x0], $0xffff  }
0x379: {  	v37 =	vmul.f32 $8.000000000e+00, v37;
	v40 =	vmul.f32 $8.000000000e+00, v40;
	v33 =	vadd.f32 v33, v21;
	v54 =	vld.idx.msk [tilespmem:v62+s19+$0x0], $0xffff  }
0x37a: {  	v59 =	vor.u32 s12, v8;
	v35 =	vmul.f32 $8.000000000e+00, v35;
	v58 =	vadd.f32 v39, v26;
	[tilespmem:s3+$0xFFFFFE50] =	vst v22;
	v22 =	vld.idx.msk [tilespmem:v63+s9+$0x0], $0xffff  }
0x37b: {  	v32 =	vmul.f32 $8.000000000e+00, v32;
	s24 =	simm.s32 $0x16C00;
	[tilespmem:s3+$0xD0] =	vst v33;
	v25 =	vadd.f32 v25, v28;
	v56 =	vadd.f32 v20, v27;
	v20 =	vld.idx.msk [tilespmem:v18+s9+$0x0], $0xffff  }
0x37c: {  	v50 =	vor.u32 s31, v14;
	v60 =	vor.u32 s13, v14;
	v35 =	vadd.f32 v35, v15;
	v18 =	vld.idx.msk [tilespmem:v51+s9+$0x0], $0xffff;
	[tilespmem:s24+$0x100] =	vst v58  }
0x37d: {  	v53 =	vor.u32 s10, v14;
	v62 =	vmul.f32 $8.000000000e+00, v44;
	v63 =	vor.u32 s20, v14;
	[tilespmem:s3+$0xFFFFFF50] =	vst v25;
	v25 =	vld.idx.msk [tilespmem:v52+s9+$0x0], $0xffff  }
0x37e: {  	v48 =	vmul.f32 $8.000000000e+00, v46;
	v33 =	vor.u32 s13, v11;
	[tilespmem:s3+$0x1D0] =	vst v35;
	v41 =	vld.idx.msk [tilespmem:v55+s19+$0x0], $0xffff;
	v32 =	vadd.f32 v32, v24  }
0x37f: {  	v44 =	vor.u32 s12, v9;
	[tilespmem:s3+$0xFFFFFFD0] =	vst v56;
	v56 =	vor.u32 s8, v14;
	v19 =	vld.idx.msk [tilespmem:v19+s9+$0x0], $0xffff;
	v51 =	vadd.f32 v62, v22  }
0x380: {  	v39 =	vld.idx.msk [tilespmem:v59+s19+$0x0], $0xffff;
	v36 =	vmul.f32 $8.000000000e+00, v54;
	[tilespmem:s24+$0xFFFFFE00] =	vst v32;
	v54 =	vmul.f32 $8.000000000e+00, v49;
	v52 =	vadd.f32 v48, v20  }
0x381: {  	v58 =	vmul.f32 $8.000000000e+00, v45;
	v62 =	vor.u32 s6, v14;
	v55 =	vld.idx.msk [tilespmem:v60+s19+$0x0], $0xffff;
	v37 =	vadd.f32 v37, v18;
	[tilespmem:s24+$0xFFFFFE80] =	vst v51  }
0x382: {  	v59 =	vor.u32 s7, v14;
	v40 =	vadd.f32 v40, v17;
	v57 =	vadd.f32 v54, v25;
	v43 =	vld.idx.msk [tilespmem:v63+s19+$0x0], $0xffff;
	[tilespmem:s24+$0xFFFFFF00] =	vst v52  }
0x383: {  	v34 =	vmul.f32 $8.000000000e+00, v34;
	v60 =	vor.u32 s22, v13;
	v41 =	vmul.f32 $8.000000000e+00, v41;
	[tilespmem:s24+$0xFFFFFF80] =	vst v37;
	v46 =	vld.idx.msk [tilespmem:v50+s19+$0x0], $0xffff  }
0x384: {  	v31 =	vadd.f32 v36, v31;
	v63 =	vor.u32 s25, v8;
	v61 =	vadd.f32 v58, v19;
	v36 =	vld.idx.msk [tilespmem:v53+s19+$0x0], $0xffff;
	[tilespmem:s24+$0x0] =	vst v57  }
0x385: {  	v32 =	vor.u32 s13, v10;
	[tilespmem:s24+$0x180] =	vst v40;
	v41 =	vadd.f32 v41, v26;
	v53 =	vor.u32 s11, v8;
	v42 =	vld.idx.msk [tilespmem:v56+s19+$0x0], $0xffff  }
0x386: {  	v34 =	vadd.f32 v34, v29;
	v54 =	vor.u32 s13, v13;
	v38 =	vld.idx.msk [tilespmem:v62+s19+$0x0], $0xffff;
	[tilespmem:s24+$0x80] =	vst v61;
	v35 =	vmul.f32 $8.000000000e+00, v55  }
0x387: {  	v51 =	vor.u32 s10, v10;
	v52 =	vmul.f32 $8.000000000e+00, v39;
	[tilespmem:s24+$0x110] =	vst v41;
	v55 =	vor.u32 s28, v8;
	v45 =	vld.idx.msk [tilespmem:v59+s19+$0x0], $0xffff  }
0x388: {  	[tilespmem:s3+$0x170] =	vst v31;
	v57 =	vor.u32 s20, v13;
	v41 =	vld.idx.msk [tilespmem:v60+s19+$0x0], $0xffff;
	v31 =	vadd.f32 v35, v24;
	v56 =	vmul.f32 $8.000000000e+00, v43  }
0x389: {  	[tilespmem:s3+$0xFFFFFEE0] =	vst v34;
	v58 =	vor.u32 s31, v13;
	v37 =	vadd.f32 v52, v30;
	v59 =	vld.idx.msk [tilespmem:v63+s19+$0x0], $0xffff;
	v46 =	vmul.f32 $8.000000000e+00, v46  }
0x38a: {  	v61 =	vor.u32 s10, v13;
	v60 =	vmul.f32 $8.000000000e+00, v36;
	v39 =	vld.idx.msk [tilespmem:v53+s19+$0x0], $0xffff;
	[tilespmem:s24+$0xFFFFFE10] =	vst v31;
	v31 =	vadd.f32 v56, v22  }
0x38b: {  	[tilespmem:s3+$0xFFFFFE60] =	vst v37;
	v63 =	vor.u32 s8, v13;
	v42 =	vmul.f32 $8.000000000e+00, v42;
	v62 =	vld.idx.msk [tilespmem:v54+s19+$0x0], $0xffff;
	v46 =	vadd.f32 v46, v20  }
0x38c: {  	v56 =	vor.u32 s6, v13;
	v40 =	vld.idx.msk [tilespmem:v55+s19+$0x0], $0xffff;
	v55 =	vmul.f32 $8.000000000e+00, v38;
	[tilespmem:s24+$0xFFFFFE90] =	vst v31;
	v31 =	vadd.f32 v60, v18  }
0x38d: {  	v53 =	vor.u32 s7, v13;
	v52 =	vmul.f32 $8.000000000e+00, v45;
	v42 =	vadd.f32 v42, v25;
	v43 =	vld.idx.msk [tilespmem:v57+s19+$0x0], $0xffff;
	[tilespmem:s24+$0xFFFFFF10] =	vst v46  }
0x38e: {  	v54 =	vor.u32 s22, v12;
	v41 =	vmul.f32 $8.000000000e+00, v41;
	v34 =	vadd.f32 v55, v17;
	v46 =	vld.idx.msk [tilespmem:v58+s19+$0x0], $0xffff;
	[tilespmem:s24+$0xFFFFFF90] =	vst v31  }
0x38f: {  	v37 =	vmul.f32 $8.000000000e+00, v59;
	v57 =	vor.u32 s26, v8;
	v31 =	vadd.f32 v52, v19;
	[tilespmem:s24+$0x10] =	vst v42;
	v36 =	vld.idx.msk [tilespmem:v61+s19+$0x0], $0xffff  }
0x390: {  	v59 =	vor.u32 s1, v8;
	v41 =	vadd.f32 v41, v26;
	v39 =	vmul.f32 $8.000000000e+00, v39;
	v58 =	vld.idx.msk [tilespmem:v63+s19+$0x0], $0xffff;
	[tilespmem:s24+$0x190] =	vst v34  }
0x391: {  	v50 =	vor.u32 s13, v12;
	v37 =	vadd.f32 v37, v28;
	[tilespmem:s24+$0x90] =	vst v31;
	v48 =	vmul.f32 $8.000000000e+00, v62;
	v38 =	vld.idx.msk [tilespmem:v56+s19+$0x0], $0xffff  }
0x392: {  	v55 =	vor.u32 s8, v12;
	[tilespmem:s24+$0x120] =	vst v41;
	v39 =	vadd.f32 v39, v27;
	v40 =	vmul.f32 $8.000000000e+00, v40;
	v35 =	vld.idx.msk [tilespmem:v53+s19+$0x0], $0xffff  }
0x393: {  	v34 =	vor.u32 s29, v9;
	v41 =	vld.idx.msk [tilespmem:v54+s19+$0x0], $0xffff;
	[tilespmem:s3+$0xFFFFFF60] =	vst v37;
	v60 =	vadd.f32 v48, v24;
	v43 =	vmul.f32 $8.000000000e+00, v43  }
0x394: {  	v61 =	vor.u32 s20, v12;
	[tilespmem:s3+$0xFFFFFFE0] =	vst v39;
	v52 =	vadd.f32 v40, v23;
	v40 =	vld.idx.msk [tilespmem:v57+s19+$0x0], $0xffff;
	v62 =	vmul.f32 $8.000000000e+00, v46  }
0x395: {  	v63 =	vor.u32 s31, v12;
	v45 =	vld.idx.msk [tilespmem:v59+s19+$0x0], $0xffff;
	[tilespmem:s24+$0xFFFFFE20] =	vst v60;
	v53 =	vadd.f32 v43, v22;
	v36 =	vmul.f32 $8.000000000e+00, v36  }
0x396: {  	v54 =	vor.u32 s10, v12;
	v57 =	vld.idx.msk [tilespmem:v44+s19+$0x0], $0xffff;
	v47 =	vmul.f32 $8.000000000e+00, v58;
	[tilespmem:s3+$0x60] =	vst v52;
	v37 =	vadd.f32 v62, v20  }
0x397: {  	v42 =	vor.u32 s26, v9;
	v49 =	vld.idx.msk [tilespmem:v50+s19+$0x0], $0xffff;
	[tilespmem:s24+$0xFFFFFEA0] =	vst v53;
	v36 =	vadd.f32 v36, v18;
	v35 =	vmul.f32 $8.000000000e+00, v35  }
0x398: {  	v56 =	vor.u32 s7, v12;
	v34 =	vld.idx.msk [tilespmem:v34+s19+$0x0], $0xffff;
	v59 =	vadd.f32 v47, v25;
	v41 =	vmul.f32 $8.000000000e+00, v41;
	[tilespmem:s24+$0xFFFFFF20] =	vst v37  }
0x399: {  	v60 =	vor.u32 s22, v11;
	v58 =	vld.idx.msk [tilespmem:v61+s19+$0x0], $0xffff;
	v61 =	vmul.f32 $8.000000000e+00, v38;
	[tilespmem:s24+$0xFFFFFFA0] =	vst v36;
	v35 =	vadd.f32 v35, v19  }
0x39a: {  	v62 =	vor.u32 s6, v12;
	v40 =	vmul.f32 $8.000000000e+00, v40;
	v46 =	vld.idx.msk [tilespmem:v63+s19+$0x0], $0xffff;
	[tilespmem:s24+$0x20] =	vst v59;
	v63 =	vadd.f32 v41, v26  }
0x39b: {  	v52 =	vor.u32 s25, v9;
	v45 =	vmul.f32 $8.000000000e+00, v45;
	v43 =	vld.idx.msk [tilespmem:v54+s19+$0x0], $0xffff;
	v54 =	vadd.f32 v61, v17;
	[tilespmem:s24+$0xA0] =	vst v35  }
0x39c: {  	s23 =	simm.s32 $0x10;
	v53 =	vld.idx.msk [tilespmem:v55+s19+$0x0], $0xffff;
	v55 =	vor.u32 s11, v9;
	v40 =	vadd.f32 v40, v21;
	v49 =	vmul.f32 $8.000000000e+00, v49;
	[tilespmem:s24+$0x130] =	vst v63  }
0x39d: {  	v31 =	vor.u32 s23, v16;
	v45 =	vadd.f32 v45, v15;
	v39 =	vld.idx.msk [tilespmem:v56+s19+$0x0], $0xffff;
	[tilespmem:s24+$0x1A0] =	vst v54;
	v56 =	vmul.f32 $8.000000000e+00, v57  }
0x39e: {  	v47 =	vld.idx.msk [tilespmem:v60+s19+$0x0], $0xffff;
	v57 =	vor.u32 s20, v11;
	[tilespmem:s3+$0xE0] =	vst v40;
	v49 =	vadd.f32 v49, v24;
	v44 =	vmul.f32 $8.000000000e+00, v58  }
0x39f: {  	v59 =	vor.u32 s31, v11;
	[tilespmem:s3+$0x1E0] =	vst v45;
	v38 =	vld.idx.msk [tilespmem:v62+s19+$0x0], $0xffff;
	v58 =	vmul.f32 $8.000000000e+00, v46;
	v30 =	vadd.f32 v56, v30  }
0x3a0: {  	v61 =	vor.u32 s10, v11;
	v41 =	vld.idx.msk [tilespmem:v52+s19+$0x0], $0xffff;
	[tilespmem:s24+$0xFFFFFE30] =	vst v49;
	v60 =	vadd.f32 v44, v22;
	v43 =	vmul.f32 $8.000000000e+00, v43  }
0x3a1: {  	v63 =	vor.u32 s8, v11;
	v62 =	vmul.f32 $8.000000000e+00, v53;
	v36 =	vld.idx.msk [tilespmem:v55+s19+$0x0], $0xffff;
	v40 =	vadd.f32 v58, v20;
	[tilespmem:s3+$0xFFFFFE70] =	vst v30  }
0x3a2: {  	v34 =	vmul.f32 $8.000000000e+00, v34;
	v33 =	vld.idx.msk [tilespmem:v33+s19+$0x0], $0xffff;
	[tilespmem:s24+$0xFFFFFEB0] =	vst v60;
	v30 =	vadd.f32 v43, v18;
	v52 =	vmul.f32 $8.000000000e+00, v39  }
0x3a3: {  	v53 =	vor.u32 s7, v11;
	v54 =	vadd.f32 v62, v25;
	v55 =	vmul.f32 $8.000000000e+00, v47;
	v43 =	vld.idx.msk [tilespmem:v57+s19+$0x0], $0xffff;
	[tilespmem:s24+$0xFFFFFF30] =	vst v40  }
0x3a4: {  	v56 =	vor.u32 s22, v10;
	v57 =	vmul.f32 $8.000000000e+00, v38;
	v46 =	vld.idx.msk [tilespmem:v59+s19+$0x0], $0xffff;
	[tilespmem:s24+$0xFFFFFFB0] =	vst v30;
	v30 =	vadd.f32 v52, v19  }
0x3a5: {  	v37 =	vor.u32 s28, v9;
	v58 =	vor.u32 s6, v11;
	[tilespmem:s24+$0x30] =	vst v54;
	v59 =	vadd.f32 v55, v26;
	v44 =	vld.idx.msk [tilespmem:v61+s19+$0x0], $0xffff  }
0x3a6: {  	s29 =	simm.s32 $0x12;
	v29 =	vadd.f32 v34, v29;
	v62 =	vmul.f32 $8.000000000e+00, v41;
	v48 =	vld.idx.msk [tilespmem:v63+s19+$0x0], $0xffff;
	[tilespmem:s24+$0xB0] =	vst v30;
	v30 =	vadd.f32 v57, v17  }
0x3a7: {  	v34 =	vor.u32 s29, v16;
	v60 =	vor.u32 s1, v9;
	v33 =	vmul.f32 $8.000000000e+00, v33;
	[tilespmem:s24+$0x140] =	vst v59;
	v57 =	vld.idx.msk [tilespmem:v42+s19+$0x0], $0xffff  }
0x3a8: {  	v40 =	vor.u32 s7, v10;
	v28 =	vadd.f32 v62, v28;
	v39 =	vld.idx.msk [tilespmem:v53+s19+$0x0], $0xffff;
	[tilespmem:s24+$0x1B0] =	vst v30;
	v30 =	vmul.f32 $8.000000000e+00, v36  }
0x3a9: {  	[tilespmem:s3+$0xFFFFFEF0] =	vst v29;
	v61 =	vor.u32 s20, v10;
	v47 =	vld.idx.msk [tilespmem:v56+s19+$0x0], $0xffff;
	v33 =	vadd.f32 v33, v24;
	v53 =	vmul.f32 $8.000000000e+00, v43  }
0x3aa: {  	v63 =	vor.u32 s31, v10;
	[tilespmem:s3+$0xFFFFFF70] =	vst v28;
	v55 =	vld.idx.msk [tilespmem:v58+s19+$0x0], $0xffff;
	v29 =	vmul.f32 $8.000000000e+00, v46;
	v27 =	vadd.f32 v30, v27  }
0x3ab: {  	v38 =	vor.u32 s6, v10;
	v30 =	vld.idx.msk [tilespmem:v37+s19+$0x0], $0xffff;
	[tilespmem:s24+$0xFFFFFE40] =	vst v33;
	v28 =	vadd.f32 v53, v22;
	v56 =	vmul.f32 $8.000000000e+00, v44  }
0x3ac: {  	s1 =	simm.s32 $0x15;
	v54 =	vor.u32 s8, v10;
	v58 =	vmul.f32 $8.000000000e+00, v48;
	v41 =	vld.idx.msk [tilespmem:v32+s19+$0x0], $0xffff;
	v29 =	vadd.f32 v29, v20;
	[tilespmem:s3+$0xFFFFFFF0] =	vst v27  }
0x3ad: {  	v35 =	vor.u32 s1, v16;
	v32 =	vld.idx.msk [tilespmem:v60+s19+$0x0], $0xffff;
	[tilespmem:s24+$0xFFFFFEC0] =	vst v28;
	v37 =	vadd.f32 v56, v18;
	v59 =	vmul.f32 $8.000000000e+00, v39  }
0x3ae: {  	s11 =	simm.s32 $0x11;
	v42 =	vor.u32 s22, v8;
	v60 =	vadd.f32 v58, v25;
	v27 =	vld.idx.msk [tilespmem:v61+s19+$0x0], $0xffff;
	[tilespmem:s24+$0xFFFFFF40] =	vst v29;
	v61 =	vmul.f32 $8.000000000e+00, v47  }
0x3af: {  	v33 =	vor.u32 s11, v16;
	v28 =	vld.idx.msk [tilespmem:v63+s19+$0x0], $0xffff;
	[tilespmem:s24+$0xFFFFFFC0] =	vst v37;
	v62 =	vadd.f32 v59, v19;
	v63 =	vmul.f32 $8.000000000e+00, v55  }
0x3b0: {  	s30 =	simm.s32 $0x14;
	s4 =	sadd.s32 $0x10, s0;
	s28 =	simm.s32 $0x13;
	v36 =	vmul.f32 $8.000000000e+00, v57;
	[tilespmem:s24+$0x40] =	vst v60;
	v29 =	vld.idx.msk [tilespmem:v51+s19+$0x0], $0xffff;
	v44 =	vadd.f32 v61, v26;
	v43 =	vmul.f32 $8.000000000e+00, v30  }
0x3b1: {  	s12 =	simm.s32 $0x18;
	s26 =	simm.s32 $0x17;
	s25 =	simm.s32 $0x16C00;
	v39 =	vor.u32 s28, v16;
	v37 =	vor.u32 s30, v16;
	v30 =	vld.idx.msk [tilespmem:v54+s19+$0x0], $0xffff;
	[tilespmem:s24+$0xC0] =	vst v62;
	v45 =	vadd.f32 v63, v17  }
.LBB2_7:
0x3b2: {  	p1 =	slt.u32 s12, $0x38;
	s2 =	sadd.s32 $0x80, s4;
	s5 =	sadd.s32 $0x86, s4;
	v46 =	vor.u32 s26, v16;
	v41 =	vmul.f32 $8.000000000e+00, v41;
	v40 =	vld.idx.msk [tilespmem:v40+s19+$0x0], $0xffff;
	[tilespmem:s24+$0x150] =	vst v44;
	v43 =	vadd.f32 v43, v23;
	v23 =	vmovc v25  }
0x3b3: {  	s14 =	sadd.s32 $0x82, s4;
	v25 =	vmov s2;
	s2 =	sadd.s32 $0x81, s4;
	v44 =	vmov s5;
	s5 =	sadd.s32 $0x6, s23;
	v42 =	vld.idx.msk [tilespmem:v42+s19+$0x0], $0xffff;
	[tilespmem:s24+$0x1C0] =	vst v45;
	v45 =	vmul.f32 $8.000000000e+00, v32  }
0x3b4: {  	s16 =	sadd.s32 $0x84, s4;
	s18 =	sadd.s32 $0x85, s4;
	v32 =	vmov s2;
	s2 =	sadd.s32 $0x83, s4;
	v44 =	vand.u32 $0xFFFFFFFE, v44;
	v47 =	vor.u32 s5, v16;
	v38 =	vld.idx.msk [tilespmem:v38+s19+$0x0], $0xffff;
	[tilespmem:s3+$0x70] =	vst v43  }
0x3b5: {  	v43 =	vmov s14;
	v31 =	vld.idx.msk [tilespmem:v31+s19+$0x0], $0xffff;
	v48 =	vmov s2;
	v44 =	vbroadcast v44, $0x0;
	s2 =	sadd.s32 $0x87, s4  }
0x3b6: {  	v49 =	vmov s16;
	v50 =	vmov s18;
	v25 =	vand.u32 $0xFFFFFFF8, v25;
	v33 =	vld.idx.msk [tilespmem:v33+s19+$0x0], $0xffff  }
0x3b7: {  	v32 =	vand.u32 $0xFFFFFFF9, v32;
	v43 =	vand.u32 $0xFFFFFFFA, v43;
	v48 =	vand.u32 $0xFFFFFFFB, v48;
	v34 =	vld.idx.msk [tilespmem:v34+s19+$0x0], $0xffff  }
0x3b8: {  	v49 =	vand.u32 $0xFFFFFFFC, v49;
	v50 =	vand.u32 $0xFFFFFFFD, v50;
	v25 =	vbroadcast v25, $0x0;
	v39 =	vld.idx.msk [tilespmem:v39+s19+$0x0], $0xffff  }
0x3b9: {  	v51 =	vbroadcast v32, $0x0;
	v32 =	vmul.f32 $8.000000000e+00, v42;
	v42 =	vor.u32 s22, v9;
	s22 =	smov.u32 s5;
	v47 =	vld.idx.msk [tilespmem:v47+s19+$0x0], $0xffff  }
0x3ba: {  	v43 =	vbroadcast v43, $0x0;
	v52 =	vmov s2;
	v48 =	vbroadcast v48, $0x0;
	v37 =	vld.idx.msk [tilespmem:v37+s19+$0x0], $0xffff  }
0x3bb: {  	v49 =	vbroadcast v49, $0x0;
	v50 =	vbroadcast v50, $0x0;
	v32 =	vadd.f32 v32, v26;
	v44 =	vld.idx.msk [tilespmem:v44+s9+$0x0], $0xffff  }
0x3bc: {  	v27 =	vmul.f32 $8.000000000e+00, v27;
	v41 =	vadd.f32 v41, v24;
	v28 =	vmul.f32 $8.000000000e+00, v28;
	v35 =	vld.idx.msk [tilespmem:v35+s19+$0x0], $0xffff  }
0x3bd: {  	v53 =	vmul.f32 $8.000000000e+00, v29;
	v29 =	vadd.f32 v36, v21;
	v21 =	vmovc v19;
	v30 =	vmul.f32 $8.000000000e+00, v30;
	v46 =	vld.idx.msk [tilespmem:v46+s19+$0x0], $0xffff;
	[tilespmem:s24+$0x160] =	vst v32  }
0x3be: {  	v19 =	vadd.f32 v27, v22;
	v27 =	vmul.f32 $8.000000000e+00, v40;
	v38 =	vmul.f32 $8.000000000e+00, v38;
	[tilespmem:s24+$0xFFFFFE50] =	vst v41;
	v36 =	vld.idx.msk [tilespmem:v42+s19+$0x0], $0xffff  }
0x3bf: {  	v40 =	vor.u32 s22, v14;
	v41 =	vadd.f32 v28, v20;
	v32 =	vld.idx.msk [tilespmem:v25+s9+$0x0], $0xffff;
	v25 =	vmul.f32 $8.000000000e+00, v47;
	[tilespmem:s3+$0xF0] =	vst v29  }
0x3c0: {  	v30 =	vadd.f32 v30, v23;
	v29 =	vld.idx.msk [tilespmem:v51+s9+$0x0], $0xffff;
	[tilespmem:s24+$0xFFFFFED0] =	vst v19;
	v19 =	vadd.f32 v53, v18  }
0x3c1: {  	v28 =	vld.idx.msk [tilespmem:v43+s9+$0x0], $0xffff;
	v42 =	vadd.f32 v25, v44;
	[tilespmem:s24+$0xFFFFFF50] =	vst v41;
	v41 =	vadd.f32 v27, v21  }
0x3c2: {  	v45 =	vadd.f32 v45, v15;
	v38 =	vadd.f32 v38, v17;
	v43 =	vor.u32 s13, v8;
	s24 =	sadd.s32 $0x400, s24;
	v27 =	vld.idx.msk [tilespmem:v48+s9+$0x0], $0xffff;
	[tilespmem:s25+$0xFFFFFFD0] =	vst v19  }
0x3c3: {  	v15 =	vmovc v17;
	v19 =	vmul.f32 $8.000000000e+00, v31;
	v31 =	vor.u32 s23, v14;
	v25 =	vld.idx.msk [tilespmem:v49+s9+$0x0], $0xffff;
	[tilespmem:s24+$0x100] =	vst v42;
	v42 =	vor.u32 s20, v8  }
0x3c4: {  	v17 =	vmul.f32 $8.000000000e+00, v33;
	v33 =	vor.u32 s11, v14;
	v40 =	vld.idx.msk [tilespmem:v40+s19+$0x0], $0xffff;
	[tilespmem:s25+$0x50] =	vst v30;
	v30 =	vmul.f32 $8.000000000e+00, v36  }
0x3c5: {  	v34 =	vmul.f32 $8.000000000e+00, v34;
	v47 =	vor.u32 s29, v14;
	v36 =	vadd.f32 v19, v32;
	v19 =	vld.idx.msk [tilespmem:v50+s9+$0x0], $0xffff;
	[tilespmem:s25+$0xD0] =	vst v41  }
0x3c6: {  	v39 =	vmul.f32 $8.000000000e+00, v39;
	v41 =	vadd.f32 v17, v29;
	v17 =	vld.idx.msk [tilespmem:v52+s9+$0x0], $0xffff;
	v30 =	vadd.f32 v30, v26;
	[tilespmem:s25+$0x1D0] =	vst v38  }
0x3c7: {  	v37 =	vmul.f32 $8.000000000e+00, v37;
	v38 =	vor.u32 s28, v14;
	v26 =	vmovc v44;
	[tilespmem:s24+$0xFFFFFE00] =	vst v36;
	v36 =	vadd.f32 v34, v28;
	v43 =	vld.idx.msk [tilespmem:v43+s19+$0x0], $0xffff  }
0x3c8: {  	v44 =	vor.u32 s30, v14;
	v39 =	vadd.f32 v39, v27;
	v34 =	vor.u32 s13, v9;
	s13 =	smov.u32 s23;
	s23 =	smov.u32 s12;
	v31 =	vld.idx.msk [tilespmem:v31+s19+$0x0], $0xffff;
	[tilespmem:s25+$0x170] =	vst v30  }
0x3c9: {  	v35 =	vmul.f32 $8.000000000e+00, v35;
	v37 =	vadd.f32 v37, v25;
	[tilespmem:s24+$0xFFFFFE80] =	vst v41;
	v41 =	vor.u32 s1, v14;
	v42 =	vld.idx.msk [tilespmem:v42+s19+$0x0], $0xffff  }
0x3ca: {  	v48 =	vld.idx.msk [tilespmem:v33+s19+$0x0], $0xffff;
	[tilespmem:s24+$0xFFFFFF00] =	vst v36;
	v33 =	vmul.f32 $8.000000000e+00, v40;
	v36 =	vor.u32 s22, v13;
	v40 =	vmul.f32 $8.000000000e+00, v46  }
0x3cb: {  	v30 =	vor.u32 s13, v10;
	v35 =	vadd.f32 v35, v19;
	v46 =	vld.idx.msk [tilespmem:v47+s19+$0x0], $0xffff;
	[tilespmem:s24+$0xFFFFFF80] =	vst v39;
	v39 =	vor.u32 s26, v14  }
0x3cc: {  	v47 =	vor.u32 s31, v8;
	v38 =	vld.idx.msk [tilespmem:v38+s19+$0x0], $0xffff;
	[tilespmem:s24+$0x0] =	vst v37;
	v37 =	vadd.f32 v33, v26;
	v40 =	vadd.f32 v40, v17  }
0x3cd: {  	v33 =	vor.u32 s13, v11;
	v44 =	vld.idx.msk [tilespmem:v44+s19+$0x0], $0xffff;
	[tilespmem:s24+$0x80] =	vst v35;
	v35 =	vmul.f32 $8.000000000e+00, v43;
	v43 =	vor.u32 s10, v8  }
0x3ce: {  	v49 =	vor.u32 s13, v13;
	v50 =	vor.u32 s13, v12;
	v31 =	vmul.f32 $8.000000000e+00, v31;
	v41 =	vld.idx.msk [tilespmem:v41+s19+$0x0], $0xffff;
	[tilespmem:s24+$0x110] =	vst v37  }
0x3cf: {  	v37 =	vmul.f32 $8.000000000e+00, v42;
	v36 =	vld.idx.msk [tilespmem:v36+s19+$0x0], $0xffff;
	[tilespmem:s24+$0x180] =	vst v40;
	v35 =	vadd.f32 v35, v24;
	v40 =	vor.u32 s8, v8  }
0x3d0: {  	v31 =	vadd.f32 v31, v32;
	v42 =	vmul.f32 $8.000000000e+00, v48;
	v48 =	vor.u32 s11, v13;
	v39 =	vld.idx.msk [tilespmem:v39+s19+$0x0], $0xffff;
	[tilespmem:s3+$0x1F0] =	vst v45;
	s3 =	smov.u32 s25;
	s25 =	smov.u32 s24  }
0x3d1: {  	v45 =	vmul.f32 $8.000000000e+00, v46;
	v46 =	vor.u32 s29, v13;
	[tilespmem:s3+$0xFFFFFE60] =	vst v35;
	v35 =	vadd.f32 v37, v22;
	v37 =	vld.idx.msk [tilespmem:v47+s19+$0x0], $0xffff  }
0x3d2: {  	v38 =	vmul.f32 $8.000000000e+00, v38;
	[tilespmem:s24+$0xFFFFFE10] =	vst v31;
	v31 =	vadd.f32 v42, v29;
	v42 =	vor.u32 s28, v13;
	v43 =	vld.idx.msk [tilespmem:v43+s19+$0x0], $0xffff  }
0x3d3: {  	v45 =	vadd.f32 v45, v28;
	v44 =	vmul.f32 $8.000000000e+00, v44;
	v47 =	vld.idx.msk [tilespmem:v49+s19+$0x0], $0xffff;
	v49 =	vor.u32 s30, v13;
	[tilespmem:s3+$0xFFFFFEE0] =	vst v35  }
0x3d4: {  	v35 =	vmul.f32 $8.000000000e+00, v41;
	[tilespmem:s24+$0xFFFFFE90] =	vst v31;
	v31 =	vadd.f32 v38, v27;
	v38 =	vor.u32 s1, v13;
	v40 =	vld.idx.msk [tilespmem:v40+s19+$0x0], $0xffff  }
0x3d5: {  	v44 =	vadd.f32 v44, v25;
	v36 =	vmul.f32 $8.000000000e+00, v36;
	v41 =	vld.idx.msk [tilespmem:v48+s19+$0x0], $0xffff;
	[tilespmem:s24+$0xFFFFFF10] =	vst v45;
	v45 =	vor.u32 s22, v12  }
0x3d6: {  	v46 =	vld.idx.msk [tilespmem:v46+s19+$0x0], $0xffff;
	[tilespmem:s24+$0xFFFFFF90] =	vst v31;
	v31 =	vadd.f32 v35, v19;
	v35 =	vmul.f32 $8.000000000e+00, v39;
	v39 =	vor.u32 s26, v13  }
0x3d7: {  	v36 =	vadd.f32 v36, v26;
	v37 =	vmul.f32 $8.000000000e+00, v37;
	v42 =	vld.idx.msk [tilespmem:v42+s19+$0x0], $0xffff;
	[tilespmem:s24+$0x10] =	vst v44;
	v44 =	vor.u32 s7, v8  }
0x3d8: {  	v43 =	vmul.f32 $8.000000000e+00, v43;
	v48 =	vld.idx.msk [tilespmem:v49+s19+$0x0], $0xffff;
	[tilespmem:s24+$0x90] =	vst v31;
	v35 =	vadd.f32 v35, v17;
	v49 =	vor.u32 s6, v8  }
0x3d9: {  	v31 =	vor.u32 s12, v16;
	v47 =	vmul.f32 $8.000000000e+00, v47;
	v38 =	vld.idx.msk [tilespmem:v38+s19+$0x0], $0xffff;
	[tilespmem:s24+$0x120] =	vst v36;
	v36 =	vadd.f32 v37, v20  }
0x3da: {  	v43 =	vadd.f32 v43, v18;
	v40 =	vmul.f32 $8.000000000e+00, v40;
	v37 =	vld.idx.msk [tilespmem:v45+s19+$0x0], $0xffff;
	[tilespmem:s24+$0x190] =	vst v35;
	v35 =	vor.u32 s20, v9;
	s20 =	smov.u32 s11  }
0x3db: {  	v45 =	vadd.f32 v47, v32;
	v41 =	vmul.f32 $8.000000000e+00, v41;
	v47 =	vor.u32 s20, v12;
	v39 =	vld.idx.msk [tilespmem:v39+s19+$0x0], $0xffff;
	[tilespmem:s3+$0xFFFFFF60] =	vst v36  }
0x3dc: {  	v36 =	vmul.f32 $8.000000000e+00, v46;
	v46 =	vor.u32 s29, v12;
	v40 =	vadd.f32 v40, v23;
	[tilespmem:s3+$0xFFFFFFE0] =	vst v43;
	v43 =	vld.idx.msk [tilespmem:v44+s19+$0x0], $0xffff  }
0x3dd: {  	v41 =	vadd.f32 v41, v29;
	v42 =	vmul.f32 $8.000000000e+00, v42;
	v44 =	vor.u32 s28, v12;
	[tilespmem:s24+$0xFFFFFE20] =	vst v45;
	v45 =	vld.idx.msk [tilespmem:v49+s19+$0x0], $0xffff  }
0x3de: {  	v36 =	vadd.f32 v36, v28;
	v48 =	vmul.f32 $8.000000000e+00, v48;
	v49 =	vld.idx.msk [tilespmem:v50+s19+$0x0], $0xffff;
	v50 =	vor.u32 s30, v12;
	[tilespmem:s3+$0x60] =	vst v40  }
0x3df: {  	v40 =	vadd.f32 v42, v27;
	v38 =	vmul.f32 $8.000000000e+00, v38;
	[tilespmem:s24+$0xFFFFFEA0] =	vst v41;
	v41 =	vor.u32 s1, v12;
	v34 =	vld.idx.msk [tilespmem:v34+s19+$0x0], $0xffff  }
0x3e0: {  	v37 =	vmul.f32 $8.000000000e+00, v37;
	v42 =	vld.idx.msk [tilespmem:v47+s19+$0x0], $0xffff;
	[tilespmem:s24+$0xFFFFFF20] =	vst v36;
	v36 =	vadd.f32 v48, v25;
	v47 =	vor.u32 s22, v11  }
0x3e1: {  	v38 =	vadd.f32 v38, v19;
	v39 =	vmul.f32 $8.000000000e+00, v39;
	v46 =	vld.idx.msk [tilespmem:v46+s19+$0x0], $0xffff;
	[tilespmem:s24+$0xFFFFFFA0] =	vst v40;
	v40 =	vor.u32 s26, v12  }
0x3e2: {  	v43 =	vmul.f32 $8.000000000e+00, v43;
	v44 =	vld.idx.msk [tilespmem:v44+s19+$0x0], $0xffff;
	[tilespmem:s24+$0x20] =	vst v36;
	v36 =	vadd.f32 v37, v26;
	v37 =	vor.u32 s31, v9;
	s31 =	smov.u32 s29  }
0x3e3: {  	v45 =	vmul.f32 $8.000000000e+00, v45;
	v48 =	vld.idx.msk [tilespmem:v50+s19+$0x0], $0xffff;
	[tilespmem:s24+$0xA0] =	vst v38;
	v38 =	vadd.f32 v39, v17;
	v39 =	vor.u32 s10, v9;
	s10 =	smov.u32 s28  }
0x3e4: {  	v49 =	vmul.f32 $8.000000000e+00, v49;
	v43 =	vadd.f32 v43, v21;
	v41 =	vld.idx.msk [tilespmem:v41+s19+$0x0], $0xffff;
	[tilespmem:s24+$0x130] =	vst v36;
	v36 =	vor.u32 s8, v9;
	s8 =	smov.u32 s30  }
0x3e5: {  	v50 =	vor.u32 s7, v9;
	s7 =	smov.u32 s1;
	v34 =	vmul.f32 $8.000000000e+00, v34;
	v47 =	vld.idx.msk [tilespmem:v47+s19+$0x0], $0xffff;
	[tilespmem:s24+$0x1A0] =	vst v38;
	v38 =	vadd.f32 v45, v15  }
0x3e6: {  	v45 =	vadd.f32 v49, v32;
	v42 =	vmul.f32 $8.000000000e+00, v42;
	v49 =	vor.u32 s20, v11;
	v40 =	vld.idx.msk [tilespmem:v40+s19+$0x0], $0xffff;
	[tilespmem:s3+$0xE0] =	vst v43  }
0x3e7: {  	v43 =	vmul.f32 $8.000000000e+00, v46;
	v46 =	vor.u32 s31, v11;
	v34 =	vadd.f32 v34, v24;
	v24 =	vmovc v32;
	v35 =	vld.idx.msk [tilespmem:v35+s19+$0x0], $0xffff;
	[tilespmem:s3+$0x1E0] =	vst v38  }
0x3e8: {  	v32 =	vadd.f32 v42, v29;
	v38 =	vmul.f32 $8.000000000e+00, v44;
	v42 =	vor.u32 s10, v11;
	[tilespmem:s24+$0xFFFFFE30] =	vst v45;
	v37 =	vld.idx.msk [tilespmem:v37+s19+$0x0], $0xffff  }
0x3e9: {  	v43 =	vadd.f32 v43, v28;
	v44 =	vmul.f32 $8.000000000e+00, v48;
	v45 =	vor.u32 s8, v11;
	v33 =	vld.idx.msk [tilespmem:v33+s19+$0x0], $0xffff;
	[tilespmem:s3+$0xFFFFFE70] =	vst v34  }
0x3ea: {  	v34 =	vmul.f32 $8.000000000e+00, v41;
	[tilespmem:s24+$0xFFFFFEB0] =	vst v32;
	v32 =	vadd.f32 v38, v27;
	v38 =	vor.u32 s7, v11;
	v39 =	vld.idx.msk [tilespmem:v39+s19+$0x0], $0xffff  }
0x3eb: {  	v41 =	vld.idx.msk [tilespmem:v49+s19+$0x0], $0xffff;
	[tilespmem:s24+$0xFFFFFF30] =	vst v43;
	v43 =	vadd.f32 v44, v25;
	v44 =	vmul.f32 $8.000000000e+00, v47;
	v47 =	vor.u32 s22, v10  }
0x3ec: {  	v46 =	vld.idx.msk [tilespmem:v46+s19+$0x0], $0xffff;
	[tilespmem:s24+$0xFFFFFFB0] =	vst v32;
	v32 =	vadd.f32 v34, v19;
	v34 =	vmul.f32 $8.000000000e+00, v40;
	v40 =	vor.u32 s26, v11  }
0x3ed: {  	v35 =	vmul.f32 $8.000000000e+00, v35;
	v42 =	vld.idx.msk [tilespmem:v42+s19+$0x0], $0xffff;
	[tilespmem:s24+$0x30] =	vst v43;
	v43 =	vadd.f32 v44, v26;
	v44 =	vor.u32 s6, v9;
	s6 =	smov.u32 s26  }
0x3ee: {  	v48 =	vor.u32 s20, v10;
	v45 =	vld.idx.msk [tilespmem:v45+s19+$0x0], $0xffff;
	[tilespmem:s24+$0xB0] =	vst v32;
	v32 =	vadd.f32 v34, v17;
	v34 =	vmul.f32 $8.000000000e+00, v37  }
0x3ef: {  	v33 =	vmul.f32 $8.000000000e+00, v33;
	v37 =	vor.u32 s31, v10;
	v35 =	vadd.f32 v35, v22;
	v22 =	vmovc v29;
	v49 =	vld.idx.msk [tilespmem:v38+s19+$0x0], $0xffff;
	[tilespmem:s24+$0x140] =	vst v43  }
0x3f0: {  	v29 =	vor.u32 s10, v10;
	v43 =	vld.idx.msk [tilespmem:v47+s19+$0x0], $0xffff;
	[tilespmem:s24+$0x1B0] =	vst v32;
	v32 =	vadd.f32 v34, v20;
	v34 =	vmul.f32 $8.000000000e+00, v39;
	v20 =	vmovc v28  }
0x3f1: {  	v28 =	vadd.f32 v33, v24;
	v33 =	vmul.f32 $8.000000000e+00, v41;
	v47 =	vor.u32 s8, v10;
	v51 =	vld.idx.msk [tilespmem:v40+s19+$0x0], $0xffff;
	[tilespmem:s3+$0xFFFFFEF0] =	vst v35  }
0x3f2: {  	v35 =	vmul.f32 $8.000000000e+00, v46;
	v40 =	vor.u32 s7, v10;
	[tilespmem:s3+$0xFFFFFF70] =	vst v32;
	v32 =	vadd.f32 v34, v18;
	v36 =	vld.idx.msk [tilespmem:v36+s19+$0x0], $0xffff;
	v18 =	vmovc v27  }
0x3f3: {  	s11 =	sadd.s32 $0x1, s12;
	v38 =	vor.u32 s6, v10;
	v27 =	vadd.f32 v33, v22;
	[tilespmem:s24+$0xFFFFFE40] =	vst v28;
	v28 =	vmul.f32 $8.000000000e+00, v42;
	v46 =	vld.idx.msk [tilespmem:v50+s19+$0x0], $0xffff  }
0x3f4: {  	s29 =	sadd.s32 $0x2, s12;
	v33 =	vor.u32 s11, v16;
	v41 =	vld.idx.msk [tilespmem:v30+s19+$0x0], $0xffff;
	v30 =	vadd.f32 v35, v20;
	v35 =	vmul.f32 $8.000000000e+00, v45;
	[tilespmem:s3+$0xFFFFFFF0] =	vst v32  }
.Ltmp4:
0x3f5: {  	v34 =	vor.u32 s29, v16;
	v49 =	vmul.f32 $8.000000000e+00, v49;
	[tilespmem:s24+$0xFFFFFEC0] =	vst v27;
	v45 =	vadd.f32 v28, v18;
	v32 =	vld.idx.msk [tilespmem:v44+s19+$0x0], $0xffff;
	(pc) =	sbr.rel @p1 .LBB2_7-.Ltmp4, $4  }
0x3f6: {  	s28 =	sadd.s32 $0x3, s12;
	v42 =	vor.u32 s22, v8;
	v27 =	vld.idx.msk [tilespmem:v48+s19+$0x0], $0xffff;
	[tilespmem:s24+$0xFFFFFF40] =	vst v30;
	v30 =	vadd.f32 v35, v25;
	v35 =	vmul.f32 $8.000000000e+00, v43  }
0x3f7: {  	s30 =	sadd.s32 $0x4, s12;
	v39 =	vor.u32 s28, v16;
	v48 =	vmul.f32 $8.000000000e+00, v51;
	v28 =	vld.idx.msk [tilespmem:v37+s19+$0x0], $0xffff;
	[tilespmem:s24+$0xFFFFFFC0] =	vst v45;
	v45 =	vadd.f32 v49, v19  }
0x3f8: {  	s1 =	sadd.s32 $0x5, s12;
	v37 =	vor.u32 s30, v16;
	v43 =	vmul.f32 $8.000000000e+00, v36;
	v29 =	vld.idx.msk [tilespmem:v29+s19+$0x0], $0xffff;
	[tilespmem:s24+$0x40] =	vst v30;
	v44 =	vadd.f32 v35, v26  }
0x3f9: {  	s4 =	sadd.s32 s23, s0;
	s12 =	sadd.s32 $0x8, s12;
	s26 =	sadd.s32 $0x7, s23;
	v35 =	vor.u32 s1, v16;
	v36 =	vmul.f32 $8.000000000e+00, v46;
	v30 =	vld.idx.msk [tilespmem:v47+s19+$0x0], $0xffff;
	[tilespmem:s24+$0xC0] =	vst v45;
	v45 =	vadd.f32 v48, v17  }
0x3fa: {  	_ =	sdelay $0x3  }
0x3fb: {  	v40 =	vld.idx.msk [tilespmem:v40+s19+$0x0], $0xffff;
	v52 =	vor.u32 s22, v9  }
0x3fc: {  	s2 =	sadd.s32 $0x80, s4;
	s5 =	sadd.s32 $0x86, s4;
	[tilespmem:s24+$0x150] =	vst v44;
	v31 =	vld.idx.msk [tilespmem:v31+s19+$0x0], $0xffff;
	v23 =	vadd.f32 v43, v23;
	v62 =	vor.u32 s26, v16;
	v41 =	vmul.f32 $8.000000000e+00, v41  }
0x3fd: {  	s18 =	sadd.s32 $0x81, s4;
	s12 =	sadd.s32 $0x82, s4;
	v33 =	vld.idx.msk [tilespmem:v33+s19+$0x0], $0xffff;
	v53 =	vor.u32 s20, v8;
	v60 =	vmov s2;
	v46 =	vmov s5  }
0x3fe: {  	s5 =	sadd.s32 $0x6, s23;
	v42 =	vld.idx.msk [tilespmem:v42+s19+$0x0], $0xffff;
	v61 =	vmov s18;
	v47 =	vmov s12;
	v46 =	vand.u32 $0xFFFFFFFE, v46  }
0x3ff: {  	s14 =	sadd.s32 $0x83, s4;
	v34 =	vld.idx.msk [tilespmem:v34+s19+$0x0], $0xffff;
	v48 =	vor.u32 s5, v16;
	v16 =	vand.u32 $0xFFFFFFF8, v60;
	v46 =	vbroadcast v46, $0x0  }
0x400: {  	s16 =	sadd.s32 $0x84, s4;
	v39 =	vld.idx.msk [tilespmem:v39+s19+$0x0], $0xffff;
	v49 =	vmov s14;
	v63 =	vand.u32 $0xFFFFFFF9, v61;
	v56 =	vbroadcast v16, $0x0  }
0x401: {  	v37 =	vld.idx.msk [tilespmem:v37+s19+$0x0], $0xffff;
	[tilespmem:s24+$0x1C0] =	vst v45;
	v50 =	vmov s16;
	v27 =	vmul.f32 $8.000000000e+00, v27;
	v44 =	vbroadcast v63, $0x0  }
0x402: {  	v35 =	vld.idx.msk [tilespmem:v35+s19+$0x0], $0xffff;
	v21 =	vadd.f32 v36, v21;
	v55 =	vand.u32 $0xFFFFFFFB, v49;
	[tilespmem:s3+$0x70] =	vst v23;
	v23 =	vadd.f32 v41, v24  }
0x403: {  	s18 =	sadd.s32 $0x85, s4;
	v38 =	vld.idx.msk [tilespmem:v38+s19+$0x0], $0xffff;
	v50 =	vand.u32 $0xFFFFFFFC, v50;
	v57 =	vbroadcast v55, $0x0;
	v42 =	vmul.f32 $8.000000000e+00, v42  }
0x404: {  	v51 =	vmov s18;
	v58 =	vbroadcast v50, $0x0;
	[tilespmem:s24+$0xFFFFFE50] =	vst v23;
	v23 =	vadd.f32 v27, v22;
	v48 =	vld.idx.msk [tilespmem:v48+s19+$0x0], $0xffff  }
0x405: {  	v54 =	vand.u32 $0xFFFFFFFA, v47;
	v28 =	vmul.f32 $8.000000000e+00, v28;
	[tilespmem:s3+$0xF0] =	vst v21;
	v42 =	vadd.f32 v42, v26;
	v16 =	vld.idx.msk [tilespmem:v46+s9+$0x0], $0xffff  }
0x406: {  	v51 =	vand.u32 $0xFFFFFFFD, v51;
	v45 =	vbroadcast v54, $0x0;
	v29 =	vmul.f32 $8.000000000e+00, v29;
	[tilespmem:s24+$0xFFFFFED0] =	vst v23;
	v21 =	vld.idx.msk [tilespmem:v56+s9+$0x0], $0xffff  }
0x407: {  	v59 =	vbroadcast v51, $0x0;
	v28 =	vadd.f32 v28, v20;
	v30 =	vmul.f32 $8.000000000e+00, v30;
	v23 =	vld.idx.msk [tilespmem:v44+s9+$0x0], $0xffff;
	[tilespmem:s24+$0x160] =	vst v42  }
0x408: {  	s22 =	sadd.s32 $0x87, s4;
	v61 =	vor.u32 s5, v14;
	v29 =	vadd.f32 v29, v18;
	v40 =	vmul.f32 $8.000000000e+00, v40;
	v60 =	vld.idx.msk [tilespmem:v52+s19+$0x0], $0xffff  }
0x409: {  	v63 =	vmov s22;
	[tilespmem:s24+$0xFFFFFF50] =	vst v28;
	v30 =	vadd.f32 v30, v25;
	v28 =	vld.idx.msk [tilespmem:v57+s9+$0x0], $0xffff;
	v27 =	vmul.f32 $8.000000000e+00, v48  }
0x40a: {  	v50 =	vor.u32 s13, v8;
	v38 =	vmul.f32 $8.000000000e+00, v38;
	[tilespmem:s25+$0xFFFFFFD0] =	vst v29;
	v40 =	vadd.f32 v40, v19;
	v29 =	vld.idx.msk [tilespmem:v58+s9+$0x0], $0xffff  }
0x40b: {  	v55 =	vor.u32 s11, v14;
	v31 =	vmul.f32 $8.000000000e+00, v31;
	[tilespmem:s25+$0x50] =	vst v30;
	v42 =	vld.idx.msk [tilespmem:v62+s19+$0x0], $0xffff;
	v62 =	vadd.f32 v27, v16  }
0x40c: {  	s4 =	sadd.s32 $0x400, s24;
	v51 =	vor.u32 s23, v14;
	v33 =	vmul.f32 $8.000000000e+00, v33;
	v38 =	vadd.f32 v38, v17;
	[tilespmem:s25+$0xD0] =	vst v40;
	v27 =	vld.idx.msk [tilespmem:v45+s9+$0x0], $0xffff  }
0x40d: {  	v39 =	vmul.f32 $8.000000000e+00, v39;
	v30 =	vld.idx.msk [tilespmem:v59+s9+$0x0], $0xffff;
	v31 =	vadd.f32 v31, v21;
	[tilespmem:s4+$0x100] =	vst v62;
	v52 =	vmul.f32 $8.000000000e+00, v60  }
0x40e: {  	v34 =	vmul.f32 $8.000000000e+00, v34;
	v37 =	vmul.f32 $8.000000000e+00, v37;
	[tilespmem:s25+$0x1D0] =	vst v38;
	v33 =	vadd.f32 v33, v23;
	v54 =	vld.idx.msk [tilespmem:v61+s19+$0x0], $0xffff  }
0x40f: {  	v56 =	vor.u32 s29, v14;
	v39 =	vadd.f32 v39, v28;
	[tilespmem:s4+$0xFFFFFE00] =	vst v31;
	v36 =	vadd.f32 v52, v26;
	v26 =	vld.idx.msk [tilespmem:v63+s9+$0x0], $0xffff  }
0x410: {  	v41 =	vld.idx.msk [tilespmem:v50+s19+$0x0], $0xffff;
	v57 =	vor.u32 s28, v14;
	[tilespmem:s4+$0xFFFFFE80] =	vst v33;
	v61 =	vadd.f32 v37, v29  }
0x411: {  	v59 =	vor.u32 s30, v14;
	v60 =	vmul.f32 $8.000000000e+00, v35;
	[tilespmem:s4+$0xFFFFFF80] =	vst v39;
	v58 =	vld.idx.msk [tilespmem:v51+s19+$0x0], $0xffff;
	v31 =	vadd.f32 v34, v27  }
0x412: {  	v42 =	vmul.f32 $8.000000000e+00, v42;
	v62 =	vor.u32 s1, v14;
	v40 =	vld.idx.msk [tilespmem:v55+s19+$0x0], $0xffff;
	[tilespmem:s4+$0x0] =	vst v61  }
0x413: {  	v14 =	vor.u32 s26, v14;
	v63 =	vld.idx.msk [tilespmem:v53+s19+$0x0], $0xffff;
	v33 =	vadd.f32 v60, v30;
	[tilespmem:s4+$0xFFFFFF00] =	vst v31;
	v31 =	vmul.f32 $8.000000000e+00, v54  }
0x414: {  	v32 =	vmul.f32 $8.000000000e+00, v32;
	v47 =	vor.u32 s5, v13;
	[tilespmem:s25+$0x170] =	vst v36;
	v38 =	vld.idx.msk [tilespmem:v56+s19+$0x0], $0xffff;
	v48 =	vadd.f32 v42, v26  }
0x415: {  	v49 =	vor.u32 s31, v8;
	v50 =	vmul.f32 $8.000000000e+00, v41;
	v34 =	vld.idx.msk [tilespmem:v57+s19+$0x0], $0xffff;
	[tilespmem:s4+$0x80] =	vst v33;
	v31 =	vadd.f32 v31, v16  }
0x416: {  	v15 =	vadd.f32 v32, v15;
	v52 =	vor.u32 s10, v8;
	v51 =	vld.idx.msk [tilespmem:v59+s19+$0x0], $0xffff;
	v36 =	vmul.f32 $8.000000000e+00, v58;
	[tilespmem:s4+$0x180] =	vst v48  }
0x417: {  	v33 =	vadd.f32 v50, v24;
	v37 =	vld.idx.msk [tilespmem:v62+s19+$0x0], $0xffff;
	v40 =	vmul.f32 $8.000000000e+00, v40;
	[tilespmem:s4+$0x110] =	vst v31;
	v31 =	vor.u32 s23, v13  }
0x418: {  	[tilespmem:s3+$0x1F0] =	vst v15;
	v54 =	vor.u32 s11, v13;
	v53 =	vmul.f32 $8.000000000e+00, v63;
	v36 =	vadd.f32 v36, v21;
	v14 =	vld.idx.msk [tilespmem:v14+s19+$0x0], $0xffff  }
0x419: {  	v55 =	vor.u32 s29, v13;
	[tilespmem:s25+$0xFFFFFE60] =	vst v33;
	v58 =	vadd.f32 v40, v23;
	v15 =	vld.idx.msk [tilespmem:v47+s19+$0x0], $0xffff;
	v38 =	vmul.f32 $8.000000000e+00, v38  }
0x41a: {  	v57 =	vld.idx.msk [tilespmem:v49+s19+$0x0], $0xffff;
	v59 =	vor.u32 s28, v13;
	v34 =	vmul.f32 $8.000000000e+00, v34;
	v56 =	vadd.f32 v53, v22;
	[tilespmem:s4+$0xFFFFFE10] =	vst v36  }
0x41b: {  	v60 =	vor.u32 s30, v13;
	v41 =	vld.idx.msk [tilespmem:v52+s19+$0x0], $0xffff;
	v32 =	vmul.f32 $8.000000000e+00, v51;
	[tilespmem:s4+$0xFFFFFE90] =	vst v58;
	v38 =	vadd.f32 v38, v27  }
0x41c: {  	v63 =	vor.u32 s1, v13;
	v61 =	vadd.f32 v34, v28;
	v62 =	vmul.f32 $8.000000000e+00, v37;
	[tilespmem:s25+$0xFFFFFEE0] =	vst v56;
	v31 =	vld.idx.msk [tilespmem:v31+s19+$0x0], $0xffff  }
0x41d: {  	v13 =	vor.u32 s26, v13;
	v45 =	vld.idx.msk [tilespmem:v54+s19+$0x0], $0xffff;
	v32 =	vadd.f32 v32, v29;
	[tilespmem:s4+$0xFFFFFF10] =	vst v38;
	v14 =	vmul.f32 $8.000000000e+00, v14  }
0x41e: {  	v46 =	vor.u32 s8, v8;
	[tilespmem:s4+$0xFFFFFF90] =	vst v61;
	v47 =	vadd.f32 v62, v30;
	v15 =	vmul.f32 $8.000000000e+00, v15;
	v39 =	vld.idx.msk [tilespmem:v55+s19+$0x0], $0xffff  }
0x41f: {  	v49 =	vmul.f32 $8.000000000e+00, v57;
	v48 =	vor.u32 s5, v12;
	v40 =	vld.idx.msk [tilespmem:v59+s19+$0x0], $0xffff;
	[tilespmem:s4+$0x10] =	vst v32;
	v14 =	vadd.f32 v14, v26  }
0x420: {  	v50 =	vor.u32 s7, v8;
	v51 =	vmul.f32 $8.000000000e+00, v41;
	v42 =	vld.idx.msk [tilespmem:v60+s19+$0x0], $0xffff;
	[tilespmem:s4+$0x90] =	vst v47;
	v15 =	vadd.f32 v15, v16  }
0x421: {  	v52 =	vor.u32 s23, v12;
	v32 =	vadd.f32 v49, v20;
	v36 =	vld.idx.msk [tilespmem:v63+s19+$0x0], $0xffff;
	[tilespmem:s4+$0x190] =	vst v14;
	v31 =	vmul.f32 $8.000000000e+00, v31  }
0x422: {  	v53 =	vor.u32 s11, v12;
	v14 =	vadd.f32 v51, v18;
	[tilespmem:s4+$0x120] =	vst v15;
	v15 =	vmul.f32 $8.000000000e+00, v45;
	v13 =	vld.idx.msk [tilespmem:v13+s19+$0x0], $0xffff  }
0x423: {  	v54 =	vld.idx.msk [tilespmem:v46+s19+$0x0], $0xffff;
	v56 =	vor.u32 s29, v12;
	[tilespmem:s25+$0xFFFFFF60] =	vst v32;
	v55 =	vmul.f32 $8.000000000e+00, v39;
	v31 =	vadd.f32 v31, v21  }
0x424: {  	v57 =	vor.u32 s28, v12;
	v34 =	vld.idx.msk [tilespmem:v48+s19+$0x0], $0xffff;
	[tilespmem:s25+$0xFFFFFFE0] =	vst v14;
	v14 =	vadd.f32 v15, v23;
	v15 =	vmul.f32 $8.000000000e+00, v40  }
0x425: {  	v35 =	vld.idx.msk [tilespmem:v50+s19+$0x0], $0xffff;
	v59 =	vor.u32 s30, v12;
	v58 =	vmul.f32 $8.000000000e+00, v42;
	[tilespmem:s4+$0xFFFFFE20] =	vst v31;
	v31 =	vadd.f32 v55, v27  }
0x426: {  	v60 =	vor.u32 s1, v12;
	[tilespmem:s4+$0xFFFFFEA0] =	vst v14;
	v14 =	vadd.f32 v15, v28;
	v15 =	vmul.f32 $8.000000000e+00, v36;
	v41 =	vld.idx.msk [tilespmem:v52+s19+$0x0], $0xffff  }
0x427: {  	v12 =	vor.u32 s26, v12;
	v33 =	vld.idx.msk [tilespmem:v53+s19+$0x0], $0xffff;
	v13 =	vmul.f32 $8.000000000e+00, v13;
	[tilespmem:s4+$0xFFFFFF20] =	vst v31;
	v31 =	vadd.f32 v58, v29  }
0x428: {  	v61 =	vor.u32 s6, v8;
	v37 =	vmul.f32 $8.000000000e+00, v54;
	[tilespmem:s4+$0xFFFFFFA0] =	vst v14;
	v14 =	vadd.f32 v15, v30;
	v38 =	vld.idx.msk [tilespmem:v56+s19+$0x0], $0xffff  }
0x429: {  	v62 =	vor.u32 s5, v11;
	v15 =	vmul.f32 $8.000000000e+00, v34;
	v39 =	vld.idx.msk [tilespmem:v57+s19+$0x0], $0xffff;
	v13 =	vadd.f32 v13, v26;
	[tilespmem:s4+$0x20] =	vst v31  }
0x42a: {  	v35 =	vmul.f32 $8.000000000e+00, v35;
	v37 =	vadd.f32 v37, v25;
	v31 =	vor.u32 s13, v9;
	[tilespmem:s4+$0xA0] =	vst v14;
	v40 =	vld.idx.msk [tilespmem:v59+s19+$0x0], $0xffff  }
0x42b: {  	v14 =	vor.u32 s23, v11;
	v15 =	vadd.f32 v15, v16;
	v36 =	vld.idx.msk [tilespmem:v60+s19+$0x0], $0xffff;
	[tilespmem:s4+$0x1A0] =	vst v13;
	v41 =	vmul.f32 $8.000000000e+00, v41  }
0x42c: {  	v63 =	vor.u32 s11, v11;
	[tilespmem:s25+$0x60] =	vst v37;
	v13 =	vadd.f32 v35, v19;
	v33 =	vmul.f32 $8.000000000e+00, v33;
	v12 =	vld.idx.msk [tilespmem:v12+s19+$0x0], $0xffff  }
0x42d: {  	v32 =	vld.idx.msk [tilespmem:v61+s19+$0x0], $0xffff;
	v45 =	vor.u32 s29, v11;
	[tilespmem:s4+$0x130] =	vst v15;
	v15 =	vadd.f32 v41, v21;
	v44 =	vmul.f32 $8.000000000e+00, v38  }
0x42e: {  	v47 =	vor.u32 s28, v11;
	v34 =	vld.idx.msk [tilespmem:v62+s19+$0x0], $0xffff;
	[tilespmem:s25+$0xE0] =	vst v13;
	v13 =	vadd.f32 v33, v23;
	v46 =	vmul.f32 $8.000000000e+00, v39  }
0x42f: {  	v49 =	vor.u32 s30, v11;
	v31 =	vld.idx.msk [tilespmem:v31+s19+$0x0], $0xffff;
	[tilespmem:s4+$0xFFFFFE30] =	vst v15;
	v15 =	vadd.f32 v44, v27;
	v48 =	vmul.f32 $8.000000000e+00, v40  }
0x430: {  	v51 =	vor.u32 s1, v11;
	[tilespmem:s4+$0xFFFFFEB0] =	vst v13;
	v13 =	vadd.f32 v46, v28;
	v50 =	vmul.f32 $8.000000000e+00, v36;
	v14 =	vld.idx.msk [tilespmem:v14+s19+$0x0], $0xffff  }
0x431: {  	v11 =	vor.u32 s26, v11;
	v35 =	vld.idx.msk [tilespmem:v63+s19+$0x0], $0xffff;
	v12 =	vmul.f32 $8.000000000e+00, v12;
	[tilespmem:s4+$0xFFFFFF30] =	vst v15;
	v15 =	vadd.f32 v48, v29  }
0x432: {  	v32 =	vmul.f32 $8.000000000e+00, v32;
	v52 =	vor.u32 s20, v9;
	[tilespmem:s4+$0xFFFFFFB0] =	vst v13;
	v13 =	vadd.f32 v50, v30;
	v38 =	vld.idx.msk [tilespmem:v45+s19+$0x0], $0xffff  }
0x433: {  	v54 =	vor.u32 s5, v10;
	v53 =	vmul.f32 $8.000000000e+00, v34;
	v39 =	vld.idx.msk [tilespmem:v47+s19+$0x0], $0xffff;
	v12 =	vadd.f32 v12, v26;
	[tilespmem:s4+$0x30] =	vst v15  }
0x434: {  	v32 =	vadd.f32 v32, v17;
	v15 =	vor.u32 s31, v9;
	v31 =	vmul.f32 $8.000000000e+00, v31;
	[tilespmem:s4+$0xB0] =	vst v13;
	v40 =	vld.idx.msk [tilespmem:v49+s19+$0x0], $0xffff  }
0x435: {  	v13 =	vor.u32 s23, v10;
	v33 =	vadd.f32 v53, v16;
	v36 =	vld.idx.msk [tilespmem:v51+s19+$0x0], $0xffff;
	[tilespmem:s4+$0x1B0] =	vst v12;
	v14 =	vmul.f32 $8.000000000e+00, v14  }
0x436: {  	[tilespmem:s25+$0x1E0] =	vst v32;
	v12 =	vadd.f32 v31, v24;
	v24 =	vor.u32 s11, v10;
	v31 =	vmul.f32 $8.000000000e+00, v35;
	v11 =	vld.idx.msk [tilespmem:v11+s19+$0x0], $0xffff  }
0x437: {  	v56 =	vor.u32 s29, v10;
	v55 =	vld.idx.msk [tilespmem:v52+s19+$0x0], $0xffff;
	[tilespmem:s4+$0x140] =	vst v33;
	v14 =	vadd.f32 v14, v21;
	v57 =	vmul.f32 $8.000000000e+00, v38  }
0x438: {  	v34 =	vld.idx.msk [tilespmem:v54+s19+$0x0], $0xffff;
	[tilespmem:s25+$0xFFFFFE70] =	vst v12;
	v12 =	vor.u32 s28, v10;
	v31 =	vadd.f32 v31, v23;
	v58 =	vmul.f32 $8.000000000e+00, v39  }
0x439: {  	v59 =	vor.u32 s30, v10;
	v15 =	vld.idx.msk [tilespmem:v15+s19+$0x0], $0xffff;
	[tilespmem:s4+$0xFFFFFE40] =	vst v14;
	v14 =	vadd.f32 v57, v27;
	v60 =	vmul.f32 $8.000000000e+00, v40  }
0x43a: {  	v61 =	vor.u32 s1, v10;
	[tilespmem:s4+$0xFFFFFEC0] =	vst v31;
	v31 =	vadd.f32 v58, v28;
	v36 =	vmul.f32 $8.000000000e+00, v36;
	v13 =	vld.idx.msk [tilespmem:v13+s19+$0x0], $0xffff  }
0x43b: {  	v10 =	vor.u32 s26, v10;
	v24 =	vld.idx.msk [tilespmem:v24+s19+$0x0], $0xffff;
	v11 =	vmul.f32 $8.000000000e+00, v11;
	[tilespmem:s4+$0xFFFFFF40] =	vst v14;
	v14 =	vadd.f32 v60, v29  }
0x43c: {  	v62 =	vor.u32 s10, v9;
	v32 =	vmul.f32 $8.000000000e+00, v55;
	[tilespmem:s4+$0xFFFFFFC0] =	vst v31;
	v31 =	vadd.f32 v36, v30;
	v35 =	vld.idx.msk [tilespmem:v56+s19+$0x0], $0xffff  }
0x43d: {  	v63 =	vor.u32 s5, v8;
	v34 =	vmul.f32 $8.000000000e+00, v34;
	v12 =	vld.idx.msk [tilespmem:v12+s19+$0x0], $0xffff;
	v11 =	vadd.f32 v11, v26;
	[tilespmem:s4+$0x40] =	vst v14  }
0x43e: {  	v22 =	vadd.f32 v32, v22;
	v14 =	vor.u32 s8, v9;
	v15 =	vmul.f32 $8.000000000e+00, v15;
	[tilespmem:s4+$0xC0] =	vst v31;
	v40 =	vld.idx.msk [tilespmem:v59+s19+$0x0], $0xffff  }
0x43f: {  	v31 =	vadd.f32 v34, v16;
	v41 =	vld.idx.msk [tilespmem:v61+s19+$0x0], $0xffff;
	[tilespmem:s4+$0x1C0] =	vst v11;
	v11 =	vor.u32 s23, v8;
	v13 =	vmul.f32 $8.000000000e+00, v13  }
0x440: {  	[tilespmem:s25+$0xFFFFFEF0] =	vst v22;
	v22 =	vor.u32 s11, v8;
	v15 =	vadd.f32 v15, v20;
	v10 =	vld.idx.msk [tilespmem:v10+s19+$0x0], $0xffff;
	v20 =	vmul.f32 $8.000000000e+00, v24  }
0x441: {  	v42 =	vor.u32 s29, v8;
	v24 =	vld.idx.msk [tilespmem:v62+s19+$0x0], $0xffff;
	[tilespmem:s4+$0x150] =	vst v31;
	v13 =	vadd.f32 v13, v21;
	v31 =	vmul.f32 $8.000000000e+00, v35  }
0x442: {  	v43 =	vor.u32 s28, v8;
	[tilespmem:s25+$0xFFFFFF70] =	vst v15;
	v15 =	vld.idx.msk [tilespmem:v63+s19+$0x0], $0xffff;
	v12 =	vmul.f32 $8.000000000e+00, v12;
	v20 =	vadd.f32 v20, v23  }
0x443: {  	v14 =	vld.idx.msk [tilespmem:v14+s19+$0x0], $0xffff;
	v32 =	vmul.f32 $8.000000000e+00, v40;
	[tilespmem:s4+$0xFFFFFE50] =	vst v13;
	v13 =	vadd.f32 v31, v27;
	v31 =	vor.u32 s30, v8  }
0x444: {  	v34 =	vmul.f32 $8.000000000e+00, v41;
	[tilespmem:s4+$0xFFFFFED0] =	vst v20;
	v12 =	vadd.f32 v12, v28;
	v20 =	vor.u32 s1, v8;
	v11 =	vld.idx.msk [tilespmem:v11+s19+$0x0], $0xffff  }
0x445: {  	v8 =	vor.u32 s26, v8;
	v10 =	vmul.f32 $8.000000000e+00, v10;
	v32 =	vadd.f32 v32, v29;
	[tilespmem:s4+$0xFFFFFF50] =	vst v13;
	v13 =	vld.idx.msk [tilespmem:v22+s19+$0x0], $0xffff  }
0x446: {  	v24 =	vmul.f32 $8.000000000e+00, v24;
	v22 =	vor.u32 s7, v9;
	v34 =	vadd.f32 v34, v30;
	[tilespmem:s4+$0xFFFFFFD0] =	vst v12;
	v12 =	vld.idx.msk [tilespmem:v42+s19+$0x0], $0xffff  }
0x447: {  	v44 =	vor.u32 s5, v9;
	v15 =	vmul.f32 $8.000000000e+00, v15;
	v10 =	vadd.f32 v10, v26;
	v45 =	vld.idx.msk [tilespmem:v43+s19+$0x0], $0xffff;
	[tilespmem:s4+$0x50] =	vst v32  }
0x448: {  	v46 =	vor.u32 s6, v9;
	v18 =	vadd.f32 v24, v18;
	v14 =	vmul.f32 $8.000000000e+00, v14;
	[tilespmem:s4+$0xD0] =	vst v34;
	v24 =	vld.idx.msk [tilespmem:v31+s19+$0x0], $0xffff  }
0x449: {  	v15 =	vadd.f32 v15, v16;
	[tilespmem:s4+$0x1D0] =	vst v10;
	v10 =	vor.u32 s23, v9;
	v20 =	vld.idx.msk [tilespmem:v20+s19+$0x0], $0xffff;
	v11 =	vmul.f32 $8.000000000e+00, v11  }
0x44a: {  	[tilespmem:s25+$0xFFFFFFF0] =	vst v18;
	v18 =	vor.u32 s11, v9;
	v14 =	vadd.f32 v14, v25;
	v8 =	vld.idx.msk [tilespmem:v8+s19+$0x0], $0xffff;
	v13 =	vmul.f32 $8.000000000e+00, v13  }
0x44b: {  	v22 =	vld.idx.msk [tilespmem:v22+s19+$0x0], $0xffff;
	[tilespmem:s4+$0x160] =	vst v15;
	v15 =	vor.u32 s29, v9;
	v11 =	vadd.f32 v11, v21;
	v12 =	vmul.f32 $8.000000000e+00, v12  }
0x44c: {  	v31 =	vor.u32 s28, v9;
	[tilespmem:s25+$0x70] =	vst v14;
	v14 =	vld.idx.msk [tilespmem:v44+s19+$0x0], $0xffff;
	v25 =	vmul.f32 $8.000000000e+00, v45;
	v13 =	vadd.f32 v13, v23  }
0x44d: {  	v47 =	vld.idx.msk [tilespmem:v46+s19+$0x0], $0xffff;
	[tilespmem:s4+$0xFFFFFE60] =	vst v11;
	v11 =	vadd.f32 v12, v27;
	v12 =	vmul.f32 $8.000000000e+00, v24;
	v24 =	vor.u32 s30, v9  }
0x44e: {  	v20 =	vmul.f32 $8.000000000e+00, v20;
	[tilespmem:s4+$0xFFFFFEE0] =	vst v13;
	v13 =	vadd.f32 v25, v28;
	v10 =	vld.idx.msk [tilespmem:v10+s19+$0x0], $0xffff  }
0x44f: {  	v8 =	vmul.f32 $8.000000000e+00, v8;
	[tilespmem:s4+$0xFFFFFF60] =	vst v11;
	v11 =	vadd.f32 v12, v29;
	v12 =	vld.idx.msk [tilespmem:v18+s19+$0x0], $0xffff  }
0x450: {  	v25 =	vor.u32 s1, v9;
	v18 =	vmul.f32 $8.000000000e+00, v22;
	[tilespmem:s4+$0xFFFFFFE0] =	vst v13;
	v13 =	vadd.f32 v20, v30;
	v15 =	vld.idx.msk [tilespmem:v15+s19+$0x0], $0xffff  }
0x451: {  	v9 =	vor.u32 s26, v9;
	v14 =	vmul.f32 $8.000000000e+00, v14;
	v8 =	vadd.f32 v8, v26;
	[tilespmem:s4+$0x60] =	vst v11;
	v11 =	vld.idx.msk [tilespmem:v31+s19+$0x0], $0xffff  }
0x452: {  	v20 =	vmul.f32 $8.000000000e+00, v47;
	v18 =	vadd.f32 v18, v19;
	[tilespmem:s4+$0xE0] =	vst v13;
	v13 =	vld.idx.msk [tilespmem:v24+s19+$0x0], $0xffff  }
0x453: {  	v14 =	vadd.f32 v14, v16;
	[tilespmem:s4+$0x1E0] =	vst v8;
	v10 =	vmul.f32 $8.000000000e+00, v10  }
0x454: {  	v16 =	vadd.f32 v20, v17;
	[tilespmem:s25+$0xF0] =	vst v18;
	v12 =	vmul.f32 $8.000000000e+00, v12  }
0x455: {  	v8 =	vld.idx.msk [tilespmem:v25+s19+$0x0], $0xffff;
	[tilespmem:s4+$0x170] =	vst v14;
	v10 =	vadd.f32 v10, v21;
	v14 =	vmul.f32 $8.000000000e+00, v15  }
0x456: {  	v9 =	vld.idx.msk [tilespmem:v9+s19+$0x0], $0xffff;
	[tilespmem:s25+$0x1F0] =	vst v16;
	v12 =	vadd.f32 v12, v23;
	v11 =	vmul.f32 $8.000000000e+00, v11  }
0x457: {  	[tilespmem:s4+$0xFFFFFE70] =	vst v10;
	v10 =	vadd.f32 v14, v27;
	v13 =	vmul.f32 $8.000000000e+00, v13  }
0x458: {  	[tilespmem:s4+$0xFFFFFEF0] =	vst v12;
	v11 =	vadd.f32 v11, v28  }
0x459: {  	[tilespmem:s4+$0xFFFFFF70] =	vst v10;
	v10 =	vadd.f32 v13, v29  }
0x45a: {  	v8 =	vmul.f32 $8.000000000e+00, v8;
	[tilespmem:s4+$0xFFFFFFF0] =	vst v11  }
0x45b: {  	v9 =	vmul.f32 $8.000000000e+00, v9;
	s10 =	rddreg [dreg:$0xe];
	[tilespmem:s4+$0x70] =	vst v10  }
0x45c: {  	v8 =	vadd.f32 v8, v30;
	s1 =	sshll.u32 s10, $0x12;
	s11 =	rddreg [dreg:$0x5]  }
0x45d: {  	v9 =	vadd.f32 v9, v26;
	s1 =	sor.u32 s11, s1  }
0x45e: {  	s12 =	rddreg [dreg:$0x2];
	s14 =	simm.s32 $0x8000;
	[tilespmem:s4+$0xF0] =	vst v8;
	s1 =	sshrl.u32 s1, $0x3  }
0x45f: {  	s16 =	simm.s32 $0x16600;
	s13 =	simm.s32 $0x400;
	[tilespmem:s4+$0x1F0] =	vst v9;
	s1 =	sadd.s32 s12, s1  }
0x460: {  	[hbm4b:s1+s13] =	stream.strided.scatter [tilespmem:s16], [sflag:$0x5], $0x2000, s14, s13, $0x38;
	[tilespmem:$0x1D800] =	vst v63  }
0x461: {  	s1 =	rddreg [dreg:$0xb]  }
0x462: {  	v8 =	vld @!p0 [tilespmem:s1+$0x300];
	_ =	sdelay $0x4  }
0x463: {  	v8 =	vshrl.u32 @!p0 v8, $0x1  }
0x464: {  	[tilespmem:$0x6500] =	vst @!p0 v8  }
0x465: {  	v8 =	vld @!p0 [tilespmem:s1+$0x310];
	_ =	sdelay $0x4  }
0x466: {  	v8 =	vshrl.u32 @!p0 v8, $0x1  }
0x467: {  	[tilespmem:$0x6510] =	vst @!p0 v8  }
0x468: {  	v8 =	vld @!p0 [tilespmem:s1+$0x320];
	_ =	sdelay $0x4  }
0x469: {  	v8 =	vshrl.u32 @!p0 v8, $0x1  }
0x46a: {  	[tilespmem:$0x6520] =	vst @!p0 v8  }
0x46b: {  	v8 =	vld @!p0 [tilespmem:s1+$0x330];
	_ =	sdelay $0x4  }
0x46c: {  	v8 =	vshrl.u32 @!p0 v8, $0x1  }
0x46d: {  	[tilespmem:$0x6530] =	vst @!p0 v8  }
0x46e: {  	v8 =	vld @!p0 [tilespmem:s1+$0x340];
	_ =	sdelay $0x4  }
0x46f: {  	v8 =	vshrl.u32 @!p0 v8, $0x1  }
0x470: {  	[tilespmem:$0x6540] =	vst @!p0 v8  }
0x471: {  	v8 =	vld @!p0 [tilespmem:s1+$0x350];
	_ =	sdelay $0x4  }
0x472: {  	v8 =	vshrl.u32 @!p0 v8, $0x1  }
0x473: {  	[tilespmem:$0x6550] =	vst @!p0 v8  }
0x474: {  	v8 =	vld @!p0 [tilespmem:s1+$0x360];
	_ =	sdelay $0x4  }
0x475: {  	v8 =	vshrl.u32 @!p0 v8, $0x1  }
0x476: {  	[tilespmem:$0x6560] =	vst @!p0 v8  }
0x477: {  	v8 =	vld @!p0 [tilespmem:s1+$0x370];
	_ =	sdelay $0x4  }
0x478: {  	s2 =	simm.s32 @!p0 $0x6500;
	s18 =	simm.s32 $0x4;
	v8 =	vshrl.u32 @!p0 v8, $0x1  }
0x479: {  	s3 =	simm.s32 @!p0 $0xE600;
	s4 =	rddreg [dreg:$0x4];
	s1 =	simm.s32 @!p0 $0x80;
	[tilespmem:$0x6570] =	vst @!p0 v8  }
0x47a: {  	[tilespmem:s3], [sflag:$0x3] =	stream.indirect.gather @!p0 [hbm4b:s4+s1], $0x80, s2, s1, $0xb8;
	[tilespmem:$0x1D800] =	vst v63  }
0x47b: {  	_ =	swait.ge [sflag:s18], $0x4000  }
0x47c: {  	[sflag:s18] =	ssyncset.done $0x0  }
0x47d: {  	s22 =	simm.s32 $0x6;
	s20 =	rddreg [dreg:$0xc];
	[sflag:s18] =	ssyncadd.s32 $0xFFFFC000  }
0x47e: {  	s1 =	sor.u32 $0x3, s20;
	_ =	swait.ge [sflag:s22], $0x2000  }
0x47f: {  	[dreg:$0xf] =	wrdreg s1;
	s1 =	sshll.u32 s1, $0x7;
	[sflag:s22] =	ssyncset.done $0x0  }
0x480: {  	s1 =	sand.u32 $0x3FFFFF80, s1;
	[sflag:s22] =	ssyncadd.s32 $0xFFFFE000  }
0x481: {  	v8 =	vld [tilespmem:s1+$0x0];
	_ =	sdelay $0x1  }
0x482: {  	s23 =	sadd.s32 $0x0, s0  }
0x483: {  	s4 =	sadd.s32 $0xC0, s23  }
0x484: {  	v24 =	vmov s4  }
0x485: {  	v24 =	vand.u32 $0xFFFFFFF8, v24;
	v8 =	vshll.u32 v8, $0x6  }
0x486: {  	v24 =	vbroadcast v24, $0x0;
	v12 =	vld [tilespmem:s1+$0x10];
	v8 =	vand.u32 $0x40, v8  }
0x487: {  	s12 =	simm.s32 $0x0;
	v13 =	vld [tilespmem:s1+$0x20];
	v15 =	vor.u32 v0, v8  }
0x488: {  	v16 =	vld [tilespmem:s1+$0x30];
	v14 =	vor.u32 s12, v15  }
0x489: {  	s28 =	simm.s32 $0x1;
	v11 =	vld [tilespmem:s1+$0x40]  }
0x48a: {  	s24 =	simm.s32 $0x2;
	s30 =	sadd.s32 $0xC6, s23;
	v10 =	vld [tilespmem:s1+$0x50];
	v17 =	vor.u32 s28, v15  }
0x48b: {  	s5 =	simm.s32 $0x6;
	v20 =	vmov s30;
	v9 =	vld [tilespmem:s1+$0x70];
	v18 =	vor.u32 s24, v15  }
0x48c: {  	s26 =	simm.s32 $0x4;
	v20 =	vand.u32 $0xFFFFFFFE, v20;
	v30 =	vld.idx.msk [tilespmem:v24+s9+$0x0], $0xffff;
	v21 =	vor.u32 s5, v15  }
0x48d: {  	s6 =	sadd.s32 $0xC1, s23;
	v22 =	vor.u32 s26, v15;
	v23 =	vld.idx.msk [tilespmem:v14+s21+$0x0], $0xffff;
	v14 =	vbroadcast v20, $0x0  }
0x48e: {  	s7 =	sadd.s32 $0xC2, s23;
	v26 =	vmov s6;
	s11 =	simm.s32 $0x3;
	v8 =	vld [tilespmem:s1+$0x60]  }
0x48f: {  	s8 =	sadd.s32 $0xC3, s23;
	v27 =	vmov s7;
	v26 =	vand.u32 $0xFFFFFFF9, v26;
	s1 =	simm.s32 $0x7;
	v19 =	vor.u32 s11, v15;
	v17 =	vld.idx.msk [tilespmem:v17+s21+$0x0], $0xffff  }
0x490: {  	v28 =	vmov s8;
	v26 =	vbroadcast v26, $0x0;
	v25 =	vor.u32 s1, v15;
	v18 =	vld.idx.msk [tilespmem:v18+s21+$0x0], $0xffff  }
0x491: {  	s25 =	simm.s32 $0x5;
	v27 =	vand.u32 $0xFFFFFFFA, v27;
	v28 =	vand.u32 $0xFFFFFFFB, v28;
	s10 =	sadd.s32 $0xC4, s23;
	v21 =	vld.idx.msk [tilespmem:v21+s21+$0x0], $0xffff  }
0x492: {  	v27 =	vbroadcast v27, $0x0;
	v29 =	vmov s10;
	v20 =	vor.u32 s25, v15;
	v48 =	vld.idx.msk [tilespmem:v22+s21+$0x0], $0xffff  }
0x493: {  	v49 =	vbroadcast v28, $0x0;
	s13 =	sadd.s32 $0xC5, s23;
	v12 =	vshll.u32 v12, $0x6;
	v22 =	vand.u32 $0xFFFFFFFC, v29;
	v31 =	vld.idx.msk [tilespmem:v14+s9+$0x0], $0xffff  }
0x494: {  	v28 =	vmov s13;
	v12 =	vand.u32 $0x40, v12;
	v19 =	vld.idx.msk [tilespmem:v19+s21+$0x0], $0xffff;
	v22 =	vbroadcast v22, $0x0  }
0x495: {  	v25 =	vld.idx.msk [tilespmem:v25+s21+$0x0], $0xffff;
	v14 =	vor.u32 v1, v12;
	v12 =	vand.u32 $0xFFFFFFFD, v28  }
0x496: {  	v29 =	vld.idx.msk [tilespmem:v26+s9+$0x0], $0xffff;
	v21 =	vmul.f32 $8.000000000e+00, v21;
	v12 =	vbroadcast v12, $0x0;
	v24 =	vor.u32 s5, v14  }
0x497: {  	v20 =	vld.idx.msk [tilespmem:v20+s21+$0x0], $0xffff  }
0x498: {  	s2 =	sadd.s32 $0xC7, s23;
	v28 =	vld.idx.msk [tilespmem:v27+s9+$0x0], $0xffff;
	v21 =	vadd.f32 v21, v31  }
0x499: {  	s20 =	simm.s32 $0x18800;
	v13 =	vshll.u32 v13, $0x6;
	v26 =	vmov s2;
	v27 =	vld.idx.msk [tilespmem:v49+s9+$0x0], $0xffff  }
0x49a: {  	v13 =	vand.u32 $0x40, v13;
	v50 =	vmul.f32 $8.000000000e+00, v23;
	v51 =	vor.u32 s12, v14;
	v23 =	vld.idx.msk [tilespmem:v22+s9+$0x0], $0xffff;
	[tilespmem:s20+$0x100] =	vst v21  }
0x49b: {  	v13 =	vor.u32 v2, v13;
	v17 =	vmul.f32 $8.000000000e+00, v17;
	v52 =	vor.u32 s28, v14;
	v24 =	vld.idx.msk [tilespmem:v24+s21+$0x0], $0xffff  }
0x49c: {  	v18 =	vmul.f32 $8.000000000e+00, v18;
	v33 =	vadd.f32 v50, v30;
	v53 =	vor.u32 s24, v14;
	v21 =	vld.idx.msk [tilespmem:v12+s9+$0x0], $0xffff  }
0x49d: {  	v12 =	vadd.f32 v17, v29;
	v17 =	vmul.f32 $8.000000000e+00, v19;
	v19 =	vor.u32 s11, v14  }
0x49e: {  	v22 =	vld.idx.msk [tilespmem:v26+s9+$0x0], $0xffff;
	v26 =	vmul.f32 $8.000000000e+00, v48;
	v54 =	vor.u32 s26, v14;
	[tilespmem:s20+$0xFFFFFE00] =	vst v33;
	v18 =	vadd.f32 v18, v28  }
0x49f: {  	v33 =	vld.idx.msk [tilespmem:v51+s21+$0x0], $0xffff;
	v17 =	vadd.f32 v17, v27;
	[tilespmem:s20+$0xFFFFFE80] =	vst v12;
	v12 =	vmul.f32 $8.000000000e+00, v20;
	v20 =	vor.u32 s25, v14  }
0x4a0: {  	v26 =	vadd.f32 v26, v23;
	[tilespmem:s20+$0xFFFFFF00] =	vst v18;
	v55 =	vld.idx.msk [tilespmem:v52+s21+$0x0], $0xffff;
	v18 =	vmul.f32 $8.000000000e+00, v24;
	v24 =	vor.u32 s5, v13  }
0x4a1: {  	v25 =	vmul.f32 $8.000000000e+00, v25;
	v56 =	vld.idx.msk [tilespmem:v53+s21+$0x0], $0xffff;
	[tilespmem:s20+$0xFFFFFF80] =	vst v17;
	v17 =	vor.u32 s1, v14;
	v12 =	vadd.f32 v12, v21  }
0x4a2: {  	[tilespmem:s20+$0x0] =	vst v26;
	v19 =	vld.idx.msk [tilespmem:v19+s21+$0x0], $0xffff;
	v18 =	vadd.f32 v18, v31  }
0x4a3: {  	v16 =	vshll.u32 v16, $0x6;
	v25 =	vadd.f32 v25, v22;
	v26 =	vld.idx.msk [tilespmem:v54+s21+$0x0], $0xffff;
	[tilespmem:s20+$0x80] =	vst v12  }
0x4a4: {  	v57 =	vor.u32 s12, v13;
	v12 =	vand.u32 $0x40, v16;
	v16 =	vmul.f32 $8.000000000e+00, v33;
	v20 =	vld.idx.msk [tilespmem:v20+s21+$0x0], $0xffff;
	[tilespmem:s20+$0x110] =	vst v18  }
0x4a5: {  	v59 =	vor.u32 s24, v13;
	[tilespmem:s20+$0x180] =	vst v25;
	v25 =	vor.u32 s28, v13;
	v18 =	vld.idx.msk [tilespmem:v24+s21+$0x0], $0xffff;
	v24 =	vmul.f32 $8.000000000e+00, v55  }
0x4a6: {  	v60 =	vor.u32 s11, v13;
	v58 =	vmul.f32 $8.000000000e+00, v56;
	v16 =	vadd.f32 v16, v30;
	v17 =	vld.idx.msk [tilespmem:v17+s21+$0x0], $0xffff  }
0x4a7: {  	v61 =	vor.u32 s26, v13;
	v19 =	vmul.f32 $8.000000000e+00, v19;
	v24 =	vadd.f32 v24, v29  }
0x4a8: {  	v26 =	vmul.f32 $8.000000000e+00, v26;
	v12 =	vor.u32 v3, v12;
	[tilespmem:s20+$0xFFFFFE10] =	vst v16;
	v16 =	vadd.f32 v58, v28  }
0x4a9: {  	v32 =	vld.idx.msk [tilespmem:v57+s21+$0x0], $0xffff;
	v19 =	vadd.f32 v19, v27;
	v20 =	vmul.f32 $8.000000000e+00, v20;
	[tilespmem:s20+$0xFFFFFE90] =	vst v24;
	v24 =	vor.u32 s25, v13  }
0x4aa: {  	[tilespmem:s20+$0xFFFFFF10] =	vst v16;
	v16 =	vadd.f32 v26, v23;
	v26 =	vor.u32 s5, v12;
	v25 =	vld.idx.msk [tilespmem:v25+s21+$0x0], $0xffff;
	v18 =	vmul.f32 $8.000000000e+00, v18  }
0x4ab: {  	v34 =	vld.idx.msk [tilespmem:v59+s21+$0x0], $0xffff;
	[tilespmem:s20+$0xFFFFFF90] =	vst v19;
	v17 =	vmul.f32 $8.000000000e+00, v17;
	v19 =	vadd.f32 v20, v21;
	v20 =	vor.u32 s1, v13  }
0x4ac: {  	v11 =	vshll.u32 v11, $0x6;
	v35 =	vld.idx.msk [tilespmem:v60+s21+$0x0], $0xffff;
	[tilespmem:s20+$0x10] =	vst v16;
	v16 =	vadd.f32 v18, v31  }
0x4ad: {  	v10 =	vshll.u32 v10, $0x6;
	v9 =	vshll.u32 v9, $0x6;
	v17 =	vadd.f32 v17, v22;
	[tilespmem:s20+$0x90] =	vst v19;
	v18 =	vld.idx.msk [tilespmem:v61+s21+$0x0], $0xffff  }
0x4ae: {  	v11 =	vand.u32 $0x40, v11;
	v19 =	vor.u32 s12, v12;
	v32 =	vmul.f32 $8.000000000e+00, v32;
	v24 =	vld.idx.msk [tilespmem:v24+s21+$0x0], $0xffff;
	[tilespmem:s20+$0x120] =	vst v16  }
0x4af: {  	v11 =	vor.u32 v4, v11;
	[tilespmem:s20+$0x190] =	vst v17;
	v16 =	vld.idx.msk [tilespmem:v26+s21+$0x0], $0xffff;
	v17 =	vmul.f32 $8.000000000e+00, v25;
	v25 =	vor.u32 s28, v12  }
0x4b0: {  	v63 =	vor.u32 s24, v12;
	v62 =	vmul.f32 $8.000000000e+00, v34;
	v20 =	vld.idx.msk [tilespmem:v20+s21+$0x0], $0xffff;
	v26 =	vadd.f32 v32, v30  }
0x4b1: {  	v37 =	vor.u32 s11, v12;
	v36 =	vmul.f32 $8.000000000e+00, v35;
	v17 =	vadd.f32 v17, v29  }
0x4b2: {  	v38 =	vor.u32 s26, v12;
	[tilespmem:s20+$0xFFFFFE20] =	vst v26;
	v26 =	vadd.f32 v62, v28;
	v18 =	vmul.f32 $8.000000000e+00, v18  }
0x4b3: {  	v39 =	vor.u32 s25, v12;
	v19 =	vld.idx.msk [tilespmem:v19+s21+$0x0], $0xffff;
	[tilespmem:s20+$0xFFFFFEA0] =	vst v17;
	v17 =	vadd.f32 v36, v27;
	v24 =	vmul.f32 $8.000000000e+00, v24  }
0x4b4: {  	[tilespmem:s20+$0xFFFFFF20] =	vst v26;
	v18 =	vadd.f32 v18, v23;
	v26 =	vor.u32 s5, v11;
	v25 =	vld.idx.msk [tilespmem:v25+s21+$0x0], $0xffff;
	v16 =	vmul.f32 $8.000000000e+00, v16  }
0x4b5: {  	v20 =	vmul.f32 $8.000000000e+00, v20;
	v33 =	vld.idx.msk [tilespmem:v63+s21+$0x0], $0xffff;
	[tilespmem:s20+$0xFFFFFFA0] =	vst v17;
	v17 =	vadd.f32 v24, v21;
	v24 =	vor.u32 s1, v12  }
0x4b6: {  	s7 =	simm.s32 $0xB;
	v10 =	vand.u32 $0x40, v10;
	v9 =	vand.u32 $0x40, v9;
	[tilespmem:s20+$0x20] =	vst v18;
	v35 =	vld.idx.msk [tilespmem:v37+s21+$0x0], $0xffff;
	v16 =	vadd.f32 v16, v31  }
0x4b7: {  	v10 =	vor.u32 v5, v10;
	v51 =	vor.u32 s7, v15;
	v18 =	vld.idx.msk [tilespmem:v38+s21+$0x0], $0xffff;
	[tilespmem:s20+$0xA0] =	vst v17;
	v17 =	vadd.f32 v20, v22  }
0x4b8: {  	v9 =	vor.u32 v7, v9;
	v20 =	vor.u32 s12, v11;
	v19 =	vmul.f32 $8.000000000e+00, v19;
	v40 =	vld.idx.msk [tilespmem:v39+s21+$0x0], $0xffff;
	[tilespmem:s20+$0x130] =	vst v16  }
0x4b9: {  	v41 =	vor.u32 s24, v11;
	v16 =	vld.idx.msk [tilespmem:v26+s21+$0x0], $0xffff;
	[tilespmem:s20+$0x1A0] =	vst v17;
	v17 =	vmul.f32 $8.000000000e+00, v25;
	v25 =	vor.u32 s28, v11  }
0x4ba: {  	s22 =	simm.s32 $0xE;
	v43 =	vor.u32 s11, v11;
	v19 =	vadd.f32 v19, v30;
	v26 =	vmul.f32 $8.000000000e+00, v33;
	v24 =	vld.idx.msk [tilespmem:v24+s21+$0x0], $0xffff  }
0x4bb: {  	v53 =	vor.u32 s22, v15;
	v17 =	vadd.f32 v17, v29;
	v42 =	vmul.f32 $8.000000000e+00, v35  }
0x4bc: {  	v44 =	vor.u32 s25, v11;
	v37 =	vld.idx.msk [tilespmem:v51+s21+$0x0], $0xffff;
	[tilespmem:s20+$0xFFFFFE30] =	vst v19;
	v19 =	vadd.f32 v26, v28;
	v18 =	vmul.f32 $8.000000000e+00, v18  }
0x4bd: {  	v26 =	vor.u32 s26, v11;
	v20 =	vld.idx.msk [tilespmem:v20+s21+$0x0], $0xffff;
	[tilespmem:s20+$0xFFFFFEB0] =	vst v17;
	v17 =	vadd.f32 v42, v27;
	v32 =	vmul.f32 $8.000000000e+00, v40  }
0x4be: {  	v45 =	vor.u32 s1, v11;
	[tilespmem:s20+$0xFFFFFF30] =	vst v19;
	v18 =	vadd.f32 v18, v23;
	v25 =	vld.idx.msk [tilespmem:v25+s21+$0x0], $0xffff;
	v16 =	vmul.f32 $8.000000000e+00, v16  }
0x4bf: {  	v19 =	vor.u32 s5, v10;
	v33 =	vld.idx.msk [tilespmem:v41+s21+$0x0], $0xffff;
	[tilespmem:s20+$0xFFFFFFB0] =	vst v17;
	v17 =	vadd.f32 v32, v21;
	v24 =	vmul.f32 $8.000000000e+00, v24  }
0x4c0: {  	s6 =	simm.s32 $0xF;
	v46 =	vor.u32 s11, v10;
	v47 =	vor.u32 s26, v10;
	v39 =	vld.idx.msk [tilespmem:v53+s21+$0x0], $0xffff;
	[tilespmem:s20+$0x30] =	vst v18;
	v16 =	vadd.f32 v16, v31  }
0x4c1: {  	v8 =	vshll.u32 v8, $0x6;
	v54 =	vor.u32 s6, v15;
	v35 =	vld.idx.msk [tilespmem:v43+s21+$0x0], $0xffff;
	[tilespmem:s20+$0xB0] =	vst v17;
	v17 =	vadd.f32 v24, v22  }
0x4c2: {  	v8 =	vand.u32 $0x40, v8;
	v18 =	vld.idx.msk [tilespmem:v26+s21+$0x0], $0xffff;
	v24 =	vor.u32 s12, v10;
	v20 =	vmul.f32 $8.000000000e+00, v20;
	[tilespmem:s20+$0x140] =	vst v16  }
0x4c3: {  	v8 =	vor.u32 v6, v8;
	v26 =	vld.idx.msk [tilespmem:v44+s21+$0x0], $0xffff;
	v16 =	vor.u32 s28, v10;
	[tilespmem:s20+$0x1B0] =	vst v17;
	v17 =	vmul.f32 $8.000000000e+00, v25  }
0x4c4: {  	s13 =	simm.s32 $0x8;
	v19 =	vld.idx.msk [tilespmem:v19+s21+$0x0], $0xffff;
	v25 =	vor.u32 s24, v10;
	v20 =	vadd.f32 v20, v30;
	v33 =	vmul.f32 $8.000000000e+00, v33  }
0x4c5: {  	s4 =	sadd.s32 $0x8, s0;
	v49 =	vor.u32 s1, v10;
	v50 =	vor.u32 s13, v15;
	v32 =	vld.idx.msk [tilespmem:v45+s21+$0x0], $0xffff;
	v17 =	vadd.f32 v17, v29  }
0x4c6: {  	s14 =	sadd.s32 $0xC6, s4;
	s23 =	sadd.s32 $0xC1, s4;
	v48 =	vor.u32 s25, v10;
	v40 =	vld.idx.msk [tilespmem:v54+s21+$0x0], $0xffff;
	v35 =	vmul.f32 $8.000000000e+00, v35;
	[tilespmem:s20+$0xFFFFFE40] =	vst v20;
	v20 =	vadd.f32 v33, v28  }
0x4c7: {  	s16 =	sadd.s32 $0xC0, s4;
	v52 =	vmov s14;
	v56 =	vmov s23;
	v18 =	vmul.f32 $8.000000000e+00, v18;
	v24 =	vld.idx.msk [tilespmem:v24+s21+$0x0], $0xffff;
	[tilespmem:s20+$0xFFFFFEC0] =	vst v17  }
0x4c8: {  	v55 =	vmov s16;
	v17 =	vadd.f32 v35, v27;
	v26 =	vmul.f32 $8.000000000e+00, v26;
	[tilespmem:s20+$0xFFFFFF40] =	vst v20;
	v16 =	vld.idx.msk [tilespmem:v16+s21+$0x0], $0xffff  }
0x4c9: {  	s14 =	sadd.s32 $0xC2, s4;
	v18 =	vadd.f32 v18, v23;
	v20 =	vor.u32 s5, v8;
	v19 =	vmul.f32 $8.000000000e+00, v19;
	v25 =	vld.idx.msk [tilespmem:v25+s21+$0x0], $0xffff  }
0x4ca: {  	s10 =	simm.s32 $0x9;
	s16 =	sadd.s32 $0xC4, s4;
	v57 =	vmov s14;
	[tilespmem:s20+$0xFFFFFFC0] =	vst v17;
	v17 =	vadd.f32 v26, v21;
	v26 =	vmul.f32 $8.000000000e+00, v32;
	v32 =	vld.idx.msk [tilespmem:v50+s21+$0x0], $0xffff  }
0x4cb: {  	s18 =	simm.s32 $0xA;
	v58 =	vmov s16;
	[tilespmem:s20+$0x40] =	vst v18;
	v34 =	vld.idx.msk [tilespmem:v46+s21+$0x0], $0xffff;
	v18 =	vadd.f32 v19, v31;
	v19 =	vor.u32 s10, v15  }
0x4cc: {  	s8 =	simm.s32 $0xC;
	s23 =	sadd.s32 $0xC5, s4;
	v38 =	vand.u32 $0xFFFFFFFE, v52;
	v36 =	vld.idx.msk [tilespmem:v47+s21+$0x0], $0xffff;
	[tilespmem:s20+$0xC0] =	vst v17;
	v17 =	vadd.f32 v26, v22;
	v26 =	vor.u32 s18, v15  }
0x4cd: {  	v59 =	vmov s23;
	v38 =	vbroadcast v38, $0x0;
	v33 =	vld.idx.msk [tilespmem:v48+s21+$0x0], $0xffff;
	[tilespmem:s20+$0x150] =	vst v18;
	v18 =	vor.u32 s8, v15  }
0x4ce: {  	s3 =	simm.s32 $0xD;
	v60 =	vand.u32 $0xFFFFFFFA, v57;
	v61 =	vor.u32 s5, v9;
	v41 =	vand.u32 $0xFFFFFFF8, v55;
	v20 =	vld.idx.msk [tilespmem:v20+s21+$0x0], $0xffff;
	[tilespmem:s20+$0x1C0] =	vst v17  }
0x4cf: {  	s30 =	sadd.s32 $0xC3, s4;
	v41 =	vbroadcast v41, $0x0;
	v17 =	vor.u32 s3, v15;
	v16 =	vmul.f32 $8.000000000e+00, v16;
	v35 =	vld.idx.msk [tilespmem:v49+s21+$0x0], $0xffff  }
0x4d0: {  	v37 =	vmul.f32 $8.000000000e+00, v37;
	v24 =	vmul.f32 $8.000000000e+00, v24;
	v44 =	vld.idx.msk [tilespmem:v19+s21+$0x0], $0xffff;
	v19 =	vmov s30;
	s30 =	sadd.s32 $0xC7, s4  }
0x4d1: {  	v53 =	vmul.f32 $8.000000000e+00, v36;
	v16 =	vadd.f32 v16, v29;
	v46 =	vld.idx.msk [tilespmem:v26+s21+$0x0], $0xffff;
	v57 =	vmov s30  }
0x4d2: {  	v26 =	vand.u32 $0xFFFFFFF9, v56;
	v49 =	vld.idx.msk [tilespmem:v18+s21+$0x0], $0xffff;
	v18 =	vbroadcast v60, $0x0;
	v60 =	vor.u32 s28, v8  }
0x4d3: {  	v45 =	vand.u32 $0xFFFFFFFC, v58;
	v62 =	vbroadcast v26, $0x0;
	v26 =	vld.idx.msk [tilespmem:v38+s9+$0x0], $0xffff;
	v20 =	vmul.f32 $8.000000000e+00, v20  }
0x4d4: {  	v52 =	vbroadcast v45, $0x0;
	v19 =	vand.u32 $0xFFFFFFFB, v19;
	[tilespmem:s20+$0xFFFFFED0] =	vst v16;
	v16 =	vadd.f32 v53, v23;
	v45 =	vld.idx.msk [tilespmem:v17+s21+$0x0], $0xffff  }
0x4d5: {  	v63 =	vbroadcast v19, $0x0;
	v17 =	vadd.f32 v24, v30;
	v24 =	vld.idx.msk [tilespmem:v41+s9+$0x0], $0xffff;
	v19 =	vadd.f32 v20, v31  }
0x4d6: {  	v39 =	vmul.f32 $8.000000000e+00, v39;
	v33 =	vmul.f32 $8.000000000e+00, v33;
	[tilespmem:s20+$0x50] =	vst v16;
	v20 =	vand.u32 $0xFFFFFFFD, v59;
	v16 =	vld.idx.msk [tilespmem:v57+s9+$0x0], $0xffff  }
0x4d7: {  	v55 =	vor.u32 s22, v14;
	v47 =	vbroadcast v20, $0x0;
	v20 =	vmul.f32 $8.000000000e+00, v25;
	[tilespmem:s20+$0x160] =	vst v19;
	v38 =	vld.idx.msk [tilespmem:v60+s21+$0x0], $0xffff  }
0x4d8: {  	v40 =	vmul.f32 $8.000000000e+00, v40;
	v35 =	vmul.f32 $8.000000000e+00, v35;
	v33 =	vadd.f32 v33, v21;
	v54 =	vld.idx.msk [tilespmem:v61+s21+$0x0], $0xffff  }
0x4d9: {  	v58 =	vor.u32 s12, v8;
	v50 =	vor.u32 s18, v14;
	[tilespmem:s20+$0xFFFFFE50] =	vst v17;
	v17 =	vadd.f32 v20, v28;
	v19 =	vld.idx.msk [tilespmem:v62+s9+$0x0], $0xffff  }
0x4da: {  	v32 =	vmul.f32 $8.000000000e+00, v32;
	v25 =	vmul.f32 $8.000000000e+00, v34;
	v35 =	vadd.f32 v35, v22;
	[tilespmem:s20+$0xD0] =	vst v33;
	v20 =	vld.idx.msk [tilespmem:v18+s9+$0x0], $0xffff  }
0x4db: {  	v53 =	vor.u32 s7, v14;
	v59 =	vor.u32 s13, v14;
	v18 =	vadd.f32 v39, v26;
	[tilespmem:s20+$0xFFFFFF50] =	vst v17;
	v17 =	vld.idx.msk [tilespmem:v63+s9+$0x0], $0xffff  }
0x4dc: {  	s31 =	simm.s32 $0x18C00;
	v56 =	vadd.f32 v25, v27;
	v25 =	vld.idx.msk [tilespmem:v52+s9+$0x0], $0xffff;
	v61 =	vmul.f32 $8.000000000e+00, v44;
	v62 =	vor.u32 s10, v14;
	[tilespmem:s20+$0x1D0] =	vst v35  }
0x4dd: {  	v33 =	vor.u32 s13, v11;
	v32 =	vadd.f32 v32, v24;
	[tilespmem:s31+$0x100] =	vst v18;
	v63 =	vmul.f32 $8.000000000e+00, v46;
	v18 =	vld.idx.msk [tilespmem:v47+s9+$0x0], $0xffff  }
0x4de: {  	v60 =	vor.u32 s22, v13;
	[tilespmem:s20+$0xFFFFFFD0] =	vst v56;
	v56 =	vor.u32 s8, v14;
	v41 =	vld.idx.msk [tilespmem:v55+s21+$0x0], $0xffff;
	v51 =	vadd.f32 v61, v19  }
0x4df: {  	v34 =	vld.idx.msk [tilespmem:v58+s21+$0x0], $0xffff;
	[tilespmem:s31+$0xFFFFFE00] =	vst v32;
	v36 =	vmul.f32 $8.000000000e+00, v54;
	v52 =	vadd.f32 v63, v20;
	v54 =	vmul.f32 $8.000000000e+00, v49  }
0x4e0: {  	v58 =	vmul.f32 $8.000000000e+00, v45;
	v55 =	vld.idx.msk [tilespmem:v59+s21+$0x0], $0xffff;
	v59 =	vor.u32 s3, v14;
	v37 =	vadd.f32 v37, v17;
	[tilespmem:s31+$0xFFFFFE80] =	vst v51  }
0x4e1: {  	v44 =	vor.u32 s12, v9;
	v63 =	vor.u32 s24, v8;
	v57 =	vadd.f32 v54, v25;
	[tilespmem:s31+$0xFFFFFF00] =	vst v52;
	v43 =	vld.idx.msk [tilespmem:v62+s21+$0x0], $0xffff  }
0x4e2: {  	v32 =	vor.u32 s13, v10;
	v52 =	vor.u32 s11, v8;
	v46 =	vld.idx.msk [tilespmem:v50+s21+$0x0], $0xffff;
	[tilespmem:s31+$0xFFFFFF80] =	vst v37;
	v61 =	vadd.f32 v58, v18  }
0x4e3: {  	v40 =	vadd.f32 v40, v16;
	v31 =	vadd.f32 v36, v31;
	v41 =	vmul.f32 $8.000000000e+00, v41;
	[tilespmem:s31+$0x0] =	vst v57;
	v36 =	vld.idx.msk [tilespmem:v53+s21+$0x0], $0xffff  }
0x4e4: {  	v34 =	vmul.f32 $8.000000000e+00, v34;
	v38 =	vmul.f32 $8.000000000e+00, v38;
	v62 =	vor.u32 s6, v14;
	v39 =	vld.idx.msk [tilespmem:v56+s21+$0x0], $0xffff;
	[tilespmem:s31+$0x80] =	vst v61  }
0x4e5: {  	[tilespmem:s31+$0x180] =	vst v40;
	v54 =	vor.u32 s26, v8;
	v35 =	vmul.f32 $8.000000000e+00, v55;
	v41 =	vadd.f32 v41, v26;
	v45 =	vld.idx.msk [tilespmem:v59+s21+$0x0], $0xffff  }
0x4e6: {  	v34 =	vadd.f32 v34, v30;
	v50 =	vor.u32 s13, v12;
	[tilespmem:s20+$0x170] =	vst v31;
	v53 =	vor.u32 s13, v13;
	v59 =	vld.idx.msk [tilespmem:v63+s21+$0x0], $0xffff  }
0x4e7: {  	v31 =	vadd.f32 v35, v24;
	v56 =	vor.u32 s10, v13;
	[tilespmem:s31+$0x110] =	vst v41;
	v37 =	vld.idx.msk [tilespmem:v52+s21+$0x0], $0xffff;
	v55 =	vmul.f32 $8.000000000e+00, v43  }
0x4e8: {  	[tilespmem:s20+$0xFFFFFE60] =	vst v34;
	v57 =	vor.u32 s18, v13;
	v58 =	vadd.f32 v38, v29;
	v41 =	vld.idx.msk [tilespmem:v60+s21+$0x0], $0xffff;
	v46 =	vmul.f32 $8.000000000e+00, v46  }
0x4e9: {  	v61 =	vor.u32 s7, v13;
	[tilespmem:s31+$0xFFFFFE10] =	vst v31;
	v42 =	vld.idx.msk [tilespmem:v62+s21+$0x0], $0xffff;
	v31 =	vadd.f32 v55, v19;
	v60 =	vmul.f32 $8.000000000e+00, v36  }
0x4ea: {  	[tilespmem:s20+$0xFFFFFEE0] =	vst v58;
	v63 =	vor.u32 s8, v13;
	v40 =	vld.idx.msk [tilespmem:v54+s21+$0x0], $0xffff;
	v46 =	vadd.f32 v46, v20;
	v39 =	vmul.f32 $8.000000000e+00, v39  }
0x4eb: {  	v52 =	vor.u32 s3, v13;
	v62 =	vld.idx.msk [tilespmem:v53+s21+$0x0], $0xffff;
	[tilespmem:s31+$0xFFFFFE90] =	vst v31;
	v31 =	vadd.f32 v60, v17;
	v51 =	vmul.f32 $8.000000000e+00, v45  }
0x4ec: {  	[tilespmem:s31+$0xFFFFFF10] =	vst v46;
	v39 =	vadd.f32 v39, v25;
	v38 =	vmul.f32 $8.000000000e+00, v59;
	v59 =	vor.u32 s1, v8;
	v43 =	vld.idx.msk [tilespmem:v56+s21+$0x0], $0xffff  }
0x4ed: {  	v53 =	vor.u32 s22, v12;
	v41 =	vmul.f32 $8.000000000e+00, v41;
	v46 =	vld.idx.msk [tilespmem:v57+s21+$0x0], $0xffff;
	[tilespmem:s31+$0xFFFFFF90] =	vst v31;
	v31 =	vadd.f32 v51, v18  }
0x4ee: {  	v55 =	vor.u32 s6, v13;
	v54 =	vmul.f32 $8.000000000e+00, v42;
	[tilespmem:s31+$0x10] =	vst v39;
	v38 =	vadd.f32 v38, v28;
	v36 =	vld.idx.msk [tilespmem:v61+s21+$0x0], $0xffff  }
0x4ef: {  	v37 =	vmul.f32 $8.000000000e+00, v37;
	v57 =	vor.u32 s25, v8;
	v56 =	vadd.f32 v41, v26;
	v58 =	vld.idx.msk [tilespmem:v63+s21+$0x0], $0xffff;
	[tilespmem:s31+$0x90] =	vst v31  }
0x4f0: {  	v40 =	vmul.f32 $8.000000000e+00, v40;
	v34 =	vadd.f32 v54, v16;
	v48 =	vmul.f32 $8.000000000e+00, v62;
	[tilespmem:s20+$0xFFFFFF60] =	vst v38;
	v35 =	vld.idx.msk [tilespmem:v52+s21+$0x0], $0xffff  }
0x4f1: {  	v37 =	vadd.f32 v37, v27;
	v61 =	vor.u32 s10, v12;
	v63 =	vor.u32 s18, v12;
	[tilespmem:s31+$0x120] =	vst v56;
	v45 =	vld.idx.msk [tilespmem:v59+s21+$0x0], $0xffff  }
0x4f2: {  	[tilespmem:s31+$0x190] =	vst v34;
	v34 =	vor.u32 s28, v9;
	v60 =	vadd.f32 v48, v24;
	v39 =	vld.idx.msk [tilespmem:v53+s21+$0x0], $0xffff;
	v43 =	vmul.f32 $8.000000000e+00, v43  }
0x4f3: {  	v54 =	vor.u32 s7, v12;
	[tilespmem:s20+$0xFFFFFFE0] =	vst v37;
	v52 =	vadd.f32 v40, v23;
	v42 =	vld.idx.msk [tilespmem:v55+s21+$0x0], $0xffff;
	v62 =	vmul.f32 $8.000000000e+00, v46  }
0x4f4: {  	s23 =	simm.s32 $0x10;
	v41 =	vor.u32 s25, v9;
	v40 =	vld.idx.msk [tilespmem:v57+s21+$0x0], $0xffff;
	[tilespmem:s31+$0xFFFFFE20] =	vst v60;
	v53 =	vadd.f32 v43, v19;
	v36 =	vmul.f32 $8.000000000e+00, v36  }
0x4f5: {  	v31 =	vor.u32 s23, v15;
	v57 =	vld.idx.msk [tilespmem:v44+s21+$0x0], $0xffff;
	[tilespmem:s20+$0x60] =	vst v52;
	v38 =	vadd.f32 v62, v20;
	v47 =	vmul.f32 $8.000000000e+00, v58  }
0x4f6: {  	v55 =	vor.u32 s8, v12;
	v49 =	vld.idx.msk [tilespmem:v50+s21+$0x0], $0xffff;
	[tilespmem:s31+$0xFFFFFEA0] =	vst v53;
	v36 =	vadd.f32 v36, v17;
	v35 =	vmul.f32 $8.000000000e+00, v35  }
0x4f7: {  	v56 =	vor.u32 s3, v12;
	[tilespmem:s31+$0xFFFFFF20] =	vst v38;
	v59 =	vadd.f32 v47, v25;
	v45 =	vmul.f32 $8.000000000e+00, v45;
	v34 =	vld.idx.msk [tilespmem:v34+s21+$0x0], $0xffff  }
0x4f8: {  	v60 =	vor.u32 s22, v11;
	v58 =	vld.idx.msk [tilespmem:v61+s21+$0x0], $0xffff;
	v39 =	vmul.f32 $8.000000000e+00, v39;
	[tilespmem:s31+$0xFFFFFFA0] =	vst v36;
	v35 =	vadd.f32 v35, v18  }
0x4f9: {  	v62 =	vor.u32 s6, v12;
	v46 =	vld.idx.msk [tilespmem:v63+s21+$0x0], $0xffff;
	v61 =	vmul.f32 $8.000000000e+00, v42;
	[tilespmem:s31+$0x20] =	vst v59;
	v45 =	vadd.f32 v45, v22  }
0x4fa: {  	v52 =	vor.u32 s24, v9;
	v40 =	vmul.f32 $8.000000000e+00, v40;
	v43 =	vld.idx.msk [tilespmem:v54+s21+$0x0], $0xffff;
	v63 =	vadd.f32 v39, v26;
	[tilespmem:s31+$0xA0] =	vst v35  }
0x4fb: {  	v38 =	vor.u32 s26, v9;
	v53 =	vld.idx.msk [tilespmem:v55+s21+$0x0], $0xffff;
	v54 =	vadd.f32 v61, v16;
	v49 =	vmul.f32 $8.000000000e+00, v49;
	[tilespmem:s20+$0x1E0] =	vst v45  }
0x4fc: {  	v55 =	vor.u32 s11, v9;
	v40 =	vadd.f32 v40, v21;
	v37 =	vld.idx.msk [tilespmem:v56+s21+$0x0], $0xffff;
	[tilespmem:s31+$0x130] =	vst v63;
	v56 =	vmul.f32 $8.000000000e+00, v57  }
0x4fd: {  	[tilespmem:s31+$0x1A0] =	vst v54;
	v49 =	vadd.f32 v49, v24;
	v57 =	vor.u32 s10, v11;
	v47 =	vld.idx.msk [tilespmem:v60+s21+$0x0], $0xffff;
	v44 =	vmul.f32 $8.000000000e+00, v58  }
0x4fe: {  	v59 =	vor.u32 s18, v11;
	[tilespmem:s20+$0xE0] =	vst v40;
	v42 =	vld.idx.msk [tilespmem:v62+s21+$0x0], $0xffff;
	v58 =	vmul.f32 $8.000000000e+00, v46;
	v30 =	vadd.f32 v56, v30  }
0x4ff: {  	v61 =	vor.u32 s7, v11;
	v39 =	vld.idx.msk [tilespmem:v52+s21+$0x0], $0xffff;
	[tilespmem:s31+$0xFFFFFE30] =	vst v49;
	v60 =	vadd.f32 v44, v19;
	v43 =	vmul.f32 $8.000000000e+00, v43  }
0x500: {  	v63 =	vor.u32 s8, v11;
	v33 =	vld.idx.msk [tilespmem:v33+s21+$0x0], $0xffff;
	v40 =	vadd.f32 v58, v20;
	v62 =	vmul.f32 $8.000000000e+00, v53;
	[tilespmem:s20+$0xFFFFFE70] =	vst v30  }
0x501: {  	v52 =	vor.u32 s3, v11;
	v36 =	vld.idx.msk [tilespmem:v55+s21+$0x0], $0xffff;
	[tilespmem:s31+$0xFFFFFEB0] =	vst v60;
	v30 =	vadd.f32 v43, v17;
	v51 =	vmul.f32 $8.000000000e+00, v37  }
0x502: {  	[tilespmem:s31+$0xFFFFFF30] =	vst v40;
	v55 =	vadd.f32 v62, v25;
	v53 =	vld.idx.msk [tilespmem:v57+s21+$0x0], $0xffff;
	v56 =	vmul.f32 $8.000000000e+00, v47;
	v57 =	vor.u32 s22, v10  }
0x503: {  	v46 =	vld.idx.msk [tilespmem:v59+s21+$0x0], $0xffff;
	v58 =	vmul.f32 $8.000000000e+00, v42;
	v59 =	vor.u32 s6, v11;
	[tilespmem:s31+$0xFFFFFFB0] =	vst v30;
	v30 =	vadd.f32 v51, v18  }
0x504: {  	v45 =	vor.u32 s1, v9;
	v34 =	vmul.f32 $8.000000000e+00, v34;
	[tilespmem:s31+$0x30] =	vst v55;
	v44 =	vld.idx.msk [tilespmem:v61+s21+$0x0], $0xffff;
	v60 =	vadd.f32 v56, v26  }
0x505: {  	s29 =	simm.s32 $0x15;
	v54 =	vor.u32 s7, v10;
	v62 =	vmul.f32 $8.000000000e+00, v39;
	v48 =	vld.idx.msk [tilespmem:v63+s21+$0x0], $0xffff;
	[tilespmem:s31+$0xB0] =	vst v30;
	v30 =	vadd.f32 v58, v16  }
0x506: {  	v29 =	vadd.f32 v34, v29;
	v34 =	vor.u32 s29, v15;
	v33 =	vmul.f32 $8.000000000e+00, v33;
	v37 =	vld.idx.msk [tilespmem:v52+s21+$0x0], $0xffff;
	[tilespmem:s31+$0x140] =	vst v60  }
0x507: {  	v39 =	vor.u32 s3, v10;
	v28 =	vadd.f32 v62, v28;
	v47 =	vld.idx.msk [tilespmem:v57+s21+$0x0], $0xffff;
	[tilespmem:s31+$0x1B0] =	vst v30;
	v30 =	vmul.f32 $8.000000000e+00, v36  }
0x508: {  	[tilespmem:s20+$0xFFFFFEF0] =	vst v29;
	v61 =	vor.u32 s10, v10;
	v33 =	vadd.f32 v33, v24;
	v55 =	vmul.f32 $8.000000000e+00, v53;
	v57 =	vld.idx.msk [tilespmem:v59+s21+$0x0], $0xffff  }
0x509: {  	v63 =	vor.u32 s18, v10;
	[tilespmem:s20+$0xFFFFFF70] =	vst v28;
	v29 =	vmul.f32 $8.000000000e+00, v46;
	v59 =	vld.idx.msk [tilespmem:v41+s21+$0x0], $0xffff;
	v27 =	vadd.f32 v30, v27  }
0x50a: {  	v42 =	vor.u32 s22, v8;
	[tilespmem:s31+$0xFFFFFE40] =	vst v33;
	v30 =	vld.idx.msk [tilespmem:v38+s21+$0x0], $0xffff;
	v28 =	vadd.f32 v55, v19;
	v58 =	vmul.f32 $8.000000000e+00, v44  }
0x50b: {  	v56 =	vor.u32 s8, v10;
	v41 =	vld.idx.msk [tilespmem:v45+s21+$0x0], $0xffff;
	v29 =	vadd.f32 v29, v20;
	v60 =	vmul.f32 $8.000000000e+00, v48;
	[tilespmem:s20+$0xFFFFFFF0] =	vst v27  }
0x50c: {  	s11 =	simm.s32 $0x11;
	v36 =	vor.u32 s6, v10;
	v40 =	vld.idx.msk [tilespmem:v32+s21+$0x0], $0xffff;
	[tilespmem:s31+$0xFFFFFEC0] =	vst v28;
	v35 =	vadd.f32 v58, v17;
	v37 =	vmul.f32 $8.000000000e+00, v37  }
0x50d: {  	s26 =	simm.s32 $0x12;
	v33 =	vor.u32 s11, v15;
	[tilespmem:s31+$0xFFFFFF40] =	vst v29;
	v27 =	vld.idx.msk [tilespmem:v61+s21+$0x0], $0xffff;
	v61 =	vadd.f32 v60, v25;
	v62 =	vmul.f32 $8.000000000e+00, v47  }
0x50e: {  	s1 =	simm.s32 $0x13;
	v32 =	vor.u32 s26, v15;
	v28 =	vld.idx.msk [tilespmem:v63+s21+$0x0], $0xffff;
	[tilespmem:s31+$0xFFFFFFC0] =	vst v35;
	v37 =	vadd.f32 v37, v18;
	v63 =	vmul.f32 $8.000000000e+00, v57  }
0x50f: {  	s4 =	sadd.s32 $0x10, s0;
	s28 =	simm.s32 $0x14;
	v38 =	vor.u32 s1, v15;
	v29 =	vld.idx.msk [tilespmem:v54+s21+$0x0], $0xffff;
	[tilespmem:s31+$0x40] =	vst v61;
	v44 =	vadd.f32 v62, v26;
	v43 =	vmul.f32 $8.000000000e+00, v30  }
0x510: {  	s12 =	simm.s32 $0x18;
	s25 =	simm.s32 $0x18C00;
	s24 =	simm.s32 $0x17;
	v35 =	vor.u32 s28, v15;
	v30 =	vld.idx.msk [tilespmem:v56+s21+$0x0], $0xffff;
	[tilespmem:s31+$0xC0] =	vst v37;
	v45 =	vadd.f32 v63, v16;
	v37 =	vmul.f32 $8.000000000e+00, v59  }
.LBB2_9:
0x511: {  	p1 =	slt.u32 s12, $0x38;
	s2 =	sadd.s32 $0xC0, s4;
	s5 =	sadd.s32 $0xC6, s4;
	v46 =	vor.u32 s24, v15;
	v40 =	vmul.f32 $8.000000000e+00, v40;
	v39 =	vld.idx.msk [tilespmem:v39+s21+$0x0], $0xffff;
	[tilespmem:s31+$0x150] =	vst v44;
	v43 =	vadd.f32 v43, v23;
	v23 =	vmovc v25  }
0x512: {  	s14 =	sadd.s32 $0xC2, s4;
	v41 =	vmul.f32 $8.000000000e+00, v41;
	v25 =	vmov s2;
	s2 =	sadd.s32 $0xC1, s4;
	v44 =	vmov s5;
	s5 =	sadd.s32 $0x6, s23;
	v42 =	vld.idx.msk [tilespmem:v42+s21+$0x0], $0xffff;
	[tilespmem:s31+$0x1C0] =	vst v45  }
0x513: {  	s30 =	sadd.s32 $0xC4, s4;
	s16 =	sadd.s32 $0xC5, s4;
	v45 =	vmov s2;
	s2 =	sadd.s32 $0xC3, s4;
	v44 =	vand.u32 $0xFFFFFFFE, v44;
	v47 =	vor.u32 s5, v15;
	v36 =	vld.idx.msk [tilespmem:v36+s21+$0x0], $0xffff;
	[tilespmem:s20+$0x70] =	vst v43  }
0x514: {  	v43 =	vmov s14;
	v31 =	vld.idx.msk [tilespmem:v31+s21+$0x0], $0xffff;
	v48 =	vmov s2;
	v44 =	vbroadcast v44, $0x0;
	s2 =	sadd.s32 $0xC7, s4  }
0x515: {  	v49 =	vmov s30;
	v50 =	vmov s16;
	v25 =	vand.u32 $0xFFFFFFF8, v25;
	v33 =	vld.idx.msk [tilespmem:v33+s21+$0x0], $0xffff  }
0x516: {  	v45 =	vand.u32 $0xFFFFFFF9, v45;
	v43 =	vand.u32 $0xFFFFFFFA, v43;
	v51 =	vld.idx.msk [tilespmem:v32+s21+$0x0], $0xffff;
	v32 =	vand.u32 $0xFFFFFFFB, v48  }
0x517: {  	v25 =	vbroadcast v25, $0x0;
	v48 =	vand.u32 $0xFFFFFFFC, v49;
	v49 =	vand.u32 $0xFFFFFFFD, v50;
	v38 =	vld.idx.msk [tilespmem:v38+s21+$0x0], $0xffff  }
0x518: {  	v45 =	vbroadcast v45, $0x0;
	v50 =	vor.u32 s22, v9;
	s22 =	smov.u32 s5;
	v42 =	vmul.f32 $8.000000000e+00, v42;
	v47 =	vld.idx.msk [tilespmem:v47+s21+$0x0], $0xffff  }
0x519: {  	v43 =	vbroadcast v43, $0x0;
	v53 =	vmov s2;
	v52 =	vbroadcast v32, $0x0;
	v35 =	vld.idx.msk [tilespmem:v35+s21+$0x0], $0xffff  }
0x51a: {  	v48 =	vbroadcast v48, $0x0;
	v49 =	vbroadcast v49, $0x0;
	v32 =	vadd.f32 v42, v26;
	v44 =	vld.idx.msk [tilespmem:v44+s9+$0x0], $0xffff  }
0x51b: {  	v27 =	vmul.f32 $8.000000000e+00, v27;
	v28 =	vmul.f32 $8.000000000e+00, v28;
	v42 =	vld.idx.msk [tilespmem:v34+s21+$0x0], $0xffff;
	v34 =	vadd.f32 v40, v24  }
0x51c: {  	v30 =	vmul.f32 $8.000000000e+00, v30;
	v40 =	vld.idx.msk [tilespmem:v46+s21+$0x0], $0xffff;
	v46 =	vmul.f32 $8.000000000e+00, v29;
	[tilespmem:s31+$0x160] =	vst v32;
	v29 =	vadd.f32 v37, v21;
	v21 =	vmovc v18  }
0x51d: {  	v36 =	vmul.f32 $8.000000000e+00, v36;
	v18 =	vadd.f32 v27, v19;
	v27 =	vmul.f32 $8.000000000e+00, v39;
	[tilespmem:s31+$0xFFFFFE50] =	vst v34;
	v34 =	vld.idx.msk [tilespmem:v50+s21+$0x0], $0xffff  }
0x51e: {  	v37 =	vor.u32 s22, v14;
	v39 =	vadd.f32 v28, v20;
	v32 =	vld.idx.msk [tilespmem:v25+s9+$0x0], $0xffff;
	v25 =	vmul.f32 $8.000000000e+00, v47;
	[tilespmem:s20+$0xF0] =	vst v29  }
0x51f: {  	v30 =	vadd.f32 v30, v23;
	v29 =	vld.idx.msk [tilespmem:v45+s9+$0x0], $0xffff;
	[tilespmem:s31+$0xFFFFFED0] =	vst v18;
	v18 =	vadd.f32 v46, v17  }
0x520: {  	v28 =	vld.idx.msk [tilespmem:v43+s9+$0x0], $0xffff;
	v43 =	vadd.f32 v25, v44;
	[tilespmem:s31+$0xFFFFFF50] =	vst v39;
	v39 =	vadd.f32 v27, v21  }
0x521: {  	v41 =	vadd.f32 v41, v22;
	v36 =	vadd.f32 v36, v16;
	v45 =	vor.u32 s13, v8;
	s31 =	sadd.s32 $0x400, s31;
	v27 =	vld.idx.msk [tilespmem:v52+s9+$0x0], $0xffff;
	[tilespmem:s25+$0xFFFFFFD0] =	vst v18  }
0x522: {  	v22 =	vmovc v16;
	v18 =	vmul.f32 $8.000000000e+00, v31;
	v31 =	vor.u32 s23, v14;
	v25 =	vld.idx.msk [tilespmem:v48+s9+$0x0], $0xffff;
	[tilespmem:s31+$0x100] =	vst v43;
	v43 =	vor.u32 s10, v8  }
0x523: {  	v16 =	vmul.f32 $8.000000000e+00, v33;
	v33 =	vor.u32 s11, v14;
	v37 =	vld.idx.msk [tilespmem:v37+s21+$0x0], $0xffff;
	[tilespmem:s25+$0x50] =	vst v30;
	v30 =	vmul.f32 $8.000000000e+00, v34  }
0x524: {  	v47 =	vor.u32 s26, v14;
	v46 =	vmul.f32 $8.000000000e+00, v51;
	v34 =	vadd.f32 v18, v32;
	v18 =	vld.idx.msk [tilespmem:v49+s9+$0x0], $0xffff;
	[tilespmem:s25+$0xD0] =	vst v39  }
0x525: {  	v38 =	vmul.f32 $8.000000000e+00, v38;
	v39 =	vadd.f32 v16, v29;
	v16 =	vld.idx.msk [tilespmem:v53+s9+$0x0], $0xffff;
	v30 =	vadd.f32 v30, v26;
	[tilespmem:s25+$0x1D0] =	vst v36  }
0x526: {  	v35 =	vmul.f32 $8.000000000e+00, v35;
	v36 =	vadd.f32 v46, v28;
	v46 =	vor.u32 s1, v14;
	v26 =	vmovc v44;
	[tilespmem:s31+$0xFFFFFE00] =	vst v34;
	v45 =	vld.idx.msk [tilespmem:v45+s21+$0x0], $0xffff  }
0x527: {  	v44 =	vor.u32 s28, v14;
	v38 =	vadd.f32 v38, v27;
	v34 =	vor.u32 s13, v9;
	s13 =	smov.u32 s23;
	s23 =	smov.u32 s12;
	v31 =	vld.idx.msk [tilespmem:v31+s21+$0x0], $0xffff;
	[tilespmem:s25+$0x170] =	vst v30  }
0x528: {  	v35 =	vadd.f32 v35, v25;
	[tilespmem:s31+$0xFFFFFE80] =	vst v39;
	v39 =	vmul.f32 $8.000000000e+00, v42;
	v42 =	vor.u32 s29, v14;
	v43 =	vld.idx.msk [tilespmem:v43+s21+$0x0], $0xffff  }
0x529: {  	v48 =	vld.idx.msk [tilespmem:v33+s21+$0x0], $0xffff;
	[tilespmem:s31+$0xFFFFFF00] =	vst v36;
	v33 =	vmul.f32 $8.000000000e+00, v37;
	v36 =	vor.u32 s22, v13;
	v37 =	vmul.f32 $8.000000000e+00, v40  }
0x52a: {  	v30 =	vor.u32 s13, v10;
	v40 =	vld.idx.msk [tilespmem:v47+s21+$0x0], $0xffff;
	[tilespmem:s31+$0xFFFFFF80] =	vst v38;
	v38 =	vadd.f32 v39, v18;
	v39 =	vor.u32 s24, v14  }
0x52b: {  	v47 =	vor.u32 s18, v8;
	v46 =	vld.idx.msk [tilespmem:v46+s21+$0x0], $0xffff;
	[tilespmem:s31+$0x0] =	vst v35;
	v35 =	vadd.f32 v33, v26;
	v37 =	vadd.f32 v37, v16  }
0x52c: {  	v33 =	vor.u32 s13, v11;
	v44 =	vld.idx.msk [tilespmem:v44+s21+$0x0], $0xffff;
	[tilespmem:s31+$0x80] =	vst v38;
	v38 =	vmul.f32 $8.000000000e+00, v45;
	v45 =	vor.u32 s7, v8  }
0x52d: {  	v49 =	vor.u32 s13, v13;
	v50 =	vor.u32 s13, v12;
	v31 =	vmul.f32 $8.000000000e+00, v31;
	v42 =	vld.idx.msk [tilespmem:v42+s21+$0x0], $0xffff;
	[tilespmem:s31+$0x110] =	vst v35  }
0x52e: {  	v35 =	vld.idx.msk [tilespmem:v36+s21+$0x0], $0xffff;
	[tilespmem:s31+$0x180] =	vst v37;
	v36 =	vadd.f32 v38, v24;
	v37 =	vmul.f32 $8.000000000e+00, v43;
	v38 =	vor.u32 s8, v8  }
0x52f: {  	v31 =	vadd.f32 v31, v32;
	v43 =	vmul.f32 $8.000000000e+00, v48;
	v48 =	vor.u32 s11, v13;
	v39 =	vld.idx.msk [tilespmem:v39+s21+$0x0], $0xffff;
	[tilespmem:s20+$0x1F0] =	vst v41;
	s20 =	smov.u32 s25;
	s25 =	smov.u32 s31  }
0x530: {  	v40 =	vmul.f32 $8.000000000e+00, v40;
	v41 =	vor.u32 s26, v13;
	[tilespmem:s20+$0xFFFFFE60] =	vst v36;
	v36 =	vadd.f32 v37, v19;
	v37 =	vld.idx.msk [tilespmem:v47+s21+$0x0], $0xffff  }
0x531: {  	[tilespmem:s31+$0xFFFFFE10] =	vst v31;
	v31 =	vadd.f32 v43, v29;
	v43 =	vmul.f32 $8.000000000e+00, v46;
	v46 =	vor.u32 s1, v13;
	v45 =	vld.idx.msk [tilespmem:v45+s21+$0x0], $0xffff  }
0x532: {  	v40 =	vadd.f32 v40, v28;
	v44 =	vmul.f32 $8.000000000e+00, v44;
	v47 =	vld.idx.msk [tilespmem:v49+s21+$0x0], $0xffff;
	v49 =	vor.u32 s28, v13;
	[tilespmem:s20+$0xFFFFFEE0] =	vst v36  }
0x533: {  	v36 =	vmul.f32 $8.000000000e+00, v42;
	v42 =	vor.u32 s29, v13;
	[tilespmem:s31+$0xFFFFFE90] =	vst v31;
	v31 =	vadd.f32 v43, v27;
	v38 =	vld.idx.msk [tilespmem:v38+s21+$0x0], $0xffff  }
0x534: {  	v35 =	vmul.f32 $8.000000000e+00, v35;
	v43 =	vld.idx.msk [tilespmem:v48+s21+$0x0], $0xffff;
	[tilespmem:s31+$0xFFFFFF10] =	vst v40;
	v40 =	vadd.f32 v44, v25;
	v44 =	vor.u32 s22, v12  }
0x535: {  	v41 =	vld.idx.msk [tilespmem:v41+s21+$0x0], $0xffff;
	[tilespmem:s31+$0xFFFFFF90] =	vst v31;
	v31 =	vadd.f32 v36, v18;
	v36 =	vmul.f32 $8.000000000e+00, v39;
	v39 =	vor.u32 s24, v13  }
0x536: {  	v35 =	vadd.f32 v35, v26;
	v37 =	vmul.f32 $8.000000000e+00, v37;
	v46 =	vld.idx.msk [tilespmem:v46+s21+$0x0], $0xffff;
	[tilespmem:s31+$0x10] =	vst v40;
	v40 =	vor.u32 s3, v8  }
0x537: {  	v45 =	vmul.f32 $8.000000000e+00, v45;
	v48 =	vld.idx.msk [tilespmem:v49+s21+$0x0], $0xffff;
	[tilespmem:s31+$0x90] =	vst v31;
	v36 =	vadd.f32 v36, v16;
	v49 =	vor.u32 s6, v8  }
0x538: {  	v31 =	vor.u32 s12, v15;
	v47 =	vmul.f32 $8.000000000e+00, v47;
	v42 =	vld.idx.msk [tilespmem:v42+s21+$0x0], $0xffff;
	[tilespmem:s31+$0x120] =	vst v35;
	v35 =	vadd.f32 v37, v20  }
0x539: {  	v38 =	vmul.f32 $8.000000000e+00, v38;
	v37 =	vld.idx.msk [tilespmem:v44+s21+$0x0], $0xffff;
	[tilespmem:s31+$0x190] =	vst v36;
	v36 =	vor.u32 s10, v9;
	v44 =	vadd.f32 v45, v17;
	s10 =	smov.u32 s11  }
0x53a: {  	v45 =	vadd.f32 v47, v32;
	v43 =	vmul.f32 $8.000000000e+00, v43;
	v47 =	vor.u32 s10, v12;
	v39 =	vld.idx.msk [tilespmem:v39+s21+$0x0], $0xffff;
	[tilespmem:s20+$0xFFFFFF60] =	vst v35  }
0x53b: {  	v35 =	vmul.f32 $8.000000000e+00, v41;
	v41 =	vor.u32 s26, v12;
	v38 =	vadd.f32 v38, v23;
	[tilespmem:s20+$0xFFFFFFE0] =	vst v44;
	v40 =	vld.idx.msk [tilespmem:v40+s21+$0x0], $0xffff  }
0x53c: {  	v43 =	vadd.f32 v43, v29;
	v44 =	vmul.f32 $8.000000000e+00, v46;
	[tilespmem:s31+$0xFFFFFE20] =	vst v45;
	v45 =	vor.u32 s1, v12;
	v46 =	vld.idx.msk [tilespmem:v49+s21+$0x0], $0xffff  }
0x53d: {  	v35 =	vadd.f32 v35, v28;
	v48 =	vmul.f32 $8.000000000e+00, v48;
	v49 =	vld.idx.msk [tilespmem:v50+s21+$0x0], $0xffff;
	v50 =	vor.u32 s28, v12;
	[tilespmem:s20+$0x60] =	vst v38  }
0x53e: {  	v38 =	vadd.f32 v44, v27;
	v42 =	vmul.f32 $8.000000000e+00, v42;
	[tilespmem:s31+$0xFFFFFEA0] =	vst v43;
	v43 =	vor.u32 s29, v12;
	v34 =	vld.idx.msk [tilespmem:v34+s21+$0x0], $0xffff  }
0x53f: {  	v37 =	vmul.f32 $8.000000000e+00, v37;
	v44 =	vld.idx.msk [tilespmem:v47+s21+$0x0], $0xffff;
	[tilespmem:s31+$0xFFFFFF20] =	vst v35;
	v35 =	vadd.f32 v48, v25;
	v47 =	vor.u32 s22, v11  }
0x540: {  	v39 =	vmul.f32 $8.000000000e+00, v39;
	v41 =	vld.idx.msk [tilespmem:v41+s21+$0x0], $0xffff;
	[tilespmem:s31+$0xFFFFFFA0] =	vst v38;
	v38 =	vadd.f32 v42, v18;
	v42 =	vor.u32 s24, v12  }
0x541: {  	v40 =	vmul.f32 $8.000000000e+00, v40;
	v45 =	vld.idx.msk [tilespmem:v45+s21+$0x0], $0xffff;
	[tilespmem:s31+$0x20] =	vst v35;
	v35 =	vadd.f32 v37, v26;
	v37 =	vor.u32 s18, v9;
	s18 =	smov.u32 s26  }
0x542: {  	v46 =	vmul.f32 $8.000000000e+00, v46;
	v48 =	vld.idx.msk [tilespmem:v50+s21+$0x0], $0xffff;
	[tilespmem:s31+$0xA0] =	vst v38;
	v38 =	vadd.f32 v39, v16;
	v39 =	vor.u32 s7, v9;
	s7 =	smov.u32 s1  }
0x543: {  	v49 =	vmul.f32 $8.000000000e+00, v49;
	v40 =	vadd.f32 v40, v21;
	v43 =	vld.idx.msk [tilespmem:v43+s21+$0x0], $0xffff;
	[tilespmem:s31+$0x130] =	vst v35;
	v35 =	vor.u32 s8, v9;
	s8 =	smov.u32 s28  }
0x544: {  	v34 =	vmul.f32 $8.000000000e+00, v34;
	v46 =	vadd.f32 v46, v22;
	v47 =	vld.idx.msk [tilespmem:v47+s21+$0x0], $0xffff;
	[tilespmem:s31+$0x1A0] =	vst v38;
	v38 =	vor.u32 s3, v9;
	s3 =	smov.u32 s29  }
0x545: {  	v50 =	vor.u32 s10, v11;
	v49 =	vadd.f32 v49, v32;
	v44 =	vmul.f32 $8.000000000e+00, v44;
	v42 =	vld.idx.msk [tilespmem:v42+s21+$0x0], $0xffff;
	[tilespmem:s20+$0xE0] =	vst v40  }
0x546: {  	v40 =	vmul.f32 $8.000000000e+00, v41;
	v41 =	vor.u32 s18, v11;
	v34 =	vadd.f32 v34, v24;
	v24 =	vmovc v32;
	v36 =	vld.idx.msk [tilespmem:v36+s21+$0x0], $0xffff;
	[tilespmem:s20+$0x1E0] =	vst v46  }
0x547: {  	v32 =	vadd.f32 v44, v29;
	v44 =	vmul.f32 $8.000000000e+00, v45;
	v45 =	vor.u32 s7, v11;
	[tilespmem:s31+$0xFFFFFE30] =	vst v49;
	v37 =	vld.idx.msk [tilespmem:v37+s21+$0x0], $0xffff  }
0x548: {  	v40 =	vadd.f32 v40, v28;
	v46 =	vmul.f32 $8.000000000e+00, v48;
	v48 =	vor.u32 s8, v11;
	v33 =	vld.idx.msk [tilespmem:v33+s21+$0x0], $0xffff;
	[tilespmem:s20+$0xFFFFFE70] =	vst v34  }
0x549: {  	v34 =	vmul.f32 $8.000000000e+00, v43;
	v43 =	vor.u32 s3, v11;
	[tilespmem:s31+$0xFFFFFEB0] =	vst v32;
	v32 =	vadd.f32 v44, v27;
	v39 =	vld.idx.msk [tilespmem:v39+s21+$0x0], $0xffff  }
0x54a: {  	v44 =	vld.idx.msk [tilespmem:v50+s21+$0x0], $0xffff;
	[tilespmem:s31+$0xFFFFFF30] =	vst v40;
	v40 =	vadd.f32 v46, v25;
	v46 =	vmul.f32 $8.000000000e+00, v47;
	v47 =	vor.u32 s22, v10  }
0x54b: {  	v41 =	vld.idx.msk [tilespmem:v41+s21+$0x0], $0xffff;
	[tilespmem:s31+$0xFFFFFFB0] =	vst v32;
	v32 =	vadd.f32 v34, v18;
	v34 =	vmul.f32 $8.000000000e+00, v42;
	v42 =	vor.u32 s24, v11  }
0x54c: {  	v36 =	vmul.f32 $8.000000000e+00, v36;
	v45 =	vld.idx.msk [tilespmem:v45+s21+$0x0], $0xffff;
	[tilespmem:s31+$0x30] =	vst v40;
	v40 =	vadd.f32 v46, v26;
	v46 =	vor.u32 s6, v9;
	s6 =	smov.u32 s24  }
0x54d: {  	v49 =	vor.u32 s10, v10;
	v48 =	vld.idx.msk [tilespmem:v48+s21+$0x0], $0xffff;
	[tilespmem:s31+$0xB0] =	vst v32;
	v32 =	vadd.f32 v34, v16;
	v34 =	vmul.f32 $8.000000000e+00, v37  }
0x54e: {  	v33 =	vmul.f32 $8.000000000e+00, v33;
	v37 =	vor.u32 s18, v10;
	v36 =	vadd.f32 v36, v19;
	v19 =	vmovc v29;
	v43 =	vld.idx.msk [tilespmem:v43+s21+$0x0], $0xffff;
	[tilespmem:s31+$0x140] =	vst v40  }
0x54f: {  	v29 =	vor.u32 s7, v10;
	v47 =	vld.idx.msk [tilespmem:v47+s21+$0x0], $0xffff;
	[tilespmem:s31+$0x1B0] =	vst v32;
	v32 =	vadd.f32 v34, v20;
	v34 =	vmul.f32 $8.000000000e+00, v39;
	v20 =	vmovc v28  }
0x550: {  	v50 =	vor.u32 s8, v10;
	v28 =	vadd.f32 v33, v24;
	v33 =	vmul.f32 $8.000000000e+00, v44;
	v44 =	vld.idx.msk [tilespmem:v42+s21+$0x0], $0xffff;
	[tilespmem:s20+$0xFFFFFEF0] =	vst v36  }
0x551: {  	v39 =	vor.u32 s3, v10;
	v41 =	vmul.f32 $8.000000000e+00, v41;
	[tilespmem:s20+$0xFFFFFF70] =	vst v32;
	v32 =	vadd.f32 v34, v17;
	v34 =	vld.idx.msk [tilespmem:v35+s21+$0x0], $0xffff;
	v17 =	vmovc v27  }
0x552: {  	s11 =	sadd.s32 $0x1, s12;
	v36 =	vor.u32 s6, v10;
	v27 =	vadd.f32 v33, v19;
	[tilespmem:s31+$0xFFFFFE40] =	vst v28;
	v28 =	vmul.f32 $8.000000000e+00, v45;
	v51 =	vld.idx.msk [tilespmem:v38+s21+$0x0], $0xffff  }
0x553: {  	s26 =	sadd.s32 $0x2, s12;
	v33 =	vor.u32 s11, v15;
	v35 =	vmul.f32 $8.000000000e+00, v48;
	v40 =	vld.idx.msk [tilespmem:v30+s21+$0x0], $0xffff;
	v30 =	vadd.f32 v41, v20;
	[tilespmem:s20+$0xFFFFFFF0] =	vst v32  }
.Ltmp5:
0x554: {  	v32 =	vor.u32 s26, v15;
	v43 =	vmul.f32 $8.000000000e+00, v43;
	[tilespmem:s31+$0xFFFFFEC0] =	vst v27;
	v45 =	vadd.f32 v28, v17;
	v41 =	vld.idx.msk [tilespmem:v46+s21+$0x0], $0xffff;
	(pc) =	sbr.rel @p1 .LBB2_9-.Ltmp5, $4  }
0x555: {  	s1 =	sadd.s32 $0x3, s12;
	v42 =	vor.u32 s22, v8;
	v46 =	vmul.f32 $8.000000000e+00, v47;
	v27 =	vld.idx.msk [tilespmem:v49+s21+$0x0], $0xffff;
	[tilespmem:s31+$0xFFFFFF40] =	vst v30;
	v30 =	vadd.f32 v35, v25  }
0x556: {  	s28 =	sadd.s32 $0x4, s12;
	v38 =	vor.u32 s1, v15;
	v28 =	vld.idx.msk [tilespmem:v37+s21+$0x0], $0xffff;
	[tilespmem:s31+$0xFFFFFFC0] =	vst v45;
	v37 =	vadd.f32 v43, v18;
	v45 =	vmul.f32 $8.000000000e+00, v44  }
0x557: {  	s29 =	sadd.s32 $0x5, s12;
	v35 =	vor.u32 s28, v15;
	v44 =	vadd.f32 v46, v26;
	v43 =	vmul.f32 $8.000000000e+00, v34;
	v29 =	vld.idx.msk [tilespmem:v29+s21+$0x0], $0xffff;
	[tilespmem:s31+$0x40] =	vst v30  }
0x558: {  	s4 =	sadd.s32 s23, s0;
	s12 =	sadd.s32 $0x8, s12;
	s24 =	sadd.s32 $0x7, s23;
	v34 =	vor.u32 s29, v15;
	v30 =	vld.idx.msk [tilespmem:v50+s21+$0x0], $0xffff;
	[tilespmem:s31+$0xC0] =	vst v37;
	v45 =	vadd.f32 v45, v16;
	v37 =	vmul.f32 $8.000000000e+00, v51  }
0x559: {  	_ =	sdelay $0x3  }
0x55a: {  	v39 =	vld.idx.msk [tilespmem:v39+s21+$0x0], $0xffff  }
0x55b: {  	s2 =	sadd.s32 $0xC0, s4;
	s5 =	sadd.s32 $0xC6, s4;
	v31 =	vld.idx.msk [tilespmem:v31+s21+$0x0], $0xffff;
	v23 =	vadd.f32 v43, v23  }
0x55c: {  	s16 =	sadd.s32 $0xC1, s4;
	s12 =	sadd.s32 $0xC2, s4;
	s30 =	sadd.s32 $0x6, s23;
	v33 =	vld.idx.msk [tilespmem:v33+s21+$0x0], $0xffff;
	v40 =	vmul.f32 $8.000000000e+00, v40;
	v58 =	vmov s2;
	v46 =	vmov s5  }
0x55d: {  	v32 =	vld.idx.msk [tilespmem:v32+s21+$0x0], $0xffff;
	v59 =	vmov s16;
	s5 =	sadd.s32 $0xC3, s4;
	v47 =	vmov s12;
	v48 =	vor.u32 s30, v15  }
0x55e: {  	v38 =	vld.idx.msk [tilespmem:v38+s21+$0x0], $0xffff;
	v46 =	vand.u32 $0xFFFFFFFE, v46;
	v49 =	vmov s5;
	v61 =	vand.u32 $0xFFFFFFF8, v58  }
0x55f: {  	s14 =	sadd.s32 $0xC4, s4;
	v35 =	vld.idx.msk [tilespmem:v35+s21+$0x0], $0xffff;
	v46 =	vbroadcast v46, $0x0;
	v53 =	vand.u32 $0xFFFFFFFB, v49;
	v49 =	vor.u32 s13, v8  }
0x560: {  	[tilespmem:s31+$0x150] =	vst v44;
	v34 =	vld.idx.msk [tilespmem:v34+s21+$0x0], $0xffff;
	v50 =	vmov s14;
	v62 =	vand.u32 $0xFFFFFFF9, v59;
	v54 =	vbroadcast v61, $0x0  }
0x561: {  	v42 =	vld.idx.msk [tilespmem:v42+s21+$0x0], $0xffff;
	[tilespmem:s31+$0x1C0] =	vst v45;
	v63 =	vand.u32 $0xFFFFFFFA, v47;
	v40 =	vadd.f32 v40, v24;
	v44 =	vbroadcast v62, $0x0  }
0x562: {  	v41 =	vmul.f32 $8.000000000e+00, v41;
	v36 =	vld.idx.msk [tilespmem:v36+s21+$0x0], $0xffff;
	v50 =	vand.u32 $0xFFFFFFFC, v50;
	v45 =	vbroadcast v63, $0x0  }
0x563: {  	v60 =	vor.u32 s24, v15;
	s16 =	sadd.s32 $0xC5, s4;
	v21 =	vadd.f32 v37, v21;
	v57 =	vbroadcast v50, $0x0;
	[tilespmem:s31+$0xFFFFFE50] =	vst v40;
	v48 =	vld.idx.msk [tilespmem:v48+s21+$0x0], $0xffff  }
0x564: {  	v27 =	vmul.f32 $8.000000000e+00, v27;
	v51 =	vmov s16;
	v22 =	vadd.f32 v41, v22;
	v37 =	vld.idx.msk [tilespmem:v49+s21+$0x0], $0xffff  }
0x565: {  	[tilespmem:s20+$0x70] =	vst v23;
	v28 =	vmul.f32 $8.000000000e+00, v28;
	v55 =	vand.u32 $0xFFFFFFFD, v51;
	v51 =	vor.u32 s10, v8;
	v15 =	vld.idx.msk [tilespmem:v46+s9+$0x0], $0xffff  }
0x566: {  	[tilespmem:s20+$0xF0] =	vst v21;
	v27 =	vadd.f32 v27, v19;
	v56 =	vbroadcast v53, $0x0;
	v21 =	vld.idx.msk [tilespmem:v54+s9+$0x0], $0xffff  }
0x567: {  	v59 =	vmul.f32 $8.000000000e+00, v29;
	[tilespmem:s20+$0x1F0] =	vst v22;
	v28 =	vadd.f32 v28, v20;
	v42 =	vmul.f32 $8.000000000e+00, v42;
	v22 =	vld.idx.msk [tilespmem:v44+s9+$0x0], $0xffff  }
0x568: {  	v52 =	vor.u32 s22, v9;
	v58 =	vbroadcast v55, $0x0;
	[tilespmem:s31+$0xFFFFFED0] =	vst v27;
	v23 =	vld.idx.msk [tilespmem:v45+s9+$0x0], $0xffff  }
0x569: {  	s20 =	sadd.s32 $0xC7, s4;
	v30 =	vmul.f32 $8.000000000e+00, v30;
	v63 =	vadd.f32 v59, v17;
	[tilespmem:s31+$0xFFFFFF50] =	vst v28;
	v42 =	vadd.f32 v42, v26;
	v28 =	vld.idx.msk [tilespmem:v57+s9+$0x0], $0xffff  }
0x56a: {  	v39 =	vmul.f32 $8.000000000e+00, v39;
	v45 =	vld.idx.msk [tilespmem:v51+s21+$0x0], $0xffff;
	v61 =	vmul.f32 $8.000000000e+00, v48;
	v48 =	vmov s20  }
0x56b: {  	v30 =	vadd.f32 v30, v25;
	v51 =	vor.u32 s18, v8;
	[tilespmem:s31+$0x160] =	vst v42;
	v42 =	vld.idx.msk [tilespmem:v60+s21+$0x0], $0xffff  }
0x56c: {  	v62 =	vor.u32 s30, v14;
	v33 =	vmul.f32 $8.000000000e+00, v33;
	[tilespmem:s25+$0xFFFFFFD0] =	vst v63;
	v39 =	vadd.f32 v39, v18;
	v27 =	vld.idx.msk [tilespmem:v56+s9+$0x0], $0xffff  }
0x56d: {  	v50 =	vor.u32 s23, v14;
	v31 =	vmul.f32 $8.000000000e+00, v31;
	[tilespmem:s25+$0x50] =	vst v30;
	v60 =	vld.idx.msk [tilespmem:v52+s21+$0x0], $0xffff;
	v40 =	vadd.f32 v61, v15  }
0x56e: {  	s22 =	sadd.s32 $0x400, s31;
	v36 =	vmul.f32 $8.000000000e+00, v36;
	v54 =	vor.u32 s11, v14;
	[tilespmem:s25+$0xD0] =	vst v39;
	v29 =	vld.idx.msk [tilespmem:v58+s9+$0x0], $0xffff;
	v33 =	vadd.f32 v33, v22  }
0x56f: {  	v57 =	vmul.f32 $8.000000000e+00, v38;
	v58 =	vor.u32 s1, v14;
	v31 =	vadd.f32 v31, v21;
	[tilespmem:s22+$0x100] =	vst v40;
	v30 =	vld.idx.msk [tilespmem:v48+s9+$0x0], $0xffff  }
0x570: {  	v55 =	vor.u32 s26, v14;
	v32 =	vmul.f32 $8.000000000e+00, v32;
	v36 =	vadd.f32 v36, v16;
	[tilespmem:s22+$0xFFFFFE80] =	vst v33;
	v33 =	vld.idx.msk [tilespmem:v51+s21+$0x0], $0xffff  }
0x571: {  	v35 =	vmul.f32 $8.000000000e+00, v35;
	v61 =	vadd.f32 v57, v27;
	[tilespmem:s22+$0xFFFFFE00] =	vst v31;
	v52 =	vld.idx.msk [tilespmem:v62+s21+$0x0], $0xffff  }
0x572: {  	[tilespmem:s25+$0x1D0] =	vst v36;
	v32 =	vadd.f32 v32, v23;
	v53 =	vmul.f32 $8.000000000e+00, v60;
	v60 =	vor.u32 s28, v14;
	v59 =	vld.idx.msk [tilespmem:v50+s21+$0x0], $0xffff  }
0x573: {  	v63 =	vor.u32 s29, v14;
	v35 =	vadd.f32 v35, v28;
	v62 =	vmul.f32 $8.000000000e+00, v34;
	v46 =	vld.idx.msk [tilespmem:v54+s21+$0x0], $0xffff;
	[tilespmem:s22+$0xFFFFFF80] =	vst v61  }
0x574: {  	v49 =	vor.u32 s30, v13;
	[tilespmem:s22+$0xFFFFFF00] =	vst v32;
	v56 =	vadd.f32 v53, v26;
	v31 =	vld.idx.msk [tilespmem:v58+s21+$0x0], $0xffff;
	v58 =	vmul.f32 $8.000000000e+00, v45  }
0x575: {  	v47 =	vmul.f32 $8.000000000e+00, v42;
	v48 =	vor.u32 s24, v14;
	[tilespmem:s22+$0x0] =	vst v35;
	v39 =	vld.idx.msk [tilespmem:v55+s21+$0x0], $0xffff;
	v50 =	vadd.f32 v62, v29  }
0x576: {  	v55 =	vor.u32 s7, v8;
	[tilespmem:s25+$0x170] =	vst v56;
	v45 =	vadd.f32 v58, v19;
	v33 =	vmul.f32 $8.000000000e+00, v33  }
0x577: {  	v61 =	vor.u32 s11, v13;
	v32 =	vadd.f32 v47, v30;
	v54 =	vld.idx.msk [tilespmem:v60+s21+$0x0], $0xffff;
	[tilespmem:s22+$0x80] =	vst v50;
	v41 =	vmul.f32 $8.000000000e+00, v52  }
0x578: {  	v56 =	vor.u32 s23, v13;
	v38 =	vmul.f32 $8.000000000e+00, v59;
	[tilespmem:s25+$0xFFFFFEE0] =	vst v45;
	v33 =	vadd.f32 v33, v20  }
0x579: {  	v47 =	vor.u32 s1, v13;
	v34 =	vld.idx.msk [tilespmem:v63+s21+$0x0], $0xffff;
	v60 =	vmul.f32 $8.000000000e+00, v46;
	[tilespmem:s22+$0x180] =	vst v32;
	v53 =	vadd.f32 v41, v15  }
0x57a: {  	v39 =	vmul.f32 $8.000000000e+00, v39;
	v63 =	vor.u32 s26, v13;
	v59 =	vadd.f32 v38, v21;
	v14 =	vld.idx.msk [tilespmem:v48+s21+$0x0], $0xffff;
	[tilespmem:s25+$0xFFFFFF60] =	vst v33  }
0x57b: {  	v52 =	vmul.f32 $8.000000000e+00, v37;
	v26 =	vld.idx.msk [tilespmem:v55+s21+$0x0], $0xffff;
	v31 =	vmul.f32 $8.000000000e+00, v31;
	v46 =	vadd.f32 v60, v22;
	[tilespmem:s22+$0x110] =	vst v53  }
0x57c: {  	v50 =	vor.u32 s28, v13;
	v48 =	vadd.f32 v39, v23;
	[tilespmem:s22+$0xFFFFFE10] =	vst v59;
	v62 =	vld.idx.msk [tilespmem:v49+s21+$0x0], $0xffff;
	v49 =	vmul.f32 $8.000000000e+00, v54  }
0x57d: {  	v55 =	vor.u32 s8, v8;
	v57 =	vadd.f32 v52, v24;
	v31 =	vadd.f32 v31, v27;
	[tilespmem:s22+$0xFFFFFE90] =	vst v46;
	v51 =	vld.idx.msk [tilespmem:v56+s21+$0x0], $0xffff  }
0x57e: {  	v52 =	vor.u32 s29, v13;
	[tilespmem:s22+$0xFFFFFF10] =	vst v48;
	v34 =	vmul.f32 $8.000000000e+00, v34;
	v38 =	vld.idx.msk [tilespmem:v61+s21+$0x0], $0xffff;
	v53 =	vadd.f32 v49, v28  }
0x57f: {  	v54 =	vor.u32 s24, v13;
	v42 =	vld.idx.msk [tilespmem:v63+s21+$0x0], $0xffff;
	[tilespmem:s22+$0xFFFFFF90] =	vst v31;
	v14 =	vmul.f32 $8.000000000e+00, v14  }
0x580: {  	v59 =	vor.u32 s3, v8;
	v26 =	vmul.f32 $8.000000000e+00, v26;
	v36 =	vld.idx.msk [tilespmem:v47+s21+$0x0], $0xffff;
	v56 =	vadd.f32 v34, v29;
	[tilespmem:s22+$0x10] =	vst v53  }
0x581: {  	[tilespmem:s25+$0xFFFFFE60] =	vst v57;
	v57 =	vor.u32 s30, v12;
	v14 =	vadd.f32 v14, v30;
	v40 =	vmul.f32 $8.000000000e+00, v62;
	v41 =	vld.idx.msk [tilespmem:v50+s21+$0x0], $0xffff  }
0x582: {  	v60 =	vor.u32 s23, v12;
	v44 =	vld.idx.msk [tilespmem:v55+s21+$0x0], $0xffff;
	v61 =	vadd.f32 v26, v17;
	[tilespmem:s22+$0x90] =	vst v56;
	v32 =	vmul.f32 $8.000000000e+00, v51  }
0x583: {  	v63 =	vor.u32 s11, v12;
	v35 =	vld.idx.msk [tilespmem:v52+s21+$0x0], $0xffff;
	v62 =	vmul.f32 $8.000000000e+00, v38;
	[tilespmem:s22+$0x190] =	vst v14;
	v58 =	vadd.f32 v40, v15  }
0x584: {  	v46 =	vor.u32 s26, v12;
	[tilespmem:s25+$0xFFFFFFE0] =	vst v61;
	v45 =	vmul.f32 $8.000000000e+00, v42;
	v13 =	vld.idx.msk [tilespmem:v54+s21+$0x0], $0xffff;
	v32 =	vadd.f32 v32, v21  }
0x585: {  	v49 =	vor.u32 s1, v12;
	v48 =	vmul.f32 $8.000000000e+00, v36;
	v47 =	vadd.f32 v62, v22;
	v40 =	vld.idx.msk [tilespmem:v59+s21+$0x0], $0xffff;
	[tilespmem:s22+$0x120] =	vst v58  }
0x586: {  	v52 =	vor.u32 s28, v12;
	v50 =	vadd.f32 v45, v23;
	[tilespmem:s22+$0xFFFFFE20] =	vst v32;
	v34 =	vld.idx.msk [tilespmem:v57+s21+$0x0], $0xffff;
	v51 =	vmul.f32 $8.000000000e+00, v41  }
0x587: {  	v38 =	vmul.f32 $8.000000000e+00, v44;
	v53 =	vadd.f32 v48, v27;
	[tilespmem:s22+$0xFFFFFEA0] =	vst v47;
	v58 =	vor.u32 s6, v8;
	v31 =	vld.idx.msk [tilespmem:v60+s21+$0x0], $0xffff  }
0x588: {  	v55 =	vor.u32 s29, v12;
	[tilespmem:s22+$0xFFFFFF20] =	vst v50;
	v54 =	vmul.f32 $8.000000000e+00, v35;
	v37 =	vld.idx.msk [tilespmem:v63+s21+$0x0], $0xffff;
	v56 =	vadd.f32 v51, v28  }
0x589: {  	v61 =	vadd.f32 v38, v25;
	v39 =	vld.idx.msk [tilespmem:v46+s21+$0x0], $0xffff;
	[tilespmem:s22+$0xFFFFFFA0] =	vst v53;
	v60 =	vor.u32 s13, v9;
	v13 =	vmul.f32 $8.000000000e+00, v13  }
0x58a: {  	v57 =	vor.u32 s24, v12;
	v36 =	vld.idx.msk [tilespmem:v49+s21+$0x0], $0xffff;
	v59 =	vadd.f32 v54, v29;
	v40 =	vmul.f32 $8.000000000e+00, v40;
	[tilespmem:s22+$0x20] =	vst v56  }
0x58b: {  	v62 =	vor.u32 s30, v11;
	[tilespmem:s25+$0x60] =	vst v61;
	v13 =	vadd.f32 v13, v30;
	v34 =	vmul.f32 $8.000000000e+00, v34;
	v41 =	vld.idx.msk [tilespmem:v52+s21+$0x0], $0xffff  }
0x58c: {  	v63 =	vor.u32 s23, v11;
	[tilespmem:s22+$0xA0] =	vst v59;
	v43 =	vadd.f32 v40, v18;
	v33 =	vld.idx.msk [tilespmem:v58+s21+$0x0], $0xffff;
	v31 =	vmul.f32 $8.000000000e+00, v31  }
0x58d: {  	v45 =	vor.u32 s11, v11;
	v35 =	vld.idx.msk [tilespmem:v55+s21+$0x0], $0xffff;
	v44 =	vmul.f32 $8.000000000e+00, v37;
	[tilespmem:s22+$0x1A0] =	vst v13;
	v34 =	vadd.f32 v34, v15  }
0x58e: {  	v47 =	vor.u32 s26, v11;
	v46 =	vmul.f32 $8.000000000e+00, v39;
	v26 =	vld.idx.msk [tilespmem:v60+s21+$0x0], $0xffff;
	[tilespmem:s25+$0xE0] =	vst v43;
	v31 =	vadd.f32 v31, v21  }
0x58f: {  	v50 =	vor.u32 s1, v11;
	v49 =	vmul.f32 $8.000000000e+00, v36;
	v12 =	vld.idx.msk [tilespmem:v57+s21+$0x0], $0xffff;
	v48 =	vadd.f32 v44, v22;
	[tilespmem:s22+$0x130] =	vst v34  }
0x590: {  	v53 =	vor.u32 s28, v11;
	v51 =	vadd.f32 v46, v23;
	[tilespmem:s22+$0xFFFFFE30] =	vst v31;
	v38 =	vld.idx.msk [tilespmem:v62+s21+$0x0], $0xffff;
	v52 =	vmul.f32 $8.000000000e+00, v41  }
0x591: {  	v59 =	vor.u32 s10, v9;
	v54 =	vadd.f32 v49, v27;
	[tilespmem:s22+$0xFFFFFEB0] =	vst v48;
	v33 =	vmul.f32 $8.000000000e+00, v33;
	v14 =	vld.idx.msk [tilespmem:v63+s21+$0x0], $0xffff  }
0x592: {  	v61 =	vor.u32 s18, v9;
	[tilespmem:s22+$0xFFFFFF30] =	vst v51;
	v55 =	vmul.f32 $8.000000000e+00, v35;
	v37 =	vld.idx.msk [tilespmem:v45+s21+$0x0], $0xffff;
	v57 =	vadd.f32 v52, v28  }
0x593: {  	v56 =	vor.u32 s29, v11;
	v39 =	vld.idx.msk [tilespmem:v47+s21+$0x0], $0xffff;
	[tilespmem:s22+$0xFFFFFFB0] =	vst v54;
	v26 =	vmul.f32 $8.000000000e+00, v26;
	v62 =	vadd.f32 v33, v16  }
0x594: {  	v58 =	vor.u32 s24, v11;
	v36 =	vld.idx.msk [tilespmem:v50+s21+$0x0], $0xffff;
	v12 =	vmul.f32 $8.000000000e+00, v12;
	v60 =	vadd.f32 v55, v29;
	[tilespmem:s22+$0x30] =	vst v57  }
0x595: {  	v44 =	vor.u32 s30, v10;
	v46 =	vadd.f32 v26, v24;
	[tilespmem:s25+$0x1E0] =	vst v62;
	v63 =	vmul.f32 $8.000000000e+00, v38;
	v40 =	vld.idx.msk [tilespmem:v53+s21+$0x0], $0xffff  }
0x596: {  	v34 =	vld.idx.msk [tilespmem:v59+s21+$0x0], $0xffff;
	v45 =	vor.u32 s23, v10;
	v12 =	vadd.f32 v12, v30;
	[tilespmem:s22+$0xB0] =	vst v60;
	v14 =	vmul.f32 $8.000000000e+00, v14  }
0x597: {  	v32 =	vld.idx.msk [tilespmem:v61+s21+$0x0], $0xffff;
	v49 =	vor.u32 s11, v10;
	[tilespmem:s25+$0xFFFFFE70] =	vst v46;
	v50 =	vmul.f32 $8.000000000e+00, v37;
	v48 =	vadd.f32 v63, v15  }
0x598: {  	v51 =	vor.u32 s26, v10;
	v47 =	vld.idx.msk [tilespmem:v56+s21+$0x0], $0xffff;
	v52 =	vmul.f32 $8.000000000e+00, v39;
	[tilespmem:s22+$0x1B0] =	vst v12;
	v14 =	vadd.f32 v14, v21  }
0x599: {  	v53 =	vor.u32 s1, v10;
	v36 =	vmul.f32 $8.000000000e+00, v36;
	v11 =	vld.idx.msk [tilespmem:v58+s21+$0x0], $0xffff;
	v33 =	vadd.f32 v50, v22;
	[tilespmem:s22+$0x140] =	vst v48  }
0x59a: {  	v55 =	vor.u32 s28, v10;
	v56 =	vadd.f32 v52, v23;
	[tilespmem:s22+$0xFFFFFE40] =	vst v14;
	v54 =	vld.idx.msk [tilespmem:v44+s21+$0x0], $0xffff;
	v57 =	vmul.f32 $8.000000000e+00, v40  }
0x59b: {  	v62 =	vor.u32 s7, v9;
	v34 =	vmul.f32 $8.000000000e+00, v34;
	v59 =	vadd.f32 v36, v27;
	[tilespmem:s22+$0xFFFFFEC0] =	vst v33;
	v13 =	vld.idx.msk [tilespmem:v45+s21+$0x0], $0xffff  }
0x59c: {  	v32 =	vmul.f32 $8.000000000e+00, v32;
	v63 =	vor.u32 s8, v9;
	[tilespmem:s22+$0xFFFFFF40] =	vst v56;
	v31 =	vld.idx.msk [tilespmem:v49+s21+$0x0], $0xffff;
	v61 =	vadd.f32 v57, v28  }
0x59d: {  	v58 =	vor.u32 s29, v10;
	v26 =	vmul.f32 $8.000000000e+00, v47;
	v24 =	vld.idx.msk [tilespmem:v51+s21+$0x0], $0xffff;
	[tilespmem:s22+$0xFFFFFFC0] =	vst v59;
	v40 =	vadd.f32 v34, v19  }
0x59e: {  	v60 =	vor.u32 s24, v10;
	v44 =	vadd.f32 v32, v20;
	v12 =	vld.idx.msk [tilespmem:v53+s21+$0x0], $0xffff;
	v11 =	vmul.f32 $8.000000000e+00, v11;
	[tilespmem:s22+$0x40] =	vst v61  }
0x59f: {  	v42 =	vor.u32 s30, v8;
	v26 =	vadd.f32 v26, v29;
	[tilespmem:s25+$0xFFFFFEF0] =	vst v40;
	v41 =	vmul.f32 $8.000000000e+00, v54;
	v43 =	vld.idx.msk [tilespmem:v55+s21+$0x0], $0xffff  }
0x5a0: {  	v45 =	vor.u32 s23, v8;
	v49 =	vld.idx.msk [tilespmem:v62+s21+$0x0], $0xffff;
	[tilespmem:s25+$0xFFFFFF70] =	vst v44;
	v11 =	vadd.f32 v11, v30;
	v13 =	vmul.f32 $8.000000000e+00, v13  }
0x5a1: {  	v48 =	vor.u32 s11, v8;
	v33 =	vld.idx.msk [tilespmem:v63+s21+$0x0], $0xffff;
	[tilespmem:s22+$0xC0] =	vst v26;
	v47 =	vmul.f32 $8.000000000e+00, v31;
	v46 =	vadd.f32 v41, v15  }
0x5a2: {  	v51 =	vor.u32 s26, v8;
	v26 =	vld.idx.msk [tilespmem:v58+s21+$0x0], $0xffff;
	v50 =	vmul.f32 $8.000000000e+00, v24;
	[tilespmem:s22+$0x1C0] =	vst v11;
	v13 =	vadd.f32 v13, v21  }
0x5a3: {  	v53 =	vor.u32 s1, v8;
	v12 =	vmul.f32 $8.000000000e+00, v12;
	v10 =	vld.idx.msk [tilespmem:v60+s21+$0x0], $0xffff;
	v52 =	vadd.f32 v47, v22;
	[tilespmem:s22+$0x150] =	vst v46  }
0x5a4: {  	v56 =	vor.u32 s28, v8;
	v55 =	vadd.f32 v50, v23;
	[tilespmem:s22+$0xFFFFFE50] =	vst v13;
	v34 =	vld.idx.msk [tilespmem:v42+s21+$0x0], $0xffff;
	v54 =	vmul.f32 $8.000000000e+00, v43  }
0x5a5: {  	v61 =	vor.u32 s6, v9;
	v32 =	vmul.f32 $8.000000000e+00, v49;
	v12 =	vadd.f32 v12, v27;
	[tilespmem:s22+$0xFFFFFED0] =	vst v52;
	v11 =	vld.idx.msk [tilespmem:v45+s21+$0x0], $0xffff  }
0x5a6: {  	v59 =	vor.u32 s3, v9;
	v33 =	vmul.f32 $8.000000000e+00, v33;
	[tilespmem:s22+$0xFFFFFF50] =	vst v55;
	v58 =	vld.idx.msk [tilespmem:v48+s21+$0x0], $0xffff;
	v35 =	vadd.f32 v54, v28  }
0x5a7: {  	v57 =	vor.u32 s29, v8;
	v63 =	vadd.f32 v32, v17;
	v26 =	vmul.f32 $8.000000000e+00, v26;
	[tilespmem:s22+$0xFFFFFFD0] =	vst v12;
	v60 =	vld.idx.msk [tilespmem:v51+s21+$0x0], $0xffff  }
0x5a8: {  	v8 =	vor.u32 s24, v8;
	v38 =	vadd.f32 v33, v25;
	v19 =	vld.idx.msk [tilespmem:v53+s21+$0x0], $0xffff;
	v10 =	vmul.f32 $8.000000000e+00, v10;
	[tilespmem:s22+$0x50] =	vst v35  }
0x5a9: {  	v62 =	vor.u32 s30, v9;
	[tilespmem:s25+$0xFFFFFFF0] =	vst v63;
	v26 =	vadd.f32 v26, v29;
	v36 =	vmul.f32 $8.000000000e+00, v34;
	v20 =	vld.idx.msk [tilespmem:v56+s21+$0x0], $0xffff  }
0x5aa: {  	v37 =	vor.u32 s23, v9;
	v24 =	vld.idx.msk [tilespmem:v61+s21+$0x0], $0xffff;
	[tilespmem:s25+$0x70] =	vst v38;
	v10 =	vadd.f32 v10, v30;
	v39 =	vmul.f32 $8.000000000e+00, v11  }
0x5ab: {  	v31 =	vld.idx.msk [tilespmem:v59+s21+$0x0], $0xffff;
	v41 =	vor.u32 s11, v9;
	[tilespmem:s22+$0xD0] =	vst v26;
	v13 =	vmul.f32 $8.000000000e+00, v58;
	v42 =	vadd.f32 v36, v15  }
0x5ac: {  	v43 =	vor.u32 s26, v9;
	v40 =	vld.idx.msk [tilespmem:v57+s21+$0x0], $0xffff;
	v12 =	vmul.f32 $8.000000000e+00, v60;
	[tilespmem:s22+$0x1D0] =	vst v10;
	v10 =	vadd.f32 v39, v21  }
0x5ad: {  	v44 =	vor.u32 s1, v9;
	v45 =	vmul.f32 $8.000000000e+00, v19;
	v8 =	vld.idx.msk [tilespmem:v8+s21+$0x0], $0xffff;
	v13 =	vadd.f32 v13, v22;
	[tilespmem:s22+$0x160] =	vst v42  }
0x5ae: {  	v46 =	vor.u32 s28, v9;
	v48 =	vadd.f32 v12, v23;
	[tilespmem:s22+$0xFFFFFE60] =	vst v10;
	v47 =	vld.idx.msk [tilespmem:v62+s21+$0x0], $0xffff;
	v49 =	vmul.f32 $8.000000000e+00, v20  }
0x5af: {  	v24 =	vmul.f32 $8.000000000e+00, v24;
	v51 =	vadd.f32 v45, v27;
	[tilespmem:s22+$0xFFFFFEE0] =	vst v13;
	v52 =	vld.idx.msk [tilespmem:v37+s21+$0x0], $0xffff  }
0x5b0: {  	v56 =	vmul.f32 $8.000000000e+00, v31;
	[tilespmem:s22+$0xFFFFFF60] =	vst v48;
	v55 =	vld.idx.msk [tilespmem:v41+s21+$0x0], $0xffff;
	v54 =	vadd.f32 v49, v28  }
0x5b1: {  	v50 =	vor.u32 s29, v9;
	v61 =	vadd.f32 v24, v16;
	v11 =	vmul.f32 $8.000000000e+00, v40;
	[tilespmem:s22+$0xFFFFFFE0] =	vst v51;
	v57 =	vld.idx.msk [tilespmem:v43+s21+$0x0], $0xffff  }
0x5b2: {  	v53 =	vor.u32 s24, v9;
	v14 =	vadd.f32 v56, v18;
	v58 =	vld.idx.msk [tilespmem:v44+s21+$0x0], $0xffff;
	v8 =	vmul.f32 $8.000000000e+00, v8;
	[tilespmem:s22+$0x60] =	vst v54  }
0x5b3: {  	[tilespmem:s25+$0x1F0] =	vst v61;
	v11 =	vadd.f32 v11, v29;
	v59 =	vmul.f32 $8.000000000e+00, v47;
	v60 =	vld.idx.msk [tilespmem:v46+s21+$0x0], $0xffff  }
0x5b4: {  	[tilespmem:s25+$0xF0] =	vst v14;
	v8 =	vadd.f32 v8, v30;
	v17 =	vmul.f32 $8.000000000e+00, v52  }
0x5b5: {  	[tilespmem:s22+$0xE0] =	vst v11;
	v12 =	vmul.f32 $8.000000000e+00, v55;
	v62 =	vadd.f32 v59, v15  }
0x5b6: {  	v13 =	vmul.f32 $8.000000000e+00, v57;
	[tilespmem:s22+$0x1E0] =	vst v8;
	v8 =	vld.idx.msk [tilespmem:v50+s21+$0x0], $0xffff;
	v63 =	vadd.f32 v17, v21  }
0x5b7: {  	v10 =	vmul.f32 $8.000000000e+00, v58;
	v9 =	vld.idx.msk [tilespmem:v53+s21+$0x0], $0xffff;
	v12 =	vadd.f32 v12, v22;
	[tilespmem:s22+$0x170] =	vst v62  }
0x5b8: {  	v13 =	vadd.f32 v13, v23;
	[tilespmem:s22+$0xFFFFFE70] =	vst v63;
	v11 =	vmul.f32 $8.000000000e+00, v60  }
0x5b9: {  	v10 =	vadd.f32 v10, v27;
	[tilespmem:s22+$0xFFFFFEF0] =	vst v12  }
0x5ba: {  	[tilespmem:s22+$0xFFFFFF70] =	vst v13;
	v11 =	vadd.f32 v11, v28  }
0x5bb: {  	[tilespmem:s22+$0xFFFFFFF0] =	vst v10;
	v8 =	vmul.f32 $8.000000000e+00, v8  }
0x5bc: {  	s25 =	rddreg [dreg:$0xf];
	v9 =	vmul.f32 $8.000000000e+00, v9;
	[tilespmem:s22+$0x70] =	vst v11  }
.Ltmp6:
0x5bd: {  	s1 =	sshll.u32 s25, $0x12;
	v8 =	vadd.f32 v8, v29;
	s26 =	rddreg [dreg:$0x5];
	(pc) =	sbr.rel @p0 .LBB2_12-.Ltmp6, $4  }
0x5be: {  	v9 =	vadd.f32 v9, v30;
	s1 =	sor.u32 s26, s1  }
0x5bf: {  	s31 =	simm.s32 $0x18600;
	s28 =	rddreg [dreg:$0x2];
	[tilespmem:s22+$0xF0] =	vst v8;
	s1 =	sshrl.u32 s1, $0x3  }
0x5c0: {  	s30 =	simm.s32 $0x8000;
	s29 =	simm.s32 $0x400;
	[tilespmem:s22+$0x1F0] =	vst v9;
	s1 =	sadd.s32 s28, s1  }
0x5c1: {  	[hbm4b:s1+s29] =	stream.strided.scatter [tilespmem:s31], [sflag:$0x6], $0x2000, s30, s29, $0x38;
	[tilespmem:$0x1D800] =	vst v63  }
0x5c2: {  	s1 =	rddreg [dreg:$0xb]  }
0x5c3: {  	v8 =	vld [tilespmem:s1+$0x380];
	_ =	sdelay $0x4  }
0x5c4: {  	v8 =	vshrl.u32 v8, $0x1  }
0x5c5: {  	[tilespmem:$0x6580] =	vst v8  }
0x5c6: {  	v8 =	vld [tilespmem:s1+$0x390];
	_ =	sdelay $0x4  }
0x5c7: {  	v8 =	vshrl.u32 v8, $0x1  }
0x5c8: {  	[tilespmem:$0x6590] =	vst v8  }
0x5c9: {  	v8 =	vld [tilespmem:s1+$0x3A0];
	_ =	sdelay $0x4  }
0x5ca: {  	v8 =	vshrl.u32 v8, $0x1  }
0x5cb: {  	[tilespmem:$0x65A0] =	vst v8  }
0x5cc: {  	v8 =	vld [tilespmem:s1+$0x3B0];
	_ =	sdelay $0x4  }
0x5cd: {  	v8 =	vshrl.u32 v8, $0x1  }
0x5ce: {  	[tilespmem:$0x65B0] =	vst v8  }
0x5cf: {  	v8 =	vld [tilespmem:s1+$0x3C0];
	_ =	sdelay $0x4  }
0x5d0: {  	v8 =	vshrl.u32 v8, $0x1  }
0x5d1: {  	[tilespmem:$0x65C0] =	vst v8  }
0x5d2: {  	v8 =	vld [tilespmem:s1+$0x3D0];
	_ =	sdelay $0x4  }
0x5d3: {  	v8 =	vshrl.u32 v8, $0x1  }
0x5d4: {  	[tilespmem:$0x65D0] =	vst v8  }
0x5d5: {  	v8 =	vld [tilespmem:s1+$0x3E0];
	_ =	sdelay $0x4  }
0x5d6: {  	v8 =	vshrl.u32 v8, $0x1  }
0x5d7: {  	[tilespmem:$0x65E0] =	vst v8  }
0x5d8: {  	v8 =	vld [tilespmem:s1+$0x3F0];
	_ =	sdelay $0x2  }
.Ltmp7:
0x5d9: {  	_ = 	snop;
	(pc) =	sbr.rel .LBB2_2-.Ltmp7, $4  }
0x5da: {  	s31 =	rddreg [dreg:$0x4]  }
0x5db: {  	s2 =	simm.s32 $0x80;
	s14 =	rddreg [dreg:$0xa];
	v8 =	vshrl.u32 v8, $0x1  }
0x5dc: {  	s3 =	simm.s32 $0x6580;
	s0 =	sadd.s32 $0x100, s0;
	s14 =	sadd.s32 $0x1, s14;
	[tilespmem:$0x65F0] =	vst v8  }
0x5dd: {  	[tilespmem:s21], [sflag:$0x4] =	stream.indirect.gather [hbm4b:s31+s2], $0x80, s3, s2, $0xb8;
	[tilespmem:$0x1D800] =	vst v63  }
.LBB2_13:
0x5de: {  	_ =	sfence.sel $0x180000  }
0x5df: {  	[bflag:$0x0] =	sbarrier.arrive $0xFFFF  }
0x5e0: {  	_ =	strace $0x90000047  }
0x5e1: {  	s0 =	stileid.u32;
	[bflag:$0x2] =	sbarrier.arrive $0xFFFF  }
0x5e2: {  	p0 =	sne.s32 s0, $0x0;
	s0 =	rddreg [dreg:$0x3]  }
0x5e3: {  	s0 =	sadd.s32 @!p0 $0x100000, s0  }
0x5e4: {  	[sflag:s0] =	ssyncadd.tile.s32 @!p0 $0x1;
	_ =	shalt  }
.Lfunc_end2:
_tile_overlayer_lowered:
.L_overlay_start_2:
0x5e5: {  	(tag) =	ssettag $0x2  }
0x5e6: {  	s0 =	rddreg [dreg:$0x0];
	s2 =	stileid.u32  }
0x5e7: {  	s1 =	rddreg [dreg:$0x1];
	p0 =	sne.s32 s2, $0x0  }
0x5e8: {  	s3 =	rddreg [dreg:$0x2];
	[bflag:$0x3] =	sbarrier.arrive $0xFFFF;
	s2 =	simm.s32 @!p0 $0x1C07  }
0x5e9: {  	[timem:s3], [sflag:s2] =	dma.local @!p0 [hbm:s0], s1  }
0x5ea: {  	s0 =	simm.s32 @!p0 $0x7  }
0x5eb: {  	_ =	swait.ge @!p0 [sflag:s0], s1  }
0x5ec: {  	s1 =	ssub.s32 @!p0 $0x0, s1;
	[sflag:s0] =	ssyncset.done @!p0 $0x0  }
0x5ed: {  	[sflag:s0] =	ssyncadd.s32 @!p0 s1  }
0x5ee: {  	[bflag:$0x3] =	sbarrier.arrive $0xFFFF  }
0x5ef: {  	_ =	shalt  }

</sc_bundles>
